<compile_context>
chip_gen: v7x
topology: tpu7x:2x2x1
jax: 0.10.2.dev20260603
libtpu: 0.0.44.dev20260713+nightly
codegen_flags: <defaults>
</compile_context>

<pallas_src>
import functools

import jax
import jax.numpy as jnp
from jax import lax
from jax.experimental import pallas as pl
from jax.experimental.pallas import tpu as pltpu
from jax.experimental.pallas import tpu_sc as plsc

H = 16
D = 64
K = 64
HALF_S = 16
S = 2 * HALF_S + 1
MAX_F = 16.0
MIN_F = 1.0
HALO = int(HALF_S * MAX_F + MAX_F)

NC = 2
NS = 16
NW = NC * NS

BL = 512
W = BL + 2 * HALO + 8
DP = D // 2 + 1

_RNE_MAGIC = 12582912.0


def _silu(v):
    return v * jax.nn.sigmoid(v)


def _proj_body(x_ref, wkT_ref, bk_ref, wwT_ref, bw_ref,
               kwt_ref, freq_ref, phase_ref):
    xb = x_ref[...]
    kern = _silu(
        jnp.dot(xb, wkT_ref[...], preferred_element_type=jnp.float32)
        + bk_ref[...])
    kwt_ref[0, :, 0] = jnp.transpose(
        kern.reshape(kern.shape[0], H, K)[:, :, :S], (1, 2, 0))
    wave = _silu(
        jnp.dot(xb, wwT_ref[...], preferred_element_type=jnp.float32)
        + bw_ref[...])
    freq = jax.nn.sigmoid(wave[:, :H]) * (MAX_F - MIN_F) + MIN_F
    phase = jnp.tanh(wave[:, H:]) * MAX_F
    freq_ref[0] = jnp.transpose(freq, (1, 0))
    phase_ref[0] = jnp.transpose(phase, (1, 0))


def _projections(x2d, WkT, bk, WwT, bw, B, nbh):
    M, C = x2d.shape
    BM = M // (B * nbh)
    grid = (B * nbh,)

    def omap(i):
        return (i // nbh, 0, i % nbh, 0, 0)

    def omap3(i):
        return (i // nbh, 0, i % nbh)

    return pl.pallas_call(
        _proj_body,
        grid=grid,
        in_specs=[
            pl.BlockSpec((BM, C), lambda i: (i, 0)),
            pl.BlockSpec((C, H * K), lambda i: (0, 0)),
            pl.BlockSpec((1, H * K), lambda i: (0, 0)),
            pl.BlockSpec((C, 2 * H), lambda i: (0, 0)),
            pl.BlockSpec((1, 2 * H), lambda i: (0, 0)),
        ],
        out_specs=[
            pl.BlockSpec((1, H, 1, S, BM), omap),
            pl.BlockSpec((1, H, BM), omap3),
            pl.BlockSpec((1, H, BM), omap3),
        ],
        out_shape=[
            jax.ShapeDtypeStruct((B, H, nbh, S, BM), jnp.float32),
            jax.ShapeDtypeStruct((B, H, nbh * BM), jnp.float32),
            jax.ShapeDtypeStruct((B, H, nbh * BM), jnp.float32),
        ],
    )(x2d, WkT, bk, WwT, bw)


def _out_body(h_ref, woT_ref, o_ref):
    hb = jnp.transpose(h_ref[0, :, 0], (2, 0, 1))
    h2d = hb.reshape(hb.shape[0], H * D)
    o_ref[...] = _silu(
        jnp.dot(h2d, woT_ref[...], preferred_element_type=jnp.float32))


def _out_proj(hid5, WoT, B, nbh):
    _, _, _, _, BM = hid5.shape
    C = H * D
    return pl.pallas_call(
        _out_body,
        grid=(B * nbh,),
        in_specs=[
            pl.BlockSpec((1, H, 1, D, BM),
                         lambda i, n=nbh: (i // n, 0, i % n, 0, 0)),
            pl.BlockSpec((C, C), lambda i: (0, 0)),
        ],
        out_specs=pl.BlockSpec((BM, C), lambda i: (i, 0)),
        out_shape=jax.ShapeDtypeStruct((B * nbh * BM, C), jnp.float32),
    )(hid5, WoT)


def _gconv_body(L, nb, l_start, xt_ref, fq_ref, ph_ref, kw_ref, hid_ref,
                win, fqv, phv, kwv, outv):
    wid = lax.axis_index("s") * NC + lax.axis_index("c")
    Lh = nb * BL

    def block(blk, carry):
        l0 = l_start + blk * BL
        s0 = jnp.clip(l0 - HALO, 0, L - W) & ~7
        woff = pl.multiple_of(wid * (L * DP) + s0 * DP, 8)
        pltpu.sync_copy(xt_ref.at[pl.ds(woff, W * DP)], win)
        boff = pl.multiple_of(wid * Lh + blk * BL, 256)
        pltpu.sync_copy(fq_ref.at[pl.ds(boff, BL)], fqv)
        pltpu.sync_copy(ph_ref.at[pl.ds(boff, BL)], phv)
        koff = pl.multiple_of((wid * nb + blk) * (S * BL), 128)
        pltpu.sync_copy(kw_ref.at[pl.ds(koff, S * BL)], kwv)

        def chunk(c, carry2):
            c16 = c * 16
            lvec = lax.iota(jnp.int32, 16).astype(jnp.float32) + (
                (l0 + c16).astype(jnp.float32))
            f = fqv[pl.ds(c16, 16)]
            p = phv[pl.ds(c16, 16)]
            base = lvec + p

            def sample(s):
                pos = base + jnp.float32(s - HALF_S) * f
                r = (pos + _RNE_MAGIC) - _RNE_MAGIC
                r = jnp.clip(r, 0.0, jnp.float32(L - 1))
                il = r.astype(jnp.int32) - s0
                return il * DP, kwv[pl.ds(s * BL + c16, 16)]

            def tree_sum(vs):
                while len(vs) > 1:
                    nxt = [vs[i] + vs[i + 1] for i in range(0, len(vs) - 1, 2)]
                    if len(vs) % 2:
                        nxt.append(vs[-1])
                    vs = nxt
                return vs[0]

            def unpack(v):
                lo = plsc.bitcast(v << 16, jnp.float32)
                hi = plsc.bitcast(v & jnp.int32(-65536), jnp.float32)
                return lo, hi

            idxA = [sample(s) for s in range(17)]

            @plsc.parallel_loop(0, D // 2, unroll=2)
            def dlA(dp):
                los, his = [], []
                for fl, w in idxA:
                    lo, hi = unpack(plsc.load_gather(win, [fl + dp]))
                    los.append(w * lo)
                    his.append(w * hi)
                outv[pl.ds((2 * dp) * BL + c16, 16)] = tree_sum(los)
                outv[pl.ds((2 * dp + 1) * BL + c16, 16)] = tree_sum(his)

            idxB = [sample(s) for s in range(17, S)]

            @plsc.parallel_loop(0, D // 2, unroll=2)
            def dlB(dp):
                los, his = [], []
                for fl, w in idxB:
                    lo, hi = unpack(plsc.load_gather(win, [fl + dp]))
                    los.append(w * lo)
                    his.append(w * hi)
                plsc.addupdate(outv.at[pl.ds((2 * dp) * BL + c16, 16)],
                               tree_sum(los))
                plsc.addupdate(outv.at[pl.ds((2 * dp + 1) * BL + c16, 16)],
                               tree_sum(his))

            return carry2

        lax.fori_loop(0, BL // 16, chunk, 0)
        ooff = pl.multiple_of((wid * nb + blk) * (D * BL), 256)
        pltpu.sync_copy(outv, hid_ref.at[pl.ds(ooff, D * BL)])
        return carry

    lax.fori_loop(0, nb, block, 0)


def _gather_conv(xt_flat, fqt, pht, kwt, L, nb, l_start):
    BH = xt_flat.shape[0] // (L * DP)
    mesh = plsc.VectorSubcoreMesh(core_axis_name="c", subcore_axis_name="s",
                                  num_cores=NC, num_subcores=NS)
    k = pl.kernel(
        functools.partial(_gconv_body, L, nb, l_start),
        out_type=jax.ShapeDtypeStruct((BH * nb * D * BL,), jnp.float32),
        name=f"gconv_l{l_start}",
        mesh=mesh,
        scratch_types=[
            pltpu.VMEM((W * DP,), jnp.int32),
            pltpu.VMEM((BL,), jnp.float32),
            pltpu.VMEM((BL,), jnp.float32),
            pltpu.VMEM((S * BL,), jnp.float32),
            pltpu.VMEM((D * BL,), jnp.float32),
        ],
        compiler_params=pltpu.CompilerParams(needs_layout_passes=False),
    )
    return k(xt_flat, fqt, pht, kwt)


def kernel(x, Ww, bw, Wk, bk, Wo):
    B, L, C = x.shape
    BH = B * H
    Lh = L // 2
    nbh = Lh // BL

    xt = x.reshape(B, L, H, D).transpose(0, 2, 1, 3)
    xp = lax.bitcast_convert_type(
        xt.astype(jnp.bfloat16).reshape(B, H, L, D // 2, 2), jnp.int32)
    xt_flat = jnp.pad(xp, ((0, 0), (0, 0), (0, 0), (0, 1))).reshape(
        BH * L * DP)

    WkT, WwT, WoT = Wk.T, Ww.T, Wo.T
    bk2, bw2 = bk[None, :], bw[None, :]

    halves = []
    for half in range(2):
        xh = lax.dynamic_slice_in_dim(x, half * Lh, Lh, axis=1)
        halves.append(_projections(
            xh.reshape(B * Lh, C), WkT, bk2, WwT, bw2, B, nbh))

    outs = []
    for half in range(2):
        kwt5, fqt4, pht4 = halves[half]
        hid = _gather_conv(xt_flat, fqt4.reshape(BH * Lh),
                           pht4.reshape(BH * Lh),
                           kwt5.reshape(BH * nbh * S * BL), L, nbh,
                           half * Lh)
        outs.append(
            _out_proj(hid.reshape(B, H, nbh, D, BL), WoT, B, nbh)
            .reshape(B, Lh, C))

    return jnp.concatenate(outs, axis=1)

# --- scband reference (transcript-rebuilt; emitter-appended) ---
"""Pipeline reference for scband-triton-gather-conv-82429012344832 (READ-ONLY COPY).

The authoritative reference and input builder live on the scoring server;
editing this copy changes nothing except your own understanding.
"""

import jax, jax.numpy as jnp
import numpy as np

H = 16
D = 64
K = 64
HALF_S = 16
S = 2 * HALF_S + 1
MAX_F = 16.0
MIN_F = 1.0


def _silu(v):
    return v * jax.nn.sigmoid(v)


def setup_inputs(seed: int = 0) -> dict:
    key = jax.random.key(seed)
    ks = jax.random.split(key, 6)
    B, L, C = 2, 2048, 1024
    x = jax.random.normal(ks[0], (B, L, C), dtype=jnp.float32)
    # learned params (small random so wave/kernel paths are nontrivial)
    Ww = jax.random.normal(ks[1], (2 * H, C), dtype=jnp.float32) * 0.02
    bw = jnp.zeros((2 * H,), dtype=jnp.float32)
    Wk = jax.random.normal(ks[2], (H * K, C), dtype=jnp.float32) * 0.02
    bk = jnp.zeros((H * K,), dtype=jnp.float32)
    Wo = jax.random.normal(ks[3], (C, C), dtype=jnp.float32) * 0.02
    return {"x": x, "Ww": Ww, "bw": bw, "Wk": Wk, "bk": bk, "Wo": Wo}


def reference(x, Ww, bw, Wk, bk, Wo):
    B, L, C = x.shape
    # wave projection -> per-position, per-head frequency and phase
    wave = _silu(x @ Ww.T + bw).reshape(B, L, 2, H)
    freq = jax.nn.sigmoid(wave[:, :, 0, :]) * (MAX_F - MIN_F) + MIN_F  # [B,L,H]
    phase = jnp.tanh(wave[:, :, 1, :]) * MAX_F                          # [B,L,H]
    # data-dependent kernel weights
    kernel = _silu(x @ Wk.T + bk).reshape(B, L, H, K)
    xh = x.reshape(B, L, H, D)
    pos_base = jnp.arange(L, dtype=jnp.float32)[None, :, None]  # [1,L,1]
    bi = jnp.arange(B)[:, None, None]  # [B,1,1]
    hi = jnp.arange(H)[None, None, :]  # [1,1,H]
    hidden = jnp.zeros((B, L, H, D), dtype=x.dtype)
    # gather-conv: S wave-spaced samples around each position, weighted by kernel[..., s]
    for s in range(S):
        pos = pos_base + (s - HALF_S) * freq + phase          # [B,L,H]
        idx = jnp.clip(jnp.round(pos), 0, L - 1).astype(jnp.int32)
        g = xh[bi, idx, hi]                                    # [B,L,H,D] gather over seq axis
        hidden = hidden + kernel[:, :, :, s][..., None] * g
    out = _silu(hidden.reshape(B, L, C) @ Wo.T)
    return out

if __name__ == "__main__":
    import jax
    _d = setup_inputs()
    print(jax.jit(kernel)(*tuple(_d.values())))

</pallas_src>

<mosaic_0001>
#map = affine_map<(d0, d1) -> (0)>
module attributes {stable_mosaic.version = 14 : i64} {
  func.func @gconv_l1024(%arg0: i32, %arg1: i32, %arg2: memref<2162688xi32, #tpu.memory_space<hbm>>, %arg3: memref<32768xf32, #tpu.memory_space<hbm>>, %arg4: memref<32768xf32, #tpu.memory_space<hbm>>, %arg5: memref<1081344xf32, #tpu.memory_space<hbm>>, %arg6: memref<2097152xf32, #tpu.memory_space<hbm>>, %arg7: memref<35112xi32, #tpu.memory_space<vmem>>, %arg8: memref<512xf32, #tpu.memory_space<vmem>>, %arg9: memref<512xf32, #tpu.memory_space<vmem>>, %arg10: memref<16896xf32, #tpu.memory_space<vmem>>, %arg11: memref<32768xf32, #tpu.memory_space<vmem>>) attributes {dimension_semantics = [#tpu.dimension_semantics<core_parallel>, #tpu.dimension_semantics<subcore_parallel>], iteration_bounds = array<i64: 2, 16>, scalar_prefetch = 0 : i64, scratch_operands = 5 : i64, tpu.core_type = #tpu.core_type<sc_vector_subcore>, window_params = [{transform_indices = #map}, {transform_indices = #map}, {transform_indices = #map}, {transform_indices = #map}, {transform_indices = #map}]} {
    %mul3A = arith.constant 2 : i32
    %mul3A_0 = arith.muli %arg1, %mul3A : i32
    %add3A = arith.addi %mul3A_0, %arg0 : i32
    %scan3A = arith.constant 0 : i32
    %scan3A_1 = arith.constant 0 : i32
    %scan3A_2 = arith.constant 2 : i32
    %scan3A_3 = arith.addi %scan3A_1, %scan3A_2 : i32
    %scan3A_4 = arith.constant 1 : i32
    scf.for %scan3A_6 = %scan3A_1 to %scan3A_3 step %scan3A_4  : i32 {
      %mul3A_7 = arith.constant 512 : i32
      %mul3A_8 = arith.muli %scan3A_6, %mul3A_7 : i32
      %add3A_9 = arith.constant 1024 : i32
      %add3A_10 = arith.addi %add3A_9, %mul3A_8 : i32
      %sub3A = arith.constant 272 : i32
      %sub3A_11 = arith.subi %add3A_10, %sub3A : i32
      %jit3A = arith.constant 0 : i32
      %jit3A_12 = arith.constant 984 : i32
      %max3A = arith.maxsi %jit3A, %sub3A_11 : i32
      %min3A = arith.minsi %jit3A_12, %max3A : i32
      %and3A = arith.constant -8 : i32
      %and3A_13 = arith.andi %min3A, %and3A : i32
      %mul3A_14 = arith.constant 67584 : i32
      %mul3A_15 = arith.muli %add3A, %mul3A_14 : i32
      %mul3A_16 = arith.constant 33 : i32
      %mul3A_17 = arith.muli %and3A_13, %mul3A_16 : i32
      %add3A_18 = arith.addi %mul3A_15, %mul3A_17 : i32
      %multiple_of3A = tpu.assume_multiple %add3A_18, 8 : i32
      "tpu.region"() ({
        %run_scoped3A = tpu.sem_alloc : memref<!tpu.dma_semaphore, #tpu.memory_space<semaphore_mem>>
        %dma_start3A = tpu.memref_slice %arg2[%multiple_of3A] : memref<2162688xi32, #tpu.memory_space<hbm>> -> memref<35112xi32, #tpu.memory_space<hbm>>
        %dma_start3A_43 = tpu.memref_slice %arg2[%multiple_of3A] : memref<2162688xi32, #tpu.memory_space<hbm>> -> memref<35112xi32, #tpu.memory_space<hbm>>
        tpu.enqueue_dma source(%dma_start3A_43 : memref<35112xi32, #tpu.memory_space<hbm>>) target(%arg7 : memref<35112xi32, #tpu.memory_space<vmem>>) target_semaphore(%run_scoped3A : memref<!tpu.dma_semaphore, #tpu.memory_space<semaphore_mem>>)
        %dma_wait3A = tpu.memref_slice %arg2[%multiple_of3A] : memref<2162688xi32, #tpu.memory_space<hbm>> -> memref<35112xi32, #tpu.memory_space<hbm>>
        %dma_wait3A_44 = tpu.memref_slice %arg2[%multiple_of3A] : memref<2162688xi32, #tpu.memory_space<hbm>> -> memref<35112xi32, #tpu.memory_space<hbm>>
        tpu.wait_dma2 semaphore(%run_scoped3A : memref<!tpu.dma_semaphore, #tpu.memory_space<semaphore_mem>>) src(%dma_wait3A_44 : memref<35112xi32, #tpu.memory_space<hbm>>) dst(%arg7 : memref<35112xi32, #tpu.memory_space<vmem>>)
        tpu.yield
      }) : () -> ()
      %mul3A_19 = arith.constant 1024 : i32
      %mul3A_20 = arith.muli %add3A, %mul3A_19 : i32
      %mul3A_21 = arith.constant 512 : i32
      %mul3A_22 = arith.muli %scan3A_6, %mul3A_21 : i32
      %add3A_23 = arith.addi %mul3A_20, %mul3A_22 : i32
      %multiple_of3A_24 = tpu.assume_multiple %add3A_23, 256 : i32
      "tpu.region"() ({
        %run_scoped3A = tpu.sem_alloc : memref<!tpu.dma_semaphore, #tpu.memory_space<semaphore_mem>>
        %dma_start3A = tpu.memref_slice %arg3[%multiple_of3A_24] : memref<32768xf32, #tpu.memory_space<hbm>> -> memref<512xf32, #tpu.memory_space<hbm>>
        %dma_start3A_43 = tpu.memref_slice %arg3[%multiple_of3A_24] : memref<32768xf32, #tpu.memory_space<hbm>> -> memref<512xf32, #tpu.memory_space<hbm>>
        tpu.enqueue_dma source(%dma_start3A_43 : memref<512xf32, #tpu.memory_space<hbm>>) target(%arg8 : memref<512xf32, #tpu.memory_space<vmem>>) target_semaphore(%run_scoped3A : memref<!tpu.dma_semaphore, #tpu.memory_space<semaphore_mem>>)
        %dma_wait3A = tpu.memref_slice %arg3[%multiple_of3A_24] : memref<32768xf32, #tpu.memory_space<hbm>> -> memref<512xf32, #tpu.memory_space<hbm>>
        %dma_wait3A_44 = tpu.memref_slice %arg3[%multiple_of3A_24] : memref<32768xf32, #tpu.memory_space<hbm>> -> memref<512xf32, #tpu.memory_space<hbm>>
        tpu.wait_dma2 semaphore(%run_scoped3A : memref<!tpu.dma_semaphore, #tpu.memory_space<semaphore_mem>>) src(%dma_wait3A_44 : memref<512xf32, #tpu.memory_space<hbm>>) dst(%arg8 : memref<512xf32, #tpu.memory_space<vmem>>)
        tpu.yield
      }) : () -> ()
      "tpu.region"() ({
        %run_scoped3A = tpu.sem_alloc : memref<!tpu.dma_semaphore, #tpu.memory_space<semaphore_mem>>
        %dma_start3A = tpu.memref_slice %arg4[%multiple_of3A_24] : memref<32768xf32, #tpu.memory_space<hbm>> -> memref<512xf32, #tpu.memory_space<hbm>>
        %dma_start3A_43 = tpu.memref_slice %arg4[%multiple_of3A_24] : memref<32768xf32, #tpu.memory_space<hbm>> -> memref<512xf32, #tpu.memory_space<hbm>>
        tpu.enqueue_dma source(%dma_start3A_43 : memref<512xf32, #tpu.memory_space<hbm>>) target(%arg9 : memref<512xf32, #tpu.memory_space<vmem>>) target_semaphore(%run_scoped3A : memref<!tpu.dma_semaphore, #tpu.memory_space<semaphore_mem>>)
        %dma_wait3A = tpu.memref_slice %arg4[%multiple_of3A_24] : memref<32768xf32, #tpu.memory_space<hbm>> -> memref<512xf32, #tpu.memory_space<hbm>>
        %dma_wait3A_44 = tpu.memref_slice %arg4[%multiple_of3A_24] : memref<32768xf32, #tpu.memory_space<hbm>> -> memref<512xf32, #tpu.memory_space<hbm>>
        tpu.wait_dma2 semaphore(%run_scoped3A : memref<!tpu.dma_semaphore, #tpu.memory_space<semaphore_mem>>) src(%dma_wait3A_44 : memref<512xf32, #tpu.memory_space<hbm>>) dst(%arg9 : memref<512xf32, #tpu.memory_space<vmem>>)
        tpu.yield
      }) : () -> ()
      %mul3A_25 = arith.constant 2 : i32
      %mul3A_26 = arith.muli %add3A, %mul3A_25 : i32
      %add3A_27 = arith.addi %mul3A_26, %scan3A_6 : i32
      %mul3A_28 = arith.constant 16896 : i32
      %mul3A_29 = arith.muli %add3A_27, %mul3A_28 : i32
      %multiple_of3A_30 = tpu.assume_multiple %mul3A_29, 128 : i32
      "tpu.region"() ({
        %run_scoped3A = tpu.sem_alloc : memref<!tpu.dma_semaphore, #tpu.memory_space<semaphore_mem>>
        %dma_start3A = tpu.memref_slice %arg5[%multiple_of3A_30] : memref<1081344xf32, #tpu.memory_space<hbm>> -> memref<16896xf32, #tpu.memory_space<hbm>>
        %dma_start3A_43 = tpu.memref_slice %arg5[%multiple_of3A_30] : memref<1081344xf32, #tpu.memory_space<hbm>> -> memref<16896xf32, #tpu.memory_space<hbm>>
        tpu.enqueue_dma source(%dma_start3A_43 : memref<16896xf32, #tpu.memory_space<hbm>>) target(%arg10 : memref<16896xf32, #tpu.memory_space<vmem>>) target_semaphore(%run_scoped3A : memref<!tpu.dma_semaphore, #tpu.memory_space<semaphore_mem>>)
        %dma_wait3A = tpu.memref_slice %arg5[%multiple_of3A_30] : memref<1081344xf32, #tpu.memory_space<hbm>> -> memref<16896xf32, #tpu.memory_space<hbm>>
        %dma_wait3A_44 = tpu.memref_slice %arg5[%multiple_of3A_30] : memref<1081344xf32, #tpu.memory_space<hbm>> -> memref<16896xf32, #tpu.memory_space<hbm>>
        tpu.wait_dma2 semaphore(%run_scoped3A : memref<!tpu.dma_semaphore, #tpu.memory_space<semaphore_mem>>) src(%dma_wait3A_44 : memref<16896xf32, #tpu.memory_space<hbm>>) dst(%arg10 : memref<16896xf32, #tpu.memory_space<vmem>>)
        tpu.yield
      }) : () -> ()
      %scan3A_31 = arith.constant 0 : i32
      %scan3A_32 = arith.constant 0 : i32
      %scan3A_33 = arith.constant 32 : i32
      %scan3A_34 = arith.addi %scan3A_32, %scan3A_33 : i32
      %scan3A_35 = arith.constant 1 : i32
      scf.for %scan3A_43 = %scan3A_32 to %scan3A_34 step %scan3A_35  : i32 {
        %mul3A_44 = arith.constant 16 : i32
        %mul3A_45 = arith.muli %scan3A_43, %mul3A_44 : i32
        %iota3A = tpu.iota {dimensions = array<i32: 0>} : vector<16xi32>
        %convert_element_type3A = arith.sitofp %iota3A : vector<16xi32> to vector<16xf32>
        %add3A_46 = arith.addi %add3A_10, %mul3A_45 : i32
        %convert_element_type3A_47 = arith.sitofp %add3A_46 : i32 to f32
        %add3A_48 = vector.broadcast %convert_element_type3A_47 : f32 to vector<16xf32>
        %add3A_49 = arith.addf %convert_element_type3A, %add3A_48 : vector<16xf32>
        %get3A = arith.index_cast %mul3A_45 : i32 to index
        %get3A_50 = tpu.vector_load %arg8[%get3A] {strides = array<i32>} : memref<512xf32, #tpu.memory_space<vmem>>, vector<16xf32>,
        %get3A_51 = arith.index_cast %mul3A_45 : i32 to index
        %get3A_52 = tpu.vector_load %arg9[%get3A_51] {strides = array<i32>} : memref<512xf32, #tpu.memory_space<vmem>>, vector<16xf32>,
        %add3A_53 = arith.addf %add3A_49, %get3A_52 : vector<16xf32>
        %mul3A_54 = arith.constant -1.600000e+01 : f32
        %mul3A_55 = vector.broadcast %mul3A_54 : f32 to vector<16xf32>
        %mul3A_56 = arith.mulf %mul3A_55, %get3A_50 : vector<16xf32>
        %add3A_57 = arith.addf %add3A_53, %mul3A_56 : vector<16xf32>
        %add3A_58 = arith.constant 0x4B400000 : f32
        %add3A_59 = vector.broadcast %add3A_58 : f32 to vector<16xf32>
        %add3A_60 = arith.addf %add3A_57, %add3A_59 : vector<16xf32>
        %sub3A_61 = arith.constant 0x4B400000 : f32
        %sub3A_62 = vector.broadcast %sub3A_61 : f32 to vector<16xf32>
        %sub3A_63 = arith.subf %add3A_60, %sub3A_62 : vector<16xf32>
        %jit3A_64 = arith.constant 0.000000e+00 : f32
        %jit3A_65 = arith.constant 2.047000e+03 : f32
        %max3A_66 = vector.broadcast %jit3A_64 : f32 to vector<16xf32>
        %max3A_67 = arith.maximumf %max3A_66, %sub3A_63 : vector<16xf32>
        %min3A_68 = vector.broadcast %jit3A_65 : f32 to vector<16xf32>
        %min3A_69 = arith.minimumf %min3A_68, %max3A_67 : vector<16xf32>
        %convert_element_type3A_70 = arith.fptosi %min3A_69 : vector<16xf32> to vector<16xi32>
        %sub3A_71 = vector.broadcast %and3A_13 : i32 to vector<16xi32>
        %sub3A_72 = arith.subi %convert_element_type3A_70, %sub3A_71 : vector<16xi32>
        %mul3A_73 = arith.constant 33 : i32
        %mul3A_74 = vector.broadcast %mul3A_73 : i32 to vector<16xi32>
        %mul3A_75 = arith.muli %sub3A_72, %mul3A_74 : vector<16xi32>
        %add3A_76 = arith.constant 0 : i32
        %add3A_77 = arith.addi %add3A_76, %mul3A_45 : i32
        %get3A_78 = arith.index_cast %add3A_77 : i32 to index
        %get3A_79 = tpu.vector_load %arg10[%get3A_78] {strides = array<i32>} : memref<16896xf32, #tpu.memory_space<vmem>>, vector<16xf32>,
        %mul3A_80 = arith.constant -1.500000e+01 : f32
        %mul3A_81 = vector.broadcast %mul3A_80 : f32 to vector<16xf32>
        %mul3A_82 = arith.mulf %mul3A_81, %get3A_50 : vector<16xf32>
        %add3A_83 = arith.addf %add3A_53, %mul3A_82 : vector<16xf32>
        %add3A_84 = arith.constant 0x4B400000 : f32
        %add3A_85 = vector.broadcast %add3A_84 : f32 to vector<16xf32>
        %add3A_86 = arith.addf %add3A_83, %add3A_85 : vector<16xf32>
        %sub3A_87 = arith.constant 0x4B400000 : f32
        %sub3A_88 = vector.broadcast %sub3A_87 : f32 to vector<16xf32>
        %sub3A_89 = arith.subf %add3A_86, %sub3A_88 : vector<16xf32>
        %jit3A_90 = arith.constant 0.000000e+00 : f32
        %jit3A_91 = arith.constant 2.047000e+03 : f32
        %max3A_92 = vector.broadcast %jit3A_90 : f32 to vector<16xf32>
        %max3A_93 = arith.maximumf %max3A_92, %sub3A_89 : vector<16xf32>
        %min3A_94 = vector.broadcast %jit3A_91 : f32 to vector<16xf32>
        %min3A_95 = arith.minimumf %min3A_94, %max3A_93 : vector<16xf32>
        %convert_element_type3A_96 = arith.fptosi %min3A_95 : vector<16xf32> to vector<16xi32>
        %sub3A_97 = vector.broadcast %and3A_13 : i32 to vector<16xi32>
        %sub3A_98 = arith.subi %convert_element_type3A_96, %sub3A_97 : vector<16xi32>
        %mul3A_99 = arith.constant 33 : i32
        %mul3A_100 = vector.broadcast %mul3A_99 : i32 to vector<16xi32>
        %mul3A_101 = arith.muli %sub3A_98, %mul3A_100 : vector<16xi32>
        %add3A_102 = arith.constant 512 : i32
        %add3A_103 = arith.addi %add3A_102, %mul3A_45 : i32
        %get3A_104 = arith.index_cast %add3A_103 : i32 to index
        %get3A_105 = tpu.vector_load %arg10[%get3A_104] {strides = array<i32>} : memref<16896xf32, #tpu.memory_space<vmem>>, vector<16xf32>,
        %mul3A_106 = arith.constant -1.400000e+01 : f32
        %mul3A_107 = vector.broadcast %mul3A_106 : f32 to vector<16xf32>
        %mul3A_108 = arith.mulf %mul3A_107, %get3A_50 : vector<16xf32>
        %add3A_109 = arith.addf %add3A_53, %mul3A_108 : vector<16xf32>
        %add3A_110 = arith.constant 0x4B400000 : f32
        %add3A_111 = vector.broadcast %add3A_110 : f32 to vector<16xf32>
        %add3A_112 = arith.addf %add3A_109, %add3A_111 : vector<16xf32>
        %sub3A_113 = arith.constant 0x4B400000 : f32
        %sub3A_114 = vector.broadcast %sub3A_113 : f32 to vector<16xf32>
        %sub3A_115 = arith.subf %add3A_112, %sub3A_114 : vector<16xf32>
        %jit3A_116 = arith.constant 0.000000e+00 : f32
        %jit3A_117 = arith.constant 2.047000e+03 : f32
        %max3A_118 = vector.broadcast %jit3A_116 : f32 to vector<16xf32>
        %max3A_119 = arith.maximumf %max3A_118, %sub3A_115 : vector<16xf32>
        %min3A_120 = vector.broadcast %jit3A_117 : f32 to vector<16xf32>
        %min3A_121 = arith.minimumf %min3A_120, %max3A_119 : vector<16xf32>
        %convert_element_type3A_122 = arith.fptosi %min3A_121 : vector<16xf32> to vector<16xi32>
        %sub3A_123 = vector.broadcast %and3A_13 : i32 to vector<16xi32>
        %sub3A_124 = arith.subi %convert_element_type3A_122, %sub3A_123 : vector<16xi32>
        %mul3A_125 = arith.constant 33 : i32
        %mul3A_126 = vector.broadcast %mul3A_125 : i32 to vector<16xi32>
        %mul3A_127 = arith.muli %sub3A_124, %mul3A_126 : vector<16xi32>
        %add3A_128 = arith.constant 1024 : i32
        %add3A_129 = arith.addi %add3A_128, %mul3A_45 : i32
        %get3A_130 = arith.index_cast %add3A_129 : i32 to index
        %get3A_131 = tpu.vector_load %arg10[%get3A_130] {strides = array<i32>} : memref<16896xf32, #tpu.memory_space<vmem>>, vector<16xf32>,
        %mul3A_132 = arith.constant -1.300000e+01 : f32
        %mul3A_133 = vector.broadcast %mul3A_132 : f32 to vector<16xf32>
        %mul3A_134 = arith.mulf %mul3A_133, %get3A_50 : vector<16xf32>
        %add3A_135 = arith.addf %add3A_53, %mul3A_134 : vector<16xf32>
        %add3A_136 = arith.constant 0x4B400000 : f32
        %add3A_137 = vector.broadcast %add3A_136 : f32 to vector<16xf32>
        %add3A_138 = arith.addf %add3A_135, %add3A_137 : vector<16xf32>
        %sub3A_139 = arith.constant 0x4B400000 : f32
        %sub3A_140 = vector.broadcast %sub3A_139 : f32 to vector<16xf32>
        %sub3A_141 = arith.subf %add3A_138, %sub3A_140 : vector<16xf32>
        %jit3A_142 = arith.constant 0.000000e+00 : f32
        %jit3A_143 = arith.constant 2.047000e+03 : f32
        %max3A_144 = vector.broadcast %jit3A_142 : f32 to vector<16xf32>
        %max3A_145 = arith.maximumf %max3A_144, %sub3A_141 : vector<16xf32>
        %min3A_146 = vector.broadcast %jit3A_143 : f32 to vector<16xf32>
        %min3A_147 = arith.minimumf %min3A_146, %max3A_145 : vector<16xf32>
        %convert_element_type3A_148 = arith.fptosi %min3A_147 : vector<16xf32> to vector<16xi32>
        %sub3A_149 = vector.broadcast %and3A_13 : i32 to vector<16xi32>
        %sub3A_150 = arith.subi %convert_element_type3A_148, %sub3A_149 : vector<16xi32>
        %mul3A_151 = arith.constant 33 : i32
        %mul3A_152 = vector.broadcast %mul3A_151 : i32 to vector<16xi32>
        %mul3A_153 = arith.muli %sub3A_150, %mul3A_152 : vector<16xi32>
        %add3A_154 = arith.constant 1536 : i32
        %add3A_155 = arith.addi %add3A_154, %mul3A_45 : i32
        %get3A_156 = arith.index_cast %add3A_155 : i32 to index
        %get3A_157 = tpu.vector_load %arg10[%get3A_156] {strides = array<i32>} : memref<16896xf32, #tpu.memory_space<vmem>>, vector<16xf32>,
        %mul3A_158 = arith.constant -1.200000e+01 : f32
        %mul3A_159 = vector.broadcast %mul3A_158 : f32 to vector<16xf32>
        %mul3A_160 = arith.mulf %mul3A_159, %get3A_50 : vector<16xf32>
        %add3A_161 = arith.addf %add3A_53, %mul3A_160 : vector<16xf32>
        %add3A_162 = arith.constant 0x4B400000 : f32
        %add3A_163 = vector.broadcast %add3A_162 : f32 to vector<16xf32>
        %add3A_164 = arith.addf %add3A_161, %add3A_163 : vector<16xf32>
        %sub3A_165 = arith.constant 0x4B400000 : f32
        %sub3A_166 = vector.broadcast %sub3A_165 : f32 to vector<16xf32>
        %sub3A_167 = arith.subf %add3A_164, %sub3A_166 : vector<16xf32>
        %jit3A_168 = arith.constant 0.000000e+00 : f32
        %jit3A_169 = arith.constant 2.047000e+03 : f32
        %max3A_170 = vector.broadcast %jit3A_168 : f32 to vector<16xf32>
        %max3A_171 = arith.maximumf %max3A_170, %sub3A_167 : vector<16xf32>
        %min3A_172 = vector.broadcast %jit3A_169 : f32 to vector<16xf32>
        %min3A_173 = arith.minimumf %min3A_172, %max3A_171 : vector<16xf32>
        %convert_element_type3A_174 = arith.fptosi %min3A_173 : vector<16xf32> to vector<16xi32>
        %sub3A_175 = vector.broadcast %and3A_13 : i32 to vector<16xi32>
        %sub3A_176 = arith.subi %convert_element_type3A_174, %sub3A_175 : vector<16xi32>
        %mul3A_177 = arith.constant 33 : i32
        %mul3A_178 = vector.broadcast %mul3A_177 : i32 to vector<16xi32>
        %mul3A_179 = arith.muli %sub3A_176, %mul3A_178 : vector<16xi32>
        %add3A_180 = arith.constant 2048 : i32
        %add3A_181 = arith.addi %add3A_180, %mul3A_45 : i32
        %get3A_182 = arith.index_cast %add3A_181 : i32 to index
        %get3A_183 = tpu.vector_load %arg10[%get3A_182] {strides = array<i32>} : memref<16896xf32, #tpu.memory_space<vmem>>, vector<16xf32>,
        %mul3A_184 = arith.constant -1.100000e+01 : f32
        %mul3A_185 = vector.broadcast %mul3A_184 : f32 to vector<16xf32>
        %mul3A_186 = arith.mulf %mul3A_185, %get3A_50 : vector<16xf32>
        %add3A_187 = arith.addf %add3A_53, %mul3A_186 : vector<16xf32>
        %add3A_188 = arith.constant 0x4B400000 : f32
        %add3A_189 = vector.broadcast %add3A_188 : f32 to vector<16xf32>
        %add3A_190 = arith.addf %add3A_187, %add3A_189 : vector<16xf32>
        %sub3A_191 = arith.constant 0x4B400000 : f32
        %sub3A_192 = vector.broadcast %sub3A_191 : f32 to vector<16xf32>
        %sub3A_193 = arith.subf %add3A_190, %sub3A_192 : vector<16xf32>
        %jit3A_194 = arith.constant 0.000000e+00 : f32
        %jit3A_195 = arith.constant 2.047000e+03 : f32
        %max3A_196 = vector.broadcast %jit3A_194 : f32 to vector<16xf32>
        %max3A_197 = arith.maximumf %max3A_196, %sub3A_193 : vector<16xf32>
        %min3A_198 = vector.broadcast %jit3A_195 : f32 to vector<16xf32>
        %min3A_199 = arith.minimumf %min3A_198, %max3A_197 : vector<16xf32>
        %convert_element_type3A_200 = arith.fptosi %min3A_199 : vector<16xf32> to vector<16xi32>
        %sub3A_201 = vector.broadcast %and3A_13 : i32 to vector<16xi32>
        %sub3A_202 = arith.subi %convert_element_type3A_200, %sub3A_201 : vector<16xi32>
        %mul3A_203 = arith.constant 33 : i32
        %mul3A_204 = vector.broadcast %mul3A_203 : i32 to vector<16xi32>
        %mul3A_205 = arith.muli %sub3A_202, %mul3A_204 : vector<16xi32>
        %add3A_206 = arith.constant 2560 : i32
        %add3A_207 = arith.addi %add3A_206, %mul3A_45 : i32
        %get3A_208 = arith.index_cast %add3A_207 : i32 to index
        %get3A_209 = tpu.vector_load %arg10[%get3A_208] {strides = array<i32>} : memref<16896xf32, #tpu.memory_space<vmem>>, vector<16xf32>,
        %mul3A_210 = arith.constant -1.000000e+01 : f32
        %mul3A_211 = vector.broadcast %mul3A_210 : f32 to vector<16xf32>
        %mul3A_212 = arith.mulf %mul3A_211, %get3A_50 : vector<16xf32>
        %add3A_213 = arith.addf %add3A_53, %mul3A_212 : vector<16xf32>
        %add3A_214 = arith.constant 0x4B400000 : f32
        %add3A_215 = vector.broadcast %add3A_214 : f32 to vector<16xf32>
        %add3A_216 = arith.addf %add3A_213, %add3A_215 : vector<16xf32>
        %sub3A_217 = arith.constant 0x4B400000 : f32
        %sub3A_218 = vector.broadcast %sub3A_217 : f32 to vector<16xf32>
        %sub3A_219 = arith.subf %add3A_216, %sub3A_218 : vector<16xf32>
        %jit3A_220 = arith.constant 0.000000e+00 : f32
        %jit3A_221 = arith.constant 2.047000e+03 : f32
        %max3A_222 = vector.broadcast %jit3A_220 : f32 to vector<16xf32>
        %max3A_223 = arith.maximumf %max3A_222, %sub3A_219 : vector<16xf32>
        %min3A_224 = vector.broadcast %jit3A_221 : f32 to vector<16xf32>
        %min3A_225 = arith.minimumf %min3A_224, %max3A_223 : vector<16xf32>
        %convert_element_type3A_226 = arith.fptosi %min3A_225 : vector<16xf32> to vector<16xi32>
        %sub3A_227 = vector.broadcast %and3A_13 : i32 to vector<16xi32>
        %sub3A_228 = arith.subi %convert_element_type3A_226, %sub3A_227 : vector<16xi32>
        %mul3A_229 = arith.constant 33 : i32
        %mul3A_230 = vector.broadcast %mul3A_229 : i32 to vector<16xi32>
        %mul3A_231 = arith.muli %sub3A_228, %mul3A_230 : vector<16xi32>
        %add3A_232 = arith.constant 3072 : i32
        %add3A_233 = arith.addi %add3A_232, %mul3A_45 : i32
        %get3A_234 = arith.index_cast %add3A_233 : i32 to index
        %get3A_235 = tpu.vector_load %arg10[%get3A_234] {strides = array<i32>} : memref<16896xf32, #tpu.memory_space<vmem>>, vector<16xf32>,
        %mul3A_236 = arith.constant -9.000000e+00 : f32
        %mul3A_237 = vector.broadcast %mul3A_236 : f32 to vector<16xf32>
        %mul3A_238 = arith.mulf %mul3A_237, %get3A_50 : vector<16xf32>
        %add3A_239 = arith.addf %add3A_53, %mul3A_238 : vector<16xf32>
        %add3A_240 = arith.constant 0x4B400000 : f32
        %add3A_241 = vector.broadcast %add3A_240 : f32 to vector<16xf32>
        %add3A_242 = arith.addf %add3A_239, %add3A_241 : vector<16xf32>
        %sub3A_243 = arith.constant 0x4B400000 : f32
        %sub3A_244 = vector.broadcast %sub3A_243 : f32 to vector<16xf32>
        %sub3A_245 = arith.subf %add3A_242, %sub3A_244 : vector<16xf32>
        %jit3A_246 = arith.constant 0.000000e+00 : f32
        %jit3A_247 = arith.constant 2.047000e+03 : f32
        %max3A_248 = vector.broadcast %jit3A_246 : f32 to vector<16xf32>
        %max3A_249 = arith.maximumf %max3A_248, %sub3A_245 : vector<16xf32>
        %min3A_250 = vector.broadcast %jit3A_247 : f32 to vector<16xf32>
        %min3A_251 = arith.minimumf %min3A_250, %max3A_249 : vector<16xf32>
        %convert_element_type3A_252 = arith.fptosi %min3A_251 : vector<16xf32> to vector<16xi32>
        %sub3A_253 = vector.broadcast %and3A_13 : i32 to vector<16xi32>
        %sub3A_254 = arith.subi %convert_element_type3A_252, %sub3A_253 : vector<16xi32>
        %mul3A_255 = arith.constant 33 : i32
        %mul3A_256 = vector.broadcast %mul3A_255 : i32 to vector<16xi32>
        %mul3A_257 = arith.muli %sub3A_254, %mul3A_256 : vector<16xi32>
        %add3A_258 = arith.constant 3584 : i32
        %add3A_259 = arith.addi %add3A_258, %mul3A_45 : i32
        %get3A_260 = arith.index_cast %add3A_259 : i32 to index
        %get3A_261 = tpu.vector_load %arg10[%get3A_260] {strides = array<i32>} : memref<16896xf32, #tpu.memory_space<vmem>>, vector<16xf32>,
        %mul3A_262 = arith.constant -8.000000e+00 : f32
        %mul3A_263 = vector.broadcast %mul3A_262 : f32 to vector<16xf32>
        %mul3A_264 = arith.mulf %mul3A_263, %get3A_50 : vector<16xf32>
        %add3A_265 = arith.addf %add3A_53, %mul3A_264 : vector<16xf32>
        %add3A_266 = arith.constant 0x4B400000 : f32
        %add3A_267 = vector.broadcast %add3A_266 : f32 to vector<16xf32>
        %add3A_268 = arith.addf %add3A_265, %add3A_267 : vector<16xf32>
        %sub3A_269 = arith.constant 0x4B400000 : f32
        %sub3A_270 = vector.broadcast %sub3A_269 : f32 to vector<16xf32>
        %sub3A_271 = arith.subf %add3A_268, %sub3A_270 : vector<16xf32>
        %jit3A_272 = arith.constant 0.000000e+00 : f32
        %jit3A_273 = arith.constant 2.047000e+03 : f32
        %max3A_274 = vector.broadcast %jit3A_272 : f32 to vector<16xf32>
        %max3A_275 = arith.maximumf %max3A_274, %sub3A_271 : vector<16xf32>
        %min3A_276 = vector.broadcast %jit3A_273 : f32 to vector<16xf32>
        %min3A_277 = arith.minimumf %min3A_276, %max3A_275 : vector<16xf32>
        %convert_element_type3A_278 = arith.fptosi %min3A_277 : vector<16xf32> to vector<16xi32>
        %sub3A_279 = vector.broadcast %and3A_13 : i32 to vector<16xi32>
        %sub3A_280 = arith.subi %convert_element_type3A_278, %sub3A_279 : vector<16xi32>
        %mul3A_281 = arith.constant 33 : i32
        %mul3A_282 = vector.broadcast %mul3A_281 : i32 to vector<16xi32>
        %mul3A_283 = arith.muli %sub3A_280, %mul3A_282 : vector<16xi32>
        %add3A_284 = arith.constant 4096 : i32
        %add3A_285 = arith.addi %add3A_284, %mul3A_45 : i32
        %get3A_286 = arith.index_cast %add3A_285 : i32 to index
        %get3A_287 = tpu.vector_load %arg10[%get3A_286] {strides = array<i32>} : memref<16896xf32, #tpu.memory_space<vmem>>, vector<16xf32>,
        %mul3A_288 = arith.constant -7.000000e+00 : f32
        %mul3A_289 = vector.broadcast %mul3A_288 : f32 to vector<16xf32>
        %mul3A_290 = arith.mulf %mul3A_289, %get3A_50 : vector<16xf32>
        %add3A_291 = arith.addf %add3A_53, %mul3A_290 : vector<16xf32>
        %add3A_292 = arith.constant 0x4B400000 : f32
        %add3A_293 = vector.broadcast %add3A_292 : f32 to vector<16xf32>
        %add3A_294 = arith.addf %add3A_291, %add3A_293 : vector<16xf32>
        %sub3A_295 = arith.constant 0x4B400000 : f32
        %sub3A_296 = vector.broadcast %sub3A_295 : f32 to vector<16xf32>
        %sub3A_297 = arith.subf %add3A_294, %sub3A_296 : vector<16xf32>
        %jit3A_298 = arith.constant 0.000000e+00 : f32
        %jit3A_299 = arith.constant 2.047000e+03 : f32
        %max3A_300 = vector.broadcast %jit3A_298 : f32 to vector<16xf32>
        %max3A_301 = arith.maximumf %max3A_300, %sub3A_297 : vector<16xf32>
        %min3A_302 = vector.broadcast %jit3A_299 : f32 to vector<16xf32>
        %min3A_303 = arith.minimumf %min3A_302, %max3A_301 : vector<16xf32>
        %convert_element_type3A_304 = arith.fptosi %min3A_303 : vector<16xf32> to vector<16xi32>
        %sub3A_305 = vector.broadcast %and3A_13 : i32 to vector<16xi32>
        %sub3A_306 = arith.subi %convert_element_type3A_304, %sub3A_305 : vector<16xi32>
        %mul3A_307 = arith.constant 33 : i32
        %mul3A_308 = vector.broadcast %mul3A_307 : i32 to vector<16xi32>
        %mul3A_309 = arith.muli %sub3A_306, %mul3A_308 : vector<16xi32>
        %add3A_310 = arith.constant 4608 : i32
        %add3A_311 = arith.addi %add3A_310, %mul3A_45 : i32
        %get3A_312 = arith.index_cast %add3A_311 : i32 to index
        %get3A_313 = tpu.vector_load %arg10[%get3A_312] {strides = array<i32>} : memref<16896xf32, #tpu.memory_space<vmem>>, vector<16xf32>,
        %mul3A_314 = arith.constant -6.000000e+00 : f32
        %mul3A_315 = vector.broadcast %mul3A_314 : f32 to vector<16xf32>
        %mul3A_316 = arith.mulf %mul3A_315, %get3A_50 : vector<16xf32>
        %add3A_317 = arith.addf %add3A_53, %mul3A_316 : vector<16xf32>
        %add3A_318 = arith.constant 0x4B400000 : f32
        %add3A_319 = vector.broadcast %add3A_318 : f32 to vector<16xf32>
        %add3A_320 = arith.addf %add3A_317, %add3A_319 : vector<16xf32>
        %sub3A_321 = arith.constant 0x4B400000 : f32
        %sub3A_322 = vector.broadcast %sub3A_321 : f32 to vector<16xf32>
        %sub3A_323 = arith.subf %add3A_320, %sub3A_322 : vector<16xf32>
        %jit3A_324 = arith.constant 0.000000e+00 : f32
        %jit3A_325 = arith.constant 2.047000e+03 : f32
        %max3A_326 = vector.broadcast %jit3A_324 : f32 to vector<16xf32>
        %max3A_327 = arith.maximumf %max3A_326, %sub3A_323 : vector<16xf32>
        %min3A_328 = vector.broadcast %jit3A_325 : f32 to vector<16xf32>
        %min3A_329 = arith.minimumf %min3A_328, %max3A_327 : vector<16xf32>
        %convert_element_type3A_330 = arith.fptosi %min3A_329 : vector<16xf32> to vector<16xi32>
        %sub3A_331 = vector.broadcast %and3A_13 : i32 to vector<16xi32>
        %sub3A_332 = arith.subi %convert_element_type3A_330, %sub3A_331 : vector<16xi32>
        %mul3A_333 = arith.constant 33 : i32
        %mul3A_334 = vector.broadcast %mul3A_333 : i32 to vector<16xi32>
        %mul3A_335 = arith.muli %sub3A_332, %mul3A_334 : vector<16xi32>
        %add3A_336 = arith.constant 5120 : i32
        %add3A_337 = arith.addi %add3A_336, %mul3A_45 : i32
        %get3A_338 = arith.index_cast %add3A_337 : i32 to index
        %get3A_339 = tpu.vector_load %arg10[%get3A_338] {strides = array<i32>} : memref<16896xf32, #tpu.memory_space<vmem>>, vector<16xf32>,
        %mul3A_340 = arith.constant -5.000000e+00 : f32
        %mul3A_341 = vector.broadcast %mul3A_340 : f32 to vector<16xf32>
        %mul3A_342 = arith.mulf %mul3A_341, %get3A_50 : vector<16xf32>
        %add3A_343 = arith.addf %add3A_53, %mul3A_342 : vector<16xf32>
        %add3A_344 = arith.constant 0x4B400000 : f32
        %add3A_345 = vector.broadcast %add3A_344 : f32 to vector<16xf32>
        %add3A_346 = arith.addf %add3A_343, %add3A_345 : vector<16xf32>
        %sub3A_347 = arith.constant 0x4B400000 : f32
        %sub3A_348 = vector.broadcast %sub3A_347 : f32 to vector<16xf32>
        %sub3A_349 = arith.subf %add3A_346, %sub3A_348 : vector<16xf32>
        %jit3A_350 = arith.constant 0.000000e+00 : f32
        %jit3A_351 = arith.constant 2.047000e+03 : f32
        %max3A_352 = vector.broadcast %jit3A_350 : f32 to vector<16xf32>
        %max3A_353 = arith.maximumf %max3A_352, %sub3A_349 : vector<16xf32>
        %min3A_354 = vector.broadcast %jit3A_351 : f32 to vector<16xf32>
        %min3A_355 = arith.minimumf %min3A_354, %max3A_353 : vector<16xf32>
        %convert_element_type3A_356 = arith.fptosi %min3A_355 : vector<16xf32> to vector<16xi32>
        %sub3A_357 = vector.broadcast %and3A_13 : i32 to vector<16xi32>
        %sub3A_358 = arith.subi %convert_element_type3A_356, %sub3A_357 : vector<16xi32>
        %mul3A_359 = arith.constant 33 : i32
        %mul3A_360 = vector.broadcast %mul3A_359 : i32 to vector<16xi32>
        %mul3A_361 = arith.muli %sub3A_358, %mul3A_360 : vector<16xi32>
        %add3A_362 = arith.constant 5632 : i32
        %add3A_363 = arith.addi %add3A_362, %mul3A_45 : i32
        %get3A_364 = arith.index_cast %add3A_363 : i32 to index
        %get3A_365 = tpu.vector_load %arg10[%get3A_364] {strides = array<i32>} : memref<16896xf32, #tpu.memory_space<vmem>>, vector<16xf32>,
        %mul3A_366 = arith.constant -4.000000e+00 : f32
        %mul3A_367 = vector.broadcast %mul3A_366 : f32 to vector<16xf32>
        %mul3A_368 = arith.mulf %mul3A_367, %get3A_50 : vector<16xf32>
        %add3A_369 = arith.addf %add3A_53, %mul3A_368 : vector<16xf32>
        %add3A_370 = arith.constant 0x4B400000 : f32
        %add3A_371 = vector.broadcast %add3A_370 : f32 to vector<16xf32>
        %add3A_372 = arith.addf %add3A_369, %add3A_371 : vector<16xf32>
        %sub3A_373 = arith.constant 0x4B400000 : f32
        %sub3A_374 = vector.broadcast %sub3A_373 : f32 to vector<16xf32>
        %sub3A_375 = arith.subf %add3A_372, %sub3A_374 : vector<16xf32>
        %jit3A_376 = arith.constant 0.000000e+00 : f32
        %jit3A_377 = arith.constant 2.047000e+03 : f32
        %max3A_378 = vector.broadcast %jit3A_376 : f32 to vector<16xf32>
        %max3A_379 = arith.maximumf %max3A_378, %sub3A_375 : vector<16xf32>
        %min3A_380 = vector.broadcast %jit3A_377 : f32 to vector<16xf32>
        %min3A_381 = arith.minimumf %min3A_380, %max3A_379 : vector<16xf32>
        %convert_element_type3A_382 = arith.fptosi %min3A_381 : vector<16xf32> to vector<16xi32>
        %sub3A_383 = vector.broadcast %and3A_13 : i32 to vector<16xi32>
        %sub3A_384 = arith.subi %convert_element_type3A_382, %sub3A_383 : vector<16xi32>
        %mul3A_385 = arith.constant 33 : i32
        %mul3A_386 = vector.broadcast %mul3A_385 : i32 to vector<16xi32>
        %mul3A_387 = arith.muli %sub3A_384, %mul3A_386 : vector<16xi32>
        %add3A_388 = arith.constant 6144 : i32
        %add3A_389 = arith.addi %add3A_388, %mul3A_45 : i32
        %get3A_390 = arith.index_cast %add3A_389 : i32 to index
        %get3A_391 = tpu.vector_load %arg10[%get3A_390] {strides = array<i32>} : memref<16896xf32, #tpu.memory_space<vmem>>, vector<16xf32>,
        %mul3A_392 = arith.constant -3.000000e+00 : f32
        %mul3A_393 = vector.broadcast %mul3A_392 : f32 to vector<16xf32>
        %mul3A_394 = arith.mulf %mul3A_393, %get3A_50 : vector<16xf32>
        %add3A_395 = arith.addf %add3A_53, %mul3A_394 : vector<16xf32>
        %add3A_396 = arith.constant 0x4B400000 : f32
        %add3A_397 = vector.broadcast %add3A_396 : f32 to vector<16xf32>
        %add3A_398 = arith.addf %add3A_395, %add3A_397 : vector<16xf32>
        %sub3A_399 = arith.constant 0x4B400000 : f32
        %sub3A_400 = vector.broadcast %sub3A_399 : f32 to vector<16xf32>
        %sub3A_401 = arith.subf %add3A_398, %sub3A_400 : vector<16xf32>
        %jit3A_402 = arith.constant 0.000000e+00 : f32
        %jit3A_403 = arith.constant 2.047000e+03 : f32
        %max3A_404 = vector.broadcast %jit3A_402 : f32 to vector<16xf32>
        %max3A_405 = arith.maximumf %max3A_404, %sub3A_401 : vector<16xf32>
        %min3A_406 = vector.broadcast %jit3A_403 : f32 to vector<16xf32>
        %min3A_407 = arith.minimumf %min3A_406, %max3A_405 : vector<16xf32>
        %convert_element_type3A_408 = arith.fptosi %min3A_407 : vector<16xf32> to vector<16xi32>
        %sub3A_409 = vector.broadcast %and3A_13 : i32 to vector<16xi32>
        %sub3A_410 = arith.subi %convert_element_type3A_408, %sub3A_409 : vector<16xi32>
        %mul3A_411 = arith.constant 33 : i32
        %mul3A_412 = vector.broadcast %mul3A_411 : i32 to vector<16xi32>
        %mul3A_413 = arith.muli %sub3A_410, %mul3A_412 : vector<16xi32>
        %add3A_414 = arith.constant 6656 : i32
        %add3A_415 = arith.addi %add3A_414, %mul3A_45 : i32
        %get3A_416 = arith.index_cast %add3A_415 : i32 to index
        %get3A_417 = tpu.vector_load %arg10[%get3A_416] {strides = array<i32>} : memref<16896xf32, #tpu.memory_space<vmem>>, vector<16xf32>,
        %mul3A_418 = arith.constant -2.000000e+00 : f32
        %mul3A_419 = vector.broadcast %mul3A_418 : f32 to vector<16xf32>
        %mul3A_420 = arith.mulf %mul3A_419, %get3A_50 : vector<16xf32>
        %add3A_421 = arith.addf %add3A_53, %mul3A_420 : vector<16xf32>
        %add3A_422 = arith.constant 0x4B400000 : f32
        %add3A_423 = vector.broadcast %add3A_422 : f32 to vector<16xf32>
        %add3A_424 = arith.addf %add3A_421, %add3A_423 : vector<16xf32>
        %sub3A_425 = arith.constant 0x4B400000 : f32
        %sub3A_426 = vector.broadcast %sub3A_425 : f32 to vector<16xf32>
        %sub3A_427 = arith.subf %add3A_424, %sub3A_426 : vector<16xf32>
        %jit3A_428 = arith.constant 0.000000e+00 : f32
        %jit3A_429 = arith.constant 2.047000e+03 : f32
        %max3A_430 = vector.broadcast %jit3A_428 : f32 to vector<16xf32>
        %max3A_431 = arith.maximumf %max3A_430, %sub3A_427 : vector<16xf32>
        %min3A_432 = vector.broadcast %jit3A_429 : f32 to vector<16xf32>
        %min3A_433 = arith.minimumf %min3A_432, %max3A_431 : vector<16xf32>
        %convert_element_type3A_434 = arith.fptosi %min3A_433 : vector<16xf32> to vector<16xi32>
        %sub3A_435 = vector.broadcast %and3A_13 : i32 to vector<16xi32>
        %sub3A_436 = arith.subi %convert_element_type3A_434, %sub3A_435 : vector<16xi32>
        %mul3A_437 = arith.constant 33 : i32
        %mul3A_438 = vector.broadcast %mul3A_437 : i32 to vector<16xi32>
        %mul3A_439 = arith.muli %sub3A_436, %mul3A_438 : vector<16xi32>
        %add3A_440 = arith.constant 7168 : i32
        %add3A_441 = arith.addi %add3A_440, %mul3A_45 : i32
        %get3A_442 = arith.index_cast %add3A_441 : i32 to index
        %get3A_443 = tpu.vector_load %arg10[%get3A_442] {strides = array<i32>} : memref<16896xf32, #tpu.memory_space<vmem>>, vector<16xf32>,
        %mul3A_444 = arith.constant -1.000000e+00 : f32
        %mul3A_445 = vector.broadcast %mul3A_444 : f32 to vector<16xf32>
        %mul3A_446 = arith.mulf %mul3A_445, %get3A_50 : vector<16xf32>
        %add3A_447 = arith.addf %add3A_53, %mul3A_446 : vector<16xf32>
        %add3A_448 = arith.constant 0x4B400000 : f32
        %add3A_449 = vector.broadcast %add3A_448 : f32 to vector<16xf32>
        %add3A_450 = arith.addf %add3A_447, %add3A_449 : vector<16xf32>
        %sub3A_451 = arith.constant 0x4B400000 : f32
        %sub3A_452 = vector.broadcast %sub3A_451 : f32 to vector<16xf32>
        %sub3A_453 = arith.subf %add3A_450, %sub3A_452 : vector<16xf32>
        %jit3A_454 = arith.constant 0.000000e+00 : f32
        %jit3A_455 = arith.constant 2.047000e+03 : f32
        %max3A_456 = vector.broadcast %jit3A_454 : f32 to vector<16xf32>
        %max3A_457 = arith.maximumf %max3A_456, %sub3A_453 : vector<16xf32>
        %min3A_458 = vector.broadcast %jit3A_455 : f32 to vector<16xf32>
        %min3A_459 = arith.minimumf %min3A_458, %max3A_457 : vector<16xf32>
        %convert_element_type3A_460 = arith.fptosi %min3A_459 : vector<16xf32> to vector<16xi32>
        %sub3A_461 = vector.broadcast %and3A_13 : i32 to vector<16xi32>
        %sub3A_462 = arith.subi %convert_element_type3A_460, %sub3A_461 : vector<16xi32>
        %mul3A_463 = arith.constant 33 : i32
        %mul3A_464 = vector.broadcast %mul3A_463 : i32 to vector<16xi32>
        %mul3A_465 = arith.muli %sub3A_462, %mul3A_464 : vector<16xi32>
        %add3A_466 = arith.constant 7680 : i32
        %add3A_467 = arith.addi %add3A_466, %mul3A_45 : i32
        %get3A_468 = arith.index_cast %add3A_467 : i32 to index
        %get3A_469 = tpu.vector_load %arg10[%get3A_468] {strides = array<i32>} : memref<16896xf32, #tpu.memory_space<vmem>>, vector<16xf32>,
        %mul3A_470 = arith.constant 0.000000e+00 : f32
        %mul3A_471 = vector.broadcast %mul3A_470 : f32 to vector<16xf32>
        %mul3A_472 = arith.mulf %mul3A_471, %get3A_50 : vector<16xf32>
        %add3A_473 = arith.addf %add3A_53, %mul3A_472 : vector<16xf32>
        %add3A_474 = arith.constant 0x4B400000 : f32
        %add3A_475 = vector.broadcast %add3A_474 : f32 to vector<16xf32>
        %add3A_476 = arith.addf %add3A_473, %add3A_475 : vector<16xf32>
        %sub3A_477 = arith.constant 0x4B400000 : f32
        %sub3A_478 = vector.broadcast %sub3A_477 : f32 to vector<16xf32>
        %sub3A_479 = arith.subf %add3A_476, %sub3A_478 : vector<16xf32>
        %jit3A_480 = arith.constant 0.000000e+00 : f32
        %jit3A_481 = arith.constant 2.047000e+03 : f32
        %max3A_482 = vector.broadcast %jit3A_480 : f32 to vector<16xf32>
        %max3A_483 = arith.maximumf %max3A_482, %sub3A_479 : vector<16xf32>
        %min3A_484 = vector.broadcast %jit3A_481 : f32 to vector<16xf32>
        %min3A_485 = arith.minimumf %min3A_484, %max3A_483 : vector<16xf32>
        %convert_element_type3A_486 = arith.fptosi %min3A_485 : vector<16xf32> to vector<16xi32>
        %sub3A_487 = vector.broadcast %and3A_13 : i32 to vector<16xi32>
        %sub3A_488 = arith.subi %convert_element_type3A_486, %sub3A_487 : vector<16xi32>
        %mul3A_489 = arith.constant 33 : i32
        %mul3A_490 = vector.broadcast %mul3A_489 : i32 to vector<16xi32>
        %mul3A_491 = arith.muli %sub3A_488, %mul3A_490 : vector<16xi32>
        %add3A_492 = arith.constant 8192 : i32
        %add3A_493 = arith.addi %add3A_492, %mul3A_45 : i32
        %get3A_494 = arith.index_cast %add3A_493 : i32 to index
        %get3A_495 = tpu.vector_load %arg10[%get3A_494] {strides = array<i32>} : memref<16896xf32, #tpu.memory_space<vmem>>, vector<16xf32>,
        %parallel_loop3A = arith.constant 0 : i32
        %parallel_loop3A_496 = arith.constant 32 : i32
        %parallel_loop3A_497 = arith.constant 1 : i32
        scf.for %parallel_loop3A_917 = %parallel_loop3A to %parallel_loop3A_496 step %parallel_loop3A_497  : i32 {
          %parallel_loop3A_918 = vector.broadcast %parallel_loop3A_917 : i32 to vector<16xi32>
          %parallel_loop3A_919 = arith.addi %mul3A_75, %parallel_loop3A_918 : vector<16xi32>
          %parallel_loop3A_920 = tpu.vector_load_idx %arg7[%parallel_loop3A_919] : memref<35112xi32, #tpu.memory_space<vmem>>[vector<16xi32>], vector<16xi32>,
          %parallel_loop3A_921 = arith.constant 16 : i32
          %parallel_loop3A_922 = vector.broadcast %parallel_loop3A_921 : i32 to vector<16xi32>
          %parallel_loop3A_923 = arith.shli %parallel_loop3A_920, %parallel_loop3A_922 : vector<16xi32>
          %parallel_loop3A_924 = vector.bitcast %parallel_loop3A_923 : vector<16xi32> to vector<16xf32>
          %parallel_loop3A_925 = arith.constant -65536 : i32
          %parallel_loop3A_926 = vector.broadcast %parallel_loop3A_925 : i32 to vector<16xi32>
          %parallel_loop3A_927 = arith.andi %parallel_loop3A_920, %parallel_loop3A_926 : vector<16xi32>
          %parallel_loop3A_928 = vector.bitcast %parallel_loop3A_927 : vector<16xi32> to vector<16xf32>
          %parallel_loop3A_929 = arith.mulf %get3A_79, %parallel_loop3A_924 : vector<16xf32>
          %parallel_loop3A_930 = arith.mulf %get3A_79, %parallel_loop3A_928 : vector<16xf32>
          %parallel_loop3A_931 = vector.broadcast %parallel_loop3A_917 : i32 to vector<16xi32>
          %parallel_loop3A_932 = arith.addi %mul3A_101, %parallel_loop3A_931 : vector<16xi32>
          %parallel_loop3A_933 = tpu.vector_load_idx %arg7[%parallel_loop3A_932] : memref<35112xi32, #tpu.memory_space<vmem>>[vector<16xi32>], vector<16xi32>,
          %parallel_loop3A_934 = arith.constant 16 : i32
          %parallel_loop3A_935 = vector.broadcast %parallel_loop3A_934 : i32 to vector<16xi32>
          %parallel_loop3A_936 = arith.shli %parallel_loop3A_933, %parallel_loop3A_935 : vector<16xi32>
          %parallel_loop3A_937 = vector.bitcast %parallel_loop3A_936 : vector<16xi32> to vector<16xf32>
          %parallel_loop3A_938 = arith.constant -65536 : i32
          %parallel_loop3A_939 = vector.broadcast %parallel_loop3A_938 : i32 to vector<16xi32>
          %parallel_loop3A_940 = arith.andi %parallel_loop3A_933, %parallel_loop3A_939 : vector<16xi32>
          %parallel_loop3A_941 = vector.bitcast %parallel_loop3A_940 : vector<16xi32> to vector<16xf32>
          %parallel_loop3A_942 = arith.mulf %get3A_105, %parallel_loop3A_937 : vector<16xf32>
          %parallel_loop3A_943 = arith.mulf %get3A_105, %parallel_loop3A_941 : vector<16xf32>
          %parallel_loop3A_944 = vector.broadcast %parallel_loop3A_917 : i32 to vector<16xi32>
          %parallel_loop3A_945 = arith.addi %mul3A_127, %parallel_loop3A_944 : vector<16xi32>
          %parallel_loop3A_946 = tpu.vector_load_idx %arg7[%parallel_loop3A_945] : memref<35112xi32, #tpu.memory_space<vmem>>[vector<16xi32>], vector<16xi32>,
          %parallel_loop3A_947 = arith.constant 16 : i32
          %parallel_loop3A_948 = vector.broadcast %parallel_loop3A_947 : i32 to vector<16xi32>
          %parallel_loop3A_949 = arith.shli %parallel_loop3A_946, %parallel_loop3A_948 : vector<16xi32>
          %parallel_loop3A_950 = vector.bitcast %parallel_loop3A_949 : vector<16xi32> to vector<16xf32>
          %parallel_loop3A_951 = arith.constant -65536 : i32
          %parallel_loop3A_952 = vector.broadcast %parallel_loop3A_951 : i32 to vector<16xi32>
          %parallel_loop3A_953 = arith.andi %parallel_loop3A_946, %parallel_loop3A_952 : vector<16xi32>
          %parallel_loop3A_954 = vector.bitcast %parallel_loop3A_953 : vector<16xi32> to vector<16xf32>
          %parallel_loop3A_955 = arith.mulf %get3A_131, %parallel_loop3A_950 : vector<16xf32>
          %parallel_loop3A_956 = arith.mulf %get3A_131, %parallel_loop3A_954 : vector<16xf32>
          %parallel_loop3A_957 = vector.broadcast %parallel_loop3A_917 : i32 to vector<16xi32>
          %parallel_loop3A_958 = arith.addi %mul3A_153, %parallel_loop3A_957 : vector<16xi32>
          %parallel_loop3A_959 = tpu.vector_load_idx %arg7[%parallel_loop3A_958] : memref<35112xi32, #tpu.memory_space<vmem>>[vector<16xi32>], vector<16xi32>,
          %parallel_loop3A_960 = arith.constant 16 : i32
          %parallel_loop3A_961 = vector.broadcast %parallel_loop3A_960 : i32 to vector<16xi32>
          %parallel_loop3A_962 = arith.shli %parallel_loop3A_959, %parallel_loop3A_961 : vector<16xi32>
          %parallel_loop3A_963 = vector.bitcast %parallel_loop3A_962 : vector<16xi32> to vector<16xf32>
          %parallel_loop3A_964 = arith.constant -65536 : i32
          %parallel_loop3A_965 = vector.broadcast %parallel_loop3A_964 : i32 to vector<16xi32>
          %parallel_loop3A_966 = arith.andi %parallel_loop3A_959, %parallel_loop3A_965 : vector<16xi32>
          %parallel_loop3A_967 = vector.bitcast %parallel_loop3A_966 : vector<16xi32> to vector<16xf32>
          %parallel_loop3A_968 = arith.mulf %get3A_157, %parallel_loop3A_963 : vector<16xf32>
          %parallel_loop3A_969 = arith.mulf %get3A_157, %parallel_loop3A_967 : vector<16xf32>
          %parallel_loop3A_970 = vector.broadcast %parallel_loop3A_917 : i32 to vector<16xi32>
          %parallel_loop3A_971 = arith.addi %mul3A_179, %parallel_loop3A_970 : vector<16xi32>
          %parallel_loop3A_972 = tpu.vector_load_idx %arg7[%parallel_loop3A_971] : memref<35112xi32, #tpu.memory_space<vmem>>[vector<16xi32>], vector<16xi32>,
          %parallel_loop3A_973 = arith.constant 16 : i32
          %parallel_loop3A_974 = vector.broadcast %parallel_loop3A_973 : i32 to vector<16xi32>
          %parallel_loop3A_975 = arith.shli %parallel_loop3A_972, %parallel_loop3A_974 : vector<16xi32>
          %parallel_loop3A_976 = vector.bitcast %parallel_loop3A_975 : vector<16xi32> to vector<16xf32>
          %parallel_loop3A_977 = arith.constant -65536 : i32
          %parallel_loop3A_978 = vector.broadcast %parallel_loop3A_977 : i32 to vector<16xi32>
          %parallel_loop3A_979 = arith.andi %parallel_loop3A_972, %parallel_loop3A_978 : vector<16xi32>
          %parallel_loop3A_980 = vector.bitcast %parallel_loop3A_979 : vector<16xi32> to vector<16xf32>
          %parallel_loop3A_981 = arith.mulf %get3A_183, %parallel_loop3A_976 : vector<16xf32>
          %parallel_loop3A_982 = arith.mulf %get3A_183, %parallel_loop3A_980 : vector<16xf32>
          %parallel_loop3A_983 = vector.broadcast %parallel_loop3A_917 : i32 to vector<16xi32>
          %parallel_loop3A_984 = arith.addi %mul3A_205, %parallel_loop3A_983 : vector<16xi32>
          %parallel_loop3A_985 = tpu.vector_load_idx %arg7[%parallel_loop3A_984] : memref<35112xi32, #tpu.memory_space<vmem>>[vector<16xi32>], vector<16xi32>,
          %parallel_loop3A_986 = arith.constant 16 : i32
          %parallel_loop3A_987 = vector.broadcast %parallel_loop3A_986 : i32 to vector<16xi32>
          %parallel_loop3A_988 = arith.shli %parallel_loop3A_985, %parallel_loop3A_987 : vector<16xi32>
          %parallel_loop3A_989 = vector.bitcast %parallel_loop3A_988 : vector<16xi32> to vector<16xf32>
          %parallel_loop3A_990 = arith.constant -65536 : i32
          %parallel_loop3A_991 = vector.broadcast %parallel_loop3A_990 : i32 to vector<16xi32>
          %parallel_loop3A_992 = arith.andi %parallel_loop3A_985, %parallel_loop3A_991 : vector<16xi32>
          %parallel_loop3A_993 = vector.bitcast %parallel_loop3A_992 : vector<16xi32> to vector<16xf32>
          %parallel_loop3A_994 = arith.mulf %get3A_209, %parallel_loop3A_989 : vector<16xf32>
          %parallel_loop3A_995 = arith.mulf %get3A_209, %parallel_loop3A_993 : vector<16xf32>
          %parallel_loop3A_996 = vector.broadcast %parallel_loop3A_917 : i32 to vector<16xi32>
          %parallel_loop3A_997 = arith.addi %mul3A_231, %parallel_loop3A_996 : vector<16xi32>
          %parallel_loop3A_998 = tpu.vector_load_idx %arg7[%parallel_loop3A_997] : memref<35112xi32, #tpu.memory_space<vmem>>[vector<16xi32>], vector<16xi32>,
          %parallel_loop3A_999 = arith.constant 16 : i32
          %parallel_loop3A_1000 = vector.broadcast %parallel_loop3A_999 : i32 to vector<16xi32>
          %parallel_loop3A_1001 = arith.shli %parallel_loop3A_998, %parallel_loop3A_1000 : vector<16xi32>
          %parallel_loop3A_1002 = vector.bitcast %parallel_loop3A_1001 : vector<16xi32> to vector<16xf32>
          %parallel_loop3A_1003 = arith.constant -65536 : i32
          %parallel_loop3A_1004 = vector.broadcast %parallel_loop3A_1003 : i32 to vector<16xi32>
          %parallel_loop3A_1005 = arith.andi %parallel_loop3A_998, %parallel_loop3A_1004 : vector<16xi32>
          %parallel_loop3A_1006 = vector.bitcast %parallel_loop3A_1005 : vector<16xi32> to vector<16xf32>
          %parallel_loop3A_1007 = arith.mulf %get3A_235, %parallel_loop3A_1002 : vector<16xf32>
          %parallel_loop3A_1008 = arith.mulf %get3A_235, %parallel_loop3A_1006 : vector<16xf32>
          %parallel_loop3A_1009 = vector.broadcast %parallel_loop3A_917 : i32 to vector<16xi32>
          %parallel_loop3A_1010 = arith.addi %mul3A_257, %parallel_loop3A_1009 : vector<16xi32>
          %parallel_loop3A_1011 = tpu.vector_load_idx %arg7[%parallel_loop3A_1010] : memref<35112xi32, #tpu.memory_space<vmem>>[vector<16xi32>], vector<16xi32>,
          %parallel_loop3A_1012 = arith.constant 16 : i32
          %parallel_loop3A_1013 = vector.broadcast %parallel_loop3A_1012 : i32 to vector<16xi32>
          %parallel_loop3A_1014 = arith.shli %parallel_loop3A_1011, %parallel_loop3A_1013 : vector<16xi32>
          %parallel_loop3A_1015 = vector.bitcast %parallel_loop3A_1014 : vector<16xi32> to vector<16xf32>
          %parallel_loop3A_1016 = arith.constant -65536 : i32
          %parallel_loop3A_1017 = vector.broadcast %parallel_loop3A_1016 : i32 to vector<16xi32>
          %parallel_loop3A_1018 = arith.andi %parallel_loop3A_1011, %parallel_loop3A_1017 : vector<16xi32>
          %parallel_loop3A_1019 = vector.bitcast %parallel_loop3A_1018 : vector<16xi32> to vector<16xf32>
          %parallel_loop3A_1020 = arith.mulf %get3A_261, %parallel_loop3A_1015 : vector<16xf32>
          %parallel_loop3A_1021 = arith.mulf %get3A_261, %parallel_loop3A_1019 : vector<16xf32>
          %parallel_loop3A_1022 = vector.broadcast %parallel_loop3A_917 : i32 to vector<16xi32>
          %parallel_loop3A_1023 = arith.addi %mul3A_283, %parallel_loop3A_1022 : vector<16xi32>
          %parallel_loop3A_1024 = tpu.vector_load_idx %arg7[%parallel_loop3A_1023] : memref<35112xi32, #tpu.memory_space<vmem>>[vector<16xi32>], vector<16xi32>,
          %parallel_loop3A_1025 = arith.constant 16 : i32
          %parallel_loop3A_1026 = vector.broadcast %parallel_loop3A_1025 : i32 to vector<16xi32>
          %parallel_loop3A_1027 = arith.shli %parallel_loop3A_1024, %parallel_loop3A_1026 : vector<16xi32>
          %parallel_loop3A_1028 = vector.bitcast %parallel_loop3A_1027 : vector<16xi32> to vector<16xf32>
          %parallel_loop3A_1029 = arith.constant -65536 : i32
          %parallel_loop3A_1030 = vector.broadcast %parallel_loop3A_1029 : i32 to vector<16xi32>
          %parallel_loop3A_1031 = arith.andi %parallel_loop3A_1024, %parallel_loop3A_1030 : vector<16xi32>
          %parallel_loop3A_1032 = vector.bitcast %parallel_loop3A_1031 : vector<16xi32> to vector<16xf32>
          %parallel_loop3A_1033 = arith.mulf %get3A_287, %parallel_loop3A_1028 : vector<16xf32>
          %parallel_loop3A_1034 = arith.mulf %get3A_287, %parallel_loop3A_1032 : vector<16xf32>
          %parallel_loop3A_1035 = vector.broadcast %parallel_loop3A_917 : i32 to vector<16xi32>
          %parallel_loop3A_1036 = arith.addi %mul3A_309, %parallel_loop3A_1035 : vector<16xi32>
          %parallel_loop3A_1037 = tpu.vector_load_idx %arg7[%parallel_loop3A_1036] : memref<35112xi32, #tpu.memory_space<vmem>>[vector<16xi32>], vector<16xi32>,
          %parallel_loop3A_1038 = arith.constant 16 : i32
          %parallel_loop3A_1039 = vector.broadcast %parallel_loop3A_1038 : i32 to vector<16xi32>
          %parallel_loop3A_1040 = arith.shli %parallel_loop3A_1037, %parallel_loop3A_1039 : vector<16xi32>
          %parallel_loop3A_1041 = vector.bitcast %parallel_loop3A_1040 : vector<16xi32> to vector<16xf32>
          %parallel_loop3A_1042 = arith.constant -65536 : i32
          %parallel_loop3A_1043 = vector.broadcast %parallel_loop3A_1042 : i32 to vector<16xi32>
          %parallel_loop3A_1044 = arith.andi %parallel_loop3A_1037, %parallel_loop3A_1043 : vector<16xi32>
          %parallel_loop3A_1045 = vector.bitcast %parallel_loop3A_1044 : vector<16xi32> to vector<16xf32>
          %parallel_loop3A_1046 = arith.mulf %get3A_313, %parallel_loop3A_1041 : vector<16xf32>
          %parallel_loop3A_1047 = arith.mulf %get3A_313, %parallel_loop3A_1045 : vector<16xf32>
          %parallel_loop3A_1048 = vector.broadcast %parallel_loop3A_917 : i32 to vector<16xi32>
          %parallel_loop3A_1049 = arith.addi %mul3A_335, %parallel_loop3A_1048 : vector<16xi32>
          %parallel_loop3A_1050 = tpu.vector_load_idx %arg7[%parallel_loop3A_1049] : memref<35112xi32, #tpu.memory_space<vmem>>[vector<16xi32>], vector<16xi32>,
          %parallel_loop3A_1051 = arith.constant 16 : i32
          %parallel_loop3A_1052 = vector.broadcast %parallel_loop3A_1051 : i32 to vector<16xi32>
          %parallel_loop3A_1053 = arith.shli %parallel_loop3A_1050, %parallel_loop3A_1052 : vector<16xi32>
          %parallel_loop3A_1054 = vector.bitcast %parallel_loop3A_1053 : vector<16xi32> to vector<16xf32>
          %parallel_loop3A_1055 = arith.constant -65536 : i32
          %parallel_loop3A_1056 = vector.broadcast %parallel_loop3A_1055 : i32 to vector<16xi32>
          %parallel_loop3A_1057 = arith.andi %parallel_loop3A_1050, %parallel_loop3A_1056 : vector<16xi32>
          %parallel_loop3A_1058 = vector.bitcast %parallel_loop3A_1057 : vector<16xi32> to vector<16xf32>
          %parallel_loop3A_1059 = arith.mulf %get3A_339, %parallel_loop3A_1054 : vector<16xf32>
          %parallel_loop3A_1060 = arith.mulf %get3A_339, %parallel_loop3A_1058 : vector<16xf32>
          %parallel_loop3A_1061 = vector.broadcast %parallel_loop3A_917 : i32 to vector<16xi32>
          %parallel_loop3A_1062 = arith.addi %mul3A_361, %parallel_loop3A_1061 : vector<16xi32>
          %parallel_loop3A_1063 = tpu.vector_load_idx %arg7[%parallel_loop3A_1062] : memref<35112xi32, #tpu.memory_space<vmem>>[vector<16xi32>], vector<16xi32>,
          %parallel_loop3A_1064 = arith.constant 16 : i32
          %parallel_loop3A_1065 = vector.broadcast %parallel_loop3A_1064 : i32 to vector<16xi32>
          %parallel_loop3A_1066 = arith.shli %parallel_loop3A_1063, %parallel_loop3A_1065 : vector<16xi32>
          %parallel_loop3A_1067 = vector.bitcast %parallel_loop3A_1066 : vector<16xi32> to vector<16xf32>
          %parallel_loop3A_1068 = arith.constant -65536 : i32
          %parallel_loop3A_1069 = vector.broadcast %parallel_loop3A_1068 : i32 to vector<16xi32>
          %parallel_loop3A_1070 = arith.andi %parallel_loop3A_1063, %parallel_loop3A_1069 : vector<16xi32>
          %parallel_loop3A_1071 = vector.bitcast %parallel_loop3A_1070 : vector<16xi32> to vector<16xf32>
          %parallel_loop3A_1072 = arith.mulf %get3A_365, %parallel_loop3A_1067 : vector<16xf32>
          %parallel_loop3A_1073 = arith.mulf %get3A_365, %parallel_loop3A_1071 : vector<16xf32>
          %parallel_loop3A_1074 = vector.broadcast %parallel_loop3A_917 : i32 to vector<16xi32>
          %parallel_loop3A_1075 = arith.addi %mul3A_387, %parallel_loop3A_1074 : vector<16xi32>
          %parallel_loop3A_1076 = tpu.vector_load_idx %arg7[%parallel_loop3A_1075] : memref<35112xi32, #tpu.memory_space<vmem>>[vector<16xi32>], vector<16xi32>,
          %parallel_loop3A_1077 = arith.constant 16 : i32
          %parallel_loop3A_1078 = vector.broadcast %parallel_loop3A_1077 : i32 to vector<16xi32>
          %parallel_loop3A_1079 = arith.shli %parallel_loop3A_1076, %parallel_loop3A_1078 : vector<16xi32>
          %parallel_loop3A_1080 = vector.bitcast %parallel_loop3A_1079 : vector<16xi32> to vector<16xf32>
          %parallel_loop3A_1081 = arith.constant -65536 : i32
          %parallel_loop3A_1082 = vector.broadcast %parallel_loop3A_1081 : i32 to vector<16xi32>
          %parallel_loop3A_1083 = arith.andi %parallel_loop3A_1076, %parallel_loop3A_1082 : vector<16xi32>
          %parallel_loop3A_1084 = vector.bitcast %parallel_loop3A_1083 : vector<16xi32> to vector<16xf32>
          %parallel_loop3A_1085 = arith.mulf %get3A_391, %parallel_loop3A_1080 : vector<16xf32>
          %parallel_loop3A_1086 = arith.mulf %get3A_391, %parallel_loop3A_1084 : vector<16xf32>
          %parallel_loop3A_1087 = vector.broadcast %parallel_loop3A_917 : i32 to vector<16xi32>
          %parallel_loop3A_1088 = arith.addi %mul3A_413, %parallel_loop3A_1087 : vector<16xi32>
          %parallel_loop3A_1089 = tpu.vector_load_idx %arg7[%parallel_loop3A_1088] : memref<35112xi32, #tpu.memory_space<vmem>>[vector<16xi32>], vector<16xi32>,
          %parallel_loop3A_1090 = arith.constant 16 : i32
          %parallel_loop3A_1091 = vector.broadcast %parallel_loop3A_1090 : i32 to vector<16xi32>
          %parallel_loop3A_1092 = arith.shli %parallel_loop3A_1089, %parallel_loop3A_1091 : vector<16xi32>
          %parallel_loop3A_1093 = vector.bitcast %parallel_loop3A_1092 : vector<16xi32> to vector<16xf32>
          %parallel_loop3A_1094 = arith.constant -65536 : i32
          %parallel_loop3A_1095 = vector.broadcast %parallel_loop3A_1094 : i32 to vector<16xi32>
          %parallel_loop3A_1096 = arith.andi %parallel_loop3A_1089, %parallel_loop3A_1095 : vector<16xi32>
          %parallel_loop3A_1097 = vector.bitcast %parallel_loop3A_1096 : vector<16xi32> to vector<16xf32>
          %parallel_loop3A_1098 = arith.mulf %get3A_417, %parallel_loop3A_1093 : vector<16xf32>
          %parallel_loop3A_1099 = arith.mulf %get3A_417, %parallel_loop3A_1097 : vector<16xf32>
          %parallel_loop3A_1100 = vector.broadcast %parallel_loop3A_917 : i32 to vector<16xi32>
          %parallel_loop3A_1101 = arith.addi %mul3A_439, %parallel_loop3A_1100 : vector<16xi32>
          %parallel_loop3A_1102 = tpu.vector_load_idx %arg7[%parallel_loop3A_1101] : memref<35112xi32, #tpu.memory_space<vmem>>[vector<16xi32>], vector<16xi32>,
          %parallel_loop3A_1103 = arith.constant 16 : i32
          %parallel_loop3A_1104 = vector.broadcast %parallel_loop3A_1103 : i32 to vector<16xi32>
          %parallel_loop3A_1105 = arith.shli %parallel_loop3A_1102, %parallel_loop3A_1104 : vector<16xi32>
          %parallel_loop3A_1106 = vector.bitcast %parallel_loop3A_1105 : vector<16xi32> to vector<16xf32>
          %parallel_loop3A_1107 = arith.constant -65536 : i32
          %parallel_loop3A_1108 = vector.broadcast %parallel_loop3A_1107 : i32 to vector<16xi32>
          %parallel_loop3A_1109 = arith.andi %parallel_loop3A_1102, %parallel_loop3A_1108 : vector<16xi32>
          %parallel_loop3A_1110 = vector.bitcast %parallel_loop3A_1109 : vector<16xi32> to vector<16xf32>
          %parallel_loop3A_1111 = arith.mulf %get3A_443, %parallel_loop3A_1106 : vector<16xf32>
          %parallel_loop3A_1112 = arith.mulf %get3A_443, %parallel_loop3A_1110 : vector<16xf32>
          %parallel_loop3A_1113 = vector.broadcast %parallel_loop3A_917 : i32 to vector<16xi32>
          %parallel_loop3A_1114 = arith.addi %mul3A_465, %parallel_loop3A_1113 : vector<16xi32>
          %parallel_loop3A_1115 = tpu.vector_load_idx %arg7[%parallel_loop3A_1114] : memref<35112xi32, #tpu.memory_space<vmem>>[vector<16xi32>], vector<16xi32>,
          %parallel_loop3A_1116 = arith.constant 16 : i32
          %parallel_loop3A_1117 = vector.broadcast %parallel_loop3A_1116 : i32 to vector<16xi32>
          %parallel_loop3A_1118 = arith.shli %parallel_loop3A_1115, %parallel_loop3A_1117 : vector<16xi32>
          %parallel_loop3A_1119 = vector.bitcast %parallel_loop3A_1118 : vector<16xi32> to vector<16xf32>
          %parallel_loop3A_1120 = arith.constant -65536 : i32
          %parallel_loop3A_1121 = vector.broadcast %parallel_loop3A_1120 : i32 to vector<16xi32>
          %parallel_loop3A_1122 = arith.andi %parallel_loop3A_1115, %parallel_loop3A_1121 : vector<16xi32>
          %parallel_loop3A_1123 = vector.bitcast %parallel_loop3A_1122 : vector<16xi32> to vector<16xf32>
          %parallel_loop3A_1124 = arith.mulf %get3A_469, %parallel_loop3A_1119 : vector<16xf32>
          %parallel_loop3A_1125 = arith.mulf %get3A_469, %parallel_loop3A_1123 : vector<16xf32>
          %parallel_loop3A_1126 = vector.broadcast %parallel_loop3A_917 : i32 to vector<16xi32>
          %parallel_loop3A_1127 = arith.addi %mul3A_491, %parallel_loop3A_1126 : vector<16xi32>
          %parallel_loop3A_1128 = tpu.vector_load_idx %arg7[%parallel_loop3A_1127] : memref<35112xi32, #tpu.memory_space<vmem>>[vector<16xi32>], vector<16xi32>,
          %parallel_loop3A_1129 = arith.constant 16 : i32
          %parallel_loop3A_1130 = vector.broadcast %parallel_loop3A_1129 : i32 to vector<16xi32>
          %parallel_loop3A_1131 = arith.shli %parallel_loop3A_1128, %parallel_loop3A_1130 : vector<16xi32>
          %parallel_loop3A_1132 = vector.bitcast %parallel_loop3A_1131 : vector<16xi32> to vector<16xf32>
          %parallel_loop3A_1133 = arith.constant -65536 : i32
          %parallel_loop3A_1134 = vector.broadcast %parallel_loop3A_1133 : i32 to vector<16xi32>
          %parallel_loop3A_1135 = arith.andi %parallel_loop3A_1128, %parallel_loop3A_1134 : vector<16xi32>
          %parallel_loop3A_1136 = vector.bitcast %parallel_loop3A_1135 : vector<16xi32> to vector<16xf32>
          %parallel_loop3A_1137 = arith.mulf %get3A_495, %parallel_loop3A_1132 : vector<16xf32>
          %parallel_loop3A_1138 = arith.mulf %get3A_495, %parallel_loop3A_1136 : vector<16xf32>
          %parallel_loop3A_1139 = arith.addf %parallel_loop3A_929, %parallel_loop3A_942 : vector<16xf32>
          %parallel_loop3A_1140 = arith.addf %parallel_loop3A_955, %parallel_loop3A_968 : vector<16xf32>
          %parallel_loop3A_1141 = arith.addf %parallel_loop3A_981, %parallel_loop3A_994 : vector<16xf32>
          %parallel_loop3A_1142 = arith.addf %parallel_loop3A_1007, %parallel_loop3A_1020 : vector<16xf32>
          %parallel_loop3A_1143 = arith.addf %parallel_loop3A_1033, %parallel_loop3A_1046 : vector<16xf32>
          %parallel_loop3A_1144 = arith.addf %parallel_loop3A_1059, %parallel_loop3A_1072 : vector<16xf32>
          %parallel_loop3A_1145 = arith.addf %parallel_loop3A_1085, %parallel_loop3A_1098 : vector<16xf32>
          %parallel_loop3A_1146 = arith.addf %parallel_loop3A_1111, %parallel_loop3A_1124 : vector<16xf32>
          %parallel_loop3A_1147 = arith.addf %parallel_loop3A_1139, %parallel_loop3A_1140 : vector<16xf32>
          %parallel_loop3A_1148 = arith.addf %parallel_loop3A_1141, %parallel_loop3A_1142 : vector<16xf32>
          %parallel_loop3A_1149 = arith.addf %parallel_loop3A_1143, %parallel_loop3A_1144 : vector<16xf32>
          %parallel_loop3A_1150 = arith.addf %parallel_loop3A_1145, %parallel_loop3A_1146 : vector<16xf32>
          %parallel_loop3A_1151 = arith.addf %parallel_loop3A_1147, %parallel_loop3A_1148 : vector<16xf32>
          %parallel_loop3A_1152 = arith.addf %parallel_loop3A_1149, %parallel_loop3A_1150 : vector<16xf32>
          %parallel_loop3A_1153 = arith.addf %parallel_loop3A_1151, %parallel_loop3A_1152 : vector<16xf32>
          %parallel_loop3A_1154 = arith.addf %parallel_loop3A_1153, %parallel_loop3A_1137 : vector<16xf32>
          %parallel_loop3A_1155 = arith.constant 2 : i32
          %parallel_loop3A_1156 = arith.muli %parallel_loop3A_1155, %parallel_loop3A_917 : i32
          %parallel_loop3A_1157 = arith.constant 512 : i32
          %parallel_loop3A_1158 = arith.muli %parallel_loop3A_1156, %parallel_loop3A_1157 : i32
          %parallel_loop3A_1159 = arith.addi %parallel_loop3A_1158, %mul3A_45 : i32
          %parallel_loop3A_1160 = arith.index_cast %parallel_loop3A_1159 : i32 to index
          %parallel_loop3A_1161 = tpu.vector_load %arg11[%parallel_loop3A_1160] {strides = array<i32>} : memref<32768xf32, #tpu.memory_space<vmem>>, vector<16xf32>,
          tpu.vector_store %arg11[%parallel_loop3A_1160], %parallel_loop3A_1154 {strides = array<i32>} : memref<32768xf32, #tpu.memory_space<vmem>>, vector<16xf32>,
          %parallel_loop3A_1162 = arith.addf %parallel_loop3A_930, %parallel_loop3A_943 : vector<16xf32>
          %parallel_loop3A_1163 = arith.addf %parallel_loop3A_956, %parallel_loop3A_969 : vector<16xf32>
          %parallel_loop3A_1164 = arith.addf %parallel_loop3A_982, %parallel_loop3A_995 : vector<16xf32>
          %parallel_loop3A_1165 = arith.addf %parallel_loop3A_1008, %parallel_loop3A_1021 : vector<16xf32>
          %parallel_loop3A_1166 = arith.addf %parallel_loop3A_1034, %parallel_loop3A_1047 : vector<16xf32>
          %parallel_loop3A_1167 = arith.addf %parallel_loop3A_1060, %parallel_loop3A_1073 : vector<16xf32>
          %parallel_loop3A_1168 = arith.addf %parallel_loop3A_1086, %parallel_loop3A_1099 : vector<16xf32>
          %parallel_loop3A_1169 = arith.addf %parallel_loop3A_1112, %parallel_loop3A_1125 : vector<16xf32>
          %parallel_loop3A_1170 = arith.addf %parallel_loop3A_1162, %parallel_loop3A_1163 : vector<16xf32>
          %parallel_loop3A_1171 = arith.addf %parallel_loop3A_1164, %parallel_loop3A_1165 : vector<16xf32>
          %parallel_loop3A_1172 = arith.addf %parallel_loop3A_1166, %parallel_loop3A_1167 : vector<16xf32>
          %parallel_loop3A_1173 = arith.addf %parallel_loop3A_1168, %parallel_loop3A_1169 : vector<16xf32>
          %parallel_loop3A_1174 = arith.addf %parallel_loop3A_1170, %parallel_loop3A_1171 : vector<16xf32>
          %parallel_loop3A_1175 = arith.addf %parallel_loop3A_1172, %parallel_loop3A_1173 : vector<16xf32>
          %parallel_loop3A_1176 = arith.addf %parallel_loop3A_1174, %parallel_loop3A_1175 : vector<16xf32>
          %parallel_loop3A_1177 = arith.addf %parallel_loop3A_1176, %parallel_loop3A_1138 : vector<16xf32>
          %parallel_loop3A_1178 = arith.constant 2 : i32
          %parallel_loop3A_1179 = arith.muli %parallel_loop3A_1178, %parallel_loop3A_917 : i32
          %parallel_loop3A_1180 = arith.constant 1 : i32
          %parallel_loop3A_1181 = arith.addi %parallel_loop3A_1179, %parallel_loop3A_1180 : i32
          %parallel_loop3A_1182 = arith.constant 512 : i32
          %parallel_loop3A_1183 = arith.muli %parallel_loop3A_1181, %parallel_loop3A_1182 : i32
          %parallel_loop3A_1184 = arith.addi %parallel_loop3A_1183, %mul3A_45 : i32
          %parallel_loop3A_1185 = arith.index_cast %parallel_loop3A_1184 : i32 to index
          %parallel_loop3A_1186 = tpu.vector_load %arg11[%parallel_loop3A_1185] {strides = array<i32>} : memref<32768xf32, #tpu.memory_space<vmem>>, vector<16xf32>,
          tpu.vector_store %arg11[%parallel_loop3A_1185], %parallel_loop3A_1177 {strides = array<i32>} : memref<32768xf32, #tpu.memory_space<vmem>>, vector<16xf32>,
        } {sc.loop_unroll_factor = 2 : i64, sc.parallel_access}
        %mul3A_498 = arith.constant 1.000000e+00 : f32
        %mul3A_499 = vector.broadcast %mul3A_498 : f32 to vector<16xf32>
        %mul3A_500 = arith.mulf %mul3A_499, %get3A_50 : vector<16xf32>
        %add3A_501 = arith.addf %add3A_53, %mul3A_500 : vector<16xf32>
        %add3A_502 = arith.constant 0x4B400000 : f32
        %add3A_503 = vector.broadcast %add3A_502 : f32 to vector<16xf32>
        %add3A_504 = arith.addf %add3A_501, %add3A_503 : vector<16xf32>
        %sub3A_505 = arith.constant 0x4B400000 : f32
        %sub3A_506 = vector.broadcast %sub3A_505 : f32 to vector<16xf32>
        %sub3A_507 = arith.subf %add3A_504, %sub3A_506 : vector<16xf32>
        %jit3A_508 = arith.constant 0.000000e+00 : f32
        %jit3A_509 = arith.constant 2.047000e+03 : f32
        %max3A_510 = vector.broadcast %jit3A_508 : f32 to vector<16xf32>
        %max3A_511 = arith.maximumf %max3A_510, %sub3A_507 : vector<16xf32>
        %min3A_512 = vector.broadcast %jit3A_509 : f32 to vector<16xf32>
        %min3A_513 = arith.minimumf %min3A_512, %max3A_511 : vector<16xf32>
        %convert_element_type3A_514 = arith.fptosi %min3A_513 : vector<16xf32> to vector<16xi32>
        %sub3A_515 = vector.broadcast %and3A_13 : i32 to vector<16xi32>
        %sub3A_516 = arith.subi %convert_element_type3A_514, %sub3A_515 : vector<16xi32>
        %mul3A_517 = arith.constant 33 : i32
        %mul3A_518 = vector.broadcast %mul3A_517 : i32 to vector<16xi32>
        %mul3A_519 = arith.muli %sub3A_516, %mul3A_518 : vector<16xi32>
        %add3A_520 = arith.constant 8704 : i32
        %add3A_521 = arith.addi %add3A_520, %mul3A_45 : i32
        %get3A_522 = arith.index_cast %add3A_521 : i32 to index
        %get3A_523 = tpu.vector_load %arg10[%get3A_522] {strides = array<i32>} : memref<16896xf32, #tpu.memory_space<vmem>>, vector<16xf32>,
        %mul3A_524 = arith.constant 2.000000e+00 : f32
        %mul3A_525 = vector.broadcast %mul3A_524 : f32 to vector<16xf32>
        %mul3A_526 = arith.mulf %mul3A_525, %get3A_50 : vector<16xf32>
        %add3A_527 = arith.addf %add3A_53, %mul3A_526 : vector<16xf32>
        %add3A_528 = arith.constant 0x4B400000 : f32
        %add3A_529 = vector.broadcast %add3A_528 : f32 to vector<16xf32>
        %add3A_530 = arith.addf %add3A_527, %add3A_529 : vector<16xf32>
        %sub3A_531 = arith.constant 0x4B400000 : f32
        %sub3A_532 = vector.broadcast %sub3A_531 : f32 to vector<16xf32>
        %sub3A_533 = arith.subf %add3A_530, %sub3A_532 : vector<16xf32>
        %jit3A_534 = arith.constant 0.000000e+00 : f32
        %jit3A_535 = arith.constant 2.047000e+03 : f32
        %max3A_536 = vector.broadcast %jit3A_534 : f32 to vector<16xf32>
        %max3A_537 = arith.maximumf %max3A_536, %sub3A_533 : vector<16xf32>
        %min3A_538 = vector.broadcast %jit3A_535 : f32 to vector<16xf32>
        %min3A_539 = arith.minimumf %min3A_538, %max3A_537 : vector<16xf32>
        %convert_element_type3A_540 = arith.fptosi %min3A_539 : vector<16xf32> to vector<16xi32>
        %sub3A_541 = vector.broadcast %and3A_13 : i32 to vector<16xi32>
        %sub3A_542 = arith.subi %convert_element_type3A_540, %sub3A_541 : vector<16xi32>
        %mul3A_543 = arith.constant 33 : i32
        %mul3A_544 = vector.broadcast %mul3A_543 : i32 to vector<16xi32>
        %mul3A_545 = arith.muli %sub3A_542, %mul3A_544 : vector<16xi32>
        %add3A_546 = arith.constant 9216 : i32
        %add3A_547 = arith.addi %add3A_546, %mul3A_45 : i32
        %get3A_548 = arith.index_cast %add3A_547 : i32 to index
        %get3A_549 = tpu.vector_load %arg10[%get3A_548] {strides = array<i32>} : memref<16896xf32, #tpu.memory_space<vmem>>, vector<16xf32>,
        %mul3A_550 = arith.constant 3.000000e+00 : f32
        %mul3A_551 = vector.broadcast %mul3A_550 : f32 to vector<16xf32>
        %mul3A_552 = arith.mulf %mul3A_551, %get3A_50 : vector<16xf32>
        %add3A_553 = arith.addf %add3A_53, %mul3A_552 : vector<16xf32>
        %add3A_554 = arith.constant 0x4B400000 : f32
        %add3A_555 = vector.broadcast %add3A_554 : f32 to vector<16xf32>
        %add3A_556 = arith.addf %add3A_553, %add3A_555 : vector<16xf32>
        %sub3A_557 = arith.constant 0x4B400000 : f32
        %sub3A_558 = vector.broadcast %sub3A_557 : f32 to vector<16xf32>
        %sub3A_559 = arith.subf %add3A_556, %sub3A_558 : vector<16xf32>
        %jit3A_560 = arith.constant 0.000000e+00 : f32
        %jit3A_561 = arith.constant 2.047000e+03 : f32
        %max3A_562 = vector.broadcast %jit3A_560 : f32 to vector<16xf32>
        %max3A_563 = arith.maximumf %max3A_562, %sub3A_559 : vector<16xf32>
        %min3A_564 = vector.broadcast %jit3A_561 : f32 to vector<16xf32>
        %min3A_565 = arith.minimumf %min3A_564, %max3A_563 : vector<16xf32>
        %convert_element_type3A_566 = arith.fptosi %min3A_565 : vector<16xf32> to vector<16xi32>
        %sub3A_567 = vector.broadcast %and3A_13 : i32 to vector<16xi32>
        %sub3A_568 = arith.subi %convert_element_type3A_566, %sub3A_567 : vector<16xi32>
        %mul3A_569 = arith.constant 33 : i32
        %mul3A_570 = vector.broadcast %mul3A_569 : i32 to vector<16xi32>
        %mul3A_571 = arith.muli %sub3A_568, %mul3A_570 : vector<16xi32>
        %add3A_572 = arith.constant 9728 : i32
        %add3A_573 = arith.addi %add3A_572, %mul3A_45 : i32
        %get3A_574 = arith.index_cast %add3A_573 : i32 to index
        %get3A_575 = tpu.vector_load %arg10[%get3A_574] {strides = array<i32>} : memref<16896xf32, #tpu.memory_space<vmem>>, vector<16xf32>,
        %mul3A_576 = arith.constant 4.000000e+00 : f32
        %mul3A_577 = vector.broadcast %mul3A_576 : f32 to vector<16xf32>
        %mul3A_578 = arith.mulf %mul3A_577, %get3A_50 : vector<16xf32>
        %add3A_579 = arith.addf %add3A_53, %mul3A_578 : vector<16xf32>
        %add3A_580 = arith.constant 0x4B400000 : f32
        %add3A_581 = vector.broadcast %add3A_580 : f32 to vector<16xf32>
        %add3A_582 = arith.addf %add3A_579, %add3A_581 : vector<16xf32>
        %sub3A_583 = arith.constant 0x4B400000 : f32
        %sub3A_584 = vector.broadcast %sub3A_583 : f32 to vector<16xf32>
        %sub3A_585 = arith.subf %add3A_582, %sub3A_584 : vector<16xf32>
        %jit3A_586 = arith.constant 0.000000e+00 : f32
        %jit3A_587 = arith.constant 2.047000e+03 : f32
        %max3A_588 = vector.broadcast %jit3A_586 : f32 to vector<16xf32>
        %max3A_589 = arith.maximumf %max3A_588, %sub3A_585 : vector<16xf32>
        %min3A_590 = vector.broadcast %jit3A_587 : f32 to vector<16xf32>
        %min3A_591 = arith.minimumf %min3A_590, %max3A_589 : vector<16xf32>
        %convert_element_type3A_592 = arith.fptosi %min3A_591 : vector<16xf32> to vector<16xi32>
        %sub3A_593 = vector.broadcast %and3A_13 : i32 to vector<16xi32>
        %sub3A_594 = arith.subi %convert_element_type3A_592, %sub3A_593 : vector<16xi32>
        %mul3A_595 = arith.constant 33 : i32
        %mul3A_596 = vector.broadcast %mul3A_595 : i32 to vector<16xi32>
        %mul3A_597 = arith.muli %sub3A_594, %mul3A_596 : vector<16xi32>
        %add3A_598 = arith.constant 10240 : i32
        %add3A_599 = arith.addi %add3A_598, %mul3A_45 : i32
        %get3A_600 = arith.index_cast %add3A_599 : i32 to index
        %get3A_601 = tpu.vector_load %arg10[%get3A_600] {strides = array<i32>} : memref<16896xf32, #tpu.memory_space<vmem>>, vector<16xf32>,
        %mul3A_602 = arith.constant 5.000000e+00 : f32
        %mul3A_603 = vector.broadcast %mul3A_602 : f32 to vector<16xf32>
        %mul3A_604 = arith.mulf %mul3A_603, %get3A_50 : vector<16xf32>
        %add3A_605 = arith.addf %add3A_53, %mul3A_604 : vector<16xf32>
        %add3A_606 = arith.constant 0x4B400000 : f32
        %add3A_607 = vector.broadcast %add3A_606 : f32 to vector<16xf32>
        %add3A_608 = arith.addf %add3A_605, %add3A_607 : vector<16xf32>
        %sub3A_609 = arith.constant 0x4B400000 : f32
        %sub3A_610 = vector.broadcast %sub3A_609 : f32 to vector<16xf32>
        %sub3A_611 = arith.subf %add3A_608, %sub3A_610 : vector<16xf32>
        %jit3A_612 = arith.constant 0.000000e+00 : f32
        %jit3A_613 = arith.constant 2.047000e+03 : f32
        %max3A_614 = vector.broadcast %jit3A_612 : f32 to vector<16xf32>
        %max3A_615 = arith.maximumf %max3A_614, %sub3A_611 : vector<16xf32>
        %min3A_616 = vector.broadcast %jit3A_613 : f32 to vector<16xf32>
        %min3A_617 = arith.minimumf %min3A_616, %max3A_615 : vector<16xf32>
        %convert_element_type3A_618 = arith.fptosi %min3A_617 : vector<16xf32> to vector<16xi32>
        %sub3A_619 = vector.broadcast %and3A_13 : i32 to vector<16xi32>
        %sub3A_620 = arith.subi %convert_element_type3A_618, %sub3A_619 : vector<16xi32>
        %mul3A_621 = arith.constant 33 : i32
        %mul3A_622 = vector.broadcast %mul3A_621 : i32 to vector<16xi32>
        %mul3A_623 = arith.muli %sub3A_620, %mul3A_622 : vector<16xi32>
        %add3A_624 = arith.constant 10752 : i32
        %add3A_625 = arith.addi %add3A_624, %mul3A_45 : i32
        %get3A_626 = arith.index_cast %add3A_625 : i32 to index
        %get3A_627 = tpu.vector_load %arg10[%get3A_626] {strides = array<i32>} : memref<16896xf32, #tpu.memory_space<vmem>>, vector<16xf32>,
        %mul3A_628 = arith.constant 6.000000e+00 : f32
        %mul3A_629 = vector.broadcast %mul3A_628 : f32 to vector<16xf32>
        %mul3A_630 = arith.mulf %mul3A_629, %get3A_50 : vector<16xf32>
        %add3A_631 = arith.addf %add3A_53, %mul3A_630 : vector<16xf32>
        %add3A_632 = arith.constant 0x4B400000 : f32
        %add3A_633 = vector.broadcast %add3A_632 : f32 to vector<16xf32>
        %add3A_634 = arith.addf %add3A_631, %add3A_633 : vector<16xf32>
        %sub3A_635 = arith.constant 0x4B400000 : f32
        %sub3A_636 = vector.broadcast %sub3A_635 : f32 to vector<16xf32>
        %sub3A_637 = arith.subf %add3A_634, %sub3A_636 : vector<16xf32>
        %jit3A_638 = arith.constant 0.000000e+00 : f32
        %jit3A_639 = arith.constant 2.047000e+03 : f32
        %max3A_640 = vector.broadcast %jit3A_638 : f32 to vector<16xf32>
        %max3A_641 = arith.maximumf %max3A_640, %sub3A_637 : vector<16xf32>
        %min3A_642 = vector.broadcast %jit3A_639 : f32 to vector<16xf32>
        %min3A_643 = arith.minimumf %min3A_642, %max3A_641 : vector<16xf32>
        %convert_element_type3A_644 = arith.fptosi %min3A_643 : vector<16xf32> to vector<16xi32>
        %sub3A_645 = vector.broadcast %and3A_13 : i32 to vector<16xi32>
        %sub3A_646 = arith.subi %convert_element_type3A_644, %sub3A_645 : vector<16xi32>
        %mul3A_647 = arith.constant 33 : i32
        %mul3A_648 = vector.broadcast %mul3A_647 : i32 to vector<16xi32>
        %mul3A_649 = arith.muli %sub3A_646, %mul3A_648 : vector<16xi32>
        %add3A_650 = arith.constant 11264 : i32
        %add3A_651 = arith.addi %add3A_650, %mul3A_45 : i32
        %get3A_652 = arith.index_cast %add3A_651 : i32 to index
        %get3A_653 = tpu.vector_load %arg10[%get3A_652] {strides = array<i32>} : memref<16896xf32, #tpu.memory_space<vmem>>, vector<16xf32>,
        %mul3A_654 = arith.constant 7.000000e+00 : f32
        %mul3A_655 = vector.broadcast %mul3A_654 : f32 to vector<16xf32>
        %mul3A_656 = arith.mulf %mul3A_655, %get3A_50 : vector<16xf32>
        %add3A_657 = arith.addf %add3A_53, %mul3A_656 : vector<16xf32>
        %add3A_658 = arith.constant 0x4B400000 : f32
        %add3A_659 = vector.broadcast %add3A_658 : f32 to vector<16xf32>
        %add3A_660 = arith.addf %add3A_657, %add3A_659 : vector<16xf32>
        %sub3A_661 = arith.constant 0x4B400000 : f32
        %sub3A_662 = vector.broadcast %sub3A_661 : f32 to vector<16xf32>
        %sub3A_663 = arith.subf %add3A_660, %sub3A_662 : vector<16xf32>
        %jit3A_664 = arith.constant 0.000000e+00 : f32
        %jit3A_665 = arith.constant 2.047000e+03 : f32
        %max3A_666 = vector.broadcast %jit3A_664 : f32 to vector<16xf32>
        %max3A_667 = arith.maximumf %max3A_666, %sub3A_663 : vector<16xf32>
        %min3A_668 = vector.broadcast %jit3A_665 : f32 to vector<16xf32>
        %min3A_669 = arith.minimumf %min3A_668, %max3A_667 : vector<16xf32>
        %convert_element_type3A_670 = arith.fptosi %min3A_669 : vector<16xf32> to vector<16xi32>
        %sub3A_671 = vector.broadcast %and3A_13 : i32 to vector<16xi32>
        %sub3A_672 = arith.subi %convert_element_type3A_670, %sub3A_671 : vector<16xi32>
        %mul3A_673 = arith.constant 33 : i32
        %mul3A_674 = vector.broadcast %mul3A_673 : i32 to vector<16xi32>
        %mul3A_675 = arith.muli %sub3A_672, %mul3A_674 : vector<16xi32>
        %add3A_676 = arith.constant 11776 : i32
        %add3A_677 = arith.addi %add3A_676, %mul3A_45 : i32
        %get3A_678 = arith.index_cast %add3A_677 : i32 to index
        %get3A_679 = tpu.vector_load %arg10[%get3A_678] {strides = array<i32>} : memref<16896xf32, #tpu.memory_space<vmem>>, vector<16xf32>,
        %mul3A_680 = arith.constant 8.000000e+00 : f32
        %mul3A_681 = vector.broadcast %mul3A_680 : f32 to vector<16xf32>
        %mul3A_682 = arith.mulf %mul3A_681, %get3A_50 : vector<16xf32>
        %add3A_683 = arith.addf %add3A_53, %mul3A_682 : vector<16xf32>
        %add3A_684 = arith.constant 0x4B400000 : f32
        %add3A_685 = vector.broadcast %add3A_684 : f32 to vector<16xf32>
        %add3A_686 = arith.addf %add3A_683, %add3A_685 : vector<16xf32>
        %sub3A_687 = arith.constant 0x4B400000 : f32
        %sub3A_688 = vector.broadcast %sub3A_687 : f32 to vector<16xf32>
        %sub3A_689 = arith.subf %add3A_686, %sub3A_688 : vector<16xf32>
        %jit3A_690 = arith.constant 0.000000e+00 : f32
        %jit3A_691 = arith.constant 2.047000e+03 : f32
        %max3A_692 = vector.broadcast %jit3A_690 : f32 to vector<16xf32>
        %max3A_693 = arith.maximumf %max3A_692, %sub3A_689 : vector<16xf32>
        %min3A_694 = vector.broadcast %jit3A_691 : f32 to vector<16xf32>
        %min3A_695 = arith.minimumf %min3A_694, %max3A_693 : vector<16xf32>
        %convert_element_type3A_696 = arith.fptosi %min3A_695 : vector<16xf32> to vector<16xi32>
        %sub3A_697 = vector.broadcast %and3A_13 : i32 to vector<16xi32>
        %sub3A_698 = arith.subi %convert_element_type3A_696, %sub3A_697 : vector<16xi32>
        %mul3A_699 = arith.constant 33 : i32
        %mul3A_700 = vector.broadcast %mul3A_699 : i32 to vector<16xi32>
        %mul3A_701 = arith.muli %sub3A_698, %mul3A_700 : vector<16xi32>
        %add3A_702 = arith.constant 12288 : i32
        %add3A_703 = arith.addi %add3A_702, %mul3A_45 : i32
        %get3A_704 = arith.index_cast %add3A_703 : i32 to index
        %get3A_705 = tpu.vector_load %arg10[%get3A_704] {strides = array<i32>} : memref<16896xf32, #tpu.memory_space<vmem>>, vector<16xf32>,
        %mul3A_706 = arith.constant 9.000000e+00 : f32
        %mul3A_707 = vector.broadcast %mul3A_706 : f32 to vector<16xf32>
        %mul3A_708 = arith.mulf %mul3A_707, %get3A_50 : vector<16xf32>
        %add3A_709 = arith.addf %add3A_53, %mul3A_708 : vector<16xf32>
        %add3A_710 = arith.constant 0x4B400000 : f32
        %add3A_711 = vector.broadcast %add3A_710 : f32 to vector<16xf32>
        %add3A_712 = arith.addf %add3A_709, %add3A_711 : vector<16xf32>
        %sub3A_713 = arith.constant 0x4B400000 : f32
        %sub3A_714 = vector.broadcast %sub3A_713 : f32 to vector<16xf32>
        %sub3A_715 = arith.subf %add3A_712, %sub3A_714 : vector<16xf32>
        %jit3A_716 = arith.constant 0.000000e+00 : f32
        %jit3A_717 = arith.constant 2.047000e+03 : f32
        %max3A_718 = vector.broadcast %jit3A_716 : f32 to vector<16xf32>
        %max3A_719 = arith.maximumf %max3A_718, %sub3A_715 : vector<16xf32>
        %min3A_720 = vector.broadcast %jit3A_717 : f32 to vector<16xf32>
        %min3A_721 = arith.minimumf %min3A_720, %max3A_719 : vector<16xf32>
        %convert_element_type3A_722 = arith.fptosi %min3A_721 : vector<16xf32> to vector<16xi32>
        %sub3A_723 = vector.broadcast %and3A_13 : i32 to vector<16xi32>
        %sub3A_724 = arith.subi %convert_element_type3A_722, %sub3A_723 : vector<16xi32>
        %mul3A_725 = arith.constant 33 : i32
        %mul3A_726 = vector.broadcast %mul3A_725 : i32 to vector<16xi32>
        %mul3A_727 = arith.muli %sub3A_724, %mul3A_726 : vector<16xi32>
        %add3A_728 = arith.constant 12800 : i32
        %add3A_729 = arith.addi %add3A_728, %mul3A_45 : i32
        %get3A_730 = arith.index_cast %add3A_729 : i32 to index
        %get3A_731 = tpu.vector_load %arg10[%get3A_730] {strides = array<i32>} : memref<16896xf32, #tpu.memory_space<vmem>>, vector<16xf32>,
        %mul3A_732 = arith.constant 1.000000e+01 : f32
        %mul3A_733 = vector.broadcast %mul3A_732 : f32 to vector<16xf32>
        %mul3A_734 = arith.mulf %mul3A_733, %get3A_50 : vector<16xf32>
        %add3A_735 = arith.addf %add3A_53, %mul3A_734 : vector<16xf32>
        %add3A_736 = arith.constant 0x4B400000 : f32
        %add3A_737 = vector.broadcast %add3A_736 : f32 to vector<16xf32>
        %add3A_738 = arith.addf %add3A_735, %add3A_737 : vector<16xf32>
        %sub3A_739 = arith.constant 0x4B400000 : f32
        %sub3A_740 = vector.broadcast %sub3A_739 : f32 to vector<16xf32>
        %sub3A_741 = arith.subf %add3A_738, %sub3A_740 : vector<16xf32>
        %jit3A_742 = arith.constant 0.000000e+00 : f32
        %jit3A_743 = arith.constant 2.047000e+03 : f32
        %max3A_744 = vector.broadcast %jit3A_742 : f32 to vector<16xf32>
        %max3A_745 = arith.maximumf %max3A_744, %sub3A_741 : vector<16xf32>
        %min3A_746 = vector.broadcast %jit3A_743 : f32 to vector<16xf32>
        %min3A_747 = arith.minimumf %min3A_746, %max3A_745 : vector<16xf32>
        %convert_element_type3A_748 = arith.fptosi %min3A_747 : vector<16xf32> to vector<16xi32>
        %sub3A_749 = vector.broadcast %and3A_13 : i32 to vector<16xi32>
        %sub3A_750 = arith.subi %convert_element_type3A_748, %sub3A_749 : vector<16xi32>
        %mul3A_751 = arith.constant 33 : i32
        %mul3A_752 = vector.broadcast %mul3A_751 : i32 to vector<16xi32>
        %mul3A_753 = arith.muli %sub3A_750, %mul3A_752 : vector<16xi32>
        %add3A_754 = arith.constant 13312 : i32
        %add3A_755 = arith.addi %add3A_754, %mul3A_45 : i32
        %get3A_756 = arith.index_cast %add3A_755 : i32 to index
        %get3A_757 = tpu.vector_load %arg10[%get3A_756] {strides = array<i32>} : memref<16896xf32, #tpu.memory_space<vmem>>, vector<16xf32>,
        %mul3A_758 = arith.constant 1.100000e+01 : f32
        %mul3A_759 = vector.broadcast %mul3A_758 : f32 to vector<16xf32>
        %mul3A_760 = arith.mulf %mul3A_759, %get3A_50 : vector<16xf32>
        %add3A_761 = arith.addf %add3A_53, %mul3A_760 : vector<16xf32>
        %add3A_762 = arith.constant 0x4B400000 : f32
        %add3A_763 = vector.broadcast %add3A_762 : f32 to vector<16xf32>
        %add3A_764 = arith.addf %add3A_761, %add3A_763 : vector<16xf32>
        %sub3A_765 = arith.constant 0x4B400000 : f32
        %sub3A_766 = vector.broadcast %sub3A_765 : f32 to vector<16xf32>
        %sub3A_767 = arith.subf %add3A_764, %sub3A_766 : vector<16xf32>
        %jit3A_768 = arith.constant 0.000000e+00 : f32
        %jit3A_769 = arith.constant 2.047000e+03 : f32
        %max3A_770 = vector.broadcast %jit3A_768 : f32 to vector<16xf32>
        %max3A_771 = arith.maximumf %max3A_770, %sub3A_767 : vector<16xf32>
        %min3A_772 = vector.broadcast %jit3A_769 : f32 to vector<16xf32>
        %min3A_773 = arith.minimumf %min3A_772, %max3A_771 : vector<16xf32>
        %convert_element_type3A_774 = arith.fptosi %min3A_773 : vector<16xf32> to vector<16xi32>
        %sub3A_775 = vector.broadcast %and3A_13 : i32 to vector<16xi32>
        %sub3A_776 = arith.subi %convert_element_type3A_774, %sub3A_775 : vector<16xi32>
        %mul3A_777 = arith.constant 33 : i32
        %mul3A_778 = vector.broadcast %mul3A_777 : i32 to vector<16xi32>
        %mul3A_779 = arith.muli %sub3A_776, %mul3A_778 : vector<16xi32>
        %add3A_780 = arith.constant 13824 : i32
        %add3A_781 = arith.addi %add3A_780, %mul3A_45 : i32
        %get3A_782 = arith.index_cast %add3A_781 : i32 to index
        %get3A_783 = tpu.vector_load %arg10[%get3A_782] {strides = array<i32>} : memref<16896xf32, #tpu.memory_space<vmem>>, vector<16xf32>,
        %mul3A_784 = arith.constant 1.200000e+01 : f32
        %mul3A_785 = vector.broadcast %mul3A_784 : f32 to vector<16xf32>
        %mul3A_786 = arith.mulf %mul3A_785, %get3A_50 : vector<16xf32>
        %add3A_787 = arith.addf %add3A_53, %mul3A_786 : vector<16xf32>
        %add3A_788 = arith.constant 0x4B400000 : f32
        %add3A_789 = vector.broadcast %add3A_788 : f32 to vector<16xf32>
        %add3A_790 = arith.addf %add3A_787, %add3A_789 : vector<16xf32>
        %sub3A_791 = arith.constant 0x4B400000 : f32
        %sub3A_792 = vector.broadcast %sub3A_791 : f32 to vector<16xf32>
        %sub3A_793 = arith.subf %add3A_790, %sub3A_792 : vector<16xf32>
        %jit3A_794 = arith.constant 0.000000e+00 : f32
        %jit3A_795 = arith.constant 2.047000e+03 : f32
        %max3A_796 = vector.broadcast %jit3A_794 : f32 to vector<16xf32>
        %max3A_797 = arith.maximumf %max3A_796, %sub3A_793 : vector<16xf32>
        %min3A_798 = vector.broadcast %jit3A_795 : f32 to vector<16xf32>
        %min3A_799 = arith.minimumf %min3A_798, %max3A_797 : vector<16xf32>
        %convert_element_type3A_800 = arith.fptosi %min3A_799 : vector<16xf32> to vector<16xi32>
        %sub3A_801 = vector.broadcast %and3A_13 : i32 to vector<16xi32>
        %sub3A_802 = arith.subi %convert_element_type3A_800, %sub3A_801 : vector<16xi32>
        %mul3A_803 = arith.constant 33 : i32
        %mul3A_804 = vector.broadcast %mul3A_803 : i32 to vector<16xi32>
        %mul3A_805 = arith.muli %sub3A_802, %mul3A_804 : vector<16xi32>
        %add3A_806 = arith.constant 14336 : i32
        %add3A_807 = arith.addi %add3A_806, %mul3A_45 : i32
        %get3A_808 = arith.index_cast %add3A_807 : i32 to index
        %get3A_809 = tpu.vector_load %arg10[%get3A_808] {strides = array<i32>} : memref<16896xf32, #tpu.memory_space<vmem>>, vector<16xf32>,
        %mul3A_810 = arith.constant 1.300000e+01 : f32
        %mul3A_811 = vector.broadcast %mul3A_810 : f32 to vector<16xf32>
        %mul3A_812 = arith.mulf %mul3A_811, %get3A_50 : vector<16xf32>
        %add3A_813 = arith.addf %add3A_53, %mul3A_812 : vector<16xf32>
        %add3A_814 = arith.constant 0x4B400000 : f32
        %add3A_815 = vector.broadcast %add3A_814 : f32 to vector<16xf32>
        %add3A_816 = arith.addf %add3A_813, %add3A_815 : vector<16xf32>
        %sub3A_817 = arith.constant 0x4B400000 : f32
        %sub3A_818 = vector.broadcast %sub3A_817 : f32 to vector<16xf32>
        %sub3A_819 = arith.subf %add3A_816, %sub3A_818 : vector<16xf32>
        %jit3A_820 = arith.constant 0.000000e+00 : f32
        %jit3A_821 = arith.constant 2.047000e+03 : f32
        %max3A_822 = vector.broadcast %jit3A_820 : f32 to vector<16xf32>
        %max3A_823 = arith.maximumf %max3A_822, %sub3A_819 : vector<16xf32>
        %min3A_824 = vector.broadcast %jit3A_821 : f32 to vector<16xf32>
        %min3A_825 = arith.minimumf %min3A_824, %max3A_823 : vector<16xf32>
        %convert_element_type3A_826 = arith.fptosi %min3A_825 : vector<16xf32> to vector<16xi32>
        %sub3A_827 = vector.broadcast %and3A_13 : i32 to vector<16xi32>
        %sub3A_828 = arith.subi %convert_element_type3A_826, %sub3A_827 : vector<16xi32>
        %mul3A_829 = arith.constant 33 : i32
        %mul3A_830 = vector.broadcast %mul3A_829 : i32 to vector<16xi32>
        %mul3A_831 = arith.muli %sub3A_828, %mul3A_830 : vector<16xi32>
        %add3A_832 = arith.constant 14848 : i32
        %add3A_833 = arith.addi %add3A_832, %mul3A_45 : i32
        %get3A_834 = arith.index_cast %add3A_833 : i32 to index
        %get3A_835 = tpu.vector_load %arg10[%get3A_834] {strides = array<i32>} : memref<16896xf32, #tpu.memory_space<vmem>>, vector<16xf32>,
        %mul3A_836 = arith.constant 1.400000e+01 : f32
        %mul3A_837 = vector.broadcast %mul3A_836 : f32 to vector<16xf32>
        %mul3A_838 = arith.mulf %mul3A_837, %get3A_50 : vector<16xf32>
        %add3A_839 = arith.addf %add3A_53, %mul3A_838 : vector<16xf32>
        %add3A_840 = arith.constant 0x4B400000 : f32
        %add3A_841 = vector.broadcast %add3A_840 : f32 to vector<16xf32>
        %add3A_842 = arith.addf %add3A_839, %add3A_841 : vector<16xf32>
        %sub3A_843 = arith.constant 0x4B400000 : f32
        %sub3A_844 = vector.broadcast %sub3A_843 : f32 to vector<16xf32>
        %sub3A_845 = arith.subf %add3A_842, %sub3A_844 : vector<16xf32>
        %jit3A_846 = arith.constant 0.000000e+00 : f32
        %jit3A_847 = arith.constant 2.047000e+03 : f32
        %max3A_848 = vector.broadcast %jit3A_846 : f32 to vector<16xf32>
        %max3A_849 = arith.maximumf %max3A_848, %sub3A_845 : vector<16xf32>
        %min3A_850 = vector.broadcast %jit3A_847 : f32 to vector<16xf32>
        %min3A_851 = arith.minimumf %min3A_850, %max3A_849 : vector<16xf32>
        %convert_element_type3A_852 = arith.fptosi %min3A_851 : vector<16xf32> to vector<16xi32>
        %sub3A_853 = vector.broadcast %and3A_13 : i32 to vector<16xi32>
        %sub3A_854 = arith.subi %convert_element_type3A_852, %sub3A_853 : vector<16xi32>
        %mul3A_855 = arith.constant 33 : i32
        %mul3A_856 = vector.broadcast %mul3A_855 : i32 to vector<16xi32>
        %mul3A_857 = arith.muli %sub3A_854, %mul3A_856 : vector<16xi32>
        %add3A_858 = arith.constant 15360 : i32
        %add3A_859 = arith.addi %add3A_858, %mul3A_45 : i32
        %get3A_860 = arith.index_cast %add3A_859 : i32 to index
        %get3A_861 = tpu.vector_load %arg10[%get3A_860] {strides = array<i32>} : memref<16896xf32, #tpu.memory_space<vmem>>, vector<16xf32>,
        %mul3A_862 = arith.constant 1.500000e+01 : f32
        %mul3A_863 = vector.broadcast %mul3A_862 : f32 to vector<16xf32>
        %mul3A_864 = arith.mulf %mul3A_863, %get3A_50 : vector<16xf32>
        %add3A_865 = arith.addf %add3A_53, %mul3A_864 : vector<16xf32>
        %add3A_866 = arith.constant 0x4B400000 : f32
        %add3A_867 = vector.broadcast %add3A_866 : f32 to vector<16xf32>
        %add3A_868 = arith.addf %add3A_865, %add3A_867 : vector<16xf32>
        %sub3A_869 = arith.constant 0x4B400000 : f32
        %sub3A_870 = vector.broadcast %sub3A_869 : f32 to vector<16xf32>
        %sub3A_871 = arith.subf %add3A_868, %sub3A_870 : vector<16xf32>
        %jit3A_872 = arith.constant 0.000000e+00 : f32
        %jit3A_873 = arith.constant 2.047000e+03 : f32
        %max3A_874 = vector.broadcast %jit3A_872 : f32 to vector<16xf32>
        %max3A_875 = arith.maximumf %max3A_874, %sub3A_871 : vector<16xf32>
        %min3A_876 = vector.broadcast %jit3A_873 : f32 to vector<16xf32>
        %min3A_877 = arith.minimumf %min3A_876, %max3A_875 : vector<16xf32>
        %convert_element_type3A_878 = arith.fptosi %min3A_877 : vector<16xf32> to vector<16xi32>
        %sub3A_879 = vector.broadcast %and3A_13 : i32 to vector<16xi32>
        %sub3A_880 = arith.subi %convert_element_type3A_878, %sub3A_879 : vector<16xi32>
        %mul3A_881 = arith.constant 33 : i32
        %mul3A_882 = vector.broadcast %mul3A_881 : i32 to vector<16xi32>
        %mul3A_883 = arith.muli %sub3A_880, %mul3A_882 : vector<16xi32>
        %add3A_884 = arith.constant 15872 : i32
        %add3A_885 = arith.addi %add3A_884, %mul3A_45 : i32
        %get3A_886 = arith.index_cast %add3A_885 : i32 to index
        %get3A_887 = tpu.vector_load %arg10[%get3A_886] {strides = array<i32>} : memref<16896xf32, #tpu.memory_space<vmem>>, vector<16xf32>,
        %mul3A_888 = arith.constant 1.600000e+01 : f32
        %mul3A_889 = vector.broadcast %mul3A_888 : f32 to vector<16xf32>
        %mul3A_890 = arith.mulf %mul3A_889, %get3A_50 : vector<16xf32>
        %add3A_891 = arith.addf %add3A_53, %mul3A_890 : vector<16xf32>
        %add3A_892 = arith.constant 0x4B400000 : f32
        %add3A_893 = vector.broadcast %add3A_892 : f32 to vector<16xf32>
        %add3A_894 = arith.addf %add3A_891, %add3A_893 : vector<16xf32>
        %sub3A_895 = arith.constant 0x4B400000 : f32
        %sub3A_896 = vector.broadcast %sub3A_895 : f32 to vector<16xf32>
        %sub3A_897 = arith.subf %add3A_894, %sub3A_896 : vector<16xf32>
        %jit3A_898 = arith.constant 0.000000e+00 : f32
        %jit3A_899 = arith.constant 2.047000e+03 : f32
        %max3A_900 = vector.broadcast %jit3A_898 : f32 to vector<16xf32>
        %max3A_901 = arith.maximumf %max3A_900, %sub3A_897 : vector<16xf32>
        %min3A_902 = vector.broadcast %jit3A_899 : f32 to vector<16xf32>
        %min3A_903 = arith.minimumf %min3A_902, %max3A_901 : vector<16xf32>
        %convert_element_type3A_904 = arith.fptosi %min3A_903 : vector<16xf32> to vector<16xi32>
        %sub3A_905 = vector.broadcast %and3A_13 : i32 to vector<16xi32>
        %sub3A_906 = arith.subi %convert_element_type3A_904, %sub3A_905 : vector<16xi32>
        %mul3A_907 = arith.constant 33 : i32
        %mul3A_908 = vector.broadcast %mul3A_907 : i32 to vector<16xi32>
        %mul3A_909 = arith.muli %sub3A_906, %mul3A_908 : vector<16xi32>
        %add3A_910 = arith.constant 16384 : i32
        %add3A_911 = arith.addi %add3A_910, %mul3A_45 : i32
        %get3A_912 = arith.index_cast %add3A_911 : i32 to index
        %get3A_913 = tpu.vector_load %arg10[%get3A_912] {strides = array<i32>} : memref<16896xf32, #tpu.memory_space<vmem>>, vector<16xf32>,
        %parallel_loop3A_914 = arith.constant 0 : i32
        %parallel_loop3A_915 = arith.constant 32 : i32
        %parallel_loop3A_916 = arith.constant 1 : i32
        scf.for %parallel_loop3A_917 = %parallel_loop3A_914 to %parallel_loop3A_915 step %parallel_loop3A_916  : i32 {
          %parallel_loop3A_918 = vector.broadcast %parallel_loop3A_917 : i32 to vector<16xi32>
          %parallel_loop3A_919 = arith.addi %mul3A_519, %parallel_loop3A_918 : vector<16xi32>
          %parallel_loop3A_920 = tpu.vector_load_idx %arg7[%parallel_loop3A_919] : memref<35112xi32, #tpu.memory_space<vmem>>[vector<16xi32>], vector<16xi32>,
          %parallel_loop3A_921 = arith.constant 16 : i32
          %parallel_loop3A_922 = vector.broadcast %parallel_loop3A_921 : i32 to vector<16xi32>
          %parallel_loop3A_923 = arith.shli %parallel_loop3A_920, %parallel_loop3A_922 : vector<16xi32>
          %parallel_loop3A_924 = vector.bitcast %parallel_loop3A_923 : vector<16xi32> to vector<16xf32>
          %parallel_loop3A_925 = arith.constant -65536 : i32
          %parallel_loop3A_926 = vector.broadcast %parallel_loop3A_925 : i32 to vector<16xi32>
          %parallel_loop3A_927 = arith.andi %parallel_loop3A_920, %parallel_loop3A_926 : vector<16xi32>
          %parallel_loop3A_928 = vector.bitcast %parallel_loop3A_927 : vector<16xi32> to vector<16xf32>
          %parallel_loop3A_929 = arith.mulf %get3A_523, %parallel_loop3A_924 : vector<16xf32>
          %parallel_loop3A_930 = arith.mulf %get3A_523, %parallel_loop3A_928 : vector<16xf32>
          %parallel_loop3A_931 = vector.broadcast %parallel_loop3A_917 : i32 to vector<16xi32>
          %parallel_loop3A_932 = arith.addi %mul3A_545, %parallel_loop3A_931 : vector<16xi32>
          %parallel_loop3A_933 = tpu.vector_load_idx %arg7[%parallel_loop3A_932] : memref<35112xi32, #tpu.memory_space<vmem>>[vector<16xi32>], vector<16xi32>,
          %parallel_loop3A_934 = arith.constant 16 : i32
          %parallel_loop3A_935 = vector.broadcast %parallel_loop3A_934 : i32 to vector<16xi32>
          %parallel_loop3A_936 = arith.shli %parallel_loop3A_933, %parallel_loop3A_935 : vector<16xi32>
          %parallel_loop3A_937 = vector.bitcast %parallel_loop3A_936 : vector<16xi32> to vector<16xf32>
          %parallel_loop3A_938 = arith.constant -65536 : i32
          %parallel_loop3A_939 = vector.broadcast %parallel_loop3A_938 : i32 to vector<16xi32>
          %parallel_loop3A_940 = arith.andi %parallel_loop3A_933, %parallel_loop3A_939 : vector<16xi32>
          %parallel_loop3A_941 = vector.bitcast %parallel_loop3A_940 : vector<16xi32> to vector<16xf32>
          %parallel_loop3A_942 = arith.mulf %get3A_549, %parallel_loop3A_937 : vector<16xf32>
          %parallel_loop3A_943 = arith.mulf %get3A_549, %parallel_loop3A_941 : vector<16xf32>
          %parallel_loop3A_944 = vector.broadcast %parallel_loop3A_917 : i32 to vector<16xi32>
          %parallel_loop3A_945 = arith.addi %mul3A_571, %parallel_loop3A_944 : vector<16xi32>
          %parallel_loop3A_946 = tpu.vector_load_idx %arg7[%parallel_loop3A_945] : memref<35112xi32, #tpu.memory_space<vmem>>[vector<16xi32>], vector<16xi32>,
          %parallel_loop3A_947 = arith.constant 16 : i32
          %parallel_loop3A_948 = vector.broadcast %parallel_loop3A_947 : i32 to vector<16xi32>
          %parallel_loop3A_949 = arith.shli %parallel_loop3A_946, %parallel_loop3A_948 : vector<16xi32>
          %parallel_loop3A_950 = vector.bitcast %parallel_loop3A_949 : vector<16xi32> to vector<16xf32>
          %parallel_loop3A_951 = arith.constant -65536 : i32
          %parallel_loop3A_952 = vector.broadcast %parallel_loop3A_951 : i32 to vector<16xi32>
          %parallel_loop3A_953 = arith.andi %parallel_loop3A_946, %parallel_loop3A_952 : vector<16xi32>
          %parallel_loop3A_954 = vector.bitcast %parallel_loop3A_953 : vector<16xi32> to vector<16xf32>
          %parallel_loop3A_955 = arith.mulf %get3A_575, %parallel_loop3A_950 : vector<16xf32>
          %parallel_loop3A_956 = arith.mulf %get3A_575, %parallel_loop3A_954 : vector<16xf32>
          %parallel_loop3A_957 = vector.broadcast %parallel_loop3A_917 : i32 to vector<16xi32>
          %parallel_loop3A_958 = arith.addi %mul3A_597, %parallel_loop3A_957 : vector<16xi32>
          %parallel_loop3A_959 = tpu.vector_load_idx %arg7[%parallel_loop3A_958] : memref<35112xi32, #tpu.memory_space<vmem>>[vector<16xi32>], vector<16xi32>,
          %parallel_loop3A_960 = arith.constant 16 : i32
          %parallel_loop3A_961 = vector.broadcast %parallel_loop3A_960 : i32 to vector<16xi32>
          %parallel_loop3A_962 = arith.shli %parallel_loop3A_959, %parallel_loop3A_961 : vector<16xi32>
          %parallel_loop3A_963 = vector.bitcast %parallel_loop3A_962 : vector<16xi32> to vector<16xf32>
          %parallel_loop3A_964 = arith.constant -65536 : i32
          %parallel_loop3A_965 = vector.broadcast %parallel_loop3A_964 : i32 to vector<16xi32>
          %parallel_loop3A_966 = arith.andi %parallel_loop3A_959, %parallel_loop3A_965 : vector<16xi32>
          %parallel_loop3A_967 = vector.bitcast %parallel_loop3A_966 : vector<16xi32> to vector<16xf32>
          %parallel_loop3A_968 = arith.mulf %get3A_601, %parallel_loop3A_963 : vector<16xf32>
          %parallel_loop3A_969 = arith.mulf %get3A_601, %parallel_loop3A_967 : vector<16xf32>
          %parallel_loop3A_970 = vector.broadcast %parallel_loop3A_917 : i32 to vector<16xi32>
          %parallel_loop3A_971 = arith.addi %mul3A_623, %parallel_loop3A_970 : vector<16xi32>
          %parallel_loop3A_972 = tpu.vector_load_idx %arg7[%parallel_loop3A_971] : memref<35112xi32, #tpu.memory_space<vmem>>[vector<16xi32>], vector<16xi32>,
          %parallel_loop3A_973 = arith.constant 16 : i32
          %parallel_loop3A_974 = vector.broadcast %parallel_loop3A_973 : i32 to vector<16xi32>
          %parallel_loop3A_975 = arith.shli %parallel_loop3A_972, %parallel_loop3A_974 : vector<16xi32>
          %parallel_loop3A_976 = vector.bitcast %parallel_loop3A_975 : vector<16xi32> to vector<16xf32>
          %parallel_loop3A_977 = arith.constant -65536 : i32
          %parallel_loop3A_978 = vector.broadcast %parallel_loop3A_977 : i32 to vector<16xi32>
          %parallel_loop3A_979 = arith.andi %parallel_loop3A_972, %parallel_loop3A_978 : vector<16xi32>
          %parallel_loop3A_980 = vector.bitcast %parallel_loop3A_979 : vector<16xi32> to vector<16xf32>
          %parallel_loop3A_981 = arith.mulf %get3A_627, %parallel_loop3A_976 : vector<16xf32>
          %parallel_loop3A_982 = arith.mulf %get3A_627, %parallel_loop3A_980 : vector<16xf32>
          %parallel_loop3A_983 = vector.broadcast %parallel_loop3A_917 : i32 to vector<16xi32>
          %parallel_loop3A_984 = arith.addi %mul3A_649, %parallel_loop3A_983 : vector<16xi32>
          %parallel_loop3A_985 = tpu.vector_load_idx %arg7[%parallel_loop3A_984] : memref<35112xi32, #tpu.memory_space<vmem>>[vector<16xi32>], vector<16xi32>,
          %parallel_loop3A_986 = arith.constant 16 : i32
          %parallel_loop3A_987 = vector.broadcast %parallel_loop3A_986 : i32 to vector<16xi32>
          %parallel_loop3A_988 = arith.shli %parallel_loop3A_985, %parallel_loop3A_987 : vector<16xi32>
          %parallel_loop3A_989 = vector.bitcast %parallel_loop3A_988 : vector<16xi32> to vector<16xf32>
          %parallel_loop3A_990 = arith.constant -65536 : i32
          %parallel_loop3A_991 = vector.broadcast %parallel_loop3A_990 : i32 to vector<16xi32>
          %parallel_loop3A_992 = arith.andi %parallel_loop3A_985, %parallel_loop3A_991 : vector<16xi32>
          %parallel_loop3A_993 = vector.bitcast %parallel_loop3A_992 : vector<16xi32> to vector<16xf32>
          %parallel_loop3A_994 = arith.mulf %get3A_653, %parallel_loop3A_989 : vector<16xf32>
          %parallel_loop3A_995 = arith.mulf %get3A_653, %parallel_loop3A_993 : vector<16xf32>
          %parallel_loop3A_996 = vector.broadcast %parallel_loop3A_917 : i32 to vector<16xi32>
          %parallel_loop3A_997 = arith.addi %mul3A_675, %parallel_loop3A_996 : vector<16xi32>
          %parallel_loop3A_998 = tpu.vector_load_idx %arg7[%parallel_loop3A_997] : memref<35112xi32, #tpu.memory_space<vmem>>[vector<16xi32>], vector<16xi32>,
          %parallel_loop3A_999 = arith.constant 16 : i32
          %parallel_loop3A_1000 = vector.broadcast %parallel_loop3A_999 : i32 to vector<16xi32>
          %parallel_loop3A_1001 = arith.shli %parallel_loop3A_998, %parallel_loop3A_1000 : vector<16xi32>
          %parallel_loop3A_1002 = vector.bitcast %parallel_loop3A_1001 : vector<16xi32> to vector<16xf32>
          %parallel_loop3A_1003 = arith.constant -65536 : i32
          %parallel_loop3A_1004 = vector.broadcast %parallel_loop3A_1003 : i32 to vector<16xi32>
          %parallel_loop3A_1005 = arith.andi %parallel_loop3A_998, %parallel_loop3A_1004 : vector<16xi32>
          %parallel_loop3A_1006 = vector.bitcast %parallel_loop3A_1005 : vector<16xi32> to vector<16xf32>
          %parallel_loop3A_1007 = arith.mulf %get3A_679, %parallel_loop3A_1002 : vector<16xf32>
          %parallel_loop3A_1008 = arith.mulf %get3A_679, %parallel_loop3A_1006 : vector<16xf32>
          %parallel_loop3A_1009 = vector.broadcast %parallel_loop3A_917 : i32 to vector<16xi32>
          %parallel_loop3A_1010 = arith.addi %mul3A_701, %parallel_loop3A_1009 : vector<16xi32>
          %parallel_loop3A_1011 = tpu.vector_load_idx %arg7[%parallel_loop3A_1010] : memref<35112xi32, #tpu.memory_space<vmem>>[vector<16xi32>], vector<16xi32>,
          %parallel_loop3A_1012 = arith.constant 16 : i32
          %parallel_loop3A_1013 = vector.broadcast %parallel_loop3A_1012 : i32 to vector<16xi32>
          %parallel_loop3A_1014 = arith.shli %parallel_loop3A_1011, %parallel_loop3A_1013 : vector<16xi32>
          %parallel_loop3A_1015 = vector.bitcast %parallel_loop3A_1014 : vector<16xi32> to vector<16xf32>
          %parallel_loop3A_1016 = arith.constant -65536 : i32
          %parallel_loop3A_1017 = vector.broadcast %parallel_loop3A_1016 : i32 to vector<16xi32>
          %parallel_loop3A_1018 = arith.andi %parallel_loop3A_1011, %parallel_loop3A_1017 : vector<16xi32>
          %parallel_loop3A_1019 = vector.bitcast %parallel_loop3A_1018 : vector<16xi32> to vector<16xf32>
          %parallel_loop3A_1020 = arith.mulf %get3A_705, %parallel_loop3A_1015 : vector<16xf32>
          %parallel_loop3A_1021 = arith.mulf %get3A_705, %parallel_loop3A_1019 : vector<16xf32>
          %parallel_loop3A_1022 = vector.broadcast %parallel_loop3A_917 : i32 to vector<16xi32>
          %parallel_loop3A_1023 = arith.addi %mul3A_727, %parallel_loop3A_1022 : vector<16xi32>
          %parallel_loop3A_1024 = tpu.vector_load_idx %arg7[%parallel_loop3A_1023] : memref<35112xi32, #tpu.memory_space<vmem>>[vector<16xi32>], vector<16xi32>,
          %parallel_loop3A_1025 = arith.constant 16 : i32
          %parallel_loop3A_1026 = vector.broadcast %parallel_loop3A_1025 : i32 to vector<16xi32>
          %parallel_loop3A_1027 = arith.shli %parallel_loop3A_1024, %parallel_loop3A_1026 : vector<16xi32>
          %parallel_loop3A_1028 = vector.bitcast %parallel_loop3A_1027 : vector<16xi32> to vector<16xf32>
          %parallel_loop3A_1029 = arith.constant -65536 : i32
          %parallel_loop3A_1030 = vector.broadcast %parallel_loop3A_1029 : i32 to vector<16xi32>
          %parallel_loop3A_1031 = arith.andi %parallel_loop3A_1024, %parallel_loop3A_1030 : vector<16xi32>
          %parallel_loop3A_1032 = vector.bitcast %parallel_loop3A_1031 : vector<16xi32> to vector<16xf32>
          %parallel_loop3A_1033 = arith.mulf %get3A_731, %parallel_loop3A_1028 : vector<16xf32>
          %parallel_loop3A_1034 = arith.mulf %get3A_731, %parallel_loop3A_1032 : vector<16xf32>
          %parallel_loop3A_1035 = vector.broadcast %parallel_loop3A_917 : i32 to vector<16xi32>
          %parallel_loop3A_1036 = arith.addi %mul3A_753, %parallel_loop3A_1035 : vector<16xi32>
          %parallel_loop3A_1037 = tpu.vector_load_idx %arg7[%parallel_loop3A_1036] : memref<35112xi32, #tpu.memory_space<vmem>>[vector<16xi32>], vector<16xi32>,
          %parallel_loop3A_1038 = arith.constant 16 : i32
          %parallel_loop3A_1039 = vector.broadcast %parallel_loop3A_1038 : i32 to vector<16xi32>
          %parallel_loop3A_1040 = arith.shli %parallel_loop3A_1037, %parallel_loop3A_1039 : vector<16xi32>
          %parallel_loop3A_1041 = vector.bitcast %parallel_loop3A_1040 : vector<16xi32> to vector<16xf32>
          %parallel_loop3A_1042 = arith.constant -65536 : i32
          %parallel_loop3A_1043 = vector.broadcast %parallel_loop3A_1042 : i32 to vector<16xi32>
          %parallel_loop3A_1044 = arith.andi %parallel_loop3A_1037, %parallel_loop3A_1043 : vector<16xi32>
          %parallel_loop3A_1045 = vector.bitcast %parallel_loop3A_1044 : vector<16xi32> to vector<16xf32>
          %parallel_loop3A_1046 = arith.mulf %get3A_757, %parallel_loop3A_1041 : vector<16xf32>
          %parallel_loop3A_1047 = arith.mulf %get3A_757, %parallel_loop3A_1045 : vector<16xf32>
          %parallel_loop3A_1048 = vector.broadcast %parallel_loop3A_917 : i32 to vector<16xi32>
          %parallel_loop3A_1049 = arith.addi %mul3A_779, %parallel_loop3A_1048 : vector<16xi32>
          %parallel_loop3A_1050 = tpu.vector_load_idx %arg7[%parallel_loop3A_1049] : memref<35112xi32, #tpu.memory_space<vmem>>[vector<16xi32>], vector<16xi32>,
          %parallel_loop3A_1051 = arith.constant 16 : i32
          %parallel_loop3A_1052 = vector.broadcast %parallel_loop3A_1051 : i32 to vector<16xi32>
          %parallel_loop3A_1053 = arith.shli %parallel_loop3A_1050, %parallel_loop3A_1052 : vector<16xi32>
          %parallel_loop3A_1054 = vector.bitcast %parallel_loop3A_1053 : vector<16xi32> to vector<16xf32>
          %parallel_loop3A_1055 = arith.constant -65536 : i32
          %parallel_loop3A_1056 = vector.broadcast %parallel_loop3A_1055 : i32 to vector<16xi32>
          %parallel_loop3A_1057 = arith.andi %parallel_loop3A_1050, %parallel_loop3A_1056 : vector<16xi32>
          %parallel_loop3A_1058 = vector.bitcast %parallel_loop3A_1057 : vector<16xi32> to vector<16xf32>
          %parallel_loop3A_1059 = arith.mulf %get3A_783, %parallel_loop3A_1054 : vector<16xf32>
          %parallel_loop3A_1060 = arith.mulf %get3A_783, %parallel_loop3A_1058 : vector<16xf32>
          %parallel_loop3A_1061 = vector.broadcast %parallel_loop3A_917 : i32 to vector<16xi32>
          %parallel_loop3A_1062 = arith.addi %mul3A_805, %parallel_loop3A_1061 : vector<16xi32>
          %parallel_loop3A_1063 = tpu.vector_load_idx %arg7[%parallel_loop3A_1062] : memref<35112xi32, #tpu.memory_space<vmem>>[vector<16xi32>], vector<16xi32>,
          %parallel_loop3A_1064 = arith.constant 16 : i32
          %parallel_loop3A_1065 = vector.broadcast %parallel_loop3A_1064 : i32 to vector<16xi32>
          %parallel_loop3A_1066 = arith.shli %parallel_loop3A_1063, %parallel_loop3A_1065 : vector<16xi32>
          %parallel_loop3A_1067 = vector.bitcast %parallel_loop3A_1066 : vector<16xi32> to vector<16xf32>
          %parallel_loop3A_1068 = arith.constant -65536 : i32
          %parallel_loop3A_1069 = vector.broadcast %parallel_loop3A_1068 : i32 to vector<16xi32>
          %parallel_loop3A_1070 = arith.andi %parallel_loop3A_1063, %parallel_loop3A_1069 : vector<16xi32>
          %parallel_loop3A_1071 = vector.bitcast %parallel_loop3A_1070 : vector<16xi32> to vector<16xf32>
          %parallel_loop3A_1072 = arith.mulf %get3A_809, %parallel_loop3A_1067 : vector<16xf32>
          %parallel_loop3A_1073 = arith.mulf %get3A_809, %parallel_loop3A_1071 : vector<16xf32>
          %parallel_loop3A_1074 = vector.broadcast %parallel_loop3A_917 : i32 to vector<16xi32>
          %parallel_loop3A_1075 = arith.addi %mul3A_831, %parallel_loop3A_1074 : vector<16xi32>
          %parallel_loop3A_1076 = tpu.vector_load_idx %arg7[%parallel_loop3A_1075] : memref<35112xi32, #tpu.memory_space<vmem>>[vector<16xi32>], vector<16xi32>,
          %parallel_loop3A_1077 = arith.constant 16 : i32
          %parallel_loop3A_1078 = vector.broadcast %parallel_loop3A_1077 : i32 to vector<16xi32>
          %parallel_loop3A_1079 = arith.shli %parallel_loop3A_1076, %parallel_loop3A_1078 : vector<16xi32>
          %parallel_loop3A_1080 = vector.bitcast %parallel_loop3A_1079 : vector<16xi32> to vector<16xf32>
          %parallel_loop3A_1081 = arith.constant -65536 : i32
          %parallel_loop3A_1082 = vector.broadcast %parallel_loop3A_1081 : i32 to vector<16xi32>
          %parallel_loop3A_1083 = arith.andi %parallel_loop3A_1076, %parallel_loop3A_1082 : vector<16xi32>
          %parallel_loop3A_1084 = vector.bitcast %parallel_loop3A_1083 : vector<16xi32> to vector<16xf32>
          %parallel_loop3A_1085 = arith.mulf %get3A_835, %parallel_loop3A_1080 : vector<16xf32>
          %parallel_loop3A_1086 = arith.mulf %get3A_835, %parallel_loop3A_1084 : vector<16xf32>
          %parallel_loop3A_1087 = vector.broadcast %parallel_loop3A_917 : i32 to vector<16xi32>
          %parallel_loop3A_1088 = arith.addi %mul3A_857, %parallel_loop3A_1087 : vector<16xi32>
          %parallel_loop3A_1089 = tpu.vector_load_idx %arg7[%parallel_loop3A_1088] : memref<35112xi32, #tpu.memory_space<vmem>>[vector<16xi32>], vector<16xi32>,
          %parallel_loop3A_1090 = arith.constant 16 : i32
          %parallel_loop3A_1091 = vector.broadcast %parallel_loop3A_1090 : i32 to vector<16xi32>
          %parallel_loop3A_1092 = arith.shli %parallel_loop3A_1089, %parallel_loop3A_1091 : vector<16xi32>
          %parallel_loop3A_1093 = vector.bitcast %parallel_loop3A_1092 : vector<16xi32> to vector<16xf32>
          %parallel_loop3A_1094 = arith.constant -65536 : i32
          %parallel_loop3A_1095 = vector.broadcast %parallel_loop3A_1094 : i32 to vector<16xi32>
          %parallel_loop3A_1096 = arith.andi %parallel_loop3A_1089, %parallel_loop3A_1095 : vector<16xi32>
          %parallel_loop3A_1097 = vector.bitcast %parallel_loop3A_1096 : vector<16xi32> to vector<16xf32>
          %parallel_loop3A_1098 = arith.mulf %get3A_861, %parallel_loop3A_1093 : vector<16xf32>
          %parallel_loop3A_1099 = arith.mulf %get3A_861, %parallel_loop3A_1097 : vector<16xf32>
          %parallel_loop3A_1100 = vector.broadcast %parallel_loop3A_917 : i32 to vector<16xi32>
          %parallel_loop3A_1101 = arith.addi %mul3A_883, %parallel_loop3A_1100 : vector<16xi32>
          %parallel_loop3A_1102 = tpu.vector_load_idx %arg7[%parallel_loop3A_1101] : memref<35112xi32, #tpu.memory_space<vmem>>[vector<16xi32>], vector<16xi32>,
          %parallel_loop3A_1103 = arith.constant 16 : i32
          %parallel_loop3A_1104 = vector.broadcast %parallel_loop3A_1103 : i32 to vector<16xi32>
          %parallel_loop3A_1105 = arith.shli %parallel_loop3A_1102, %parallel_loop3A_1104 : vector<16xi32>
          %parallel_loop3A_1106 = vector.bitcast %parallel_loop3A_1105 : vector<16xi32> to vector<16xf32>
          %parallel_loop3A_1107 = arith.constant -65536 : i32
          %parallel_loop3A_1108 = vector.broadcast %parallel_loop3A_1107 : i32 to vector<16xi32>
          %parallel_loop3A_1109 = arith.andi %parallel_loop3A_1102, %parallel_loop3A_1108 : vector<16xi32>
          %parallel_loop3A_1110 = vector.bitcast %parallel_loop3A_1109 : vector<16xi32> to vector<16xf32>
          %parallel_loop3A_1111 = arith.mulf %get3A_887, %parallel_loop3A_1106 : vector<16xf32>
          %parallel_loop3A_1112 = arith.mulf %get3A_887, %parallel_loop3A_1110 : vector<16xf32>
          %parallel_loop3A_1113 = vector.broadcast %parallel_loop3A_917 : i32 to vector<16xi32>
          %parallel_loop3A_1114 = arith.addi %mul3A_909, %parallel_loop3A_1113 : vector<16xi32>
          %parallel_loop3A_1115 = tpu.vector_load_idx %arg7[%parallel_loop3A_1114] : memref<35112xi32, #tpu.memory_space<vmem>>[vector<16xi32>], vector<16xi32>,
          %parallel_loop3A_1116 = arith.constant 16 : i32
          %parallel_loop3A_1117 = vector.broadcast %parallel_loop3A_1116 : i32 to vector<16xi32>
          %parallel_loop3A_1118 = arith.shli %parallel_loop3A_1115, %parallel_loop3A_1117 : vector<16xi32>
          %parallel_loop3A_1119 = vector.bitcast %parallel_loop3A_1118 : vector<16xi32> to vector<16xf32>
          %parallel_loop3A_1120 = arith.constant -65536 : i32
          %parallel_loop3A_1121 = vector.broadcast %parallel_loop3A_1120 : i32 to vector<16xi32>
          %parallel_loop3A_1122 = arith.andi %parallel_loop3A_1115, %parallel_loop3A_1121 : vector<16xi32>
          %parallel_loop3A_1123 = vector.bitcast %parallel_loop3A_1122 : vector<16xi32> to vector<16xf32>
          %parallel_loop3A_1124 = arith.mulf %get3A_913, %parallel_loop3A_1119 : vector<16xf32>
          %parallel_loop3A_1125 = arith.mulf %get3A_913, %parallel_loop3A_1123 : vector<16xf32>
          %parallel_loop3A_1126 = arith.constant 2 : i32
          %parallel_loop3A_1127 = arith.muli %parallel_loop3A_1126, %parallel_loop3A_917 : i32
          %parallel_loop3A_1128 = arith.constant 512 : i32
          %parallel_loop3A_1129 = arith.muli %parallel_loop3A_1127, %parallel_loop3A_1128 : i32
          %parallel_loop3A_1130 = arith.addi %parallel_loop3A_1129, %mul3A_45 : i32
          %parallel_loop3A_1131 = arith.addf %parallel_loop3A_929, %parallel_loop3A_942 : vector<16xf32>
          %parallel_loop3A_1132 = arith.addf %parallel_loop3A_955, %parallel_loop3A_968 : vector<16xf32>
          %parallel_loop3A_1133 = arith.addf %parallel_loop3A_981, %parallel_loop3A_994 : vector<16xf32>
          %parallel_loop3A_1134 = arith.addf %parallel_loop3A_1007, %parallel_loop3A_1020 : vector<16xf32>
          %parallel_loop3A_1135 = arith.addf %parallel_loop3A_1033, %parallel_loop3A_1046 : vector<16xf32>
          %parallel_loop3A_1136 = arith.addf %parallel_loop3A_1059, %parallel_loop3A_1072 : vector<16xf32>
          %parallel_loop3A_1137 = arith.addf %parallel_loop3A_1085, %parallel_loop3A_1098 : vector<16xf32>
          %parallel_loop3A_1138 = arith.addf %parallel_loop3A_1111, %parallel_loop3A_1124 : vector<16xf32>
          %parallel_loop3A_1139 = arith.addf %parallel_loop3A_1131, %parallel_loop3A_1132 : vector<16xf32>
          %parallel_loop3A_1140 = arith.addf %parallel_loop3A_1133, %parallel_loop3A_1134 : vector<16xf32>
          %parallel_loop3A_1141 = arith.addf %parallel_loop3A_1135, %parallel_loop3A_1136 : vector<16xf32>
          %parallel_loop3A_1142 = arith.addf %parallel_loop3A_1137, %parallel_loop3A_1138 : vector<16xf32>
          %parallel_loop3A_1143 = arith.addf %parallel_loop3A_1139, %parallel_loop3A_1140 : vector<16xf32>
          %parallel_loop3A_1144 = arith.addf %parallel_loop3A_1141, %parallel_loop3A_1142 : vector<16xf32>
          %parallel_loop3A_1145 = arith.addf %parallel_loop3A_1143, %parallel_loop3A_1144 : vector<16xf32>
          %parallel_loop3A_1146 = arith.index_cast %parallel_loop3A_1130 : i32 to index
          %parallel_loop3A_1147 = tpu.vector_load %arg11[%parallel_loop3A_1146] {strides = array<i32>} : memref<32768xf32, #tpu.memory_space<vmem>>, vector<16xf32>,
          tpu.vector_store %arg11[%parallel_loop3A_1146], %parallel_loop3A_1145 {add = true, strides = array<i32>} : memref<32768xf32, #tpu.memory_space<vmem>>, vector<16xf32>,
          %parallel_loop3A_1148 = arith.constant 2 : i32
          %parallel_loop3A_1149 = arith.muli %parallel_loop3A_1148, %parallel_loop3A_917 : i32
          %parallel_loop3A_1150 = arith.constant 1 : i32
          %parallel_loop3A_1151 = arith.addi %parallel_loop3A_1149, %parallel_loop3A_1150 : i32
          %parallel_loop3A_1152 = arith.constant 512 : i32
          %parallel_loop3A_1153 = arith.muli %parallel_loop3A_1151, %parallel_loop3A_1152 : i32
          %parallel_loop3A_1154 = arith.addi %parallel_loop3A_1153, %mul3A_45 : i32
          %parallel_loop3A_1155 = arith.addf %parallel_loop3A_930, %parallel_loop3A_943 : vector<16xf32>
          %parallel_loop3A_1156 = arith.addf %parallel_loop3A_956, %parallel_loop3A_969 : vector<16xf32>
          %parallel_loop3A_1157 = arith.addf %parallel_loop3A_982, %parallel_loop3A_995 : vector<16xf32>
          %parallel_loop3A_1158 = arith.addf %parallel_loop3A_1008, %parallel_loop3A_1021 : vector<16xf32>
          %parallel_loop3A_1159 = arith.addf %parallel_loop3A_1034, %parallel_loop3A_1047 : vector<16xf32>
          %parallel_loop3A_1160 = arith.addf %parallel_loop3A_1060, %parallel_loop3A_1073 : vector<16xf32>
          %parallel_loop3A_1161 = arith.addf %parallel_loop3A_1086, %parallel_loop3A_1099 : vector<16xf32>
          %parallel_loop3A_1162 = arith.addf %parallel_loop3A_1112, %parallel_loop3A_1125 : vector<16xf32>
          %parallel_loop3A_1163 = arith.addf %parallel_loop3A_1155, %parallel_loop3A_1156 : vector<16xf32>
          %parallel_loop3A_1164 = arith.addf %parallel_loop3A_1157, %parallel_loop3A_1158 : vector<16xf32>
          %parallel_loop3A_1165 = arith.addf %parallel_loop3A_1159, %parallel_loop3A_1160 : vector<16xf32>
          %parallel_loop3A_1166 = arith.addf %parallel_loop3A_1161, %parallel_loop3A_1162 : vector<16xf32>
          %parallel_loop3A_1167 = arith.addf %parallel_loop3A_1163, %parallel_loop3A_1164 : vector<16xf32>
          %parallel_loop3A_1168 = arith.addf %parallel_loop3A_1165, %parallel_loop3A_1166 : vector<16xf32>
          %parallel_loop3A_1169 = arith.addf %parallel_loop3A_1167, %parallel_loop3A_1168 : vector<16xf32>
          %parallel_loop3A_1170 = arith.index_cast %parallel_loop3A_1154 : i32 to index
          %parallel_loop3A_1171 = tpu.vector_load %arg11[%parallel_loop3A_1170] {strides = array<i32>} : memref<32768xf32, #tpu.memory_space<vmem>>, vector<16xf32>,
          tpu.vector_store %arg11[%parallel_loop3A_1170], %parallel_loop3A_1169 {add = true, strides = array<i32>} : memref<32768xf32, #tpu.memory_space<vmem>>, vector<16xf32>,
        } {sc.loop_unroll_factor = 2 : i64, sc.parallel_access}
      }
      %scan3A_36 = arith.constant 32 : i32
      %mul3A_37 = arith.constant 2 : i32
      %mul3A_38 = arith.muli %add3A, %mul3A_37 : i32
      %add3A_39 = arith.addi %mul3A_38, %scan3A_6 : i32
      %mul3A_40 = arith.constant 32768 : i32
      %mul3A_41 = arith.muli %add3A_39, %mul3A_40 : i32
      %multiple_of3A_42 = tpu.assume_multiple %mul3A_41, 256 : i32
      "tpu.region"() ({
        %run_scoped3A = tpu.sem_alloc : memref<!tpu.dma_semaphore, #tpu.memory_space<semaphore_mem>>
        %dma_start3A = tpu.memref_slice %arg6[%multiple_of3A_42] : memref<2097152xf32, #tpu.memory_space<hbm>> -> memref<32768xf32, #tpu.memory_space<hbm>>
        %dma_start3A_43 = tpu.memref_slice %arg6[%multiple_of3A_42] : memref<2097152xf32, #tpu.memory_space<hbm>> -> memref<32768xf32, #tpu.memory_space<hbm>>
        tpu.enqueue_dma source(%arg11 : memref<32768xf32, #tpu.memory_space<vmem>>) target(%dma_start3A_43 : memref<32768xf32, #tpu.memory_space<hbm>>) target_semaphore(%run_scoped3A : memref<!tpu.dma_semaphore, #tpu.memory_space<semaphore_mem>>)
        %dma_wait3A = tpu.memref_slice %arg6[%multiple_of3A_42] : memref<2097152xf32, #tpu.memory_space<hbm>> -> memref<32768xf32, #tpu.memory_space<hbm>>
        %dma_wait3A_44 = tpu.memref_slice %arg6[%multiple_of3A_42] : memref<2097152xf32, #tpu.memory_space<hbm>> -> memref<32768xf32, #tpu.memory_space<hbm>>
        tpu.wait_dma2 semaphore(%run_scoped3A : memref<!tpu.dma_semaphore, #tpu.memory_space<semaphore_mem>>) src(%arg11 : memref<32768xf32, #tpu.memory_space<vmem>>) dst(%dma_wait3A_44 : memref<32768xf32, #tpu.memory_space<hbm>>)
        tpu.yield
      }) : () -> ()
    }
    %scan3A_5 = arith.constant 2 : i32
    return
  }
}

#map = affine_map<(d0, d1) -> (0)>
module attributes {stable_mosaic.version = 14 : i64} {
  func.func @gconv_l0(%arg0: i32, %arg1: i32, %arg2: memref<2162688xi32, #tpu.memory_space<hbm>>, %arg3: memref<32768xf32, #tpu.memory_space<hbm>>, %arg4: memref<32768xf32, #tpu.memory_space<hbm>>, %arg5: memref<1081344xf32, #tpu.memory_space<hbm>>, %arg6: memref<2097152xf32, #tpu.memory_space<hbm>>, %arg7: memref<35112xi32, #tpu.memory_space<vmem>>, %arg8: memref<512xf32, #tpu.memory_space<vmem>>, %arg9: memref<512xf32, #tpu.memory_space<vmem>>, %arg10: memref<16896xf32, #tpu.memory_space<vmem>>, %arg11: memref<32768xf32, #tpu.memory_space<vmem>>) attributes {dimension_semantics = [#tpu.dimension_semantics<core_parallel>, #tpu.dimension_semantics<subcore_parallel>], iteration_bounds = array<i64: 2, 16>, scalar_prefetch = 0 : i64, scratch_operands = 5 : i64, tpu.core_type = #tpu.core_type<sc_vector_subcore>, window_params = [{transform_indices = #map}, {transform_indices = #map}, {transform_indices = #map}, {transform_indices = #map}, {transform_indices = #map}]} {
    %mul3A = arith.constant 2 : i32
    %mul3A_0 = arith.muli %arg1, %mul3A : i32
    %add3A = arith.addi %mul3A_0, %arg0 : i32
    %scan3A = arith.constant 0 : i32
    %scan3A_1 = arith.constant 0 : i32
    %scan3A_2 = arith.constant 2 : i32
    %scan3A_3 = arith.addi %scan3A_1, %scan3A_2 : i32
    %scan3A_4 = arith.constant 1 : i32
    scf.for %scan3A_6 = %scan3A_1 to %scan3A_3 step %scan3A_4  : i32 {
      %mul3A_7 = arith.constant 512 : i32
      %mul3A_8 = arith.muli %scan3A_6, %mul3A_7 : i32
      %add3A_9 = arith.constant 0 : i32
      %add3A_10 = arith.addi %add3A_9, %mul3A_8 : i32
      %sub3A = arith.constant 272 : i32
      %sub3A_11 = arith.subi %add3A_10, %sub3A : i32
      %jit3A = arith.constant 0 : i32
      %jit3A_12 = arith.constant 984 : i32
      %max3A = arith.maxsi %jit3A, %sub3A_11 : i32
      %min3A = arith.minsi %jit3A_12, %max3A : i32
      %and3A = arith.constant -8 : i32
      %and3A_13 = arith.andi %min3A, %and3A : i32
      %mul3A_14 = arith.constant 67584 : i32
      %mul3A_15 = arith.muli %add3A, %mul3A_14 : i32
      %mul3A_16 = arith.constant 33 : i32
      %mul3A_17 = arith.muli %and3A_13, %mul3A_16 : i32
      %add3A_18 = arith.addi %mul3A_15, %mul3A_17 : i32
      %multiple_of3A = tpu.assume_multiple %add3A_18, 8 : i32
      "tpu.region"() ({
        %run_scoped3A = tpu.sem_alloc : memref<!tpu.dma_semaphore, #tpu.memory_space<semaphore_mem>>
        %dma_start3A = tpu.memref_slice %arg2[%multiple_of3A] : memref<2162688xi32, #tpu.memory_space<hbm>> -> memref<35112xi32, #tpu.memory_space<hbm>>
        %dma_start3A_43 = tpu.memref_slice %arg2[%multiple_of3A] : memref<2162688xi32, #tpu.memory_space<hbm>> -> memref<35112xi32, #tpu.memory_space<hbm>>
        tpu.enqueue_dma source(%dma_start3A_43 : memref<35112xi32, #tpu.memory_space<hbm>>) target(%arg7 : memref<35112xi32, #tpu.memory_space<vmem>>) target_semaphore(%run_scoped3A : memref<!tpu.dma_semaphore, #tpu.memory_space<semaphore_mem>>)
        %dma_wait3A = tpu.memref_slice %arg2[%multiple_of3A] : memref<2162688xi32, #tpu.memory_space<hbm>> -> memref<35112xi32, #tpu.memory_space<hbm>>
        %dma_wait3A_44 = tpu.memref_slice %arg2[%multiple_of3A] : memref<2162688xi32, #tpu.memory_space<hbm>> -> memref<35112xi32, #tpu.memory_space<hbm>>
        tpu.wait_dma2 semaphore(%run_scoped3A : memref<!tpu.dma_semaphore, #tpu.memory_space<semaphore_mem>>) src(%dma_wait3A_44 : memref<35112xi32, #tpu.memory_space<hbm>>) dst(%arg7 : memref<35112xi32, #tpu.memory_space<vmem>>)
        tpu.yield
      }) : () -> ()
      %mul3A_19 = arith.constant 1024 : i32
      %mul3A_20 = arith.muli %add3A, %mul3A_19 : i32
      %mul3A_21 = arith.constant 512 : i32
      %mul3A_22 = arith.muli %scan3A_6, %mul3A_21 : i32
      %add3A_23 = arith.addi %mul3A_20, %mul3A_22 : i32
      %multiple_of3A_24 = tpu.assume_multiple %add3A_23, 256 : i32
      "tpu.region"() ({
        %run_scoped3A = tpu.sem_alloc : memref<!tpu.dma_semaphore, #tpu.memory_space<semaphore_mem>>
        %dma_start3A = tpu.memref_slice %arg3[%multiple_of3A_24] : memref<32768xf32, #tpu.memory_space<hbm>> -> memref<512xf32, #tpu.memory_space<hbm>>
        %dma_start3A_43 = tpu.memref_slice %arg3[%multiple_of3A_24] : memref<32768xf32, #tpu.memory_space<hbm>> -> memref<512xf32, #tpu.memory_space<hbm>>
        tpu.enqueue_dma source(%dma_start3A_43 : memref<512xf32, #tpu.memory_space<hbm>>) target(%arg8 : memref<512xf32, #tpu.memory_space<vmem>>) target_semaphore(%run_scoped3A : memref<!tpu.dma_semaphore, #tpu.memory_space<semaphore_mem>>)
        %dma_wait3A = tpu.memref_slice %arg3[%multiple_of3A_24] : memref<32768xf32, #tpu.memory_space<hbm>> -> memref<512xf32, #tpu.memory_space<hbm>>
        %dma_wait3A_44 = tpu.memref_slice %arg3[%multiple_of3A_24] : memref<32768xf32, #tpu.memory_space<hbm>> -> memref<512xf32, #tpu.memory_space<hbm>>
        tpu.wait_dma2 semaphore(%run_scoped3A : memref<!tpu.dma_semaphore, #tpu.memory_space<semaphore_mem>>) src(%dma_wait3A_44 : memref<512xf32, #tpu.memory_space<hbm>>) dst(%arg8 : memref<512xf32, #tpu.memory_space<vmem>>)
        tpu.yield
      }) : () -> ()
      "tpu.region"() ({
        %run_scoped3A = tpu.sem_alloc : memref<!tpu.dma_semaphore, #tpu.memory_space<semaphore_mem>>
        %dma_start3A = tpu.memref_slice %arg4[%multiple_of3A_24] : memref<32768xf32, #tpu.memory_space<hbm>> -> memref<512xf32, #tpu.memory_space<hbm>>
        %dma_start3A_43 = tpu.memref_slice %arg4[%multiple_of3A_24] : memref<32768xf32, #tpu.memory_space<hbm>> -> memref<512xf32, #tpu.memory_space<hbm>>
        tpu.enqueue_dma source(%dma_start3A_43 : memref<512xf32, #tpu.memory_space<hbm>>) target(%arg9 : memref<512xf32, #tpu.memory_space<vmem>>) target_semaphore(%run_scoped3A : memref<!tpu.dma_semaphore, #tpu.memory_space<semaphore_mem>>)
        %dma_wait3A = tpu.memref_slice %arg4[%multiple_of3A_24] : memref<32768xf32, #tpu.memory_space<hbm>> -> memref<512xf32, #tpu.memory_space<hbm>>
        %dma_wait3A_44 = tpu.memref_slice %arg4[%multiple_of3A_24] : memref<32768xf32, #tpu.memory_space<hbm>> -> memref<512xf32, #tpu.memory_space<hbm>>
        tpu.wait_dma2 semaphore(%run_scoped3A : memref<!tpu.dma_semaphore, #tpu.memory_space<semaphore_mem>>) src(%dma_wait3A_44 : memref<512xf32, #tpu.memory_space<hbm>>) dst(%arg9 : memref<512xf32, #tpu.memory_space<vmem>>)
        tpu.yield
      }) : () -> ()
      %mul3A_25 = arith.constant 2 : i32
      %mul3A_26 = arith.muli %add3A, %mul3A_25 : i32
      %add3A_27 = arith.addi %mul3A_26, %scan3A_6 : i32
      %mul3A_28 = arith.constant 16896 : i32
      %mul3A_29 = arith.muli %add3A_27, %mul3A_28 : i32
      %multiple_of3A_30 = tpu.assume_multiple %mul3A_29, 128 : i32
      "tpu.region"() ({
        %run_scoped3A = tpu.sem_alloc : memref<!tpu.dma_semaphore, #tpu.memory_space<semaphore_mem>>
        %dma_start3A = tpu.memref_slice %arg5[%multiple_of3A_30] : memref<1081344xf32, #tpu.memory_space<hbm>> -> memref<16896xf32, #tpu.memory_space<hbm>>
        %dma_start3A_43 = tpu.memref_slice %arg5[%multiple_of3A_30] : memref<1081344xf32, #tpu.memory_space<hbm>> -> memref<16896xf32, #tpu.memory_space<hbm>>
        tpu.enqueue_dma source(%dma_start3A_43 : memref<16896xf32, #tpu.memory_space<hbm>>) target(%arg10 : memref<16896xf32, #tpu.memory_space<vmem>>) target_semaphore(%run_scoped3A : memref<!tpu.dma_semaphore, #tpu.memory_space<semaphore_mem>>)
        %dma_wait3A = tpu.memref_slice %arg5[%multiple_of3A_30] : memref<1081344xf32, #tpu.memory_space<hbm>> -> memref<16896xf32, #tpu.memory_space<hbm>>
        %dma_wait3A_44 = tpu.memref_slice %arg5[%multiple_of3A_30] : memref<1081344xf32, #tpu.memory_space<hbm>> -> memref<16896xf32, #tpu.memory_space<hbm>>
        tpu.wait_dma2 semaphore(%run_scoped3A : memref<!tpu.dma_semaphore, #tpu.memory_space<semaphore_mem>>) src(%dma_wait3A_44 : memref<16896xf32, #tpu.memory_space<hbm>>) dst(%arg10 : memref<16896xf32, #tpu.memory_space<vmem>>)
        tpu.yield
      }) : () -> ()
      %scan3A_31 = arith.constant 0 : i32
      %scan3A_32 = arith.constant 0 : i32
      %scan3A_33 = arith.constant 32 : i32
      %scan3A_34 = arith.addi %scan3A_32, %scan3A_33 : i32
      %scan3A_35 = arith.constant 1 : i32
      scf.for %scan3A_43 = %scan3A_32 to %scan3A_34 step %scan3A_35  : i32 {
        %mul3A_44 = arith.constant 16 : i32
        %mul3A_45 = arith.muli %scan3A_43, %mul3A_44 : i32
        %iota3A = tpu.iota {dimensions = array<i32: 0>} : vector<16xi32>
        %convert_element_type3A = arith.sitofp %iota3A : vector<16xi32> to vector<16xf32>
        %add3A_46 = arith.addi %add3A_10, %mul3A_45 : i32
        %convert_element_type3A_47 = arith.sitofp %add3A_46 : i32 to f32
        %add3A_48 = vector.broadcast %convert_element_type3A_47 : f32 to vector<16xf32>
        %add3A_49 = arith.addf %convert_element_type3A, %add3A_48 : vector<16xf32>
        %get3A = arith.index_cast %mul3A_45 : i32 to index
        %get3A_50 = tpu.vector_load %arg8[%get3A] {strides = array<i32>} : memref<512xf32, #tpu.memory_space<vmem>>, vector<16xf32>,
        %get3A_51 = arith.index_cast %mul3A_45 : i32 to index
        %get3A_52 = tpu.vector_load %arg9[%get3A_51] {strides = array<i32>} : memref<512xf32, #tpu.memory_space<vmem>>, vector<16xf32>,
        %add3A_53 = arith.addf %add3A_49, %get3A_52 : vector<16xf32>
        %mul3A_54 = arith.constant -1.600000e+01 : f32
        %mul3A_55 = vector.broadcast %mul3A_54 : f32 to vector<16xf32>
        %mul3A_56 = arith.mulf %mul3A_55, %get3A_50 : vector<16xf32>
        %add3A_57 = arith.addf %add3A_53, %mul3A_56 : vector<16xf32>
        %add3A_58 = arith.constant 0x4B400000 : f32
        %add3A_59 = vector.broadcast %add3A_58 : f32 to vector<16xf32>
        %add3A_60 = arith.addf %add3A_57, %add3A_59 : vector<16xf32>
        %sub3A_61 = arith.constant 0x4B400000 : f32
        %sub3A_62 = vector.broadcast %sub3A_61 : f32 to vector<16xf32>
        %sub3A_63 = arith.subf %add3A_60, %sub3A_62 : vector<16xf32>
        %jit3A_64 = arith.constant 0.000000e+00 : f32
        %jit3A_65 = arith.constant 2.047000e+03 : f32
        %max3A_66 = vector.broadcast %jit3A_64 : f32 to vector<16xf32>
        %max3A_67 = arith.maximumf %max3A_66, %sub3A_63 : vector<16xf32>
        %min3A_68 = vector.broadcast %jit3A_65 : f32 to vector<16xf32>
        %min3A_69 = arith.minimumf %min3A_68, %max3A_67 : vector<16xf32>
        %convert_element_type3A_70 = arith.fptosi %min3A_69 : vector<16xf32> to vector<16xi32>
        %sub3A_71 = vector.broadcast %and3A_13 : i32 to vector<16xi32>
        %sub3A_72 = arith.subi %convert_element_type3A_70, %sub3A_71 : vector<16xi32>
        %mul3A_73 = arith.constant 33 : i32
        %mul3A_74 = vector.broadcast %mul3A_73 : i32 to vector<16xi32>
        %mul3A_75 = arith.muli %sub3A_72, %mul3A_74 : vector<16xi32>
        %add3A_76 = arith.constant 0 : i32
        %add3A_77 = arith.addi %add3A_76, %mul3A_45 : i32
        %get3A_78 = arith.index_cast %add3A_77 : i32 to index
        %get3A_79 = tpu.vector_load %arg10[%get3A_78] {strides = array<i32>} : memref<16896xf32, #tpu.memory_space<vmem>>, vector<16xf32>,
        %mul3A_80 = arith.constant -1.500000e+01 : f32
        %mul3A_81 = vector.broadcast %mul3A_80 : f32 to vector<16xf32>
        %mul3A_82 = arith.mulf %mul3A_81, %get3A_50 : vector<16xf32>
        %add3A_83 = arith.addf %add3A_53, %mul3A_82 : vector<16xf32>
        %add3A_84 = arith.constant 0x4B400000 : f32
        %add3A_85 = vector.broadcast %add3A_84 : f32 to vector<16xf32>
        %add3A_86 = arith.addf %add3A_83, %add3A_85 : vector<16xf32>
        %sub3A_87 = arith.constant 0x4B400000 : f32
        %sub3A_88 = vector.broadcast %sub3A_87 : f32 to vector<16xf32>
        %sub3A_89 = arith.subf %add3A_86, %sub3A_88 : vector<16xf32>
        %jit3A_90 = arith.constant 0.000000e+00 : f32
        %jit3A_91 = arith.constant 2.047000e+03 : f32
        %max3A_92 = vector.broadcast %jit3A_90 : f32 to vector<16xf32>
        %max3A_93 = arith.maximumf %max3A_92, %sub3A_89 : vector<16xf32>
        %min3A_94 = vector.broadcast %jit3A_91 : f32 to vector<16xf32>
        %min3A_95 = arith.minimumf %min3A_94, %max3A_93 : vector<16xf32>
        %convert_element_type3A_96 = arith.fptosi %min3A_95 : vector<16xf32> to vector<16xi32>
        %sub3A_97 = vector.broadcast %and3A_13 : i32 to vector<16xi32>
        %sub3A_98 = arith.subi %convert_element_type3A_96, %sub3A_97 : vector<16xi32>
        %mul3A_99 = arith.constant 33 : i32
        %mul3A_100 = vector.broadcast %mul3A_99 : i32 to vector<16xi32>
        %mul3A_101 = arith.muli %sub3A_98, %mul3A_100 : vector<16xi32>
        %add3A_102 = arith.constant 512 : i32
        %add3A_103 = arith.addi %add3A_102, %mul3A_45 : i32
        %get3A_104 = arith.index_cast %add3A_103 : i32 to index
        %get3A_105 = tpu.vector_load %arg10[%get3A_104] {strides = array<i32>} : memref<16896xf32, #tpu.memory_space<vmem>>, vector<16xf32>,
        %mul3A_106 = arith.constant -1.400000e+01 : f32
        %mul3A_107 = vector.broadcast %mul3A_106 : f32 to vector<16xf32>
        %mul3A_108 = arith.mulf %mul3A_107, %get3A_50 : vector<16xf32>
        %add3A_109 = arith.addf %add3A_53, %mul3A_108 : vector<16xf32>
        %add3A_110 = arith.constant 0x4B400000 : f32
        %add3A_111 = vector.broadcast %add3A_110 : f32 to vector<16xf32>
        %add3A_112 = arith.addf %add3A_109, %add3A_111 : vector<16xf32>
        %sub3A_113 = arith.constant 0x4B400000 : f32
        %sub3A_114 = vector.broadcast %sub3A_113 : f32 to vector<16xf32>
        %sub3A_115 = arith.subf %add3A_112, %sub3A_114 : vector<16xf32>
        %jit3A_116 = arith.constant 0.000000e+00 : f32
        %jit3A_117 = arith.constant 2.047000e+03 : f32
        %max3A_118 = vector.broadcast %jit3A_116 : f32 to vector<16xf32>
        %max3A_119 = arith.maximumf %max3A_118, %sub3A_115 : vector<16xf32>
        %min3A_120 = vector.broadcast %jit3A_117 : f32 to vector<16xf32>
        %min3A_121 = arith.minimumf %min3A_120, %max3A_119 : vector<16xf32>
        %convert_element_type3A_122 = arith.fptosi %min3A_121 : vector<16xf32> to vector<16xi32>
        %sub3A_123 = vector.broadcast %and3A_13 : i32 to vector<16xi32>
        %sub3A_124 = arith.subi %convert_element_type3A_122, %sub3A_123 : vector<16xi32>
        %mul3A_125 = arith.constant 33 : i32
        %mul3A_126 = vector.broadcast %mul3A_125 : i32 to vector<16xi32>
        %mul3A_127 = arith.muli %sub3A_124, %mul3A_126 : vector<16xi32>
        %add3A_128 = arith.constant 1024 : i32
        %add3A_129 = arith.addi %add3A_128, %mul3A_45 : i32
        %get3A_130 = arith.index_cast %add3A_129 : i32 to index
        %get3A_131 = tpu.vector_load %arg10[%get3A_130] {strides = array<i32>} : memref<16896xf32, #tpu.memory_space<vmem>>, vector<16xf32>,
        %mul3A_132 = arith.constant -1.300000e+01 : f32
        %mul3A_133 = vector.broadcast %mul3A_132 : f32 to vector<16xf32>
        %mul3A_134 = arith.mulf %mul3A_133, %get3A_50 : vector<16xf32>
        %add3A_135 = arith.addf %add3A_53, %mul3A_134 : vector<16xf32>
        %add3A_136 = arith.constant 0x4B400000 : f32
        %add3A_137 = vector.broadcast %add3A_136 : f32 to vector<16xf32>
        %add3A_138 = arith.addf %add3A_135, %add3A_137 : vector<16xf32>
        %sub3A_139 = arith.constant 0x4B400000 : f32
        %sub3A_140 = vector.broadcast %sub3A_139 : f32 to vector<16xf32>
        %sub3A_141 = arith.subf %add3A_138, %sub3A_140 : vector<16xf32>
        %jit3A_142 = arith.constant 0.000000e+00 : f32
        %jit3A_143 = arith.constant 2.047000e+03 : f32
        %max3A_144 = vector.broadcast %jit3A_142 : f32 to vector<16xf32>
        %max3A_145 = arith.maximumf %max3A_144, %sub3A_141 : vector<16xf32>
        %min3A_146 = vector.broadcast %jit3A_143 : f32 to vector<16xf32>
        %min3A_147 = arith.minimumf %min3A_146, %max3A_145 : vector<16xf32>
        %convert_element_type3A_148 = arith.fptosi %min3A_147 : vector<16xf32> to vector<16xi32>
        %sub3A_149 = vector.broadcast %and3A_13 : i32 to vector<16xi32>
        %sub3A_150 = arith.subi %convert_element_type3A_148, %sub3A_149 : vector<16xi32>
        %mul3A_151 = arith.constant 33 : i32
        %mul3A_152 = vector.broadcast %mul3A_151 : i32 to vector<16xi32>
        %mul3A_153 = arith.muli %sub3A_150, %mul3A_152 : vector<16xi32>
        %add3A_154 = arith.constant 1536 : i32
        %add3A_155 = arith.addi %add3A_154, %mul3A_45 : i32
        %get3A_156 = arith.index_cast %add3A_155 : i32 to index
        %get3A_157 = tpu.vector_load %arg10[%get3A_156] {strides = array<i32>} : memref<16896xf32, #tpu.memory_space<vmem>>, vector<16xf32>,
        %mul3A_158 = arith.constant -1.200000e+01 : f32
        %mul3A_159 = vector.broadcast %mul3A_158 : f32 to vector<16xf32>
        %mul3A_160 = arith.mulf %mul3A_159, %get3A_50 : vector<16xf32>
        %add3A_161 = arith.addf %add3A_53, %mul3A_160 : vector<16xf32>
        %add3A_162 = arith.constant 0x4B400000 : f32
        %add3A_163 = vector.broadcast %add3A_162 : f32 to vector<16xf32>
        %add3A_164 = arith.addf %add3A_161, %add3A_163 : vector<16xf32>
        %sub3A_165 = arith.constant 0x4B400000 : f32
        %sub3A_166 = vector.broadcast %sub3A_165 : f32 to vector<16xf32>
        %sub3A_167 = arith.subf %add3A_164, %sub3A_166 : vector<16xf32>
        %jit3A_168 = arith.constant 0.000000e+00 : f32
        %jit3A_169 = arith.constant 2.047000e+03 : f32
        %max3A_170 = vector.broadcast %jit3A_168 : f32 to vector<16xf32>
        %max3A_171 = arith.maximumf %max3A_170, %sub3A_167 : vector<16xf32>
        %min3A_172 = vector.broadcast %jit3A_169 : f32 to vector<16xf32>
        %min3A_173 = arith.minimumf %min3A_172, %max3A_171 : vector<16xf32>
        %convert_element_type3A_174 = arith.fptosi %min3A_173 : vector<16xf32> to vector<16xi32>
        %sub3A_175 = vector.broadcast %and3A_13 : i32 to vector<16xi32>
        %sub3A_176 = arith.subi %convert_element_type3A_174, %sub3A_175 : vector<16xi32>
        %mul3A_177 = arith.constant 33 : i32
        %mul3A_178 = vector.broadcast %mul3A_177 : i32 to vector<16xi32>
        %mul3A_179 = arith.muli %sub3A_176, %mul3A_178 : vector<16xi32>
        %add3A_180 = arith.constant 2048 : i32
        %add3A_181 = arith.addi %add3A_180, %mul3A_45 : i32
        %get3A_182 = arith.index_cast %add3A_181 : i32 to index
        %get3A_183 = tpu.vector_load %arg10[%get3A_182] {strides = array<i32>} : memref<16896xf32, #tpu.memory_space<vmem>>, vector<16xf32>,
        %mul3A_184 = arith.constant -1.100000e+01 : f32
        %mul3A_185 = vector.broadcast %mul3A_184 : f32 to vector<16xf32>
        %mul3A_186 = arith.mulf %mul3A_185, %get3A_50 : vector<16xf32>
        %add3A_187 = arith.addf %add3A_53, %mul3A_186 : vector<16xf32>
        %add3A_188 = arith.constant 0x4B400000 : f32
        %add3A_189 = vector.broadcast %add3A_188 : f32 to vector<16xf32>
        %add3A_190 = arith.addf %add3A_187, %add3A_189 : vector<16xf32>
        %sub3A_191 = arith.constant 0x4B400000 : f32
        %sub3A_192 = vector.broadcast %sub3A_191 : f32 to vector<16xf32>
        %sub3A_193 = arith.subf %add3A_190, %sub3A_192 : vector<16xf32>
        %jit3A_194 = arith.constant 0.000000e+00 : f32
        %jit3A_195 = arith.constant 2.047000e+03 : f32
        %max3A_196 = vector.broadcast %jit3A_194 : f32 to vector<16xf32>
        %max3A_197 = arith.maximumf %max3A_196, %sub3A_193 : vector<16xf32>
        %min3A_198 = vector.broadcast %jit3A_195 : f32 to vector<16xf32>
        %min3A_199 = arith.minimumf %min3A_198, %max3A_197 : vector<16xf32>
        %convert_element_type3A_200 = arith.fptosi %min3A_199 : vector<16xf32> to vector<16xi32>
        %sub3A_201 = vector.broadcast %and3A_13 : i32 to vector<16xi32>
        %sub3A_202 = arith.subi %convert_element_type3A_200, %sub3A_201 : vector<16xi32>
        %mul3A_203 = arith.constant 33 : i32
        %mul3A_204 = vector.broadcast %mul3A_203 : i32 to vector<16xi32>
        %mul3A_205 = arith.muli %sub3A_202, %mul3A_204 : vector<16xi32>
        %add3A_206 = arith.constant 2560 : i32
        %add3A_207 = arith.addi %add3A_206, %mul3A_45 : i32
        %get3A_208 = arith.index_cast %add3A_207 : i32 to index
        %get3A_209 = tpu.vector_load %arg10[%get3A_208] {strides = array<i32>} : memref<16896xf32, #tpu.memory_space<vmem>>, vector<16xf32>,
        %mul3A_210 = arith.constant -1.000000e+01 : f32
        %mul3A_211 = vector.broadcast %mul3A_210 : f32 to vector<16xf32>
        %mul3A_212 = arith.mulf %mul3A_211, %get3A_50 : vector<16xf32>
        %add3A_213 = arith.addf %add3A_53, %mul3A_212 : vector<16xf32>
        %add3A_214 = arith.constant 0x4B400000 : f32
        %add3A_215 = vector.broadcast %add3A_214 : f32 to vector<16xf32>
        %add3A_216 = arith.addf %add3A_213, %add3A_215 : vector<16xf32>
        %sub3A_217 = arith.constant 0x4B400000 : f32
        %sub3A_218 = vector.broadcast %sub3A_217 : f32 to vector<16xf32>
        %sub3A_219 = arith.subf %add3A_216, %sub3A_218 : vector<16xf32>
        %jit3A_220 = arith.constant 0.000000e+00 : f32
        %jit3A_221 = arith.constant 2.047000e+03 : f32
        %max3A_222 = vector.broadcast %jit3A_220 : f32 to vector<16xf32>
        %max3A_223 = arith.maximumf %max3A_222, %sub3A_219 : vector<16xf32>
        %min3A_224 = vector.broadcast %jit3A_221 : f32 to vector<16xf32>
        %min3A_225 = arith.minimumf %min3A_224, %max3A_223 : vector<16xf32>
        %convert_element_type3A_226 = arith.fptosi %min3A_225 : vector<16xf32> to vector<16xi32>
        %sub3A_227 = vector.broadcast %and3A_13 : i32 to vector<16xi32>
        %sub3A_228 = arith.subi %convert_element_type3A_226, %sub3A_227 : vector<16xi32>
        %mul3A_229 = arith.constant 33 : i32
        %mul3A_230 = vector.broadcast %mul3A_229 : i32 to vector<16xi32>
        %mul3A_231 = arith.muli %sub3A_228, %mul3A_230 : vector<16xi32>
        %add3A_232 = arith.constant 3072 : i32
        %add3A_233 = arith.addi %add3A_232, %mul3A_45 : i32
        %get3A_234 = arith.index_cast %add3A_233 : i32 to index
        %get3A_235 = tpu.vector_load %arg10[%get3A_234] {strides = array<i32>} : memref<16896xf32, #tpu.memory_space<vmem>>, vector<16xf32>,
        %mul3A_236 = arith.constant -9.000000e+00 : f32
        %mul3A_237 = vector.broadcast %mul3A_236 : f32 to vector<16xf32>
        %mul3A_238 = arith.mulf %mul3A_237, %get3A_50 : vector<16xf32>
        %add3A_239 = arith.addf %add3A_53, %mul3A_238 : vector<16xf32>
        %add3A_240 = arith.constant 0x4B400000 : f32
        %add3A_241 = vector.broadcast %add3A_240 : f32 to vector<16xf32>
        %add3A_242 = arith.addf %add3A_239, %add3A_241 : vector<16xf32>
        %sub3A_243 = arith.constant 0x4B400000 : f32
        %sub3A_244 = vector.broadcast %sub3A_243 : f32 to vector<16xf32>
        %sub3A_245 = arith.subf %add3A_242, %sub3A_244 : vector<16xf32>
        %jit3A_246 = arith.constant 0.000000e+00 : f32
        %jit3A_247 = arith.constant 2.047000e+03 : f32
        %max3A_248 = vector.broadcast %jit3A_246 : f32 to vector<16xf32>
        %max3A_249 = arith.maximumf %max3A_248, %sub3A_245 : vector<16xf32>
        %min3A_250 = vector.broadcast %jit3A_247 : f32 to vector<16xf32>
        %min3A_251 = arith.minimumf %min3A_250, %max3A_249 : vector<16xf32>
        %convert_element_type3A_252 = arith.fptosi %min3A_251 : vector<16xf32> to vector<16xi32>
        %sub3A_253 = vector.broadcast %and3A_13 : i32 to vector<16xi32>
        %sub3A_254 = arith.subi %convert_element_type3A_252, %sub3A_253 : vector<16xi32>
        %mul3A_255 = arith.constant 33 : i32
        %mul3A_256 = vector.broadcast %mul3A_255 : i32 to vector<16xi32>
        %mul3A_257 = arith.muli %sub3A_254, %mul3A_256 : vector<16xi32>
        %add3A_258 = arith.constant 3584 : i32
        %add3A_259 = arith.addi %add3A_258, %mul3A_45 : i32
        %get3A_260 = arith.index_cast %add3A_259 : i32 to index
        %get3A_261 = tpu.vector_load %arg10[%get3A_260] {strides = array<i32>} : memref<16896xf32, #tpu.memory_space<vmem>>, vector<16xf32>,
        %mul3A_262 = arith.constant -8.000000e+00 : f32
        %mul3A_263 = vector.broadcast %mul3A_262 : f32 to vector<16xf32>
        %mul3A_264 = arith.mulf %mul3A_263, %get3A_50 : vector<16xf32>
        %add3A_265 = arith.addf %add3A_53, %mul3A_264 : vector<16xf32>
        %add3A_266 = arith.constant 0x4B400000 : f32
        %add3A_267 = vector.broadcast %add3A_266 : f32 to vector<16xf32>
        %add3A_268 = arith.addf %add3A_265, %add3A_267 : vector<16xf32>
        %sub3A_269 = arith.constant 0x4B400000 : f32
        %sub3A_270 = vector.broadcast %sub3A_269 : f32 to vector<16xf32>
        %sub3A_271 = arith.subf %add3A_268, %sub3A_270 : vector<16xf32>
        %jit3A_272 = arith.constant 0.000000e+00 : f32
        %jit3A_273 = arith.constant 2.047000e+03 : f32
        %max3A_274 = vector.broadcast %jit3A_272 : f32 to vector<16xf32>
        %max3A_275 = arith.maximumf %max3A_274, %sub3A_271 : vector<16xf32>
        %min3A_276 = vector.broadcast %jit3A_273 : f32 to vector<16xf32>
        %min3A_277 = arith.minimumf %min3A_276, %max3A_275 : vector<16xf32>
        %convert_element_type3A_278 = arith.fptosi %min3A_277 : vector<16xf32> to vector<16xi32>
        %sub3A_279 = vector.broadcast %and3A_13 : i32 to vector<16xi32>
        %sub3A_280 = arith.subi %convert_element_type3A_278, %sub3A_279 : vector<16xi32>
        %mul3A_281 = arith.constant 33 : i32
        %mul3A_282 = vector.broadcast %mul3A_281 : i32 to vector<16xi32>
        %mul3A_283 = arith.muli %sub3A_280, %mul3A_282 : vector<16xi32>
        %add3A_284 = arith.constant 4096 : i32
        %add3A_285 = arith.addi %add3A_284, %mul3A_45 : i32
        %get3A_286 = arith.index_cast %add3A_285 : i32 to index
        %get3A_287 = tpu.vector_load %arg10[%get3A_286] {strides = array<i32>} : memref<16896xf32, #tpu.memory_space<vmem>>, vector<16xf32>,
        %mul3A_288 = arith.constant -7.000000e+00 : f32
        %mul3A_289 = vector.broadcast %mul3A_288 : f32 to vector<16xf32>
        %mul3A_290 = arith.mulf %mul3A_289, %get3A_50 : vector<16xf32>
        %add3A_291 = arith.addf %add3A_53, %mul3A_290 : vector<16xf32>
        %add3A_292 = arith.constant 0x4B400000 : f32
        %add3A_293 = vector.broadcast %add3A_292 : f32 to vector<16xf32>
        %add3A_294 = arith.addf %add3A_291, %add3A_293 : vector<16xf32>
        %sub3A_295 = arith.constant 0x4B400000 : f32
        %sub3A_296 = vector.broadcast %sub3A_295 : f32 to vector<16xf32>
        %sub3A_297 = arith.subf %add3A_294, %sub3A_296 : vector<16xf32>
        %jit3A_298 = arith.constant 0.000000e+00 : f32
        %jit3A_299 = arith.constant 2.047000e+03 : f32
        %max3A_300 = vector.broadcast %jit3A_298 : f32 to vector<16xf32>
        %max3A_301 = arith.maximumf %max3A_300, %sub3A_297 : vector<16xf32>
        %min3A_302 = vector.broadcast %jit3A_299 : f32 to vector<16xf32>
        %min3A_303 = arith.minimumf %min3A_302, %max3A_301 : vector<16xf32>
        %convert_element_type3A_304 = arith.fptosi %min3A_303 : vector<16xf32> to vector<16xi32>
        %sub3A_305 = vector.broadcast %and3A_13 : i32 to vector<16xi32>
        %sub3A_306 = arith.subi %convert_element_type3A_304, %sub3A_305 : vector<16xi32>
        %mul3A_307 = arith.constant 33 : i32
        %mul3A_308 = vector.broadcast %mul3A_307 : i32 to vector<16xi32>
        %mul3A_309 = arith.muli %sub3A_306, %mul3A_308 : vector<16xi32>
        %add3A_310 = arith.constant 4608 : i32
        %add3A_311 = arith.addi %add3A_310, %mul3A_45 : i32
        %get3A_312 = arith.index_cast %add3A_311 : i32 to index
        %get3A_313 = tpu.vector_load %arg10[%get3A_312] {strides = array<i32>} : memref<16896xf32, #tpu.memory_space<vmem>>, vector<16xf32>,
        %mul3A_314 = arith.constant -6.000000e+00 : f32
        %mul3A_315 = vector.broadcast %mul3A_314 : f32 to vector<16xf32>
        %mul3A_316 = arith.mulf %mul3A_315, %get3A_50 : vector<16xf32>
        %add3A_317 = arith.addf %add3A_53, %mul3A_316 : vector<16xf32>
        %add3A_318 = arith.constant 0x4B400000 : f32
        %add3A_319 = vector.broadcast %add3A_318 : f32 to vector<16xf32>
        %add3A_320 = arith.addf %add3A_317, %add3A_319 : vector<16xf32>
        %sub3A_321 = arith.constant 0x4B400000 : f32
        %sub3A_322 = vector.broadcast %sub3A_321 : f32 to vector<16xf32>
        %sub3A_323 = arith.subf %add3A_320, %sub3A_322 : vector<16xf32>
        %jit3A_324 = arith.constant 0.000000e+00 : f32
        %jit3A_325 = arith.constant 2.047000e+03 : f32
        %max3A_326 = vector.broadcast %jit3A_324 : f32 to vector<16xf32>
        %max3A_327 = arith.maximumf %max3A_326, %sub3A_323 : vector<16xf32>
        %min3A_328 = vector.broadcast %jit3A_325 : f32 to vector<16xf32>
        %min3A_329 = arith.minimumf %min3A_328, %max3A_327 : vector<16xf32>
        %convert_element_type3A_330 = arith.fptosi %min3A_329 : vector<16xf32> to vector<16xi32>
        %sub3A_331 = vector.broadcast %and3A_13 : i32 to vector<16xi32>
        %sub3A_332 = arith.subi %convert_element_type3A_330, %sub3A_331 : vector<16xi32>
        %mul3A_333 = arith.constant 33 : i32
        %mul3A_334 = vector.broadcast %mul3A_333 : i32 to vector<16xi32>
        %mul3A_335 = arith.muli %sub3A_332, %mul3A_334 : vector<16xi32>
        %add3A_336 = arith.constant 5120 : i32
        %add3A_337 = arith.addi %add3A_336, %mul3A_45 : i32
        %get3A_338 = arith.index_cast %add3A_337 : i32 to index
        %get3A_339 = tpu.vector_load %arg10[%get3A_338] {strides = array<i32>} : memref<16896xf32, #tpu.memory_space<vmem>>, vector<16xf32>,
        %mul3A_340 = arith.constant -5.000000e+00 : f32
        %mul3A_341 = vector.broadcast %mul3A_340 : f32 to vector<16xf32>
        %mul3A_342 = arith.mulf %mul3A_341, %get3A_50 : vector<16xf32>
        %add3A_343 = arith.addf %add3A_53, %mul3A_342 : vector<16xf32>
        %add3A_344 = arith.constant 0x4B400000 : f32
        %add3A_345 = vector.broadcast %add3A_344 : f32 to vector<16xf32>
        %add3A_346 = arith.addf %add3A_343, %add3A_345 : vector<16xf32>
        %sub3A_347 = arith.constant 0x4B400000 : f32
        %sub3A_348 = vector.broadcast %sub3A_347 : f32 to vector<16xf32>
        %sub3A_349 = arith.subf %add3A_346, %sub3A_348 : vector<16xf32>
        %jit3A_350 = arith.constant 0.000000e+00 : f32
        %jit3A_351 = arith.constant 2.047000e+03 : f32
        %max3A_352 = vector.broadcast %jit3A_350 : f32 to vector<16xf32>
        %max3A_353 = arith.maximumf %max3A_352, %sub3A_349 : vector<16xf32>
        %min3A_354 = vector.broadcast %jit3A_351 : f32 to vector<16xf32>
        %min3A_355 = arith.minimumf %min3A_354, %max3A_353 : vector<16xf32>
        %convert_element_type3A_356 = arith.fptosi %min3A_355 : vector<16xf32> to vector<16xi32>
        %sub3A_357 = vector.broadcast %and3A_13 : i32 to vector<16xi32>
        %sub3A_358 = arith.subi %convert_element_type3A_356, %sub3A_357 : vector<16xi32>
        %mul3A_359 = arith.constant 33 : i32
        %mul3A_360 = vector.broadcast %mul3A_359 : i32 to vector<16xi32>
        %mul3A_361 = arith.muli %sub3A_358, %mul3A_360 : vector<16xi32>
        %add3A_362 = arith.constant 5632 : i32
        %add3A_363 = arith.addi %add3A_362, %mul3A_45 : i32
        %get3A_364 = arith.index_cast %add3A_363 : i32 to index
        %get3A_365 = tpu.vector_load %arg10[%get3A_364] {strides = array<i32>} : memref<16896xf32, #tpu.memory_space<vmem>>, vector<16xf32>,
        %mul3A_366 = arith.constant -4.000000e+00 : f32
        %mul3A_367 = vector.broadcast %mul3A_366 : f32 to vector<16xf32>
        %mul3A_368 = arith.mulf %mul3A_367, %get3A_50 : vector<16xf32>
        %add3A_369 = arith.addf %add3A_53, %mul3A_368 : vector<16xf32>
        %add3A_370 = arith.constant 0x4B400000 : f32
        %add3A_371 = vector.broadcast %add3A_370 : f32 to vector<16xf32>
        %add3A_372 = arith.addf %add3A_369, %add3A_371 : vector<16xf32>
        %sub3A_373 = arith.constant 0x4B400000 : f32
        %sub3A_374 = vector.broadcast %sub3A_373 : f32 to vector<16xf32>
        %sub3A_375 = arith.subf %add3A_372, %sub3A_374 : vector<16xf32>
        %jit3A_376 = arith.constant 0.000000e+00 : f32
        %jit3A_377 = arith.constant 2.047000e+03 : f32
        %max3A_378 = vector.broadcast %jit3A_376 : f32 to vector<16xf32>
        %max3A_379 = arith.maximumf %max3A_378, %sub3A_375 : vector<16xf32>
        %min3A_380 = vector.broadcast %jit3A_377 : f32 to vector<16xf32>
        %min3A_381 = arith.minimumf %min3A_380, %max3A_379 : vector<16xf32>
        %convert_element_type3A_382 = arith.fptosi %min3A_381 : vector<16xf32> to vector<16xi32>
        %sub3A_383 = vector.broadcast %and3A_13 : i32 to vector<16xi32>
        %sub3A_384 = arith.subi %convert_element_type3A_382, %sub3A_383 : vector<16xi32>
        %mul3A_385 = arith.constant 33 : i32
        %mul3A_386 = vector.broadcast %mul3A_385 : i32 to vector<16xi32>
        %mul3A_387 = arith.muli %sub3A_384, %mul3A_386 : vector<16xi32>
        %add3A_388 = arith.constant 6144 : i32
        %add3A_389 = arith.addi %add3A_388, %mul3A_45 : i32
        %get3A_390 = arith.index_cast %add3A_389 : i32 to index
        %get3A_391 = tpu.vector_load %arg10[%get3A_390] {strides = array<i32>} : memref<16896xf32, #tpu.memory_space<vmem>>, vector<16xf32>,
        %mul3A_392 = arith.constant -3.000000e+00 : f32
        %mul3A_393 = vector.broadcast %mul3A_392 : f32 to vector<16xf32>
        %mul3A_394 = arith.mulf %mul3A_393, %get3A_50 : vector<16xf32>
        %add3A_395 = arith.addf %add3A_53, %mul3A_394 : vector<16xf32>
        %add3A_396 = arith.constant 0x4B400000 : f32
        %add3A_397 = vector.broadcast %add3A_396 : f32 to vector<16xf32>
        %add3A_398 = arith.addf %add3A_395, %add3A_397 : vector<16xf32>
        %sub3A_399 = arith.constant 0x4B400000 : f32
        %sub3A_400 = vector.broadcast %sub3A_399 : f32 to vector<16xf32>
        %sub3A_401 = arith.subf %add3A_398, %sub3A_400 : vector<16xf32>
        %jit3A_402 = arith.constant 0.000000e+00 : f32
        %jit3A_403 = arith.constant 2.047000e+03 : f32
        %max3A_404 = vector.broadcast %jit3A_402 : f32 to vector<16xf32>
        %max3A_405 = arith.maximumf %max3A_404, %sub3A_401 : vector<16xf32>
        %min3A_406 = vector.broadcast %jit3A_403 : f32 to vector<16xf32>
        %min3A_407 = arith.minimumf %min3A_406, %max3A_405 : vector<16xf32>
        %convert_element_type3A_408 = arith.fptosi %min3A_407 : vector<16xf32> to vector<16xi32>
        %sub3A_409 = vector.broadcast %and3A_13 : i32 to vector<16xi32>
        %sub3A_410 = arith.subi %convert_element_type3A_408, %sub3A_409 : vector<16xi32>
        %mul3A_411 = arith.constant 33 : i32
        %mul3A_412 = vector.broadcast %mul3A_411 : i32 to vector<16xi32>
        %mul3A_413 = arith.muli %sub3A_410, %mul3A_412 : vector<16xi32>
        %add3A_414 = arith.constant 6656 : i32
        %add3A_415 = arith.addi %add3A_414, %mul3A_45 : i32
        %get3A_416 = arith.index_cast %add3A_415 : i32 to index
        %get3A_417 = tpu.vector_load %arg10[%get3A_416] {strides = array<i32>} : memref<16896xf32, #tpu.memory_space<vmem>>, vector<16xf32>,
        %mul3A_418 = arith.constant -2.000000e+00 : f32
        %mul3A_419 = vector.broadcast %mul3A_418 : f32 to vector<16xf32>
        %mul3A_420 = arith.mulf %mul3A_419, %get3A_50 : vector<16xf32>
        %add3A_421 = arith.addf %add3A_53, %mul3A_420 : vector<16xf32>
        %add3A_422 = arith.constant 0x4B400000 : f32
        %add3A_423 = vector.broadcast %add3A_422 : f32 to vector<16xf32>
        %add3A_424 = arith.addf %add3A_421, %add3A_423 : vector<16xf32>
        %sub3A_425 = arith.constant 0x4B400000 : f32
        %sub3A_426 = vector.broadcast %sub3A_425 : f32 to vector<16xf32>
        %sub3A_427 = arith.subf %add3A_424, %sub3A_426 : vector<16xf32>
        %jit3A_428 = arith.constant 0.000000e+00 : f32
        %jit3A_429 = arith.constant 2.047000e+03 : f32
        %max3A_430 = vector.broadcast %jit3A_428 : f32 to vector<16xf32>
        %max3A_431 = arith.maximumf %max3A_430, %sub3A_427 : vector<16xf32>
        %min3A_432 = vector.broadcast %jit3A_429 : f32 to vector<16xf32>
        %min3A_433 = arith.minimumf %min3A_432, %max3A_431 : vector<16xf32>
        %convert_element_type3A_434 = arith.fptosi %min3A_433 : vector<16xf32> to vector<16xi32>
        %sub3A_435 = vector.broadcast %and3A_13 : i32 to vector<16xi32>
        %sub3A_436 = arith.subi %convert_element_type3A_434, %sub3A_435 : vector<16xi32>
        %mul3A_437 = arith.constant 33 : i32
        %mul3A_438 = vector.broadcast %mul3A_437 : i32 to vector<16xi32>
        %mul3A_439 = arith.muli %sub3A_436, %mul3A_438 : vector<16xi32>
        %add3A_440 = arith.constant 7168 : i32
        %add3A_441 = arith.addi %add3A_440, %mul3A_45 : i32
        %get3A_442 = arith.index_cast %add3A_441 : i32 to index
        %get3A_443 = tpu.vector_load %arg10[%get3A_442] {strides = array<i32>} : memref<16896xf32, #tpu.memory_space<vmem>>, vector<16xf32>,
        %mul3A_444 = arith.constant -1.000000e+00 : f32
        %mul3A_445 = vector.broadcast %mul3A_444 : f32 to vector<16xf32>
        %mul3A_446 = arith.mulf %mul3A_445, %get3A_50 : vector<16xf32>
        %add3A_447 = arith.addf %add3A_53, %mul3A_446 : vector<16xf32>
        %add3A_448 = arith.constant 0x4B400000 : f32
        %add3A_449 = vector.broadcast %add3A_448 : f32 to vector<16xf32>
        %add3A_450 = arith.addf %add3A_447, %add3A_449 : vector<16xf32>
        %sub3A_451 = arith.constant 0x4B400000 : f32
        %sub3A_452 = vector.broadcast %sub3A_451 : f32 to vector<16xf32>
        %sub3A_453 = arith.subf %add3A_450, %sub3A_452 : vector<16xf32>
        %jit3A_454 = arith.constant 0.000000e+00 : f32
        %jit3A_455 = arith.constant 2.047000e+03 : f32
        %max3A_456 = vector.broadcast %jit3A_454 : f32 to vector<16xf32>
        %max3A_457 = arith.maximumf %max3A_456, %sub3A_453 : vector<16xf32>
        %min3A_458 = vector.broadcast %jit3A_455 : f32 to vector<16xf32>
        %min3A_459 = arith.minimumf %min3A_458, %max3A_457 : vector<16xf32>
        %convert_element_type3A_460 = arith.fptosi %min3A_459 : vector<16xf32> to vector<16xi32>
        %sub3A_461 = vector.broadcast %and3A_13 : i32 to vector<16xi32>
        %sub3A_462 = arith.subi %convert_element_type3A_460, %sub3A_461 : vector<16xi32>
        %mul3A_463 = arith.constant 33 : i32
        %mul3A_464 = vector.broadcast %mul3A_463 : i32 to vector<16xi32>
        %mul3A_465 = arith.muli %sub3A_462, %mul3A_464 : vector<16xi32>
        %add3A_466 = arith.constant 7680 : i32
        %add3A_467 = arith.addi %add3A_466, %mul3A_45 : i32
        %get3A_468 = arith.index_cast %add3A_467 : i32 to index
        %get3A_469 = tpu.vector_load %arg10[%get3A_468] {strides = array<i32>} : memref<16896xf32, #tpu.memory_space<vmem>>, vector<16xf32>,
        %mul3A_470 = arith.constant 0.000000e+00 : f32
        %mul3A_471 = vector.broadcast %mul3A_470 : f32 to vector<16xf32>
        %mul3A_472 = arith.mulf %mul3A_471, %get3A_50 : vector<16xf32>
        %add3A_473 = arith.addf %add3A_53, %mul3A_472 : vector<16xf32>
        %add3A_474 = arith.constant 0x4B400000 : f32
        %add3A_475 = vector.broadcast %add3A_474 : f32 to vector<16xf32>
        %add3A_476 = arith.addf %add3A_473, %add3A_475 : vector<16xf32>
        %sub3A_477 = arith.constant 0x4B400000 : f32
        %sub3A_478 = vector.broadcast %sub3A_477 : f32 to vector<16xf32>
        %sub3A_479 = arith.subf %add3A_476, %sub3A_478 : vector<16xf32>
        %jit3A_480 = arith.constant 0.000000e+00 : f32
        %jit3A_481 = arith.constant 2.047000e+03 : f32
        %max3A_482 = vector.broadcast %jit3A_480 : f32 to vector<16xf32>
        %max3A_483 = arith.maximumf %max3A_482, %sub3A_479 : vector<16xf32>
        %min3A_484 = vector.broadcast %jit3A_481 : f32 to vector<16xf32>
        %min3A_485 = arith.minimumf %min3A_484, %max3A_483 : vector<16xf32>
        %convert_element_type3A_486 = arith.fptosi %min3A_485 : vector<16xf32> to vector<16xi32>
        %sub3A_487 = vector.broadcast %and3A_13 : i32 to vector<16xi32>
        %sub3A_488 = arith.subi %convert_element_type3A_486, %sub3A_487 : vector<16xi32>
        %mul3A_489 = arith.constant 33 : i32
        %mul3A_490 = vector.broadcast %mul3A_489 : i32 to vector<16xi32>
        %mul3A_491 = arith.muli %sub3A_488, %mul3A_490 : vector<16xi32>
        %add3A_492 = arith.constant 8192 : i32
        %add3A_493 = arith.addi %add3A_492, %mul3A_45 : i32
        %get3A_494 = arith.index_cast %add3A_493 : i32 to index
        %get3A_495 = tpu.vector_load %arg10[%get3A_494] {strides = array<i32>} : memref<16896xf32, #tpu.memory_space<vmem>>, vector<16xf32>,
        %parallel_loop3A = arith.constant 0 : i32
        %parallel_loop3A_496 = arith.constant 32 : i32
        %parallel_loop3A_497 = arith.constant 1 : i32
        scf.for %parallel_loop3A_917 = %parallel_loop3A to %parallel_loop3A_496 step %parallel_loop3A_497  : i32 {
          %parallel_loop3A_918 = vector.broadcast %parallel_loop3A_917 : i32 to vector<16xi32>
          %parallel_loop3A_919 = arith.addi %mul3A_75, %parallel_loop3A_918 : vector<16xi32>
          %parallel_loop3A_920 = tpu.vector_load_idx %arg7[%parallel_loop3A_919] : memref<35112xi32, #tpu.memory_space<vmem>>[vector<16xi32>], vector<16xi32>,
          %parallel_loop3A_921 = arith.constant 16 : i32
          %parallel_loop3A_922 = vector.broadcast %parallel_loop3A_921 : i32 to vector<16xi32>
          %parallel_loop3A_923 = arith.shli %parallel_loop3A_920, %parallel_loop3A_922 : vector<16xi32>
          %parallel_loop3A_924 = vector.bitcast %parallel_loop3A_923 : vector<16xi32> to vector<16xf32>
          %parallel_loop3A_925 = arith.constant -65536 : i32
          %parallel_loop3A_926 = vector.broadcast %parallel_loop3A_925 : i32 to vector<16xi32>
          %parallel_loop3A_927 = arith.andi %parallel_loop3A_920, %parallel_loop3A_926 : vector<16xi32>
          %parallel_loop3A_928 = vector.bitcast %parallel_loop3A_927 : vector<16xi32> to vector<16xf32>
          %parallel_loop3A_929 = arith.mulf %get3A_79, %parallel_loop3A_924 : vector<16xf32>
          %parallel_loop3A_930 = arith.mulf %get3A_79, %parallel_loop3A_928 : vector<16xf32>
          %parallel_loop3A_931 = vector.broadcast %parallel_loop3A_917 : i32 to vector<16xi32>
          %parallel_loop3A_932 = arith.addi %mul3A_101, %parallel_loop3A_931 : vector<16xi32>
          %parallel_loop3A_933 = tpu.vector_load_idx %arg7[%parallel_loop3A_932] : memref<35112xi32, #tpu.memory_space<vmem>>[vector<16xi32>], vector<16xi32>,
          %parallel_loop3A_934 = arith.constant 16 : i32
          %parallel_loop3A_935 = vector.broadcast %parallel_loop3A_934 : i32 to vector<16xi32>
          %parallel_loop3A_936 = arith.shli %parallel_loop3A_933, %parallel_loop3A_935 : vector<16xi32>
          %parallel_loop3A_937 = vector.bitcast %parallel_loop3A_936 : vector<16xi32> to vector<16xf32>
          %parallel_loop3A_938 = arith.constant -65536 : i32
          %parallel_loop3A_939 = vector.broadcast %parallel_loop3A_938 : i32 to vector<16xi32>
          %parallel_loop3A_940 = arith.andi %parallel_loop3A_933, %parallel_loop3A_939 : vector<16xi32>
          %parallel_loop3A_941 = vector.bitcast %parallel_loop3A_940 : vector<16xi32> to vector<16xf32>
          %parallel_loop3A_942 = arith.mulf %get3A_105, %parallel_loop3A_937 : vector<16xf32>
          %parallel_loop3A_943 = arith.mulf %get3A_105, %parallel_loop3A_941 : vector<16xf32>
          %parallel_loop3A_944 = vector.broadcast %parallel_loop3A_917 : i32 to vector<16xi32>
          %parallel_loop3A_945 = arith.addi %mul3A_127, %parallel_loop3A_944 : vector<16xi32>
          %parallel_loop3A_946 = tpu.vector_load_idx %arg7[%parallel_loop3A_945] : memref<35112xi32, #tpu.memory_space<vmem>>[vector<16xi32>], vector<16xi32>,
          %parallel_loop3A_947 = arith.constant 16 : i32
          %parallel_loop3A_948 = vector.broadcast %parallel_loop3A_947 : i32 to vector<16xi32>
          %parallel_loop3A_949 = arith.shli %parallel_loop3A_946, %parallel_loop3A_948 : vector<16xi32>
          %parallel_loop3A_950 = vector.bitcast %parallel_loop3A_949 : vector<16xi32> to vector<16xf32>
          %parallel_loop3A_951 = arith.constant -65536 : i32
          %parallel_loop3A_952 = vector.broadcast %parallel_loop3A_951 : i32 to vector<16xi32>
          %parallel_loop3A_953 = arith.andi %parallel_loop3A_946, %parallel_loop3A_952 : vector<16xi32>
          %parallel_loop3A_954 = vector.bitcast %parallel_loop3A_953 : vector<16xi32> to vector<16xf32>
          %parallel_loop3A_955 = arith.mulf %get3A_131, %parallel_loop3A_950 : vector<16xf32>
          %parallel_loop3A_956 = arith.mulf %get3A_131, %parallel_loop3A_954 : vector<16xf32>
          %parallel_loop3A_957 = vector.broadcast %parallel_loop3A_917 : i32 to vector<16xi32>
          %parallel_loop3A_958 = arith.addi %mul3A_153, %parallel_loop3A_957 : vector<16xi32>
          %parallel_loop3A_959 = tpu.vector_load_idx %arg7[%parallel_loop3A_958] : memref<35112xi32, #tpu.memory_space<vmem>>[vector<16xi32>], vector<16xi32>,
          %parallel_loop3A_960 = arith.constant 16 : i32
          %parallel_loop3A_961 = vector.broadcast %parallel_loop3A_960 : i32 to vector<16xi32>
          %parallel_loop3A_962 = arith.shli %parallel_loop3A_959, %parallel_loop3A_961 : vector<16xi32>
          %parallel_loop3A_963 = vector.bitcast %parallel_loop3A_962 : vector<16xi32> to vector<16xf32>
          %parallel_loop3A_964 = arith.constant -65536 : i32
          %parallel_loop3A_965 = vector.broadcast %parallel_loop3A_964 : i32 to vector<16xi32>
          %parallel_loop3A_966 = arith.andi %parallel_loop3A_959, %parallel_loop3A_965 : vector<16xi32>
          %parallel_loop3A_967 = vector.bitcast %parallel_loop3A_966 : vector<16xi32> to vector<16xf32>
          %parallel_loop3A_968 = arith.mulf %get3A_157, %parallel_loop3A_963 : vector<16xf32>
          %parallel_loop3A_969 = arith.mulf %get3A_157, %parallel_loop3A_967 : vector<16xf32>
          %parallel_loop3A_970 = vector.broadcast %parallel_loop3A_917 : i32 to vector<16xi32>
          %parallel_loop3A_971 = arith.addi %mul3A_179, %parallel_loop3A_970 : vector<16xi32>
          %parallel_loop3A_972 = tpu.vector_load_idx %arg7[%parallel_loop3A_971] : memref<35112xi32, #tpu.memory_space<vmem>>[vector<16xi32>], vector<16xi32>,
          %parallel_loop3A_973 = arith.constant 16 : i32
          %parallel_loop3A_974 = vector.broadcast %parallel_loop3A_973 : i32 to vector<16xi32>
          %parallel_loop3A_975 = arith.shli %parallel_loop3A_972, %parallel_loop3A_974 : vector<16xi32>
          %parallel_loop3A_976 = vector.bitcast %parallel_loop3A_975 : vector<16xi32> to vector<16xf32>
          %parallel_loop3A_977 = arith.constant -65536 : i32
          %parallel_loop3A_978 = vector.broadcast %parallel_loop3A_977 : i32 to vector<16xi32>
          %parallel_loop3A_979 = arith.andi %parallel_loop3A_972, %parallel_loop3A_978 : vector<16xi32>
          %parallel_loop3A_980 = vector.bitcast %parallel_loop3A_979 : vector<16xi32> to vector<16xf32>
          %parallel_loop3A_981 = arith.mulf %get3A_183, %parallel_loop3A_976 : vector<16xf32>
          %parallel_loop3A_982 = arith.mulf %get3A_183, %parallel_loop3A_980 : vector<16xf32>
          %parallel_loop3A_983 = vector.broadcast %parallel_loop3A_917 : i32 to vector<16xi32>
          %parallel_loop3A_984 = arith.addi %mul3A_205, %parallel_loop3A_983 : vector<16xi32>
          %parallel_loop3A_985 = tpu.vector_load_idx %arg7[%parallel_loop3A_984] : memref<35112xi32, #tpu.memory_space<vmem>>[vector<16xi32>], vector<16xi32>,
          %parallel_loop3A_986 = arith.constant 16 : i32
          %parallel_loop3A_987 = vector.broadcast %parallel_loop3A_986 : i32 to vector<16xi32>
          %parallel_loop3A_988 = arith.shli %parallel_loop3A_985, %parallel_loop3A_987 : vector<16xi32>
          %parallel_loop3A_989 = vector.bitcast %parallel_loop3A_988 : vector<16xi32> to vector<16xf32>
          %parallel_loop3A_990 = arith.constant -65536 : i32
          %parallel_loop3A_991 = vector.broadcast %parallel_loop3A_990 : i32 to vector<16xi32>
          %parallel_loop3A_992 = arith.andi %parallel_loop3A_985, %parallel_loop3A_991 : vector<16xi32>
          %parallel_loop3A_993 = vector.bitcast %parallel_loop3A_992 : vector<16xi32> to vector<16xf32>
          %parallel_loop3A_994 = arith.mulf %get3A_209, %parallel_loop3A_989 : vector<16xf32>
          %parallel_loop3A_995 = arith.mulf %get3A_209, %parallel_loop3A_993 : vector<16xf32>
          %parallel_loop3A_996 = vector.broadcast %parallel_loop3A_917 : i32 to vector<16xi32>
          %parallel_loop3A_997 = arith.addi %mul3A_231, %parallel_loop3A_996 : vector<16xi32>
          %parallel_loop3A_998 = tpu.vector_load_idx %arg7[%parallel_loop3A_997] : memref<35112xi32, #tpu.memory_space<vmem>>[vector<16xi32>], vector<16xi32>,
          %parallel_loop3A_999 = arith.constant 16 : i32
          %parallel_loop3A_1000 = vector.broadcast %parallel_loop3A_999 : i32 to vector<16xi32>
          %parallel_loop3A_1001 = arith.shli %parallel_loop3A_998, %parallel_loop3A_1000 : vector<16xi32>
          %parallel_loop3A_1002 = vector.bitcast %parallel_loop3A_1001 : vector<16xi32> to vector<16xf32>
          %parallel_loop3A_1003 = arith.constant -65536 : i32
          %parallel_loop3A_1004 = vector.broadcast %parallel_loop3A_1003 : i32 to vector<16xi32>
          %parallel_loop3A_1005 = arith.andi %parallel_loop3A_998, %parallel_loop3A_1004 : vector<16xi32>
          %parallel_loop3A_1006 = vector.bitcast %parallel_loop3A_1005 : vector<16xi32> to vector<16xf32>
          %parallel_loop3A_1007 = arith.mulf %get3A_235, %parallel_loop3A_1002 : vector<16xf32>
          %parallel_loop3A_1008 = arith.mulf %get3A_235, %parallel_loop3A_1006 : vector<16xf32>
          %parallel_loop3A_1009 = vector.broadcast %parallel_loop3A_917 : i32 to vector<16xi32>
          %parallel_loop3A_1010 = arith.addi %mul3A_257, %parallel_loop3A_1009 : vector<16xi32>
          %parallel_loop3A_1011 = tpu.vector_load_idx %arg7[%parallel_loop3A_1010] : memref<35112xi32, #tpu.memory_space<vmem>>[vector<16xi32>], vector<16xi32>,
          %parallel_loop3A_1012 = arith.constant 16 : i32
          %parallel_loop3A_1013 = vector.broadcast %parallel_loop3A_1012 : i32 to vector<16xi32>
          %parallel_loop3A_1014 = arith.shli %parallel_loop3A_1011, %parallel_loop3A_1013 : vector<16xi32>
          %parallel_loop3A_1015 = vector.bitcast %parallel_loop3A_1014 : vector<16xi32> to vector<16xf32>
          %parallel_loop3A_1016 = arith.constant -65536 : i32
          %parallel_loop3A_1017 = vector.broadcast %parallel_loop3A_1016 : i32 to vector<16xi32>
          %parallel_loop3A_1018 = arith.andi %parallel_loop3A_1011, %parallel_loop3A_1017 : vector<16xi32>
          %parallel_loop3A_1019 = vector.bitcast %parallel_loop3A_1018 : vector<16xi32> to vector<16xf32>
          %parallel_loop3A_1020 = arith.mulf %get3A_261, %parallel_loop3A_1015 : vector<16xf32>
          %parallel_loop3A_1021 = arith.mulf %get3A_261, %parallel_loop3A_1019 : vector<16xf32>
          %parallel_loop3A_1022 = vector.broadcast %parallel_loop3A_917 : i32 to vector<16xi32>
          %parallel_loop3A_1023 = arith.addi %mul3A_283, %parallel_loop3A_1022 : vector<16xi32>
          %parallel_loop3A_1024 = tpu.vector_load_idx %arg7[%parallel_loop3A_1023] : memref<35112xi32, #tpu.memory_space<vmem>>[vector<16xi32>], vector<16xi32>,
          %parallel_loop3A_1025 = arith.constant 16 : i32
          %parallel_loop3A_1026 = vector.broadcast %parallel_loop3A_1025 : i32 to vector<16xi32>
          %parallel_loop3A_1027 = arith.shli %parallel_loop3A_1024, %parallel_loop3A_1026 : vector<16xi32>
          %parallel_loop3A_1028 = vector.bitcast %parallel_loop3A_1027 : vector<16xi32> to vector<16xf32>
          %parallel_loop3A_1029 = arith.constant -65536 : i32
          %parallel_loop3A_1030 = vector.broadcast %parallel_loop3A_1029 : i32 to vector<16xi32>
          %parallel_loop3A_1031 = arith.andi %parallel_loop3A_1024, %parallel_loop3A_1030 : vector<16xi32>
          %parallel_loop3A_1032 = vector.bitcast %parallel_loop3A_1031 : vector<16xi32> to vector<16xf32>
          %parallel_loop3A_1033 = arith.mulf %get3A_287, %parallel_loop3A_1028 : vector<16xf32>
          %parallel_loop3A_1034 = arith.mulf %get3A_287, %parallel_loop3A_1032 : vector<16xf32>
          %parallel_loop3A_1035 = vector.broadcast %parallel_loop3A_917 : i32 to vector<16xi32>
          %parallel_loop3A_1036 = arith.addi %mul3A_309, %parallel_loop3A_1035 : vector<16xi32>
          %parallel_loop3A_1037 = tpu.vector_load_idx %arg7[%parallel_loop3A_1036] : memref<35112xi32, #tpu.memory_space<vmem>>[vector<16xi32>], vector<16xi32>,
          %parallel_loop3A_1038 = arith.constant 16 : i32
          %parallel_loop3A_1039 = vector.broadcast %parallel_loop3A_1038 : i32 to vector<16xi32>
          %parallel_loop3A_1040 = arith.shli %parallel_loop3A_1037, %parallel_loop3A_1039 : vector<16xi32>
          %parallel_loop3A_1041 = vector.bitcast %parallel_loop3A_1040 : vector<16xi32> to vector<16xf32>
          %parallel_loop3A_1042 = arith.constant -65536 : i32
          %parallel_loop3A_1043 = vector.broadcast %parallel_loop3A_1042 : i32 to vector<16xi32>
          %parallel_loop3A_1044 = arith.andi %parallel_loop3A_1037, %parallel_loop3A_1043 : vector<16xi32>
          %parallel_loop3A_1045 = vector.bitcast %parallel_loop3A_1044 : vector<16xi32> to vector<16xf32>
          %parallel_loop3A_1046 = arith.mulf %get3A_313, %parallel_loop3A_1041 : vector<16xf32>
          %parallel_loop3A_1047 = arith.mulf %get3A_313, %parallel_loop3A_1045 : vector<16xf32>
          %parallel_loop3A_1048 = vector.broadcast %parallel_loop3A_917 : i32 to vector<16xi32>
          %parallel_loop3A_1049 = arith.addi %mul3A_335, %parallel_loop3A_1048 : vector<16xi32>
          %parallel_loop3A_1050 = tpu.vector_load_idx %arg7[%parallel_loop3A_1049] : memref<35112xi32, #tpu.memory_space<vmem>>[vector<16xi32>], vector<16xi32>,
          %parallel_loop3A_1051 = arith.constant 16 : i32
          %parallel_loop3A_1052 = vector.broadcast %parallel_loop3A_1051 : i32 to vector<16xi32>
          %parallel_loop3A_1053 = arith.shli %parallel_loop3A_1050, %parallel_loop3A_1052 : vector<16xi32>
          %parallel_loop3A_1054 = vector.bitcast %parallel_loop3A_1053 : vector<16xi32> to vector<16xf32>
          %parallel_loop3A_1055 = arith.constant -65536 : i32
          %parallel_loop3A_1056 = vector.broadcast %parallel_loop3A_1055 : i32 to vector<16xi32>
          %parallel_loop3A_1057 = arith.andi %parallel_loop3A_1050, %parallel_loop3A_1056 : vector<16xi32>
          %parallel_loop3A_1058 = vector.bitcast %parallel_loop3A_1057 : vector<16xi32> to vector<16xf32>
          %parallel_loop3A_1059 = arith.mulf %get3A_339, %parallel_loop3A_1054 : vector<16xf32>
          %parallel_loop3A_1060 = arith.mulf %get3A_339, %parallel_loop3A_1058 : vector<16xf32>
          %parallel_loop3A_1061 = vector.broadcast %parallel_loop3A_917 : i32 to vector<16xi32>
          %parallel_loop3A_1062 = arith.addi %mul3A_361, %parallel_loop3A_1061 : vector<16xi32>
          %parallel_loop3A_1063 = tpu.vector_load_idx %arg7[%parallel_loop3A_1062] : memref<35112xi32, #tpu.memory_space<vmem>>[vector<16xi32>], vector<16xi32>,
          %parallel_loop3A_1064 = arith.constant 16 : i32
          %parallel_loop3A_1065 = vector.broadcast %parallel_loop3A_1064 : i32 to vector<16xi32>
          %parallel_loop3A_1066 = arith.shli %parallel_loop3A_1063, %parallel_loop3A_1065 : vector<16xi32>
          %parallel_loop3A_1067 = vector.bitcast %parallel_loop3A_1066 : vector<16xi32> to vector<16xf32>
          %parallel_loop3A_1068 = arith.constant -65536 : i32
          %parallel_loop3A_1069 = vector.broadcast %parallel_loop3A_1068 : i32 to vector<16xi32>
          %parallel_loop3A_1070 = arith.andi %parallel_loop3A_1063, %parallel_loop3A_1069 : vector<16xi32>
          %parallel_loop3A_1071 = vector.bitcast %parallel_loop3A_1070 : vector<16xi32> to vector<16xf32>
          %parallel_loop3A_1072 = arith.mulf %get3A_365, %parallel_loop3A_1067 : vector<16xf32>
          %parallel_loop3A_1073 = arith.mulf %get3A_365, %parallel_loop3A_1071 : vector<16xf32>
          %parallel_loop3A_1074 = vector.broadcast %parallel_loop3A_917 : i32 to vector<16xi32>
          %parallel_loop3A_1075 = arith.addi %mul3A_387, %parallel_loop3A_1074 : vector<16xi32>
          %parallel_loop3A_1076 = tpu.vector_load_idx %arg7[%parallel_loop3A_1075] : memref<35112xi32, #tpu.memory_space<vmem>>[vector<16xi32>], vector<16xi32>,
          %parallel_loop3A_1077 = arith.constant 16 : i32
          %parallel_loop3A_1078 = vector.broadcast %parallel_loop3A_1077 : i32 to vector<16xi32>
          %parallel_loop3A_1079 = arith.shli %parallel_loop3A_1076, %parallel_loop3A_1078 : vector<16xi32>
          %parallel_loop3A_1080 = vector.bitcast %parallel_loop3A_1079 : vector<16xi32> to vector<16xf32>
          %parallel_loop3A_1081 = arith.constant -65536 : i32
          %parallel_loop3A_1082 = vector.broadcast %parallel_loop3A_1081 : i32 to vector<16xi32>
          %parallel_loop3A_1083 = arith.andi %parallel_loop3A_1076, %parallel_loop3A_1082 : vector<16xi32>
          %parallel_loop3A_1084 = vector.bitcast %parallel_loop3A_1083 : vector<16xi32> to vector<16xf32>
          %parallel_loop3A_1085 = arith.mulf %get3A_391, %parallel_loop3A_1080 : vector<16xf32>
          %parallel_loop3A_1086 = arith.mulf %get3A_391, %parallel_loop3A_1084 : vector<16xf32>
          %parallel_loop3A_1087 = vector.broadcast %parallel_loop3A_917 : i32 to vector<16xi32>
          %parallel_loop3A_1088 = arith.addi %mul3A_413, %parallel_loop3A_1087 : vector<16xi32>
          %parallel_loop3A_1089 = tpu.vector_load_idx %arg7[%parallel_loop3A_1088] : memref<35112xi32, #tpu.memory_space<vmem>>[vector<16xi32>], vector<16xi32>,
          %parallel_loop3A_1090 = arith.constant 16 : i32
          %parallel_loop3A_1091 = vector.broadcast %parallel_loop3A_1090 : i32 to vector<16xi32>
          %parallel_loop3A_1092 = arith.shli %parallel_loop3A_1089, %parallel_loop3A_1091 : vector<16xi32>
          %parallel_loop3A_1093 = vector.bitcast %parallel_loop3A_1092 : vector<16xi32> to vector<16xf32>
          %parallel_loop3A_1094 = arith.constant -65536 : i32
          %parallel_loop3A_1095 = vector.broadcast %parallel_loop3A_1094 : i32 to vector<16xi32>
          %parallel_loop3A_1096 = arith.andi %parallel_loop3A_1089, %parallel_loop3A_1095 : vector<16xi32>
          %parallel_loop3A_1097 = vector.bitcast %parallel_loop3A_1096 : vector<16xi32> to vector<16xf32>
          %parallel_loop3A_1098 = arith.mulf %get3A_417, %parallel_loop3A_1093 : vector<16xf32>
          %parallel_loop3A_1099 = arith.mulf %get3A_417, %parallel_loop3A_1097 : vector<16xf32>
          %parallel_loop3A_1100 = vector.broadcast %parallel_loop3A_917 : i32 to vector<16xi32>
          %parallel_loop3A_1101 = arith.addi %mul3A_439, %parallel_loop3A_1100 : vector<16xi32>
          %parallel_loop3A_1102 = tpu.vector_load_idx %arg7[%parallel_loop3A_1101] : memref<35112xi32, #tpu.memory_space<vmem>>[vector<16xi32>], vector<16xi32>,
          %parallel_loop3A_1103 = arith.constant 16 : i32
          %parallel_loop3A_1104 = vector.broadcast %parallel_loop3A_1103 : i32 to vector<16xi32>
          %parallel_loop3A_1105 = arith.shli %parallel_loop3A_1102, %parallel_loop3A_1104 : vector<16xi32>
          %parallel_loop3A_1106 = vector.bitcast %parallel_loop3A_1105 : vector<16xi32> to vector<16xf32>
          %parallel_loop3A_1107 = arith.constant -65536 : i32
          %parallel_loop3A_1108 = vector.broadcast %parallel_loop3A_1107 : i32 to vector<16xi32>
          %parallel_loop3A_1109 = arith.andi %parallel_loop3A_1102, %parallel_loop3A_1108 : vector<16xi32>
          %parallel_loop3A_1110 = vector.bitcast %parallel_loop3A_1109 : vector<16xi32> to vector<16xf32>
          %parallel_loop3A_1111 = arith.mulf %get3A_443, %parallel_loop3A_1106 : vector<16xf32>
          %parallel_loop3A_1112 = arith.mulf %get3A_443, %parallel_loop3A_1110 : vector<16xf32>
          %parallel_loop3A_1113 = vector.broadcast %parallel_loop3A_917 : i32 to vector<16xi32>
          %parallel_loop3A_1114 = arith.addi %mul3A_465, %parallel_loop3A_1113 : vector<16xi32>
          %parallel_loop3A_1115 = tpu.vector_load_idx %arg7[%parallel_loop3A_1114] : memref<35112xi32, #tpu.memory_space<vmem>>[vector<16xi32>], vector<16xi32>,
          %parallel_loop3A_1116 = arith.constant 16 : i32
          %parallel_loop3A_1117 = vector.broadcast %parallel_loop3A_1116 : i32 to vector<16xi32>
          %parallel_loop3A_1118 = arith.shli %parallel_loop3A_1115, %parallel_loop3A_1117 : vector<16xi32>
          %parallel_loop3A_1119 = vector.bitcast %parallel_loop3A_1118 : vector<16xi32> to vector<16xf32>
          %parallel_loop3A_1120 = arith.constant -65536 : i32
          %parallel_loop3A_1121 = vector.broadcast %parallel_loop3A_1120 : i32 to vector<16xi32>
          %parallel_loop3A_1122 = arith.andi %parallel_loop3A_1115, %parallel_loop3A_1121 : vector<16xi32>
          %parallel_loop3A_1123 = vector.bitcast %parallel_loop3A_1122 : vector<16xi32> to vector<16xf32>
          %parallel_loop3A_1124 = arith.mulf %get3A_469, %parallel_loop3A_1119 : vector<16xf32>
          %parallel_loop3A_1125 = arith.mulf %get3A_469, %parallel_loop3A_1123 : vector<16xf32>
          %parallel_loop3A_1126 = vector.broadcast %parallel_loop3A_917 : i32 to vector<16xi32>
          %parallel_loop3A_1127 = arith.addi %mul3A_491, %parallel_loop3A_1126 : vector<16xi32>
          %parallel_loop3A_1128 = tpu.vector_load_idx %arg7[%parallel_loop3A_1127] : memref<35112xi32, #tpu.memory_space<vmem>>[vector<16xi32>], vector<16xi32>,
          %parallel_loop3A_1129 = arith.constant 16 : i32
          %parallel_loop3A_1130 = vector.broadcast %parallel_loop3A_1129 : i32 to vector<16xi32>
          %parallel_loop3A_1131 = arith.shli %parallel_loop3A_1128, %parallel_loop3A_1130 : vector<16xi32>
          %parallel_loop3A_1132 = vector.bitcast %parallel_loop3A_1131 : vector<16xi32> to vector<16xf32>
          %parallel_loop3A_1133 = arith.constant -65536 : i32
          %parallel_loop3A_1134 = vector.broadcast %parallel_loop3A_1133 : i32 to vector<16xi32>
          %parallel_loop3A_1135 = arith.andi %parallel_loop3A_1128, %parallel_loop3A_1134 : vector<16xi32>
          %parallel_loop3A_1136 = vector.bitcast %parallel_loop3A_1135 : vector<16xi32> to vector<16xf32>
          %parallel_loop3A_1137 = arith.mulf %get3A_495, %parallel_loop3A_1132 : vector<16xf32>
          %parallel_loop3A_1138 = arith.mulf %get3A_495, %parallel_loop3A_1136 : vector<16xf32>
          %parallel_loop3A_1139 = arith.addf %parallel_loop3A_929, %parallel_loop3A_942 : vector<16xf32>
          %parallel_loop3A_1140 = arith.addf %parallel_loop3A_955, %parallel_loop3A_968 : vector<16xf32>
          %parallel_loop3A_1141 = arith.addf %parallel_loop3A_981, %parallel_loop3A_994 : vector<16xf32>
          %parallel_loop3A_1142 = arith.addf %parallel_loop3A_1007, %parallel_loop3A_1020 : vector<16xf32>
          %parallel_loop3A_1143 = arith.addf %parallel_loop3A_1033, %parallel_loop3A_1046 : vector<16xf32>
          %parallel_loop3A_1144 = arith.addf %parallel_loop3A_1059, %parallel_loop3A_1072 : vector<16xf32>
          %parallel_loop3A_1145 = arith.addf %parallel_loop3A_1085, %parallel_loop3A_1098 : vector<16xf32>
          %parallel_loop3A_1146 = arith.addf %parallel_loop3A_1111, %parallel_loop3A_1124 : vector<16xf32>
          %parallel_loop3A_1147 = arith.addf %parallel_loop3A_1139, %parallel_loop3A_1140 : vector<16xf32>
          %parallel_loop3A_1148 = arith.addf %parallel_loop3A_1141, %parallel_loop3A_1142 : vector<16xf32>
          %parallel_loop3A_1149 = arith.addf %parallel_loop3A_1143, %parallel_loop3A_1144 : vector<16xf32>
          %parallel_loop3A_1150 = arith.addf %parallel_loop3A_1145, %parallel_loop3A_1146 : vector<16xf32>
          %parallel_loop3A_1151 = arith.addf %parallel_loop3A_1147, %parallel_loop3A_1148 : vector<16xf32>
          %parallel_loop3A_1152 = arith.addf %parallel_loop3A_1149, %parallel_loop3A_1150 : vector<16xf32>
          %parallel_loop3A_1153 = arith.addf %parallel_loop3A_1151, %parallel_loop3A_1152 : vector<16xf32>
          %parallel_loop3A_1154 = arith.addf %parallel_loop3A_1153, %parallel_loop3A_1137 : vector<16xf32>
          %parallel_loop3A_1155 = arith.constant 2 : i32
          %parallel_loop3A_1156 = arith.muli %parallel_loop3A_1155, %parallel_loop3A_917 : i32
          %parallel_loop3A_1157 = arith.constant 512 : i32
          %parallel_loop3A_1158 = arith.muli %parallel_loop3A_1156, %parallel_loop3A_1157 : i32
          %parallel_loop3A_1159 = arith.addi %parallel_loop3A_1158, %mul3A_45 : i32
          %parallel_loop3A_1160 = arith.index_cast %parallel_loop3A_1159 : i32 to index
          %parallel_loop3A_1161 = tpu.vector_load %arg11[%parallel_loop3A_1160] {strides = array<i32>} : memref<32768xf32, #tpu.memory_space<vmem>>, vector<16xf32>,
          tpu.vector_store %arg11[%parallel_loop3A_1160], %parallel_loop3A_1154 {strides = array<i32>} : memref<32768xf32, #tpu.memory_space<vmem>>, vector<16xf32>,
          %parallel_loop3A_1162 = arith.addf %parallel_loop3A_930, %parallel_loop3A_943 : vector<16xf32>
          %parallel_loop3A_1163 = arith.addf %parallel_loop3A_956, %parallel_loop3A_969 : vector<16xf32>
          %parallel_loop3A_1164 = arith.addf %parallel_loop3A_982, %parallel_loop3A_995 : vector<16xf32>
          %parallel_loop3A_1165 = arith.addf %parallel_loop3A_1008, %parallel_loop3A_1021 : vector<16xf32>
          %parallel_loop3A_1166 = arith.addf %parallel_loop3A_1034, %parallel_loop3A_1047 : vector<16xf32>
          %parallel_loop3A_1167 = arith.addf %parallel_loop3A_1060, %parallel_loop3A_1073 : vector<16xf32>
          %parallel_loop3A_1168 = arith.addf %parallel_loop3A_1086, %parallel_loop3A_1099 : vector<16xf32>
          %parallel_loop3A_1169 = arith.addf %parallel_loop3A_1112, %parallel_loop3A_1125 : vector<16xf32>
          %parallel_loop3A_1170 = arith.addf %parallel_loop3A_1162, %parallel_loop3A_1163 : vector<16xf32>
          %parallel_loop3A_1171 = arith.addf %parallel_loop3A_1164, %parallel_loop3A_1165 : vector<16xf32>
          %parallel_loop3A_1172 = arith.addf %parallel_loop3A_1166, %parallel_loop3A_1167 : vector<16xf32>
          %parallel_loop3A_1173 = arith.addf %parallel_loop3A_1168, %parallel_loop3A_1169 : vector<16xf32>
          %parallel_loop3A_1174 = arith.addf %parallel_loop3A_1170, %parallel_loop3A_1171 : vector<16xf32>
          %parallel_loop3A_1175 = arith.addf %parallel_loop3A_1172, %parallel_loop3A_1173 : vector<16xf32>
          %parallel_loop3A_1176 = arith.addf %parallel_loop3A_1174, %parallel_loop3A_1175 : vector<16xf32>
          %parallel_loop3A_1177 = arith.addf %parallel_loop3A_1176, %parallel_loop3A_1138 : vector<16xf32>
          %parallel_loop3A_1178 = arith.constant 2 : i32
          %parallel_loop3A_1179 = arith.muli %parallel_loop3A_1178, %parallel_loop3A_917 : i32
          %parallel_loop3A_1180 = arith.constant 1 : i32
          %parallel_loop3A_1181 = arith.addi %parallel_loop3A_1179, %parallel_loop3A_1180 : i32
          %parallel_loop3A_1182 = arith.constant 512 : i32
          %parallel_loop3A_1183 = arith.muli %parallel_loop3A_1181, %parallel_loop3A_1182 : i32
          %parallel_loop3A_1184 = arith.addi %parallel_loop3A_1183, %mul3A_45 : i32
          %parallel_loop3A_1185 = arith.index_cast %parallel_loop3A_1184 : i32 to index
          %parallel_loop3A_1186 = tpu.vector_load %arg11[%parallel_loop3A_1185] {strides = array<i32>} : memref<32768xf32, #tpu.memory_space<vmem>>, vector<16xf32>,
          tpu.vector_store %arg11[%parallel_loop3A_1185], %parallel_loop3A_1177 {strides = array<i32>} : memref<32768xf32, #tpu.memory_space<vmem>>, vector<16xf32>,
        } {sc.loop_unroll_factor = 2 : i64, sc.parallel_access}
        %mul3A_498 = arith.constant 1.000000e+00 : f32
        %mul3A_499 = vector.broadcast %mul3A_498 : f32 to vector<16xf32>
        %mul3A_500 = arith.mulf %mul3A_499, %get3A_50 : vector<16xf32>
        %add3A_501 = arith.addf %add3A_53, %mul3A_500 : vector<16xf32>
        %add3A_502 = arith.constant 0x4B400000 : f32
        %add3A_503 = vector.broadcast %add3A_502 : f32 to vector<16xf32>
        %add3A_504 = arith.addf %add3A_501, %add3A_503 : vector<16xf32>
        %sub3A_505 = arith.constant 0x4B400000 : f32
        %sub3A_506 = vector.broadcast %sub3A_505 : f32 to vector<16xf32>
        %sub3A_507 = arith.subf %add3A_504, %sub3A_506 : vector<16xf32>
        %jit3A_508 = arith.constant 0.000000e+00 : f32
        %jit3A_509 = arith.constant 2.047000e+03 : f32
        %max3A_510 = vector.broadcast %jit3A_508 : f32 to vector<16xf32>
        %max3A_511 = arith.maximumf %max3A_510, %sub3A_507 : vector<16xf32>
        %min3A_512 = vector.broadcast %jit3A_509 : f32 to vector<16xf32>
        %min3A_513 = arith.minimumf %min3A_512, %max3A_511 : vector<16xf32>
        %convert_element_type3A_514 = arith.fptosi %min3A_513 : vector<16xf32> to vector<16xi32>
        %sub3A_515 = vector.broadcast %and3A_13 : i32 to vector<16xi32>
        %sub3A_516 = arith.subi %convert_element_type3A_514, %sub3A_515 : vector<16xi32>
        %mul3A_517 = arith.constant 33 : i32
        %mul3A_518 = vector.broadcast %mul3A_517 : i32 to vector<16xi32>
        %mul3A_519 = arith.muli %sub3A_516, %mul3A_518 : vector<16xi32>
        %add3A_520 = arith.constant 8704 : i32
        %add3A_521 = arith.addi %add3A_520, %mul3A_45 : i32
        %get3A_522 = arith.index_cast %add3A_521 : i32 to index
        %get3A_523 = tpu.vector_load %arg10[%get3A_522] {strides = array<i32>} : memref<16896xf32, #tpu.memory_space<vmem>>, vector<16xf32>,
        %mul3A_524 = arith.constant 2.000000e+00 : f32
        %mul3A_525 = vector.broadcast %mul3A_524 : f32 to vector<16xf32>
        %mul3A_526 = arith.mulf %mul3A_525, %get3A_50 : vector<16xf32>
        %add3A_527 = arith.addf %add3A_53, %mul3A_526 : vector<16xf32>
        %add3A_528 = arith.constant 0x4B400000 : f32
        %add3A_529 = vector.broadcast %add3A_528 : f32 to vector<16xf32>
        %add3A_530 = arith.addf %add3A_527, %add3A_529 : vector<16xf32>
        %sub3A_531 = arith.constant 0x4B400000 : f32
        %sub3A_532 = vector.broadcast %sub3A_531 : f32 to vector<16xf32>
        %sub3A_533 = arith.subf %add3A_530, %sub3A_532 : vector<16xf32>
        %jit3A_534 = arith.constant 0.000000e+00 : f32
        %jit3A_535 = arith.constant 2.047000e+03 : f32
        %max3A_536 = vector.broadcast %jit3A_534 : f32 to vector<16xf32>
        %max3A_537 = arith.maximumf %max3A_536, %sub3A_533 : vector<16xf32>
        %min3A_538 = vector.broadcast %jit3A_535 : f32 to vector<16xf32>
        %min3A_539 = arith.minimumf %min3A_538, %max3A_537 : vector<16xf32>
        %convert_element_type3A_540 = arith.fptosi %min3A_539 : vector<16xf32> to vector<16xi32>
        %sub3A_541 = vector.broadcast %and3A_13 : i32 to vector<16xi32>
        %sub3A_542 = arith.subi %convert_element_type3A_540, %sub3A_541 : vector<16xi32>
        %mul3A_543 = arith.constant 33 : i32
        %mul3A_544 = vector.broadcast %mul3A_543 : i32 to vector<16xi32>
        %mul3A_545 = arith.muli %sub3A_542, %mul3A_544 : vector<16xi32>
        %add3A_546 = arith.constant 9216 : i32
        %add3A_547 = arith.addi %add3A_546, %mul3A_45 : i32
        %get3A_548 = arith.index_cast %add3A_547 : i32 to index
        %get3A_549 = tpu.vector_load %arg10[%get3A_548] {strides = array<i32>} : memref<16896xf32, #tpu.memory_space<vmem>>, vector<16xf32>,
        %mul3A_550 = arith.constant 3.000000e+00 : f32
        %mul3A_551 = vector.broadcast %mul3A_550 : f32 to vector<16xf32>
        %mul3A_552 = arith.mulf %mul3A_551, %get3A_50 : vector<16xf32>
        %add3A_553 = arith.addf %add3A_53, %mul3A_552 : vector<16xf32>
        %add3A_554 = arith.constant 0x4B400000 : f32
        %add3A_555 = vector.broadcast %add3A_554 : f32 to vector<16xf32>
        %add3A_556 = arith.addf %add3A_553, %add3A_555 : vector<16xf32>
        %sub3A_557 = arith.constant 0x4B400000 : f32
        %sub3A_558 = vector.broadcast %sub3A_557 : f32 to vector<16xf32>
        %sub3A_559 = arith.subf %add3A_556, %sub3A_558 : vector<16xf32>
        %jit3A_560 = arith.constant 0.000000e+00 : f32
        %jit3A_561 = arith.constant 2.047000e+03 : f32
        %max3A_562 = vector.broadcast %jit3A_560 : f32 to vector<16xf32>
        %max3A_563 = arith.maximumf %max3A_562, %sub3A_559 : vector<16xf32>
        %min3A_564 = vector.broadcast %jit3A_561 : f32 to vector<16xf32>
        %min3A_565 = arith.minimumf %min3A_564, %max3A_563 : vector<16xf32>
        %convert_element_type3A_566 = arith.fptosi %min3A_565 : vector<16xf32> to vector<16xi32>
        %sub3A_567 = vector.broadcast %and3A_13 : i32 to vector<16xi32>
        %sub3A_568 = arith.subi %convert_element_type3A_566, %sub3A_567 : vector<16xi32>
        %mul3A_569 = arith.constant 33 : i32
        %mul3A_570 = vector.broadcast %mul3A_569 : i32 to vector<16xi32>
        %mul3A_571 = arith.muli %sub3A_568, %mul3A_570 : vector<16xi32>
        %add3A_572 = arith.constant 9728 : i32
        %add3A_573 = arith.addi %add3A_572, %mul3A_45 : i32
        %get3A_574 = arith.index_cast %add3A_573 : i32 to index
        %get3A_575 = tpu.vector_load %arg10[%get3A_574] {strides = array<i32>} : memref<16896xf32, #tpu.memory_space<vmem>>, vector<16xf32>,
        %mul3A_576 = arith.constant 4.000000e+00 : f32
        %mul3A_577 = vector.broadcast %mul3A_576 : f32 to vector<16xf32>
        %mul3A_578 = arith.mulf %mul3A_577, %get3A_50 : vector<16xf32>
        %add3A_579 = arith.addf %add3A_53, %mul3A_578 : vector<16xf32>
        %add3A_580 = arith.constant 0x4B400000 : f32
        %add3A_581 = vector.broadcast %add3A_580 : f32 to vector<16xf32>
        %add3A_582 = arith.addf %add3A_579, %add3A_581 : vector<16xf32>
        %sub3A_583 = arith.constant 0x4B400000 : f32
        %sub3A_584 = vector.broadcast %sub3A_583 : f32 to vector<16xf32>
        %sub3A_585 = arith.subf %add3A_582, %sub3A_584 : vector<16xf32>
        %jit3A_586 = arith.constant 0.000000e+00 : f32
        %jit3A_587 = arith.constant 2.047000e+03 : f32
        %max3A_588 = vector.broadcast %jit3A_586 : f32 to vector<16xf32>
        %max3A_589 = arith.maximumf %max3A_588, %sub3A_585 : vector<16xf32>
        %min3A_590 = vector.broadcast %jit3A_587 : f32 to vector<16xf32>
        %min3A_591 = arith.minimumf %min3A_590, %max3A_589 : vector<16xf32>
        %convert_element_type3A_592 = arith.fptosi %min3A_591 : vector<16xf32> to vector<16xi32>
        %sub3A_593 = vector.broadcast %and3A_13 : i32 to vector<16xi32>
        %sub3A_594 = arith.subi %convert_element_type3A_592, %sub3A_593 : vector<16xi32>
        %mul3A_595 = arith.constant 33 : i32
        %mul3A_596 = vector.broadcast %mul3A_595 : i32 to vector<16xi32>
        %mul3A_597 = arith.muli %sub3A_594, %mul3A_596 : vector<16xi32>
        %add3A_598 = arith.constant 10240 : i32
        %add3A_599 = arith.addi %add3A_598, %mul3A_45 : i32
        %get3A_600 = arith.index_cast %add3A_599 : i32 to index
        %get3A_601 = tpu.vector_load %arg10[%get3A_600] {strides = array<i32>} : memref<16896xf32, #tpu.memory_space<vmem>>, vector<16xf32>,
        %mul3A_602 = arith.constant 5.000000e+00 : f32
        %mul3A_603 = vector.broadcast %mul3A_602 : f32 to vector<16xf32>
        %mul3A_604 = arith.mulf %mul3A_603, %get3A_50 : vector<16xf32>
        %add3A_605 = arith.addf %add3A_53, %mul3A_604 : vector<16xf32>
        %add3A_606 = arith.constant 0x4B400000 : f32
        %add3A_607 = vector.broadcast %add3A_606 : f32 to vector<16xf32>
        %add3A_608 = arith.addf %add3A_605, %add3A_607 : vector<16xf32>
        %sub3A_609 = arith.constant 0x4B400000 : f32
        %sub3A_610 = vector.broadcast %sub3A_609 : f32 to vector<16xf32>
        %sub3A_611 = arith.subf %add3A_608, %sub3A_610 : vector<16xf32>
        %jit3A_612 = arith.constant 0.000000e+00 : f32
        %jit3A_613 = arith.constant 2.047000e+03 : f32
        %max3A_614 = vector.broadcast %jit3A_612 : f32 to vector<16xf32>
        %max3A_615 = arith.maximumf %max3A_614, %sub3A_611 : vector<16xf32>
        %min3A_616 = vector.broadcast %jit3A_613 : f32 to vector<16xf32>
        %min3A_617 = arith.minimumf %min3A_616, %max3A_615 : vector<16xf32>
        %convert_element_type3A_618 = arith.fptosi %min3A_617 : vector<16xf32> to vector<16xi32>
        %sub3A_619 = vector.broadcast %and3A_13 : i32 to vector<16xi32>
        %sub3A_620 = arith.subi %convert_element_type3A_618, %sub3A_619 : vector<16xi32>
        %mul3A_621 = arith.constant 33 : i32
        %mul3A_622 = vector.broadcast %mul3A_621 : i32 to vector<16xi32>
        %mul3A_623 = arith.muli %sub3A_620, %mul3A_622 : vector<16xi32>
        %add3A_624 = arith.constant 10752 : i32
        %add3A_625 = arith.addi %add3A_624, %mul3A_45 : i32
        %get3A_626 = arith.index_cast %add3A_625 : i32 to index
        %get3A_627 = tpu.vector_load %arg10[%get3A_626] {strides = array<i32>} : memref<16896xf32, #tpu.memory_space<vmem>>, vector<16xf32>,
        %mul3A_628 = arith.constant 6.000000e+00 : f32
        %mul3A_629 = vector.broadcast %mul3A_628 : f32 to vector<16xf32>
        %mul3A_630 = arith.mulf %mul3A_629, %get3A_50 : vector<16xf32>
        %add3A_631 = arith.addf %add3A_53, %mul3A_630 : vector<16xf32>
        %add3A_632 = arith.constant 0x4B400000 : f32
        %add3A_633 = vector.broadcast %add3A_632 : f32 to vector<16xf32>
        %add3A_634 = arith.addf %add3A_631, %add3A_633 : vector<16xf32>
        %sub3A_635 = arith.constant 0x4B400000 : f32
        %sub3A_636 = vector.broadcast %sub3A_635 : f32 to vector<16xf32>
        %sub3A_637 = arith.subf %add3A_634, %sub3A_636 : vector<16xf32>
        %jit3A_638 = arith.constant 0.000000e+00 : f32
        %jit3A_639 = arith.constant 2.047000e+03 : f32
        %max3A_640 = vector.broadcast %jit3A_638 : f32 to vector<16xf32>
        %max3A_641 = arith.maximumf %max3A_640, %sub3A_637 : vector<16xf32>
        %min3A_642 = vector.broadcast %jit3A_639 : f32 to vector<16xf32>
        %min3A_643 = arith.minimumf %min3A_642, %max3A_641 : vector<16xf32>
        %convert_element_type3A_644 = arith.fptosi %min3A_643 : vector<16xf32> to vector<16xi32>
        %sub3A_645 = vector.broadcast %and3A_13 : i32 to vector<16xi32>
        %sub3A_646 = arith.subi %convert_element_type3A_644, %sub3A_645 : vector<16xi32>
        %mul3A_647 = arith.constant 33 : i32
        %mul3A_648 = vector.broadcast %mul3A_647 : i32 to vector<16xi32>
        %mul3A_649 = arith.muli %sub3A_646, %mul3A_648 : vector<16xi32>
        %add3A_650 = arith.constant 11264 : i32
        %add3A_651 = arith.addi %add3A_650, %mul3A_45 : i32
        %get3A_652 = arith.index_cast %add3A_651 : i32 to index
        %get3A_653 = tpu.vector_load %arg10[%get3A_652] {strides = array<i32>} : memref<16896xf32, #tpu.memory_space<vmem>>, vector<16xf32>,
        %mul3A_654 = arith.constant 7.000000e+00 : f32
        %mul3A_655 = vector.broadcast %mul3A_654 : f32 to vector<16xf32>
        %mul3A_656 = arith.mulf %mul3A_655, %get3A_50 : vector<16xf32>
        %add3A_657 = arith.addf %add3A_53, %mul3A_656 : vector<16xf32>
        %add3A_658 = arith.constant 0x4B400000 : f32
        %add3A_659 = vector.broadcast %add3A_658 : f32 to vector<16xf32>
        %add3A_660 = arith.addf %add3A_657, %add3A_659 : vector<16xf32>
        %sub3A_661 = arith.constant 0x4B400000 : f32
        %sub3A_662 = vector.broadcast %sub3A_661 : f32 to vector<16xf32>
        %sub3A_663 = arith.subf %add3A_660, %sub3A_662 : vector<16xf32>
        %jit3A_664 = arith.constant 0.000000e+00 : f32
        %jit3A_665 = arith.constant 2.047000e+03 : f32
        %max3A_666 = vector.broadcast %jit3A_664 : f32 to vector<16xf32>
        %max3A_667 = arith.maximumf %max3A_666, %sub3A_663 : vector<16xf32>
        %min3A_668 = vector.broadcast %jit3A_665 : f32 to vector<16xf32>
        %min3A_669 = arith.minimumf %min3A_668, %max3A_667 : vector<16xf32>
        %convert_element_type3A_670 = arith.fptosi %min3A_669 : vector<16xf32> to vector<16xi32>
        %sub3A_671 = vector.broadcast %and3A_13 : i32 to vector<16xi32>
        %sub3A_672 = arith.subi %convert_element_type3A_670, %sub3A_671 : vector<16xi32>
        %mul3A_673 = arith.constant 33 : i32
        %mul3A_674 = vector.broadcast %mul3A_673 : i32 to vector<16xi32>
        %mul3A_675 = arith.muli %sub3A_672, %mul3A_674 : vector<16xi32>
        %add3A_676 = arith.constant 11776 : i32
        %add3A_677 = arith.addi %add3A_676, %mul3A_45 : i32
        %get3A_678 = arith.index_cast %add3A_677 : i32 to index
        %get3A_679 = tpu.vector_load %arg10[%get3A_678] {strides = array<i32>} : memref<16896xf32, #tpu.memory_space<vmem>>, vector<16xf32>,
        %mul3A_680 = arith.constant 8.000000e+00 : f32
        %mul3A_681 = vector.broadcast %mul3A_680 : f32 to vector<16xf32>
        %mul3A_682 = arith.mulf %mul3A_681, %get3A_50 : vector<16xf32>
        %add3A_683 = arith.addf %add3A_53, %mul3A_682 : vector<16xf32>
        %add3A_684 = arith.constant 0x4B400000 : f32
        %add3A_685 = vector.broadcast %add3A_684 : f32 to vector<16xf32>
        %add3A_686 = arith.addf %add3A_683, %add3A_685 : vector<16xf32>
        %sub3A_687 = arith.constant 0x4B400000 : f32
        %sub3A_688 = vector.broadcast %sub3A_687 : f32 to vector<16xf32>
        %sub3A_689 = arith.subf %add3A_686, %sub3A_688 : vector<16xf32>
        %jit3A_690 = arith.constant 0.000000e+00 : f32
        %jit3A_691 = arith.constant 2.047000e+03 : f32
        %max3A_692 = vector.broadcast %jit3A_690 : f32 to vector<16xf32>
        %max3A_693 = arith.maximumf %max3A_692, %sub3A_689 : vector<16xf32>
        %min3A_694 = vector.broadcast %jit3A_691 : f32 to vector<16xf32>
        %min3A_695 = arith.minimumf %min3A_694, %max3A_693 : vector<16xf32>
        %convert_element_type3A_696 = arith.fptosi %min3A_695 : vector<16xf32> to vector<16xi32>
        %sub3A_697 = vector.broadcast %and3A_13 : i32 to vector<16xi32>
        %sub3A_698 = arith.subi %convert_element_type3A_696, %sub3A_697 : vector<16xi32>
        %mul3A_699 = arith.constant 33 : i32
        %mul3A_700 = vector.broadcast %mul3A_699 : i32 to vector<16xi32>
        %mul3A_701 = arith.muli %sub3A_698, %mul3A_700 : vector<16xi32>
        %add3A_702 = arith.constant 12288 : i32
        %add3A_703 = arith.addi %add3A_702, %mul3A_45 : i32
        %get3A_704 = arith.index_cast %add3A_703 : i32 to index
        %get3A_705 = tpu.vector_load %arg10[%get3A_704] {strides = array<i32>} : memref<16896xf32, #tpu.memory_space<vmem>>, vector<16xf32>,
        %mul3A_706 = arith.constant 9.000000e+00 : f32
        %mul3A_707 = vector.broadcast %mul3A_706 : f32 to vector<16xf32>
        %mul3A_708 = arith.mulf %mul3A_707, %get3A_50 : vector<16xf32>
        %add3A_709 = arith.addf %add3A_53, %mul3A_708 : vector<16xf32>
        %add3A_710 = arith.constant 0x4B400000 : f32
        %add3A_711 = vector.broadcast %add3A_710 : f32 to vector<16xf32>
        %add3A_712 = arith.addf %add3A_709, %add3A_711 : vector<16xf32>
        %sub3A_713 = arith.constant 0x4B400000 : f32
        %sub3A_714 = vector.broadcast %sub3A_713 : f32 to vector<16xf32>
        %sub3A_715 = arith.subf %add3A_712, %sub3A_714 : vector<16xf32>
        %jit3A_716 = arith.constant 0.000000e+00 : f32
        %jit3A_717 = arith.constant 2.047000e+03 : f32
        %max3A_718 = vector.broadcast %jit3A_716 : f32 to vector<16xf32>
        %max3A_719 = arith.maximumf %max3A_718, %sub3A_715 : vector<16xf32>
        %min3A_720 = vector.broadcast %jit3A_717 : f32 to vector<16xf32>
        %min3A_721 = arith.minimumf %min3A_720, %max3A_719 : vector<16xf32>
        %convert_element_type3A_722 = arith.fptosi %min3A_721 : vector<16xf32> to vector<16xi32>
        %sub3A_723 = vector.broadcast %and3A_13 : i32 to vector<16xi32>
        %sub3A_724 = arith.subi %convert_element_type3A_722, %sub3A_723 : vector<16xi32>
        %mul3A_725 = arith.constant 33 : i32
        %mul3A_726 = vector.broadcast %mul3A_725 : i32 to vector<16xi32>
        %mul3A_727 = arith.muli %sub3A_724, %mul3A_726 : vector<16xi32>
        %add3A_728 = arith.constant 12800 : i32
        %add3A_729 = arith.addi %add3A_728, %mul3A_45 : i32
        %get3A_730 = arith.index_cast %add3A_729 : i32 to index
        %get3A_731 = tpu.vector_load %arg10[%get3A_730] {strides = array<i32>} : memref<16896xf32, #tpu.memory_space<vmem>>, vector<16xf32>,
        %mul3A_732 = arith.constant 1.000000e+01 : f32
        %mul3A_733 = vector.broadcast %mul3A_732 : f32 to vector<16xf32>
        %mul3A_734 = arith.mulf %mul3A_733, %get3A_50 : vector<16xf32>
        %add3A_735 = arith.addf %add3A_53, %mul3A_734 : vector<16xf32>
        %add3A_736 = arith.constant 0x4B400000 : f32
        %add3A_737 = vector.broadcast %add3A_736 : f32 to vector<16xf32>
        %add3A_738 = arith.addf %add3A_735, %add3A_737 : vector<16xf32>
        %sub3A_739 = arith.constant 0x4B400000 : f32
        %sub3A_740 = vector.broadcast %sub3A_739 : f32 to vector<16xf32>
        %sub3A_741 = arith.subf %add3A_738, %sub3A_740 : vector<16xf32>
        %jit3A_742 = arith.constant 0.000000e+00 : f32
        %jit3A_743 = arith.constant 2.047000e+03 : f32
        %max3A_744 = vector.broadcast %jit3A_742 : f32 to vector<16xf32>
        %max3A_745 = arith.maximumf %max3A_744, %sub3A_741 : vector<16xf32>
        %min3A_746 = vector.broadcast %jit3A_743 : f32 to vector<16xf32>
        %min3A_747 = arith.minimumf %min3A_746, %max3A_745 : vector<16xf32>
        %convert_element_type3A_748 = arith.fptosi %min3A_747 : vector<16xf32> to vector<16xi32>
        %sub3A_749 = vector.broadcast %and3A_13 : i32 to vector<16xi32>
        %sub3A_750 = arith.subi %convert_element_type3A_748, %sub3A_749 : vector<16xi32>
        %mul3A_751 = arith.constant 33 : i32
        %mul3A_752 = vector.broadcast %mul3A_751 : i32 to vector<16xi32>
        %mul3A_753 = arith.muli %sub3A_750, %mul3A_752 : vector<16xi32>
        %add3A_754 = arith.constant 13312 : i32
        %add3A_755 = arith.addi %add3A_754, %mul3A_45 : i32
        %get3A_756 = arith.index_cast %add3A_755 : i32 to index
        %get3A_757 = tpu.vector_load %arg10[%get3A_756] {strides = array<i32>} : memref<16896xf32, #tpu.memory_space<vmem>>, vector<16xf32>,
        %mul3A_758 = arith.constant 1.100000e+01 : f32
        %mul3A_759 = vector.broadcast %mul3A_758 : f32 to vector<16xf32>
        %mul3A_760 = arith.mulf %mul3A_759, %get3A_50 : vector<16xf32>
        %add3A_761 = arith.addf %add3A_53, %mul3A_760 : vector<16xf32>
        %add3A_762 = arith.constant 0x4B400000 : f32
        %add3A_763 = vector.broadcast %add3A_762 : f32 to vector<16xf32>
        %add3A_764 = arith.addf %add3A_761, %add3A_763 : vector<16xf32>
        %sub3A_765 = arith.constant 0x4B400000 : f32
        %sub3A_766 = vector.broadcast %sub3A_765 : f32 to vector<16xf32>
        %sub3A_767 = arith.subf %add3A_764, %sub3A_766 : vector<16xf32>
        %jit3A_768 = arith.constant 0.000000e+00 : f32
        %jit3A_769 = arith.constant 2.047000e+03 : f32
        %max3A_770 = vector.broadcast %jit3A_768 : f32 to vector<16xf32>
        %max3A_771 = arith.maximumf %max3A_770, %sub3A_767 : vector<16xf32>
        %min3A_772 = vector.broadcast %jit3A_769 : f32 to vector<16xf32>
        %min3A_773 = arith.minimumf %min3A_772, %max3A_771 : vector<16xf32>
        %convert_element_type3A_774 = arith.fptosi %min3A_773 : vector<16xf32> to vector<16xi32>
        %sub3A_775 = vector.broadcast %and3A_13 : i32 to vector<16xi32>
        %sub3A_776 = arith.subi %convert_element_type3A_774, %sub3A_775 : vector<16xi32>
        %mul3A_777 = arith.constant 33 : i32
        %mul3A_778 = vector.broadcast %mul3A_777 : i32 to vector<16xi32>
        %mul3A_779 = arith.muli %sub3A_776, %mul3A_778 : vector<16xi32>
        %add3A_780 = arith.constant 13824 : i32
        %add3A_781 = arith.addi %add3A_780, %mul3A_45 : i32
        %get3A_782 = arith.index_cast %add3A_781 : i32 to index
        %get3A_783 = tpu.vector_load %arg10[%get3A_782] {strides = array<i32>} : memref<16896xf32, #tpu.memory_space<vmem>>, vector<16xf32>,
        %mul3A_784 = arith.constant 1.200000e+01 : f32
        %mul3A_785 = vector.broadcast %mul3A_784 : f32 to vector<16xf32>
        %mul3A_786 = arith.mulf %mul3A_785, %get3A_50 : vector<16xf32>
        %add3A_787 = arith.addf %add3A_53, %mul3A_786 : vector<16xf32>
        %add3A_788 = arith.constant 0x4B400000 : f32
        %add3A_789 = vector.broadcast %add3A_788 : f32 to vector<16xf32>
        %add3A_790 = arith.addf %add3A_787, %add3A_789 : vector<16xf32>
        %sub3A_791 = arith.constant 0x4B400000 : f32
        %sub3A_792 = vector.broadcast %sub3A_791 : f32 to vector<16xf32>
        %sub3A_793 = arith.subf %add3A_790, %sub3A_792 : vector<16xf32>
        %jit3A_794 = arith.constant 0.000000e+00 : f32
        %jit3A_795 = arith.constant 2.047000e+03 : f32
        %max3A_796 = vector.broadcast %jit3A_794 : f32 to vector<16xf32>
        %max3A_797 = arith.maximumf %max3A_796, %sub3A_793 : vector<16xf32>
        %min3A_798 = vector.broadcast %jit3A_795 : f32 to vector<16xf32>
        %min3A_799 = arith.minimumf %min3A_798, %max3A_797 : vector<16xf32>
        %convert_element_type3A_800 = arith.fptosi %min3A_799 : vector<16xf32> to vector<16xi32>
        %sub3A_801 = vector.broadcast %and3A_13 : i32 to vector<16xi32>
        %sub3A_802 = arith.subi %convert_element_type3A_800, %sub3A_801 : vector<16xi32>
        %mul3A_803 = arith.constant 33 : i32
        %mul3A_804 = vector.broadcast %mul3A_803 : i32 to vector<16xi32>
        %mul3A_805 = arith.muli %sub3A_802, %mul3A_804 : vector<16xi32>
        %add3A_806 = arith.constant 14336 : i32
        %add3A_807 = arith.addi %add3A_806, %mul3A_45 : i32
        %get3A_808 = arith.index_cast %add3A_807 : i32 to index
        %get3A_809 = tpu.vector_load %arg10[%get3A_808] {strides = array<i32>} : memref<16896xf32, #tpu.memory_space<vmem>>, vector<16xf32>,
        %mul3A_810 = arith.constant 1.300000e+01 : f32
        %mul3A_811 = vector.broadcast %mul3A_810 : f32 to vector<16xf32>
        %mul3A_812 = arith.mulf %mul3A_811, %get3A_50 : vector<16xf32>
        %add3A_813 = arith.addf %add3A_53, %mul3A_812 : vector<16xf32>
        %add3A_814 = arith.constant 0x4B400000 : f32
        %add3A_815 = vector.broadcast %add3A_814 : f32 to vector<16xf32>
        %add3A_816 = arith.addf %add3A_813, %add3A_815 : vector<16xf32>
        %sub3A_817 = arith.constant 0x4B400000 : f32
        %sub3A_818 = vector.broadcast %sub3A_817 : f32 to vector<16xf32>
        %sub3A_819 = arith.subf %add3A_816, %sub3A_818 : vector<16xf32>
        %jit3A_820 = arith.constant 0.000000e+00 : f32
        %jit3A_821 = arith.constant 2.047000e+03 : f32
        %max3A_822 = vector.broadcast %jit3A_820 : f32 to vector<16xf32>
        %max3A_823 = arith.maximumf %max3A_822, %sub3A_819 : vector<16xf32>
        %min3A_824 = vector.broadcast %jit3A_821 : f32 to vector<16xf32>
        %min3A_825 = arith.minimumf %min3A_824, %max3A_823 : vector<16xf32>
        %convert_element_type3A_826 = arith.fptosi %min3A_825 : vector<16xf32> to vector<16xi32>
        %sub3A_827 = vector.broadcast %and3A_13 : i32 to vector<16xi32>
        %sub3A_828 = arith.subi %convert_element_type3A_826, %sub3A_827 : vector<16xi32>
        %mul3A_829 = arith.constant 33 : i32
        %mul3A_830 = vector.broadcast %mul3A_829 : i32 to vector<16xi32>
        %mul3A_831 = arith.muli %sub3A_828, %mul3A_830 : vector<16xi32>
        %add3A_832 = arith.constant 14848 : i32
        %add3A_833 = arith.addi %add3A_832, %mul3A_45 : i32
        %get3A_834 = arith.index_cast %add3A_833 : i32 to index
        %get3A_835 = tpu.vector_load %arg10[%get3A_834] {strides = array<i32>} : memref<16896xf32, #tpu.memory_space<vmem>>, vector<16xf32>,
        %mul3A_836 = arith.constant 1.400000e+01 : f32
        %mul3A_837 = vector.broadcast %mul3A_836 : f32 to vector<16xf32>
        %mul3A_838 = arith.mulf %mul3A_837, %get3A_50 : vector<16xf32>
        %add3A_839 = arith.addf %add3A_53, %mul3A_838 : vector<16xf32>
        %add3A_840 = arith.constant 0x4B400000 : f32
        %add3A_841 = vector.broadcast %add3A_840 : f32 to vector<16xf32>
        %add3A_842 = arith.addf %add3A_839, %add3A_841 : vector<16xf32>
        %sub3A_843 = arith.constant 0x4B400000 : f32
        %sub3A_844 = vector.broadcast %sub3A_843 : f32 to vector<16xf32>
        %sub3A_845 = arith.subf %add3A_842, %sub3A_844 : vector<16xf32>
        %jit3A_846 = arith.constant 0.000000e+00 : f32
        %jit3A_847 = arith.constant 2.047000e+03 : f32
        %max3A_848 = vector.broadcast %jit3A_846 : f32 to vector<16xf32>
        %max3A_849 = arith.maximumf %max3A_848, %sub3A_845 : vector<16xf32>
        %min3A_850 = vector.broadcast %jit3A_847 : f32 to vector<16xf32>
        %min3A_851 = arith.minimumf %min3A_850, %max3A_849 : vector<16xf32>
        %convert_element_type3A_852 = arith.fptosi %min3A_851 : vector<16xf32> to vector<16xi32>
        %sub3A_853 = vector.broadcast %and3A_13 : i32 to vector<16xi32>
        %sub3A_854 = arith.subi %convert_element_type3A_852, %sub3A_853 : vector<16xi32>
        %mul3A_855 = arith.constant 33 : i32
        %mul3A_856 = vector.broadcast %mul3A_855 : i32 to vector<16xi32>
        %mul3A_857 = arith.muli %sub3A_854, %mul3A_856 : vector<16xi32>
        %add3A_858 = arith.constant 15360 : i32
        %add3A_859 = arith.addi %add3A_858, %mul3A_45 : i32
        %get3A_860 = arith.index_cast %add3A_859 : i32 to index
        %get3A_861 = tpu.vector_load %arg10[%get3A_860] {strides = array<i32>} : memref<16896xf32, #tpu.memory_space<vmem>>, vector<16xf32>,
        %mul3A_862 = arith.constant 1.500000e+01 : f32
        %mul3A_863 = vector.broadcast %mul3A_862 : f32 to vector<16xf32>
        %mul3A_864 = arith.mulf %mul3A_863, %get3A_50 : vector<16xf32>
        %add3A_865 = arith.addf %add3A_53, %mul3A_864 : vector<16xf32>
        %add3A_866 = arith.constant 0x4B400000 : f32
        %add3A_867 = vector.broadcast %add3A_866 : f32 to vector<16xf32>
        %add3A_868 = arith.addf %add3A_865, %add3A_867 : vector<16xf32>
        %sub3A_869 = arith.constant 0x4B400000 : f32
        %sub3A_870 = vector.broadcast %sub3A_869 : f32 to vector<16xf32>
        %sub3A_871 = arith.subf %add3A_868, %sub3A_870 : vector<16xf32>
        %jit3A_872 = arith.constant 0.000000e+00 : f32
        %jit3A_873 = arith.constant 2.047000e+03 : f32
        %max3A_874 = vector.broadcast %jit3A_872 : f32 to vector<16xf32>
        %max3A_875 = arith.maximumf %max3A_874, %sub3A_871 : vector<16xf32>
        %min3A_876 = vector.broadcast %jit3A_873 : f32 to vector<16xf32>
        %min3A_877 = arith.minimumf %min3A_876, %max3A_875 : vector<16xf32>
        %convert_element_type3A_878 = arith.fptosi %min3A_877 : vector<16xf32> to vector<16xi32>
        %sub3A_879 = vector.broadcast %and3A_13 : i32 to vector<16xi32>
        %sub3A_880 = arith.subi %convert_element_type3A_878, %sub3A_879 : vector<16xi32>
        %mul3A_881 = arith.constant 33 : i32
        %mul3A_882 = vector.broadcast %mul3A_881 : i32 to vector<16xi32>
        %mul3A_883 = arith.muli %sub3A_880, %mul3A_882 : vector<16xi32>
        %add3A_884 = arith.constant 15872 : i32
        %add3A_885 = arith.addi %add3A_884, %mul3A_45 : i32
        %get3A_886 = arith.index_cast %add3A_885 : i32 to index
        %get3A_887 = tpu.vector_load %arg10[%get3A_886] {strides = array<i32>} : memref<16896xf32, #tpu.memory_space<vmem>>, vector<16xf32>,
        %mul3A_888 = arith.constant 1.600000e+01 : f32
        %mul3A_889 = vector.broadcast %mul3A_888 : f32 to vector<16xf32>
        %mul3A_890 = arith.mulf %mul3A_889, %get3A_50 : vector<16xf32>
        %add3A_891 = arith.addf %add3A_53, %mul3A_890 : vector<16xf32>
        %add3A_892 = arith.constant 0x4B400000 : f32
        %add3A_893 = vector.broadcast %add3A_892 : f32 to vector<16xf32>
        %add3A_894 = arith.addf %add3A_891, %add3A_893 : vector<16xf32>
        %sub3A_895 = arith.constant 0x4B400000 : f32
        %sub3A_896 = vector.broadcast %sub3A_895 : f32 to vector<16xf32>
        %sub3A_897 = arith.subf %add3A_894, %sub3A_896 : vector<16xf32>
        %jit3A_898 = arith.constant 0.000000e+00 : f32
        %jit3A_899 = arith.constant 2.047000e+03 : f32
        %max3A_900 = vector.broadcast %jit3A_898 : f32 to vector<16xf32>
        %max3A_901 = arith.maximumf %max3A_900, %sub3A_897 : vector<16xf32>
        %min3A_902 = vector.broadcast %jit3A_899 : f32 to vector<16xf32>
        %min3A_903 = arith.minimumf %min3A_902, %max3A_901 : vector<16xf32>
        %convert_element_type3A_904 = arith.fptosi %min3A_903 : vector<16xf32> to vector<16xi32>
        %sub3A_905 = vector.broadcast %and3A_13 : i32 to vector<16xi32>
        %sub3A_906 = arith.subi %convert_element_type3A_904, %sub3A_905 : vector<16xi32>
        %mul3A_907 = arith.constant 33 : i32
        %mul3A_908 = vector.broadcast %mul3A_907 : i32 to vector<16xi32>
        %mul3A_909 = arith.muli %sub3A_906, %mul3A_908 : vector<16xi32>
        %add3A_910 = arith.constant 16384 : i32
        %add3A_911 = arith.addi %add3A_910, %mul3A_45 : i32
        %get3A_912 = arith.index_cast %add3A_911 : i32 to index
        %get3A_913 = tpu.vector_load %arg10[%get3A_912] {strides = array<i32>} : memref<16896xf32, #tpu.memory_space<vmem>>, vector<16xf32>,
        %parallel_loop3A_914 = arith.constant 0 : i32
        %parallel_loop3A_915 = arith.constant 32 : i32
        %parallel_loop3A_916 = arith.constant 1 : i32
        scf.for %parallel_loop3A_917 = %parallel_loop3A_914 to %parallel_loop3A_915 step %parallel_loop3A_916  : i32 {
          %parallel_loop3A_918 = vector.broadcast %parallel_loop3A_917 : i32 to vector<16xi32>
          %parallel_loop3A_919 = arith.addi %mul3A_519, %parallel_loop3A_918 : vector<16xi32>
          %parallel_loop3A_920 = tpu.vector_load_idx %arg7[%parallel_loop3A_919] : memref<35112xi32, #tpu.memory_space<vmem>>[vector<16xi32>], vector<16xi32>,
          %parallel_loop3A_921 = arith.constant 16 : i32
          %parallel_loop3A_922 = vector.broadcast %parallel_loop3A_921 : i32 to vector<16xi32>
          %parallel_loop3A_923 = arith.shli %parallel_loop3A_920, %parallel_loop3A_922 : vector<16xi32>
          %parallel_loop3A_924 = vector.bitcast %parallel_loop3A_923 : vector<16xi32> to vector<16xf32>
          %parallel_loop3A_925 = arith.constant -65536 : i32
          %parallel_loop3A_926 = vector.broadcast %parallel_loop3A_925 : i32 to vector<16xi32>
          %parallel_loop3A_927 = arith.andi %parallel_loop3A_920, %parallel_loop3A_926 : vector<16xi32>
          %parallel_loop3A_928 = vector.bitcast %parallel_loop3A_927 : vector<16xi32> to vector<16xf32>
          %parallel_loop3A_929 = arith.mulf %get3A_523, %parallel_loop3A_924 : vector<16xf32>
          %parallel_loop3A_930 = arith.mulf %get3A_523, %parallel_loop3A_928 : vector<16xf32>
          %parallel_loop3A_931 = vector.broadcast %parallel_loop3A_917 : i32 to vector<16xi32>
          %parallel_loop3A_932 = arith.addi %mul3A_545, %parallel_loop3A_931 : vector<16xi32>
          %parallel_loop3A_933 = tpu.vector_load_idx %arg7[%parallel_loop3A_932] : memref<35112xi32, #tpu.memory_space<vmem>>[vector<16xi32>], vector<16xi32>,
          %parallel_loop3A_934 = arith.constant 16 : i32
          %parallel_loop3A_935 = vector.broadcast %parallel_loop3A_934 : i32 to vector<16xi32>
          %parallel_loop3A_936 = arith.shli %parallel_loop3A_933, %parallel_loop3A_935 : vector<16xi32>
          %parallel_loop3A_937 = vector.bitcast %parallel_loop3A_936 : vector<16xi32> to vector<16xf32>
          %parallel_loop3A_938 = arith.constant -65536 : i32
          %parallel_loop3A_939 = vector.broadcast %parallel_loop3A_938 : i32 to vector<16xi32>
          %parallel_loop3A_940 = arith.andi %parallel_loop3A_933, %parallel_loop3A_939 : vector<16xi32>
          %parallel_loop3A_941 = vector.bitcast %parallel_loop3A_940 : vector<16xi32> to vector<16xf32>
          %parallel_loop3A_942 = arith.mulf %get3A_549, %parallel_loop3A_937 : vector<16xf32>
          %parallel_loop3A_943 = arith.mulf %get3A_549, %parallel_loop3A_941 : vector<16xf32>
          %parallel_loop3A_944 = vector.broadcast %parallel_loop3A_917 : i32 to vector<16xi32>
          %parallel_loop3A_945 = arith.addi %mul3A_571, %parallel_loop3A_944 : vector<16xi32>
          %parallel_loop3A_946 = tpu.vector_load_idx %arg7[%parallel_loop3A_945] : memref<35112xi32, #tpu.memory_space<vmem>>[vector<16xi32>], vector<16xi32>,
          %parallel_loop3A_947 = arith.constant 16 : i32
          %parallel_loop3A_948 = vector.broadcast %parallel_loop3A_947 : i32 to vector<16xi32>
          %parallel_loop3A_949 = arith.shli %parallel_loop3A_946, %parallel_loop3A_948 : vector<16xi32>
          %parallel_loop3A_950 = vector.bitcast %parallel_loop3A_949 : vector<16xi32> to vector<16xf32>
          %parallel_loop3A_951 = arith.constant -65536 : i32
          %parallel_loop3A_952 = vector.broadcast %parallel_loop3A_951 : i32 to vector<16xi32>
          %parallel_loop3A_953 = arith.andi %parallel_loop3A_946, %parallel_loop3A_952 : vector<16xi32>
          %parallel_loop3A_954 = vector.bitcast %parallel_loop3A_953 : vector<16xi32> to vector<16xf32>
          %parallel_loop3A_955 = arith.mulf %get3A_575, %parallel_loop3A_950 : vector<16xf32>
          %parallel_loop3A_956 = arith.mulf %get3A_575, %parallel_loop3A_954 : vector<16xf32>
          %parallel_loop3A_957 = vector.broadcast %parallel_loop3A_917 : i32 to vector<16xi32>
          %parallel_loop3A_958 = arith.addi %mul3A_597, %parallel_loop3A_957 : vector<16xi32>
          %parallel_loop3A_959 = tpu.vector_load_idx %arg7[%parallel_loop3A_958] : memref<35112xi32, #tpu.memory_space<vmem>>[vector<16xi32>], vector<16xi32>,
          %parallel_loop3A_960 = arith.constant 16 : i32
          %parallel_loop3A_961 = vector.broadcast %parallel_loop3A_960 : i32 to vector<16xi32>
          %parallel_loop3A_962 = arith.shli %parallel_loop3A_959, %parallel_loop3A_961 : vector<16xi32>
          %parallel_loop3A_963 = vector.bitcast %parallel_loop3A_962 : vector<16xi32> to vector<16xf32>
          %parallel_loop3A_964 = arith.constant -65536 : i32
          %parallel_loop3A_965 = vector.broadcast %parallel_loop3A_964 : i32 to vector<16xi32>
          %parallel_loop3A_966 = arith.andi %parallel_loop3A_959, %parallel_loop3A_965 : vector<16xi32>
          %parallel_loop3A_967 = vector.bitcast %parallel_loop3A_966 : vector<16xi32> to vector<16xf32>
          %parallel_loop3A_968 = arith.mulf %get3A_601, %parallel_loop3A_963 : vector<16xf32>
          %parallel_loop3A_969 = arith.mulf %get3A_601, %parallel_loop3A_967 : vector<16xf32>
          %parallel_loop3A_970 = vector.broadcast %parallel_loop3A_917 : i32 to vector<16xi32>
          %parallel_loop3A_971 = arith.addi %mul3A_623, %parallel_loop3A_970 : vector<16xi32>
          %parallel_loop3A_972 = tpu.vector_load_idx %arg7[%parallel_loop3A_971] : memref<35112xi32, #tpu.memory_space<vmem>>[vector<16xi32>], vector<16xi32>,
          %parallel_loop3A_973 = arith.constant 16 : i32
          %parallel_loop3A_974 = vector.broadcast %parallel_loop3A_973 : i32 to vector<16xi32>
          %parallel_loop3A_975 = arith.shli %parallel_loop3A_972, %parallel_loop3A_974 : vector<16xi32>
          %parallel_loop3A_976 = vector.bitcast %parallel_loop3A_975 : vector<16xi32> to vector<16xf32>
          %parallel_loop3A_977 = arith.constant -65536 : i32
          %parallel_loop3A_978 = vector.broadcast %parallel_loop3A_977 : i32 to vector<16xi32>
          %parallel_loop3A_979 = arith.andi %parallel_loop3A_972, %parallel_loop3A_978 : vector<16xi32>
          %parallel_loop3A_980 = vector.bitcast %parallel_loop3A_979 : vector<16xi32> to vector<16xf32>
          %parallel_loop3A_981 = arith.mulf %get3A_627, %parallel_loop3A_976 : vector<16xf32>
          %parallel_loop3A_982 = arith.mulf %get3A_627, %parallel_loop3A_980 : vector<16xf32>
          %parallel_loop3A_983 = vector.broadcast %parallel_loop3A_917 : i32 to vector<16xi32>
          %parallel_loop3A_984 = arith.addi %mul3A_649, %parallel_loop3A_983 : vector<16xi32>
          %parallel_loop3A_985 = tpu.vector_load_idx %arg7[%parallel_loop3A_984] : memref<35112xi32, #tpu.memory_space<vmem>>[vector<16xi32>], vector<16xi32>,
          %parallel_loop3A_986 = arith.constant 16 : i32
          %parallel_loop3A_987 = vector.broadcast %parallel_loop3A_986 : i32 to vector<16xi32>
          %parallel_loop3A_988 = arith.shli %parallel_loop3A_985, %parallel_loop3A_987 : vector<16xi32>
          %parallel_loop3A_989 = vector.bitcast %parallel_loop3A_988 : vector<16xi32> to vector<16xf32>
          %parallel_loop3A_990 = arith.constant -65536 : i32
          %parallel_loop3A_991 = vector.broadcast %parallel_loop3A_990 : i32 to vector<16xi32>
          %parallel_loop3A_992 = arith.andi %parallel_loop3A_985, %parallel_loop3A_991 : vector<16xi32>
          %parallel_loop3A_993 = vector.bitcast %parallel_loop3A_992 : vector<16xi32> to vector<16xf32>
          %parallel_loop3A_994 = arith.mulf %get3A_653, %parallel_loop3A_989 : vector<16xf32>
          %parallel_loop3A_995 = arith.mulf %get3A_653, %parallel_loop3A_993 : vector<16xf32>
          %parallel_loop3A_996 = vector.broadcast %parallel_loop3A_917 : i32 to vector<16xi32>
          %parallel_loop3A_997 = arith.addi %mul3A_675, %parallel_loop3A_996 : vector<16xi32>
          %parallel_loop3A_998 = tpu.vector_load_idx %arg7[%parallel_loop3A_997] : memref<35112xi32, #tpu.memory_space<vmem>>[vector<16xi32>], vector<16xi32>,
          %parallel_loop3A_999 = arith.constant 16 : i32
          %parallel_loop3A_1000 = vector.broadcast %parallel_loop3A_999 : i32 to vector<16xi32>
          %parallel_loop3A_1001 = arith.shli %parallel_loop3A_998, %parallel_loop3A_1000 : vector<16xi32>
          %parallel_loop3A_1002 = vector.bitcast %parallel_loop3A_1001 : vector<16xi32> to vector<16xf32>
          %parallel_loop3A_1003 = arith.constant -65536 : i32
          %parallel_loop3A_1004 = vector.broadcast %parallel_loop3A_1003 : i32 to vector<16xi32>
          %parallel_loop3A_1005 = arith.andi %parallel_loop3A_998, %parallel_loop3A_1004 : vector<16xi32>
          %parallel_loop3A_1006 = vector.bitcast %parallel_loop3A_1005 : vector<16xi32> to vector<16xf32>
          %parallel_loop3A_1007 = arith.mulf %get3A_679, %parallel_loop3A_1002 : vector<16xf32>
          %parallel_loop3A_1008 = arith.mulf %get3A_679, %parallel_loop3A_1006 : vector<16xf32>
          %parallel_loop3A_1009 = vector.broadcast %parallel_loop3A_917 : i32 to vector<16xi32>
          %parallel_loop3A_1010 = arith.addi %mul3A_701, %parallel_loop3A_1009 : vector<16xi32>
          %parallel_loop3A_1011 = tpu.vector_load_idx %arg7[%parallel_loop3A_1010] : memref<35112xi32, #tpu.memory_space<vmem>>[vector<16xi32>], vector<16xi32>,
          %parallel_loop3A_1012 = arith.constant 16 : i32
          %parallel_loop3A_1013 = vector.broadcast %parallel_loop3A_1012 : i32 to vector<16xi32>
          %parallel_loop3A_1014 = arith.shli %parallel_loop3A_1011, %parallel_loop3A_1013 : vector<16xi32>
          %parallel_loop3A_1015 = vector.bitcast %parallel_loop3A_1014 : vector<16xi32> to vector<16xf32>
          %parallel_loop3A_1016 = arith.constant -65536 : i32
          %parallel_loop3A_1017 = vector.broadcast %parallel_loop3A_1016 : i32 to vector<16xi32>
          %parallel_loop3A_1018 = arith.andi %parallel_loop3A_1011, %parallel_loop3A_1017 : vector<16xi32>
          %parallel_loop3A_1019 = vector.bitcast %parallel_loop3A_1018 : vector<16xi32> to vector<16xf32>
          %parallel_loop3A_1020 = arith.mulf %get3A_705, %parallel_loop3A_1015 : vector<16xf32>
          %parallel_loop3A_1021 = arith.mulf %get3A_705, %parallel_loop3A_1019 : vector<16xf32>
          %parallel_loop3A_1022 = vector.broadcast %parallel_loop3A_917 : i32 to vector<16xi32>
          %parallel_loop3A_1023 = arith.addi %mul3A_727, %parallel_loop3A_1022 : vector<16xi32>
          %parallel_loop3A_1024 = tpu.vector_load_idx %arg7[%parallel_loop3A_1023] : memref<35112xi32, #tpu.memory_space<vmem>>[vector<16xi32>], vector<16xi32>,
          %parallel_loop3A_1025 = arith.constant 16 : i32
          %parallel_loop3A_1026 = vector.broadcast %parallel_loop3A_1025 : i32 to vector<16xi32>
          %parallel_loop3A_1027 = arith.shli %parallel_loop3A_1024, %parallel_loop3A_1026 : vector<16xi32>
          %parallel_loop3A_1028 = vector.bitcast %parallel_loop3A_1027 : vector<16xi32> to vector<16xf32>
          %parallel_loop3A_1029 = arith.constant -65536 : i32
          %parallel_loop3A_1030 = vector.broadcast %parallel_loop3A_1029 : i32 to vector<16xi32>
          %parallel_loop3A_1031 = arith.andi %parallel_loop3A_1024, %parallel_loop3A_1030 : vector<16xi32>
          %parallel_loop3A_1032 = vector.bitcast %parallel_loop3A_1031 : vector<16xi32> to vector<16xf32>
          %parallel_loop3A_1033 = arith.mulf %get3A_731, %parallel_loop3A_1028 : vector<16xf32>
          %parallel_loop3A_1034 = arith.mulf %get3A_731, %parallel_loop3A_1032 : vector<16xf32>
          %parallel_loop3A_1035 = vector.broadcast %parallel_loop3A_917 : i32 to vector<16xi32>
          %parallel_loop3A_1036 = arith.addi %mul3A_753, %parallel_loop3A_1035 : vector<16xi32>
          %parallel_loop3A_1037 = tpu.vector_load_idx %arg7[%parallel_loop3A_1036] : memref<35112xi32, #tpu.memory_space<vmem>>[vector<16xi32>], vector<16xi32>,
          %parallel_loop3A_1038 = arith.constant 16 : i32
          %parallel_loop3A_1039 = vector.broadcast %parallel_loop3A_1038 : i32 to vector<16xi32>
          %parallel_loop3A_1040 = arith.shli %parallel_loop3A_1037, %parallel_loop3A_1039 : vector<16xi32>
          %parallel_loop3A_1041 = vector.bitcast %parallel_loop3A_1040 : vector<16xi32> to vector<16xf32>
          %parallel_loop3A_1042 = arith.constant -65536 : i32
          %parallel_loop3A_1043 = vector.broadcast %parallel_loop3A_1042 : i32 to vector<16xi32>
          %parallel_loop3A_1044 = arith.andi %parallel_loop3A_1037, %parallel_loop3A_1043 : vector<16xi32>
          %parallel_loop3A_1045 = vector.bitcast %parallel_loop3A_1044 : vector<16xi32> to vector<16xf32>
          %parallel_loop3A_1046 = arith.mulf %get3A_757, %parallel_loop3A_1041 : vector<16xf32>
          %parallel_loop3A_1047 = arith.mulf %get3A_757, %parallel_loop3A_1045 : vector<16xf32>
          %parallel_loop3A_1048 = vector.broadcast %parallel_loop3A_917 : i32 to vector<16xi32>
          %parallel_loop3A_1049 = arith.addi %mul3A_779, %parallel_loop3A_1048 : vector<16xi32>
          %parallel_loop3A_1050 = tpu.vector_load_idx %arg7[%parallel_loop3A_1049] : memref<35112xi32, #tpu.memory_space<vmem>>[vector<16xi32>], vector<16xi32>,
          %parallel_loop3A_1051 = arith.constant 16 : i32
          %parallel_loop3A_1052 = vector.broadcast %parallel_loop3A_1051 : i32 to vector<16xi32>
          %parallel_loop3A_1053 = arith.shli %parallel_loop3A_1050, %parallel_loop3A_1052 : vector<16xi32>
          %parallel_loop3A_1054 = vector.bitcast %parallel_loop3A_1053 : vector<16xi32> to vector<16xf32>
          %parallel_loop3A_1055 = arith.constant -65536 : i32
          %parallel_loop3A_1056 = vector.broadcast %parallel_loop3A_1055 : i32 to vector<16xi32>
          %parallel_loop3A_1057 = arith.andi %parallel_loop3A_1050, %parallel_loop3A_1056 : vector<16xi32>
          %parallel_loop3A_1058 = vector.bitcast %parallel_loop3A_1057 : vector<16xi32> to vector<16xf32>
          %parallel_loop3A_1059 = arith.mulf %get3A_783, %parallel_loop3A_1054 : vector<16xf32>
          %parallel_loop3A_1060 = arith.mulf %get3A_783, %parallel_loop3A_1058 : vector<16xf32>
          %parallel_loop3A_1061 = vector.broadcast %parallel_loop3A_917 : i32 to vector<16xi32>
          %parallel_loop3A_1062 = arith.addi %mul3A_805, %parallel_loop3A_1061 : vector<16xi32>
          %parallel_loop3A_1063 = tpu.vector_load_idx %arg7[%parallel_loop3A_1062] : memref<35112xi32, #tpu.memory_space<vmem>>[vector<16xi32>], vector<16xi32>,
          %parallel_loop3A_1064 = arith.constant 16 : i32
          %parallel_loop3A_1065 = vector.broadcast %parallel_loop3A_1064 : i32 to vector<16xi32>
          %parallel_loop3A_1066 = arith.shli %parallel_loop3A_1063, %parallel_loop3A_1065 : vector<16xi32>
          %parallel_loop3A_1067 = vector.bitcast %parallel_loop3A_1066 : vector<16xi32> to vector<16xf32>
          %parallel_loop3A_1068 = arith.constant -65536 : i32
          %parallel_loop3A_1069 = vector.broadcast %parallel_loop3A_1068 : i32 to vector<16xi32>
          %parallel_loop3A_1070 = arith.andi %parallel_loop3A_1063, %parallel_loop3A_1069 : vector<16xi32>
          %parallel_loop3A_1071 = vector.bitcast %parallel_loop3A_1070 : vector<16xi32> to vector<16xf32>
          %parallel_loop3A_1072 = arith.mulf %get3A_809, %parallel_loop3A_1067 : vector<16xf32>
          %parallel_loop3A_1073 = arith.mulf %get3A_809, %parallel_loop3A_1071 : vector<16xf32>
          %parallel_loop3A_1074 = vector.broadcast %parallel_loop3A_917 : i32 to vector<16xi32>
          %parallel_loop3A_1075 = arith.addi %mul3A_831, %parallel_loop3A_1074 : vector<16xi32>
          %parallel_loop3A_1076 = tpu.vector_load_idx %arg7[%parallel_loop3A_1075] : memref<35112xi32, #tpu.memory_space<vmem>>[vector<16xi32>], vector<16xi32>,
          %parallel_loop3A_1077 = arith.constant 16 : i32
          %parallel_loop3A_1078 = vector.broadcast %parallel_loop3A_1077 : i32 to vector<16xi32>
          %parallel_loop3A_1079 = arith.shli %parallel_loop3A_1076, %parallel_loop3A_1078 : vector<16xi32>
          %parallel_loop3A_1080 = vector.bitcast %parallel_loop3A_1079 : vector<16xi32> to vector<16xf32>
          %parallel_loop3A_1081 = arith.constant -65536 : i32
          %parallel_loop3A_1082 = vector.broadcast %parallel_loop3A_1081 : i32 to vector<16xi32>
          %parallel_loop3A_1083 = arith.andi %parallel_loop3A_1076, %parallel_loop3A_1082 : vector<16xi32>
          %parallel_loop3A_1084 = vector.bitcast %parallel_loop3A_1083 : vector<16xi32> to vector<16xf32>
          %parallel_loop3A_1085 = arith.mulf %get3A_835, %parallel_loop3A_1080 : vector<16xf32>
          %parallel_loop3A_1086 = arith.mulf %get3A_835, %parallel_loop3A_1084 : vector<16xf32>
          %parallel_loop3A_1087 = vector.broadcast %parallel_loop3A_917 : i32 to vector<16xi32>
          %parallel_loop3A_1088 = arith.addi %mul3A_857, %parallel_loop3A_1087 : vector<16xi32>
          %parallel_loop3A_1089 = tpu.vector_load_idx %arg7[%parallel_loop3A_1088] : memref<35112xi32, #tpu.memory_space<vmem>>[vector<16xi32>], vector<16xi32>,
          %parallel_loop3A_1090 = arith.constant 16 : i32
          %parallel_loop3A_1091 = vector.broadcast %parallel_loop3A_1090 : i32 to vector<16xi32>
          %parallel_loop3A_1092 = arith.shli %parallel_loop3A_1089, %parallel_loop3A_1091 : vector<16xi32>
          %parallel_loop3A_1093 = vector.bitcast %parallel_loop3A_1092 : vector<16xi32> to vector<16xf32>
          %parallel_loop3A_1094 = arith.constant -65536 : i32
          %parallel_loop3A_1095 = vector.broadcast %parallel_loop3A_1094 : i32 to vector<16xi32>
          %parallel_loop3A_1096 = arith.andi %parallel_loop3A_1089, %parallel_loop3A_1095 : vector<16xi32>
          %parallel_loop3A_1097 = vector.bitcast %parallel_loop3A_1096 : vector<16xi32> to vector<16xf32>
          %parallel_loop3A_1098 = arith.mulf %get3A_861, %parallel_loop3A_1093 : vector<16xf32>
          %parallel_loop3A_1099 = arith.mulf %get3A_861, %parallel_loop3A_1097 : vector<16xf32>
          %parallel_loop3A_1100 = vector.broadcast %parallel_loop3A_917 : i32 to vector<16xi32>
          %parallel_loop3A_1101 = arith.addi %mul3A_883, %parallel_loop3A_1100 : vector<16xi32>
          %parallel_loop3A_1102 = tpu.vector_load_idx %arg7[%parallel_loop3A_1101] : memref<35112xi32, #tpu.memory_space<vmem>>[vector<16xi32>], vector<16xi32>,
          %parallel_loop3A_1103 = arith.constant 16 : i32
          %parallel_loop3A_1104 = vector.broadcast %parallel_loop3A_1103 : i32 to vector<16xi32>
          %parallel_loop3A_1105 = arith.shli %parallel_loop3A_1102, %parallel_loop3A_1104 : vector<16xi32>
          %parallel_loop3A_1106 = vector.bitcast %parallel_loop3A_1105 : vector<16xi32> to vector<16xf32>
          %parallel_loop3A_1107 = arith.constant -65536 : i32
          %parallel_loop3A_1108 = vector.broadcast %parallel_loop3A_1107 : i32 to vector<16xi32>
          %parallel_loop3A_1109 = arith.andi %parallel_loop3A_1102, %parallel_loop3A_1108 : vector<16xi32>
          %parallel_loop3A_1110 = vector.bitcast %parallel_loop3A_1109 : vector<16xi32> to vector<16xf32>
          %parallel_loop3A_1111 = arith.mulf %get3A_887, %parallel_loop3A_1106 : vector<16xf32>
          %parallel_loop3A_1112 = arith.mulf %get3A_887, %parallel_loop3A_1110 : vector<16xf32>
          %parallel_loop3A_1113 = vector.broadcast %parallel_loop3A_917 : i32 to vector<16xi32>
          %parallel_loop3A_1114 = arith.addi %mul3A_909, %parallel_loop3A_1113 : vector<16xi32>
          %parallel_loop3A_1115 = tpu.vector_load_idx %arg7[%parallel_loop3A_1114] : memref<35112xi32, #tpu.memory_space<vmem>>[vector<16xi32>], vector<16xi32>,
          %parallel_loop3A_1116 = arith.constant 16 : i32
          %parallel_loop3A_1117 = vector.broadcast %parallel_loop3A_1116 : i32 to vector<16xi32>
          %parallel_loop3A_1118 = arith.shli %parallel_loop3A_1115, %parallel_loop3A_1117 : vector<16xi32>
          %parallel_loop3A_1119 = vector.bitcast %parallel_loop3A_1118 : vector<16xi32> to vector<16xf32>
          %parallel_loop3A_1120 = arith.constant -65536 : i32
          %parallel_loop3A_1121 = vector.broadcast %parallel_loop3A_1120 : i32 to vector<16xi32>
          %parallel_loop3A_1122 = arith.andi %parallel_loop3A_1115, %parallel_loop3A_1121 : vector<16xi32>
          %parallel_loop3A_1123 = vector.bitcast %parallel_loop3A_1122 : vector<16xi32> to vector<16xf32>
          %parallel_loop3A_1124 = arith.mulf %get3A_913, %parallel_loop3A_1119 : vector<16xf32>
          %parallel_loop3A_1125 = arith.mulf %get3A_913, %parallel_loop3A_1123 : vector<16xf32>
          %parallel_loop3A_1126 = arith.constant 2 : i32
          %parallel_loop3A_1127 = arith.muli %parallel_loop3A_1126, %parallel_loop3A_917 : i32
          %parallel_loop3A_1128 = arith.constant 512 : i32
          %parallel_loop3A_1129 = arith.muli %parallel_loop3A_1127, %parallel_loop3A_1128 : i32
          %parallel_loop3A_1130 = arith.addi %parallel_loop3A_1129, %mul3A_45 : i32
          %parallel_loop3A_1131 = arith.addf %parallel_loop3A_929, %parallel_loop3A_942 : vector<16xf32>
          %parallel_loop3A_1132 = arith.addf %parallel_loop3A_955, %parallel_loop3A_968 : vector<16xf32>
          %parallel_loop3A_1133 = arith.addf %parallel_loop3A_981, %parallel_loop3A_994 : vector<16xf32>
          %parallel_loop3A_1134 = arith.addf %parallel_loop3A_1007, %parallel_loop3A_1020 : vector<16xf32>
          %parallel_loop3A_1135 = arith.addf %parallel_loop3A_1033, %parallel_loop3A_1046 : vector<16xf32>
          %parallel_loop3A_1136 = arith.addf %parallel_loop3A_1059, %parallel_loop3A_1072 : vector<16xf32>
          %parallel_loop3A_1137 = arith.addf %parallel_loop3A_1085, %parallel_loop3A_1098 : vector<16xf32>
          %parallel_loop3A_1138 = arith.addf %parallel_loop3A_1111, %parallel_loop3A_1124 : vector<16xf32>
          %parallel_loop3A_1139 = arith.addf %parallel_loop3A_1131, %parallel_loop3A_1132 : vector<16xf32>
          %parallel_loop3A_1140 = arith.addf %parallel_loop3A_1133, %parallel_loop3A_1134 : vector<16xf32>
          %parallel_loop3A_1141 = arith.addf %parallel_loop3A_1135, %parallel_loop3A_1136 : vector<16xf32>
          %parallel_loop3A_1142 = arith.addf %parallel_loop3A_1137, %parallel_loop3A_1138 : vector<16xf32>
          %parallel_loop3A_1143 = arith.addf %parallel_loop3A_1139, %parallel_loop3A_1140 : vector<16xf32>
          %parallel_loop3A_1144 = arith.addf %parallel_loop3A_1141, %parallel_loop3A_1142 : vector<16xf32>
          %parallel_loop3A_1145 = arith.addf %parallel_loop3A_1143, %parallel_loop3A_1144 : vector<16xf32>
          %parallel_loop3A_1146 = arith.index_cast %parallel_loop3A_1130 : i32 to index
          %parallel_loop3A_1147 = tpu.vector_load %arg11[%parallel_loop3A_1146] {strides = array<i32>} : memref<32768xf32, #tpu.memory_space<vmem>>, vector<16xf32>,
          tpu.vector_store %arg11[%parallel_loop3A_1146], %parallel_loop3A_1145 {add = true, strides = array<i32>} : memref<32768xf32, #tpu.memory_space<vmem>>, vector<16xf32>,
          %parallel_loop3A_1148 = arith.constant 2 : i32
          %parallel_loop3A_1149 = arith.muli %parallel_loop3A_1148, %parallel_loop3A_917 : i32
          %parallel_loop3A_1150 = arith.constant 1 : i32
          %parallel_loop3A_1151 = arith.addi %parallel_loop3A_1149, %parallel_loop3A_1150 : i32
          %parallel_loop3A_1152 = arith.constant 512 : i32
          %parallel_loop3A_1153 = arith.muli %parallel_loop3A_1151, %parallel_loop3A_1152 : i32
          %parallel_loop3A_1154 = arith.addi %parallel_loop3A_1153, %mul3A_45 : i32
          %parallel_loop3A_1155 = arith.addf %parallel_loop3A_930, %parallel_loop3A_943 : vector<16xf32>
          %parallel_loop3A_1156 = arith.addf %parallel_loop3A_956, %parallel_loop3A_969 : vector<16xf32>
          %parallel_loop3A_1157 = arith.addf %parallel_loop3A_982, %parallel_loop3A_995 : vector<16xf32>
          %parallel_loop3A_1158 = arith.addf %parallel_loop3A_1008, %parallel_loop3A_1021 : vector<16xf32>
          %parallel_loop3A_1159 = arith.addf %parallel_loop3A_1034, %parallel_loop3A_1047 : vector<16xf32>
          %parallel_loop3A_1160 = arith.addf %parallel_loop3A_1060, %parallel_loop3A_1073 : vector<16xf32>
          %parallel_loop3A_1161 = arith.addf %parallel_loop3A_1086, %parallel_loop3A_1099 : vector<16xf32>
          %parallel_loop3A_1162 = arith.addf %parallel_loop3A_1112, %parallel_loop3A_1125 : vector<16xf32>
          %parallel_loop3A_1163 = arith.addf %parallel_loop3A_1155, %parallel_loop3A_1156 : vector<16xf32>
          %parallel_loop3A_1164 = arith.addf %parallel_loop3A_1157, %parallel_loop3A_1158 : vector<16xf32>
          %parallel_loop3A_1165 = arith.addf %parallel_loop3A_1159, %parallel_loop3A_1160 : vector<16xf32>
          %parallel_loop3A_1166 = arith.addf %parallel_loop3A_1161, %parallel_loop3A_1162 : vector<16xf32>
          %parallel_loop3A_1167 = arith.addf %parallel_loop3A_1163, %parallel_loop3A_1164 : vector<16xf32>
          %parallel_loop3A_1168 = arith.addf %parallel_loop3A_1165, %parallel_loop3A_1166 : vector<16xf32>
          %parallel_loop3A_1169 = arith.addf %parallel_loop3A_1167, %parallel_loop3A_1168 : vector<16xf32>
          %parallel_loop3A_1170 = arith.index_cast %parallel_loop3A_1154 : i32 to index
          %parallel_loop3A_1171 = tpu.vector_load %arg11[%parallel_loop3A_1170] {strides = array<i32>} : memref<32768xf32, #tpu.memory_space<vmem>>, vector<16xf32>,
          tpu.vector_store %arg11[%parallel_loop3A_1170], %parallel_loop3A_1169 {add = true, strides = array<i32>} : memref<32768xf32, #tpu.memory_space<vmem>>, vector<16xf32>,
        } {sc.loop_unroll_factor = 2 : i64, sc.parallel_access}
      }
      %scan3A_36 = arith.constant 32 : i32
      %mul3A_37 = arith.constant 2 : i32
      %mul3A_38 = arith.muli %add3A, %mul3A_37 : i32
      %add3A_39 = arith.addi %mul3A_38, %scan3A_6 : i32
      %mul3A_40 = arith.constant 32768 : i32
      %mul3A_41 = arith.muli %add3A_39, %mul3A_40 : i32
      %multiple_of3A_42 = tpu.assume_multiple %mul3A_41, 256 : i32
      "tpu.region"() ({
        %run_scoped3A = tpu.sem_alloc : memref<!tpu.dma_semaphore, #tpu.memory_space<semaphore_mem>>
        %dma_start3A = tpu.memref_slice %arg6[%multiple_of3A_42] : memref<2097152xf32, #tpu.memory_space<hbm>> -> memref<32768xf32, #tpu.memory_space<hbm>>
        %dma_start3A_43 = tpu.memref_slice %arg6[%multiple_of3A_42] : memref<2097152xf32, #tpu.memory_space<hbm>> -> memref<32768xf32, #tpu.memory_space<hbm>>
        tpu.enqueue_dma source(%arg11 : memref<32768xf32, #tpu.memory_space<vmem>>) target(%dma_start3A_43 : memref<32768xf32, #tpu.memory_space<hbm>>) target_semaphore(%run_scoped3A : memref<!tpu.dma_semaphore, #tpu.memory_space<semaphore_mem>>)
        %dma_wait3A = tpu.memref_slice %arg6[%multiple_of3A_42] : memref<2097152xf32, #tpu.memory_space<hbm>> -> memref<32768xf32, #tpu.memory_space<hbm>>
        %dma_wait3A_44 = tpu.memref_slice %arg6[%multiple_of3A_42] : memref<2097152xf32, #tpu.memory_space<hbm>> -> memref<32768xf32, #tpu.memory_space<hbm>>
        tpu.wait_dma2 semaphore(%run_scoped3A : memref<!tpu.dma_semaphore, #tpu.memory_space<semaphore_mem>>) src(%arg11 : memref<32768xf32, #tpu.memory_space<vmem>>) dst(%dma_wait3A_44 : memref<32768xf32, #tpu.memory_space<hbm>>)
        tpu.yield
      }) : () -> ()
    }
    %scan3A_5 = arith.constant 2 : i32
    return
  }
}

module attributes {stable_mosaic.version = 14 : i64} {
  func.func @_proj_body(%arg0: i32, %arg1: memref<512x1024xf32, #tpu.memory_space<vmem>>, %arg2: memref<1024x1024xf32, #tpu.memory_space<vmem>>, %arg3: memref<1x1024xf32, #tpu.memory_space<vmem>>, %arg4: memref<1024x32xf32, #tpu.memory_space<vmem>>, %arg5: memref<1x32xf32, #tpu.memory_space<vmem>>, %arg6: memref<1x16x1x33x512xf32, #tpu.memory_space<vmem>>, %arg7: memref<1x16x512xf32, #tpu.memory_space<vmem>>, %arg8: memref<1x16x512xf32, #tpu.memory_space<vmem>>) attributes {dimension_semantics = [#tpu.dimension_semantics<arbitrary>], iteration_bounds = array<i64: 4>, scalar_prefetch = 0 : i64, scratch_operands = 0 : i64, tpu.core_type = #tpu.core_type<tc>, window_params = [{transform_indices = @transform_0, window_bounds = array<i64: 512, 1024>}, {pipeline_mode = #tpu.pipeline_mode<synchronous>, transform_indices = @transform_1, window_bounds = array<i64: 1024, 1024>}, {pipeline_mode = #tpu.pipeline_mode<synchronous>, transform_indices = @transform_2, window_bounds = array<i64: 1, 1024>}, {pipeline_mode = #tpu.pipeline_mode<synchronous>, transform_indices = @transform_3, window_bounds = array<i64: 1024, 32>}, {pipeline_mode = #tpu.pipeline_mode<synchronous>, transform_indices = @transform_4, window_bounds = array<i64: 1, 32>}, {transform_indices = @transform_5, window_bounds = array<i64: 1, 16, 1, 33, 512>}, {transform_indices = @transform_6, window_bounds = array<i64: 1, 16, 512>}, {transform_indices = @transform_7, window_bounds = array<i64: 1, 16, 512>}]} {
    %get3A = arith.constant 0 : index
    %get3A_0 = arith.constant 0 : index
    %get3A_1 = vector.load %arg1[%get3A, %get3A_0] : memref<512x1024xf32, #tpu.memory_space<vmem>>, vector<512x1024xf32>
    %get3A_2 = arith.constant 0 : index
    %get3A_3 = arith.constant 0 : index
    %get3A_4 = vector.load %arg2[%get3A_2, %get3A_3] : memref<1024x1024xf32, #tpu.memory_space<vmem>>, vector<1024x1024xf32>
    %dot_general3A = arith.constant dense<0.000000e+00> : vector<512x1024xf32>
    %dot_general3A_5 = tpu.matmul %get3A_1, %get3A_4, %dot_general3A {dimension_numbers = #tpu.dot_dimension_numbers<[1], [0], [0], [1], [0, 0, 1, 1], [], []>, transpose_lhs_hint = false} : vector<512x1024xf32>, vector<1024x1024xf32>, vector<512x1024xf32> -> vector<512x1024xf32>
    %get3A_6 = arith.constant 0 : index
    %get3A_7 = arith.constant 0 : index
    %get3A_8 = vector.load %arg3[%get3A_6, %get3A_7] : memref<1x1024xf32, #tpu.memory_space<vmem>>, vector<1x1024xf32>
    %add3A = vector.broadcast %get3A_8 : vector<1x1024xf32> to vector<512x1024xf32>
    %add3A_9 = arith.addf %dot_general3A_5, %add3A : vector<512x1024xf32>
    %logistic3A = arith.negf %add3A_9 : vector<512x1024xf32>
    %logistic3A_10 = math.exp %logistic3A : vector<512x1024xf32>
    %logistic3A_11 = arith.constant 1.000000e+00 : f32
    %logistic3A_12 = vector.broadcast %logistic3A_11 : f32 to vector<512x1024xf32>
    %logistic3A_13 = arith.addf %logistic3A_12, %logistic3A_10 : vector<512x1024xf32>
    %logistic3A_14 = arith.divf %logistic3A_12, %logistic3A_13 : vector<512x1024xf32>
    %mul3A = arith.mulf %add3A_9, %logistic3A_14 : vector<512x1024xf32>
    %reshape3A = vector.shape_cast %mul3A : vector<512x1024xf32> to vector<512x16x64xf32>
    %slice3A = vector.extract_strided_slice %reshape3A {offsets = [0, 0, 0], sizes = [512, 16, 33], strides = [1, 1, 1]} : vector<512x16x64xf32> to vector<512x16x33xf32>
    %transpose3A = tpu.transpose %slice3A, [1, 2, 0] : vector<512x16x33xf32> -> vector<16x33x512xf32>
    %swap3A = arith.constant 0 : index
    %swap3A_15 = arith.constant 0 : index
    %swap3A_16 = arith.constant 0 : index
    %swap3A_17 = arith.constant 0 : index
    %swap3A_18 = arith.constant 0 : index
    %swap3A_19 = vector.load %arg6[%swap3A, %swap3A_15, %swap3A_16, %swap3A_17, %swap3A_18] : memref<1x16x1x33x512xf32, #tpu.memory_space<vmem>>, vector<1x16x1x33x512xf32>
    %swap3A_20 = vector.shape_cast %swap3A_19 : vector<1x16x1x33x512xf32> to vector<16x33x512xf32>
    %swap3A_21 = vector.shape_cast %transpose3A : vector<16x33x512xf32> to vector<1x16x1x33x512xf32>
    tpu.vector_store %arg6[%swap3A, %swap3A_15, %swap3A_16, %swap3A_17, %swap3A_18], %swap3A_21 {strides = array<i32>} : memref<1x16x1x33x512xf32, #tpu.memory_space<vmem>>, vector<1x16x1x33x512xf32>,
    %get3A_22 = arith.constant 0 : index
    %get3A_23 = arith.constant 0 : index
    %get3A_24 = vector.load %arg4[%get3A_22, %get3A_23] : memref<1024x32xf32, #tpu.memory_space<vmem>>, vector<1024x32xf32>
    %dot_general3A_25 = arith.constant dense<0.000000e+00> : vector<512x32xf32>
    %dot_general3A_26 = tpu.matmul %get3A_1, %get3A_24, %dot_general3A_25 {dimension_numbers = #tpu.dot_dimension_numbers<[1], [0], [0], [1], [0, 0, 1, 1], [], []>, transpose_lhs_hint = false} : vector<512x1024xf32>, vector<1024x32xf32>, vector<512x32xf32> -> vector<512x32xf32>
    %get3A_27 = arith.constant 0 : index
    %get3A_28 = arith.constant 0 : index
    %get3A_29 = vector.load %arg5[%get3A_27, %get3A_28] : memref<1x32xf32, #tpu.memory_space<vmem>>, vector<1x32xf32>
    %add3A_30 = vector.broadcast %get3A_29 : vector<1x32xf32> to vector<512x32xf32>
    %add3A_31 = arith.addf %dot_general3A_26, %add3A_30 : vector<512x32xf32>
    %logistic3A_32 = arith.negf %add3A_31 : vector<512x32xf32>
    %logistic3A_33 = math.exp %logistic3A_32 : vector<512x32xf32>
    %logistic3A_34 = arith.constant 1.000000e+00 : f32
    %logistic3A_35 = vector.broadcast %logistic3A_34 : f32 to vector<512x32xf32>
    %logistic3A_36 = arith.addf %logistic3A_35, %logistic3A_33 : vector<512x32xf32>
    %logistic3A_37 = arith.divf %logistic3A_35, %logistic3A_36 : vector<512x32xf32>
    %mul3A_38 = arith.mulf %add3A_31, %logistic3A_37 : vector<512x32xf32>
    %slice3A_39 = vector.extract_strided_slice %mul3A_38 {offsets = [0, 0], sizes = [512, 16], strides = [1, 1]} : vector<512x32xf32> to vector<512x16xf32>
    %logistic3A_40 = arith.negf %slice3A_39 : vector<512x16xf32>
    %logistic3A_41 = math.exp %logistic3A_40 : vector<512x16xf32>
    %logistic3A_42 = arith.constant 1.000000e+00 : f32
    %logistic3A_43 = vector.broadcast %logistic3A_42 : f32 to vector<512x16xf32>
    %logistic3A_44 = arith.addf %logistic3A_43, %logistic3A_41 : vector<512x16xf32>
    %logistic3A_45 = arith.divf %logistic3A_43, %logistic3A_44 : vector<512x16xf32>
    %mul3A_46 = arith.constant 1.500000e+01 : f32
    %mul3A_47 = vector.broadcast %mul3A_46 : f32 to vector<512x16xf32>
    %mul3A_48 = arith.mulf %logistic3A_45, %mul3A_47 : vector<512x16xf32>
    %add3A_49 = arith.constant 1.000000e+00 : f32
    %add3A_50 = vector.broadcast %add3A_49 : f32 to vector<512x16xf32>
    %add3A_51 = arith.addf %mul3A_48, %add3A_50 : vector<512x16xf32>
    %slice3A_52 = vector.extract_strided_slice %mul3A_38 {offsets = [0, 16], sizes = [512, 16], strides = [1, 1]} : vector<512x32xf32> to vector<512x16xf32>
    %tanh3A = math.tanh %slice3A_52 : vector<512x16xf32>
    %mul3A_53 = arith.constant 1.600000e+01 : f32
    %mul3A_54 = vector.broadcast %mul3A_53 : f32 to vector<512x16xf32>
    %mul3A_55 = arith.mulf %tanh3A, %mul3A_54 : vector<512x16xf32>
    %transpose3A_56 = tpu.transpose %add3A_51, [1, 0] : vector<512x16xf32> -> vector<16x512xf32>
    %swap3A_57 = arith.constant 0 : index
    %swap3A_58 = arith.constant 0 : index
    %swap3A_59 = arith.constant 0 : index
    %swap3A_60 = vector.load %arg7[%swap3A_57, %swap3A_58, %swap3A_59] : memref<1x16x512xf32, #tpu.memory_space<vmem>>, vector<1x16x512xf32>
    %swap3A_61 = vector.shape_cast %swap3A_60 : vector<1x16x512xf32> to vector<16x512xf32>
    %swap3A_62 = vector.shape_cast %transpose3A_56 : vector<16x512xf32> to vector<1x16x512xf32>
    tpu.vector_store %arg7[%swap3A_57, %swap3A_58, %swap3A_59], %swap3A_62 {strides = array<i32>} : memref<1x16x512xf32, #tpu.memory_space<vmem>>, vector<1x16x512xf32>,
    %transpose3A_63 = tpu.transpose %mul3A_55, [1, 0] : vector<512x16xf32> -> vector<16x512xf32>
    %swap3A_64 = arith.constant 0 : index
    %swap3A_65 = arith.constant 0 : index
    %swap3A_66 = arith.constant 0 : index
    %swap3A_67 = vector.load %arg8[%swap3A_64, %swap3A_65, %swap3A_66] : memref<1x16x512xf32, #tpu.memory_space<vmem>>, vector<1x16x512xf32>
    %swap3A_68 = vector.shape_cast %swap3A_67 : vector<1x16x512xf32> to vector<16x512xf32>
    %swap3A_69 = vector.shape_cast %transpose3A_63 : vector<16x512xf32> to vector<1x16x512xf32>
    tpu.vector_store %arg8[%swap3A_64, %swap3A_65, %swap3A_66], %swap3A_69 {strides = array<i32>} : memref<1x16x512xf32, #tpu.memory_space<vmem>>, vector<1x16x512xf32>,
    return
  }
  func.func @transform_0(%arg0: i32) -> (i32, i32) {
    %c0_i32 = arith.constant 0 : i32
    %c0_i32_0 = arith.constant 0 : i32
    return %arg0, %c0_i32 : i32, i32
  }
  func.func @transform_1(%arg0: i32) -> (i32, i32) {
    %c0_i32 = arith.constant 0 : i32
    %c0_i32_0 = arith.constant 0 : i32
    %c0_i32_1 = arith.constant 0 : i32
    return %c0_i32, %c0_i32_0 : i32, i32
  }
  func.func @transform_2(%arg0: i32) -> (i32, i32) {
    %c0_i32 = arith.constant 0 : i32
    %c0_i32_0 = arith.constant 0 : i32
    %c0_i32_1 = arith.constant 0 : i32
    return %c0_i32, %c0_i32_0 : i32, i32
  }
  func.func @transform_3(%arg0: i32) -> (i32, i32) {
    %c0_i32 = arith.constant 0 : i32
    %c0_i32_0 = arith.constant 0 : i32
    %c0_i32_1 = arith.constant 0 : i32
    return %c0_i32, %c0_i32_0 : i32, i32
  }
  func.func @transform_4(%arg0: i32) -> (i32, i32) {
    %c0_i32 = arith.constant 0 : i32
    %c0_i32_0 = arith.constant 0 : i32
    %c0_i32_1 = arith.constant 0 : i32
    return %c0_i32, %c0_i32_0 : i32, i32
  }
  func.func @transform_5(%arg0: i32) -> (i32, i32, i32, i32, i32) {
    %jit3A = arith.constant 2 : i32
    %div3A = arith.divsi %arg0, %jit3A : i32
    %sign3A = arith.constant 0 : i32
    %sign3A_0 = arith.cmpi sgt, %arg0, %sign3A : i32
    %sign3A_1 = arith.extui %sign3A_0 : i1 to i32
    %sign3A_2 = arith.constant 0 : i32
    %sign3A_3 = arith.cmpi slt, %arg0, %sign3A_2 : i32
    %sign3A_4 = arith.extui %sign3A_3 : i1 to i32
    %sign3A_5 = arith.subi %sign3A_1, %sign3A_4 : i32
    %sign3A_6 = arith.constant 0 : i32
    %sign3A_7 = arith.cmpi sgt, %jit3A, %sign3A_6 : i32
    %sign3A_8 = arith.extui %sign3A_7 : i1 to i32
    %sign3A_9 = arith.constant 0 : i32
    %sign3A_10 = arith.cmpi slt, %jit3A, %sign3A_9 : i32
    %sign3A_11 = arith.extui %sign3A_10 : i1 to i32
    %sign3A_12 = arith.subi %sign3A_8, %sign3A_11 : i32
    %ne3A = arith.cmpi ne, %sign3A_5, %sign3A_12 : i32
    %rem3A = arith.remsi %arg0, %jit3A : i32
    %ne3A_13 = arith.constant 0 : i32
    %ne3A_14 = arith.cmpi ne, %rem3A, %ne3A_13 : i32
    %and3A = arith.andi %ne3A, %ne3A_14 : i1
    %sub3A = arith.constant 1 : i32
    %sub3A_15 = arith.subi %div3A, %sub3A : i32
    %select_n3A = arith.select %and3A, %sub3A_15, %div3A : i32
    %jit3A_16 = arith.constant 2 : i32
    %eq3A = arith.constant 0 : i32
    %eq3A_17 = arith.cmpi eq, %jit3A_16, %eq3A : i32
    %jit3A_18 = arith.constant 1 : i32
    %select_n3A_19 = arith.select %eq3A_17, %jit3A_18, %jit3A_16 : i32
    %rem3A_20 = arith.remsi %arg0, %select_n3A_19 : i32
    %ne3A_21 = arith.constant 0 : i32
    %ne3A_22 = arith.cmpi ne, %rem3A_20, %ne3A_21 : i32
    %lt3A = arith.constant 0 : i32
    %lt3A_23 = arith.cmpi slt, %rem3A_20, %lt3A : i32
    %lt3A_24 = arith.constant 0 : i32
    %lt3A_25 = arith.cmpi slt, %select_n3A_19, %lt3A_24 : i32
    %ne3A_26 = arith.xori %lt3A_23, %lt3A_25 : i1
    %and3A_27 = arith.andi %ne3A_26, %ne3A_22 : i1
    %add3A = arith.addi %rem3A_20, %select_n3A_19 : i32
    %select_n3A_28 = arith.select %and3A_27, %add3A, %rem3A_20 : i32
    %c0_i32 = arith.constant 0 : i32
    %c0_i32_29 = arith.constant 0 : i32
    %c0_i32_30 = arith.constant 0 : i32
    %c0_i32_31 = arith.constant 0 : i32
    return %select_n3A, %c0_i32, %select_n3A_28, %c0_i32_29, %c0_i32_30 : i32, i32, i32, i32, i32
  }
  func.func @transform_6(%arg0: i32) -> (i32, i32, i32) {
    %jit3A = arith.constant 2 : i32
    %div3A = arith.divsi %arg0, %jit3A : i32
    %sign3A = arith.constant 0 : i32
    %sign3A_0 = arith.cmpi sgt, %arg0, %sign3A : i32
    %sign3A_1 = arith.extui %sign3A_0 : i1 to i32
    %sign3A_2 = arith.constant 0 : i32
    %sign3A_3 = arith.cmpi slt, %arg0, %sign3A_2 : i32
    %sign3A_4 = arith.extui %sign3A_3 : i1 to i32
    %sign3A_5 = arith.subi %sign3A_1, %sign3A_4 : i32
    %sign3A_6 = arith.constant 0 : i32
    %sign3A_7 = arith.cmpi sgt, %jit3A, %sign3A_6 : i32
    %sign3A_8 = arith.extui %sign3A_7 : i1 to i32
    %sign3A_9 = arith.constant 0 : i32
    %sign3A_10 = arith.cmpi slt, %jit3A, %sign3A_9 : i32
    %sign3A_11 = arith.extui %sign3A_10 : i1 to i32
    %sign3A_12 = arith.subi %sign3A_8, %sign3A_11 : i32
    %ne3A = arith.cmpi ne, %sign3A_5, %sign3A_12 : i32
    %rem3A = arith.remsi %arg0, %jit3A : i32
    %ne3A_13 = arith.constant 0 : i32
    %ne3A_14 = arith.cmpi ne, %rem3A, %ne3A_13 : i32
    %and3A = arith.andi %ne3A, %ne3A_14 : i1
    %sub3A = arith.constant 1 : i32
    %sub3A_15 = arith.subi %div3A, %sub3A : i32
    %select_n3A = arith.select %and3A, %sub3A_15, %div3A : i32
    %jit3A_16 = arith.constant 2 : i32
    %eq3A = arith.constant 0 : i32
    %eq3A_17 = arith.cmpi eq, %jit3A_16, %eq3A : i32
    %jit3A_18 = arith.constant 1 : i32
    %select_n3A_19 = arith.select %eq3A_17, %jit3A_18, %jit3A_16 : i32
    %rem3A_20 = arith.remsi %arg0, %select_n3A_19 : i32
    %ne3A_21 = arith.constant 0 : i32
    %ne3A_22 = arith.cmpi ne, %rem3A_20, %ne3A_21 : i32
    %lt3A = arith.constant 0 : i32
    %lt3A_23 = arith.cmpi slt, %rem3A_20, %lt3A : i32
    %lt3A_24 = arith.constant 0 : i32
    %lt3A_25 = arith.cmpi slt, %select_n3A_19, %lt3A_24 : i32
    %ne3A_26 = arith.xori %lt3A_23, %lt3A_25 : i1
    %and3A_27 = arith.andi %ne3A_26, %ne3A_22 : i1
    %add3A = arith.addi %rem3A_20, %select_n3A_19 : i32
    %select_n3A_28 = arith.select %and3A_27, %add3A, %rem3A_20 : i32
    %c0_i32 = arith.constant 0 : i32
    %c0_i32_29 = arith.constant 0 : i32
    return %select_n3A, %c0_i32, %select_n3A_28 : i32, i32, i32
  }
  func.func @transform_7(%arg0: i32) -> (i32, i32, i32) {
    %jit3A = arith.constant 2 : i32
    %div3A = arith.divsi %arg0, %jit3A : i32
    %sign3A = arith.constant 0 : i32
    %sign3A_0 = arith.cmpi sgt, %arg0, %sign3A : i32
    %sign3A_1 = arith.extui %sign3A_0 : i1 to i32
    %sign3A_2 = arith.constant 0 : i32
    %sign3A_3 = arith.cmpi slt, %arg0, %sign3A_2 : i32
    %sign3A_4 = arith.extui %sign3A_3 : i1 to i32
    %sign3A_5 = arith.subi %sign3A_1, %sign3A_4 : i32
    %sign3A_6 = arith.constant 0 : i32
    %sign3A_7 = arith.cmpi sgt, %jit3A, %sign3A_6 : i32
    %sign3A_8 = arith.extui %sign3A_7 : i1 to i32
    %sign3A_9 = arith.constant 0 : i32
    %sign3A_10 = arith.cmpi slt, %jit3A, %sign3A_9 : i32
    %sign3A_11 = arith.extui %sign3A_10 : i1 to i32
    %sign3A_12 = arith.subi %sign3A_8, %sign3A_11 : i32
    %ne3A = arith.cmpi ne, %sign3A_5, %sign3A_12 : i32
    %rem3A = arith.remsi %arg0, %jit3A : i32
    %ne3A_13 = arith.constant 0 : i32
    %ne3A_14 = arith.cmpi ne, %rem3A, %ne3A_13 : i32
    %and3A = arith.andi %ne3A, %ne3A_14 : i1
    %sub3A = arith.constant 1 : i32
    %sub3A_15 = arith.subi %div3A, %sub3A : i32
    %select_n3A = arith.select %and3A, %sub3A_15, %div3A : i32
    %jit3A_16 = arith.constant 2 : i32
    %eq3A = arith.constant 0 : i32
    %eq3A_17 = arith.cmpi eq, %jit3A_16, %eq3A : i32
    %jit3A_18 = arith.constant 1 : i32
    %select_n3A_19 = arith.select %eq3A_17, %jit3A_18, %jit3A_16 : i32
    %rem3A_20 = arith.remsi %arg0, %select_n3A_19 : i32
    %ne3A_21 = arith.constant 0 : i32
    %ne3A_22 = arith.cmpi ne, %rem3A_20, %ne3A_21 : i32
    %lt3A = arith.constant 0 : i32
    %lt3A_23 = arith.cmpi slt, %rem3A_20, %lt3A : i32
    %lt3A_24 = arith.constant 0 : i32
    %lt3A_25 = arith.cmpi slt, %select_n3A_19, %lt3A_24 : i32
    %ne3A_26 = arith.xori %lt3A_23, %lt3A_25 : i1
    %and3A_27 = arith.andi %ne3A_26, %ne3A_22 : i1
    %add3A = arith.addi %rem3A_20, %select_n3A_19 : i32
    %select_n3A_28 = arith.select %and3A_27, %add3A, %rem3A_20 : i32
    %c0_i32 = arith.constant 0 : i32
    %c0_i32_29 = arith.constant 0 : i32
    return %select_n3A, %c0_i32, %select_n3A_28 : i32, i32, i32
  }
}

module attributes {stable_mosaic.version = 14 : i64} {
  func.func @_out_body(%arg0: i32, %arg1: memref<1x16x1x64x512xf32, #tpu.memory_space<vmem>>, %arg2: memref<1024x1024xf32, #tpu.memory_space<vmem>>, %arg3: memref<512x1024xf32, #tpu.memory_space<vmem>>) attributes {dimension_semantics = [#tpu.dimension_semantics<arbitrary>], iteration_bounds = array<i64: 4>, scalar_prefetch = 0 : i64, scratch_operands = 0 : i64, tpu.core_type = #tpu.core_type<tc>, window_params = [{transform_indices = @transform_0, window_bounds = array<i64: 1, 16, 1, 64, 512>}, {pipeline_mode = #tpu.pipeline_mode<synchronous>, transform_indices = @transform_1, window_bounds = array<i64: 1024, 1024>}, {transform_indices = @transform_2, window_bounds = array<i64: 512, 1024>}]} {
    %get3A = arith.constant 0 : index
    %get3A_0 = arith.constant 0 : index
    %get3A_1 = arith.constant 0 : index
    %get3A_2 = arith.constant 0 : index
    %get3A_3 = arith.constant 0 : index
    %get3A_4 = vector.load %arg1[%get3A, %get3A_0, %get3A_1, %get3A_2, %get3A_3] : memref<1x16x1x64x512xf32, #tpu.memory_space<vmem>>, vector<1x16x1x64x512xf32>
    %get3A_5 = vector.shape_cast %get3A_4 : vector<1x16x1x64x512xf32> to vector<16x64x512xf32>
    %transpose3A = tpu.transpose %get3A_5, [2, 0, 1] : vector<16x64x512xf32> -> vector<512x16x64xf32>
    %reshape3A = vector.shape_cast %transpose3A : vector<512x16x64xf32> to vector<512x1024xf32>
    %get3A_6 = arith.constant 0 : index
    %get3A_7 = arith.constant 0 : index
    %get3A_8 = vector.load %arg2[%get3A_6, %get3A_7] : memref<1024x1024xf32, #tpu.memory_space<vmem>>, vector<1024x1024xf32>
    %dot_general3A = arith.constant dense<0.000000e+00> : vector<512x1024xf32>
    %dot_general3A_9 = tpu.matmul %reshape3A, %get3A_8, %dot_general3A {dimension_numbers = #tpu.dot_dimension_numbers<[1], [0], [0], [1], [0, 0, 1, 1], [], []>, transpose_lhs_hint = false} : vector<512x1024xf32>, vector<1024x1024xf32>, vector<512x1024xf32> -> vector<512x1024xf32>
    %logistic3A = arith.negf %dot_general3A_9 : vector<512x1024xf32>
    %logistic3A_10 = math.exp %logistic3A : vector<512x1024xf32>
    %logistic3A_11 = arith.constant 1.000000e+00 : f32
    %logistic3A_12 = vector.broadcast %logistic3A_11 : f32 to vector<512x1024xf32>
    %logistic3A_13 = arith.addf %logistic3A_12, %logistic3A_10 : vector<512x1024xf32>
    %logistic3A_14 = arith.divf %logistic3A_12, %logistic3A_13 : vector<512x1024xf32>
    %mul3A = arith.mulf %dot_general3A_9, %logistic3A_14 : vector<512x1024xf32>
    %swap3A = arith.constant 0 : index
    %swap3A_15 = arith.constant 0 : index
    %swap3A_16 = vector.load %arg3[%swap3A, %swap3A_15] : memref<512x1024xf32, #tpu.memory_space<vmem>>, vector<512x1024xf32>
    tpu.vector_store %arg3[%swap3A, %swap3A_15], %mul3A {strides = array<i32>} : memref<512x1024xf32, #tpu.memory_space<vmem>>, vector<512x1024xf32>,
    return
  }
  func.func @transform_0(%arg0: i32) -> (i32, i32, i32, i32, i32) {
    %jit3A = arith.constant 2 : i32
    %div3A = arith.divsi %arg0, %jit3A : i32
    %sign3A = arith.constant 0 : i32
    %sign3A_0 = arith.cmpi sgt, %arg0, %sign3A : i32
    %sign3A_1 = arith.extui %sign3A_0 : i1 to i32
    %sign3A_2 = arith.constant 0 : i32
    %sign3A_3 = arith.cmpi slt, %arg0, %sign3A_2 : i32
    %sign3A_4 = arith.extui %sign3A_3 : i1 to i32
    %sign3A_5 = arith.subi %sign3A_1, %sign3A_4 : i32
    %sign3A_6 = arith.constant 0 : i32
    %sign3A_7 = arith.cmpi sgt, %jit3A, %sign3A_6 : i32
    %sign3A_8 = arith.extui %sign3A_7 : i1 to i32
    %sign3A_9 = arith.constant 0 : i32
    %sign3A_10 = arith.cmpi slt, %jit3A, %sign3A_9 : i32
    %sign3A_11 = arith.extui %sign3A_10 : i1 to i32
    %sign3A_12 = arith.subi %sign3A_8, %sign3A_11 : i32
    %ne3A = arith.cmpi ne, %sign3A_5, %sign3A_12 : i32
    %rem3A = arith.remsi %arg0, %jit3A : i32
    %ne3A_13 = arith.constant 0 : i32
    %ne3A_14 = arith.cmpi ne, %rem3A, %ne3A_13 : i32
    %and3A = arith.andi %ne3A, %ne3A_14 : i1
    %sub3A = arith.constant 1 : i32
    %sub3A_15 = arith.subi %div3A, %sub3A : i32
    %select_n3A = arith.select %and3A, %sub3A_15, %div3A : i32
    %jit3A_16 = arith.constant 2 : i32
    %eq3A = arith.constant 0 : i32
    %eq3A_17 = arith.cmpi eq, %jit3A_16, %eq3A : i32
    %jit3A_18 = arith.constant 1 : i32
    %select_n3A_19 = arith.select %eq3A_17, %jit3A_18, %jit3A_16 : i32
    %rem3A_20 = arith.remsi %arg0, %select_n3A_19 : i32
    %ne3A_21 = arith.constant 0 : i32
    %ne3A_22 = arith.cmpi ne, %rem3A_20, %ne3A_21 : i32
    %lt3A = arith.constant 0 : i32
    %lt3A_23 = arith.cmpi slt, %rem3A_20, %lt3A : i32
    %lt3A_24 = arith.constant 0 : i32
    %lt3A_25 = arith.cmpi slt, %select_n3A_19, %lt3A_24 : i32
    %ne3A_26 = arith.xori %lt3A_23, %lt3A_25 : i1
    %and3A_27 = arith.andi %ne3A_26, %ne3A_22 : i1
    %add3A = arith.addi %rem3A_20, %select_n3A_19 : i32
    %select_n3A_28 = arith.select %and3A_27, %add3A, %rem3A_20 : i32
    %c0_i32 = arith.constant 0 : i32
    %c0_i32_29 = arith.constant 0 : i32
    %c0_i32_30 = arith.constant 0 : i32
    %c0_i32_31 = arith.constant 0 : i32
    return %select_n3A, %c0_i32, %select_n3A_28, %c0_i32_29, %c0_i32_30 : i32, i32, i32, i32, i32
  }
  func.func @transform_1(%arg0: i32) -> (i32, i32) {
    %c0_i32 = arith.constant 0 : i32
    %c0_i32_0 = arith.constant 0 : i32
    %c0_i32_1 = arith.constant 0 : i32
    return %c0_i32, %c0_i32_0 : i32, i32
  }
  func.func @transform_2(%arg0: i32) -> (i32, i32) {
    %c0_i32 = arith.constant 0 : i32
    %c0_i32_0 = arith.constant 0 : i32
    return %arg0, %c0_i32 : i32, i32
  }
}

</mosaic_0001>

<sc_bundles>
// kernel: gconv_l0.3.cloned.1.call-start
scs
__scs_entry_jumppad:
0x0: {  	(pc) =	sbr.rel $0x88, $3  }
0x1: {  	(tag) =	ssettag $0x0;
	lr =	simm.s32 $0x1  }
0x2: {  	[smem:$0x3F9B] =	sst lr;
	_ =	strace $0xD0000000  }
0x3: {  	_ = 	snop  }
0x4: {  	_ = 	snop  }
0x5: {  	_ = 	snop  }
0x6: {  	_ = 	snop  }
0x7: {  	_ = 	snop  }
__scs_overlays_trampoline_lowered:
0x8: {  	[smem:$0x3FAA] =	sst s0  }
0x9: {  	[smem:$0x3FAB] =	sst s1  }
0xa: {  	[smem:$0x3FAC] =	sst s2  }
0xb: {  	[smem:$0x3FAD] =	sst s3  }
0xc: {  	[smem:$0x3FAE] =	sst s4  }
0xd: {  	[smem:$0x3FAF] =	sst s5  }
0xe: {  	[smem:$0x3FB0] =	sst s6  }
0xf: {  	[smem:$0x3FB1] =	sst s7  }
0x10: {  	[smem:$0x3FB2] =	sst s8  }
0x11: {  	[smem:$0x3FB3] =	sst s9;
	s0 =	simm.s32 @!p0 $0x0  }
0x12: {  	s1 =	sld [smem:$0x3F99];
	s0 =	simm.s32 @p0 $0x1  }
0x13: {  	[smem:$0x3FB4] =	sst s0;
	s0 =	simm.s32 @!p1 $0x0  }
0x14: {  	s2 =	sld [smem:$0x3F98];
	s0 =	simm.s32 @p1 $0x1  }
0x15: {  	[smem:$0x3FB5] =	sst s0;
	s0 =	simm.s32 @!p2 $0x0  }
0x16: {  	s3 =	sld [smem:$0x3FDB];
	s0 =	simm.s32 @p2 $0x1  }
0x17: {  	s4 =	simm.s32 $0x1BF5;
	[smem:$0x3FB7] =	sst s0  }
0x18: {  	s0 =	sld [smem:$0x3F9A];
	_ =	swait.ge [sflag:s4], $0x0  }
0x19: {  	s7 =	sld [smem:$0x3F9B]  }
0x1a: {  	s8 =	sadd.s32 $0xFFFFE003, lr  }
0x1b: {  	s9 =	sadd.s32 $0xFFFFFEF7, lr;
	s5 =	simm.s32 $0xFFFFFFFF;
	p2 =	slt.u32 s8, $0xFFFFF086  }
0x1c: {  	p1 =	slt.u32 s9, $0xF7A;
	s5 =	simm.s32 @!p2 $0x0  }
0x1d: {  	s5 =	simm.s32 @p1 $0x1;
	p0 =	seq.s32 s7, s2  }
0x1e: {  	s7 =	smul.u32 @!p0 $0xF7A, s2;
	p2 =	seq.s32 @!p0 s5, $0x0  }
0x1f: {  	s9 =	smul.u32 $0xF7A, s1;
	s8 =	simm.s32 @!p0 $0x1BF5;
	p2 =	por !p2, p0  }
0x20: {  	[sflag:s8] =	ssyncset.s32 @!p0 $0xFFFFF086;
	s6 =	sadd.s32 @!p0 s3, s7;
	s7 =	simm.s32 @!p0 $0x108  }
0x21: {  	s3 =	sadd.s32 s3, s9;
	s6 =	sadd.s32 @!p0 $0x88, s6;
	s7 =	simm.s32 @p2 $0x1082  }
0x22: {  	[simem:s7], [sflag:s8] =	dma.local @!p0 [hbm:s6], $0xF7A  }
0x23: {  	s9 =	sor.u32 $0xD0000000, s2;
	s6 =	simm.s32 $0x108;
	_ =	swait.ge @!p0 [sflag:s8], $0x0  }
0x24: {  	s3 =	sadd.s32 $0x88, s3;
	s6 =	simm.s32 @!p1 $0x1082;
	[sflag:s4] =	ssyncset.s32 $0xFFFFF086  }
0x25: {  	[simem:s6], [sflag:s4] =	dma.local [hbm:s3], $0xF7A  }
0x26: {  	[smem:$0x3F9B] =	sst s1;
	(tag) =	ssettag s2;
	_ =	strace s9  }
0x27: {  	s1 =	sld [smem:$0x3FAB]  }
0x28: {  	s2 =	sld [smem:$0x3FAC]  }
0x29: {  	s4 =	sld [smem:$0x3FAE]  }
0x2a: {  	p0 =	seq.s32 s5, $0x0;
	s5 =	sld [smem:$0x3FAF]  }
0x2b: {  	s6 =	sld [smem:$0x3FB0]  }
0x2c: {  	s7 =	sld [smem:$0x3FB1]  }
0x2d: {  	s3 =	simm.s32 $0x108;
	s8 =	sld [smem:$0x3FB2]  }
0x2e: {  	s3 =	simm.s32 @!p0 $0x1082;
	s9 =	sld [smem:$0x3FB3]  }
0x2f: {  	lr =	sadd.s32 s0, s3;
	s0 =	sld [smem:$0x3FAA]  }
0x30: {  	s3 =	sld [smem:$0x3FAD]  }
0x31: {  	[smem:$0x3FB6] =	sst s10  }
0x32: {  	s10 =	sld [smem:$0x3FB4];
	_ =	sdelay $0x3  }
0x33: {  	p0 =	seq.s32 s10, $0x1;
	s10 =	sld [smem:$0x3FB6];
	_ =	sdelay $0x3  }
0x34: {  	[smem:$0x3FB6] =	sst s10  }
0x35: {  	s10 =	sld [smem:$0x3FB5];
	_ =	sdelay $0x3  }
0x36: {  	p1 =	seq.s32 s10, $0x1;
	s10 =	sld [smem:$0x3FB6];
	_ =	sdelay $0x3  }
0x37: {  	[smem:$0x3FB6] =	sst s10  }
0x38: {  	s10 =	sld [smem:$0x3FB7]  }
0x39: {  	_ = 	snop;
	(pc) =	sbr.ind lr, $3  }
0x3a: {  	_ = 	snop  }
0x3b: {  	_ = 	snop  }
0x3c: {  	p2 =	seq.s32 s10, $0x1;
	s10 =	sld [smem:$0x3FB6]  }
0x3d: {  	_ =	shalt  }
0x3e: {  	_ =	shalt  }
0x3f: {  	_ =	shalt  }
0x40: {  	_ =	shalt  }
0x41: {  	_ =	shalt  }
0x42: {  	_ =	shalt  }
0x43: {  	_ =	shalt  }
0x44: {  	_ =	shalt  }
0x45: {  	_ =	shalt  }
0x46: {  	_ =	shalt  }
0x47: {  	_ =	shalt  }
0x48: {  	_ =	shalt  }
0x49: {  	_ =	shalt  }
0x4a: {  	_ =	shalt  }
0x4b: {  	_ =	shalt  }
0x4c: {  	_ =	shalt  }
0x4d: {  	_ =	shalt  }
0x4e: {  	_ =	shalt  }
0x4f: {  	_ =	shalt  }
0x50: {  	_ =	shalt  }
0x51: {  	_ =	shalt  }
0x52: {  	_ =	shalt  }
0x53: {  	_ =	shalt  }
0x54: {  	_ =	shalt  }
0x55: {  	_ =	shalt  }
0x56: {  	_ =	shalt  }
0x57: {  	_ =	shalt  }
0x58: {  	_ =	shalt  }
0x59: {  	_ =	shalt  }
0x5a: {  	_ =	shalt  }
0x5b: {  	_ =	shalt  }
0x5c: {  	_ =	shalt  }
0x5d: {  	_ =	shalt  }
0x5e: {  	_ =	shalt  }
0x5f: {  	_ =	shalt  }
0x60: {  	_ =	shalt  }
0x61: {  	_ =	shalt  }
0x62: {  	_ =	shalt  }
0x63: {  	_ =	shalt  }
0x64: {  	_ =	shalt  }
0x65: {  	_ =	shalt  }
0x66: {  	_ =	shalt  }
0x67: {  	_ =	shalt  }
0x68: {  	_ =	shalt  }
0x69: {  	_ =	shalt  }
0x6a: {  	_ =	shalt  }
0x6b: {  	_ =	shalt  }
0x6c: {  	_ =	shalt  }
0x6d: {  	_ =	shalt  }
0x6e: {  	_ =	shalt  }
0x6f: {  	_ =	shalt  }
0x70: {  	_ =	shalt  }
0x71: {  	_ =	shalt  }
0x72: {  	_ =	shalt  }
0x73: {  	_ =	shalt  }
0x74: {  	_ =	shalt  }
0x75: {  	_ =	shalt  }
0x76: {  	_ =	shalt  }
0x77: {  	_ =	shalt  }
0x78: {  	_ =	shalt  }
0x79: {  	_ =	shalt  }
0x7a: {  	_ =	shalt  }
0x7b: {  	_ =	shalt  }
0x7c: {  	_ =	shalt  }
0x7d: {  	_ =	shalt  }
0x7e: {  	_ =	shalt  }
0x7f: {  	_ =	shalt  }
0x80: {  	_ =	shalt  }
0x81: {  	_ =	shalt  }
0x82: {  	_ =	shalt  }
0x83: {  	_ =	shalt  }
0x84: {  	_ =	shalt  }
0x85: {  	_ =	shalt  }
0x86: {  	_ =	shalt  }
0x87: {  	_ =	shalt  }
.Lfunc_end0:
.L_simem_size_0:
called_computation_lowered:
.L_overlay_start_0:
0x88: {  	s2 =	sld [smem:$0x3FD9]  }
0x89: {  	s3 =	sld [smem:$0x3FFE];
	_ =	sdelay $0x1  }
0x8a: {  	s1 =	srdreg.scid  }
0x8b: {  	s0 =	sand.u32 $0x1, s1  }
0x8c: {  	s17 =	sshll.u32 s0, $0xA;
	s2 =	sadd.s32 s3, s2  }
0x8d: {  	s2 =	sadd.s32 s2, s17  }
0x8e: {  	[smem:$0x3FC2] =	sst s2  }
0x8f: {  	_ = 	snop  }
0x90: {  	s18 =	sld [smem:$0x3FD0];
	(tm) =	ssettm $0x1  }
0x91: {  	s19 =	sld [smem:$0x3FFB];
	_ =	sdelay $0x3  }
0x92: {  	_ =	strace s19  }
0x93: {  	s2 =	sld [smem:$0x3FFC];
	_ =	sdelay $0x3  }
0x94: {  	_ =	strace s2  }
0x95: {  	s2 =	sld [smem:$0x3FFD];
	_ =	sdelay $0x3  }
0x96: {  	_ =	strace s2  }
0x97: {  	_ =	strace $0x8FFFFFFF  }
0x98: {  	s20 =	sld [smem:$0x3FDB];
	_ =	sdelay $0x1  }
0x99: {  	s4 =	simm.s32 $_scs_section_size  }
0x9a: {  	s5 =	simm.s32 $_size__tile_overlayer_lowered;
	s6 =	simm.s32 $_tile_overlayer_lowered  }
0x9b: {  	s7 =	simm.s32 $0x1BFF;
	s21 =	sshll.u32 s6, $0x1;
	s4 =	sadd.s32 s4, s20  }
0x9c: {  	s22 =	simm.s32 $0x0;
	s5 =	sshll.u32 s5, $0x1;
	s6 =	sadd.s32 s21, s4  }
0x9d: {  	[timem:s22], [sflag:s7] =	dma.local [hbm:s6], s5  }
0x9e: {  	_ =	swait.ge [sflag:s7], s5  }
0x9f: {  	s5 =	ssub.s32 $0x0, s5;
	[sflag:s7] =	ssyncset.done $0x0  }
0xa0: {  	[sflag:s7] =	ssyncadd.s32 s5;
	_ =	sdelay $0x1  }
0xa1: {  	s23 =	simm.s32 $0x1B8B  }
0xa2: {  	_ =	swait.ge [sflag:s23], $0x1  }
0xa3: {  	[sflag:s23] =	ssyncset.done $0x0  }
0xa4: {  	[sflag:s23] =	ssyncadd.s32 $0xFFFFFFFF  }
0xa5: {  	s5 =	sld [smem:$0x0]  }
0xa6: {  	s6 =	sand.u32 $0xFFFFFFFE, s1  }
0xa7: {  	p0 =	sne.s32 s1, s6  }
0xa8: {  	s6 =	sshll.u32 @p0 s6, $0xE  }
0xa9: {  	s6 =	sadd.s32 @p0 $0x11B8D, s6;
	s7 =	sshll.u32 @p0 s5, $0x11  }
0xaa: {  	s6 =	sor.u32 @p0 s7, s6  }
0xab: {  	[sflag:s6] =	ssyncadd.remote.s32 @p0 $0x1;
	_ =	sdelay $0x1  }
0xac: {  	s6 =	simm.s32 @p0 $0x1B8D  }
0xad: {  	_ =	swait.eq @p0 [sflag:s6], $0x1  }
0xae: {  	[sflag:s6] =	ssyncadd.s32 @p0 $0xFFFFFFFF  }
0xaf: {  	s7 =	sshll.u32 @!p0 s1, $0xE  }
0xb0: {  	s7 =	sor.u32 @!p0 $0x4000, s7;
	s6 =	simm.s32 @!p0 $0x1B8D  }
0xb1: {  	s5 =	sshll.u32 @!p0 s5, $0x11;
	s7 =	sadd.s32 @!p0 $0x11B8D, s7;
	_ =	swait.eq @!p0 [sflag:s6], $0x1  }
0xb2: {  	s5 =	sor.u32 @!p0 s5, s7;
	[sflag:s6] =	ssyncadd.s32 @!p0 $0xFFFFFFFF  }
0xb3: {  	s25 =	simm.s32 $0x1B8E;
	s24 =	sld [smem:$0x3FFE];
	[sflag:s5] =	ssyncadd.remote.s32 @!p0 $0x1  }
0xb4: {  	s26 =	simm.s32 $execute0_lowered;
	[smem:$0x3FD2] =	sst s25  }
0xb5: {  	s6 =	sshll.u32 s26, $0x1;
	_ =	strace $0x80000049;
	[dreg:$0x1] =	wrdreg $0xFFFFFFFF  }
0xb6: {  	s28 =	simm.s32 $_size_execute0_lowered;
	s4 =	sadd.s32 s4, s6;
	[dreg:$0x0] =	wrdreg $0x0  }
0xb7: {  	s6 =	sshll.u32 s28, $0x1;
	[dreg:$0x2] =	wrdreg s4  }
0xb8: {  	[dreg:$0x3] =	wrdreg s6  }
0xb9: {  	[dreg:$0x4] =	wrdreg $0xC0  }
0xba: {  	_ =	task [dreg:s22], $0x5FFFF  }
0xbb: {  	[dreg:$0x1] =	wrdreg $0xFFFFFFFF  }
0xbc: {  	[dreg:$0x0] =	wrdreg $0x60  }
0xbd: {  	[dreg:$0x2] =	wrdreg s18  }
0xbe: {  	[dreg:$0x3] =	wrdreg s24  }
0xbf: {  	[dreg:$0x4] =	wrdreg $0x9  }
0xc0: {  	_ =	task.clear_ibuf [dreg:s22], $0x5FFFF;
	_ =	strace $0x90000049  }
0xc1: {  	s29 =	simm.s32 $0x9;
	_ =	strace $0x8000004B  }
0xc2: {  	_ =	swait.ge [sflag:s29], $0x1  }
0xc3: {  	[sflag:s29] =	ssyncadd.s32 $0xFFFFFFFF  }
0xc4: {  	_ =	strace $0x9000004B  }
0xc5: {  	_ =	sfence  }
0xc6: {  	s30 =	sld [smem:$0x0];
	_ =	sdelay $0x2  }
0xc7: {  	s31 =	sshll.u32 s1, $0xD;
	s1 =	sshrl.u32 s1, $0x2  }
0xc8: {  	s4 =	sand.u32 $0x4000, s31;
	s1 =	sadd.s32 s1, s30  }
0xc9: {  	s0 =	sor.u32 s4, s0;
	s1 =	sshll.u32 s1, $0x11  }
0xca: {  	s0 =	sor.u32 s1, s0  }
0xcb: {  	s0 =	sadd.s32 $0x8F2B, s0  }
0xcc: {  	[sflag:s0] =	ssyncadd.remote.s32 $0x1  }
0xcd: {  	_ =	sfence.sel $0xFFFF  }
0xce: {  	[dreg:$0x0] =	wrdreg $0xFFFFFFFF;
	(pc) =	sbr.abs _section_cstart, $3  }
0xcf: {  	[dreg:$0x1] =	wrdreg $0xFFFFFFFF  }
0xd0: {  	_ =	task.clear_ibuf [dreg:s22], $0x2FFFF;
	_ =	strace $0x9FFFFFFF  }
0xd1: {  	(tm) =	ssettm $0x7FFFFFFF  }
tec
execute0_lowered:
.L_overlay_start_1:
0x0: {  	(tag) =	ssettag $0x1  }
0x1: {  	vm0 =	vcmask $0x300;
	v0 =	vimm.f32 $1.500000000e+01  }
0x2: {  	vm14 =	vcmask $0x704;
	v0 =	vsel vm0, $0x0, v0  }
0x3: {  	vm15 =	vcmask $0xB08;
	v0 =	vsel vm14, $0x3F800000, v0  }
0x4: {  	vm4 =	vcmask $0xF0C;
	v0 =	vsel vm15, $0x40000000, v0  }
0x5: {  	vm5 =	vcmask $0x1310;
	v0 =	vsel vm4, $0x40400000, v0  }
0x6: {  	vm6 =	vcmask $0x1714;
	v0 =	vsel vm5, $0x40800000, v0  }
0x7: {  	s1 =	rddreg [dreg:$0x0];
	vm7 =	vcmask $0x1B18;
	v0 =	vsel vm6, $0x40A00000, v0  }
0x8: {  	s7 =	rddreg [dreg:$0x1];
	vm8 =	vcmask $0x1F1C;
	v0 =	vsel vm7, $0x40C00000, v0  }
0x9: {  	s0 =	rddreg [dreg:$0x2];
	s2 =	simm.s32 $0x0;
	vm9 =	vcmask $0x2320;
	v0 =	vsel vm8, $0x40E00000, v0  }
0xa: {  	s5 =	srdreg.scid;
	s3 =	stileid.u32;
	vm10 =	vcmask $0x2724;
	s12 =	simm.s32 $0x1;
	v0 =	vsel vm9, $0x41000000, v0  }
0xb: {  	vm11 =	vcmask $0x2B28;
	s13 =	simm.s32 $0x8980;
	s14 =	simm.s32 $0x8B80;
	s15 =	simm.s32 $0x8D80;
	v0 =	vsel vm10, $0x41100000, v0  }
0xc: {  	vm12 =	vcmask $0x2F2C;
	s16 =	simm.s32 $0xCF80;
	s17 =	simm.s32 $0x0;
	[smem:$0x7FF] =	sst s2;
	v0 =	vsel vm11, $0x41200000, v0  }
0xd: {  	vm13 =	vcmask $0x3330;
	s4 =	sadd.s32 $0x64600, s7;
	s8 =	sand.u32 $0x1, s5;
	s5 =	sadd.s32 $0x65600, s7;
	v0 =	vsel vm12, $0x41300000, v0  }
0xe: {  	s10 =	sshll.u32 s3, $0x1;
	s6 =	sadd.s32 $0x66600, s7;
	s9 =	ssub.s32 $0x2, s8;
	vm14 =	vcmask $0x3734;
	v0 =	vsel vm13, $0x41400000, v0  }
0xf: {  	s7 =	sadd.s32 $0x87600, s7;
	s10 =	sor.u32 s8, s10;
	s11 =	sshrl.u32 s9, $0x1;
	vm15 =	vcmask $0x3B38;
	v0 =	vsel vm14, $0x41500000, v0  }
0x10: {  	_ =	strace $0x8000004A;
	s8 =	smul.u32 $0x10800, s10;
	s11 =	ssub.s32 s9, s11;
	v0 =	vsel vm15, $0x41600000, v0  }
0x11: {  	s9 =	sshll.u32 s10, $0xA;
	s10 =	sshll.u32 s10, $0x1;
	s11 =	smax.u32 s11, $0x1;
	[tilespmem:$0x1FFF0] =	vst v0  }
.LBB2_1:
0x12: {  	p1 =	por $0x1, $0x1;
	s20 =	simm.s32 $0x0  }
.LBB2_2:
0x13: {  	s18 =	sshll.u32 s20, $0x9  }
0x14: {  	s19 =	smax.u32 s18, $0x110  }
0x15: {  	s21 =	sadd.s32 $0xFFFFFEF0, s19  }
0x16: {  	s19 =	smul.u32 $0x21, s21;
	_ =	sdelay $0x1  }
0x17: {  	s19 =	sadd.s32 s8, s19  }
0x18: {  	s19 =	sshrl.u32 s19, $0x3  }
0x19: {  	s22 =	sadd.s32 s1, s19;
	s19 =	simm.s32 $0x0  }
0x1a: {  	[tilespmem:s19], [sflag:$0x1] =	stream.linear.gather [hbm4b:s22+s19], $0x8928, $0x38;
	[tilespmem:$0x14F80] =	vst v63  }
0x1b: {  	s30 =	sor.u32 s9, s18;
	_ =	swait.ge [sflag:s12], $0x8928  }
0x1c: {  	s22 =	sshrl.u32 s30, $0x3;
	[sflag:s12] =	ssyncset.done $0x0  }
0x1d: {  	s23 =	sadd.s32 s4, s22;
	[sflag:s12] =	ssyncadd.s32 $0xFFFF76D8  }
0x1e: {  	[tilespmem:s13], [sflag:$0x1] =	stream.linear.gather [hbm4b:s23+s19], $0x200, $0x38;
	[tilespmem:$0x14F80] =	vst v63  }
0x1f: {  	_ =	swait.ge [sflag:s12], $0x200  }
0x20: {  	[sflag:s12] =	ssyncset.done $0x0  }
0x21: {  	s20 =	sor.u32 s10, s20;
	s22 =	sadd.s32 s5, s22;
	[sflag:s12] =	ssyncadd.s32 $0xFFFFFE00  }
0x22: {  	[tilespmem:s14], [sflag:$0x1] =	stream.linear.gather [hbm4b:s22+s19], $0x200, $0x38;
	[tilespmem:$0x14F80] =	vst v63  }
0x23: {  	s31 =	smul.u32 $0x840, s20;
	_ =	swait.ge [sflag:s12], $0x200  }
0x24: {  	[sflag:s12] =	ssyncset.done $0x0  }
0x25: {  	s22 =	sadd.s32 s6, s31;
	[sflag:s12] =	ssyncadd.s32 $0xFFFFFE00  }
0x26: {  	[tilespmem:s15], [sflag:$0x1] =	stream.linear.gather [hbm4b:s22+s19], $0x4200, $0x38;
	[tilespmem:$0x14F80] =	vst v63  }
0x27: {  	_ =	swait.ge [sflag:s12], $0x4200  }
0x28: {  	p0 =	por p1, p1;
	v0 =	vmov s21;
	s21 =	simm.s32 $0x0;
	[sflag:s12] =	ssyncset.done $0x0  }
0x29: {  	s23 =	simm.s32 $0x0;
	s22 =	simm.s32 $0x0;
	[tilespmem:$0x1FFE0] =	vst v0;
	[sflag:s12] =	ssyncadd.s32 $0xFFFFBE00  }
.LBB2_3:
0x2a: {  	s24 =	sshll.u32 s23, $0x4;
	v1 =	vld [tilespmem:$0x1FFF0]  }
0x2b: {  	v43 =	vld [tilespmem:s24+$0x8980]  }
0x2c: {  	s25 =	sor.u32 s18, s24;
	v0 =	vld [tilespmem:s24+$0x8B80]  }
0x2d: {  	s25 =	scvt.s32.f32 s25;
	_ =	sdelay $0x1  }
0x2e: {  	v1 =	vadd.f32 s25, v1;
	_ =	sdelay $0x1  }
0x2f: {  	v40 =	vadd.f32 v0, v1;
	v0 =	vmul.f32 $1.600000000e+01, v43  }
0x30: {  	v1 =	vmul.f32 $1.500000000e+01, v43  }
0x31: {  	[tilespmem:$0x1FCA0] =	vst v0;
	v0 =	vsub.f32 v40, v0  }
0x32: {  	[tilespmem:$0x1FCB0] =	vst v1;
	v1 =	vsub.f32 v40, v1  }
0x33: {  	v2 =	vmul.f32 $1.400000000e+01, v43;
	v0 =	vadd.f32 $1.258291200e+07, v0  }
0x34: {  	v1 =	vadd.f32 $1.258291200e+07, v1  }
0x35: {  	v3 =	vmul.f32 $1.300000000e+01, v43;
	[tilespmem:$0x1FCC0] =	vst v2;
	v2 =	vsub.f32 v40, v2;
	v0 =	vadd.f32 $-1.258291200e+07, v0  }
0x36: {  	v4 =	vmul.f32 $1.200000000e+01, v43;
	v5 =	vmul.f32 $1.100000000e+01, v43;
	v1 =	vadd.f32 $-1.258291200e+07, v1  }
0x37: {  	v39 =	vld [tilespmem:$0x1FFE0];
	[tilespmem:$0x1FCD0] =	vst v3;
	v3 =	vsub.f32 v40, v3;
	v2 =	vadd.f32 $1.258291200e+07, v2;
	v0 =	vmax.f32 v0, $0.0e+00  }
0x38: {  	[tilespmem:$0x1FCE0] =	vst v4;
	v4 =	vsub.f32 v40, v4;
	v1 =	vmax.f32 v1, $0.0e+00;
	v0 =	vmin.f32 v0, $2.047000000e+03  }
0x39: {  	v2 =	vadd.f32 $-1.258291200e+07, v2;
	v1 =	vmin.f32 v1, $2.047000000e+03;
	v0 =	vtrunc.f32 v0  }
0x3a: {  	v3 =	vadd.f32 $1.258291200e+07, v3;
	v1 =	vtrunc.f32 v1;
	v0 =	vcvt.f32.s32 v0  }
0x3b: {  	v4 =	vadd.f32 $1.258291200e+07, v4;
	v2 =	vmax.f32 v2, $0.0e+00;
	v1 =	vcvt.f32.s32 v1  }
0x3c: {  	v3 =	vadd.f32 $-1.258291200e+07, v3;
	v2 =	vmin.f32 v2, $2.047000000e+03;
	v0 =	vsub.s32 v0, v39  }
0x3d: {  	v58 =	vmul.u32 $0x21, v0;
	v0 =	vsub.s32 v1, v39;
	v1 =	vtrunc.f32 v2  }
0x3e: {  	v2 =	vmax.f32 v3, $0.0e+00;
	v3 =	vadd.f32 $-1.258291200e+07, v4;
	v4 =	vsub.f32 v40, v5  }
0x3f: {  	v60 =	vmul.u32 $0x21, v0;
	v0 =	vcvt.f32.s32 v1;
	v1 =	vmin.f32 v2, $2.047000000e+03  }
0x40: {  	v2 =	vmax.f32 v3, $0.0e+00;
	v3 =	vadd.f32 $1.258291200e+07, v4;
	v4 =	vmul.f32 $1.000000000e+01, v43  }
0x41: {  	[tilespmem:$0x1FCF0] =	vst v5;
	v5 =	vmul.f32 $9.000000000e+00, v43;
	v1 =	vtrunc.f32 v1;
	v0 =	vsub.s32 v0, v39  }
0x42: {  	v2 =	vmin.f32 v2, $2.047000000e+03;
	v3 =	vadd.f32 $-1.258291200e+07, v3;
	[tilespmem:$0x1FD00] =	vst v4;
	v4 =	vsub.f32 v40, v4  }
0x43: {  	v63 =	vmul.u32 $0x21, v0;
	v0 =	vcvt.f32.s32 v1;
	v1 =	vtrunc.f32 v2  }
0x44: {  	v2 =	vmax.f32 v3, $0.0e+00;
	v3 =	vadd.f32 $1.258291200e+07, v4;
	v4 =	vsub.f32 v40, v5  }
0x45: {  	[tilespmem:$0x1FD10] =	vst v5;
	v1 =	vcvt.f32.s32 v1;
	v0 =	vsub.s32 v0, v39;
	v5 =	vmul.f32 $8.000000000e+00, v43  }
0x46: {  	v2 =	vmin.f32 v2, $2.047000000e+03;
	v3 =	vadd.f32 $-1.258291200e+07, v3;
	v4 =	vadd.f32 $1.258291200e+07, v4  }
0x47: {  	v55 =	vmul.u32 $0x21, v0;
	v0 =	vsub.s32 v1, v39;
	v1 =	vtrunc.f32 v2  }
0x48: {  	v2 =	vmax.f32 v3, $0.0e+00;
	v3 =	vadd.f32 $-1.258291200e+07, v4;
	v4 =	vsub.f32 v40, v5  }
0x49: {  	v48 =	vmul.u32 $0x21, v0;
	v0 =	vcvt.f32.s32 v1;
	v1 =	vmin.f32 v2, $2.047000000e+03  }
0x4a: {  	v2 =	vmax.f32 v3, $0.0e+00;
	v3 =	vadd.f32 $1.258291200e+07, v4;
	v4 =	vmul.f32 $7.000000000e+00, v43  }
0x4b: {  	[tilespmem:$0x1FD20] =	vst v5;
	v5 =	vmul.f32 $6.000000000e+00, v43;
	v0 =	vsub.s32 v0, v39;
	v1 =	vtrunc.f32 v1  }
0x4c: {  	v2 =	vmin.f32 v2, $2.047000000e+03;
	v3 =	vadd.f32 $-1.258291200e+07, v3;
	[tilespmem:$0x1FD30] =	vst v4;
	v4 =	vsub.f32 v40, v4  }
0x4d: {  	v49 =	vmul.u32 $0x21, v0;
	v0 =	vcvt.f32.s32 v1;
	v1 =	vtrunc.f32 v2  }
0x4e: {  	v2 =	vmax.f32 v3, $0.0e+00;
	v3 =	vadd.f32 $1.258291200e+07, v4;
	v4 =	vsub.f32 v40, v5  }
0x4f: {  	v0 =	vsub.s32 v0, v39;
	v1 =	vcvt.f32.s32 v1;
	v2 =	vmin.f32 v2, $2.047000000e+03  }
0x50: {  	v2 =	vtrunc.f32 v2;
	v3 =	vadd.f32 $-1.258291200e+07, v3;
	v4 =	vadd.f32 $1.258291200e+07, v4  }
0x51: {  	v56 =	vmul.u32 $0x21, v0;
	v0 =	vsub.s32 v1, v39;
	v1 =	vcvt.f32.s32 v2  }
0x52: {  	v50 =	vmul.u32 $0x21, v0;
	v2 =	vmax.f32 v3, $0.0e+00;
	v3 =	vadd.f32 $-1.258291200e+07, v4  }
0x53: {  	v4 =	vmul.f32 $5.000000000e+00, v43;
	v0 =	vsub.s32 v1, v39;
	v1 =	vmin.f32 v2, $2.047000000e+03  }
0x54: {  	[tilespmem:$0x1FD40] =	vst v5;
	v5 =	vadd.f32 v43, v43;
	v1 =	vtrunc.f32 v1;
	v2 =	vmax.f32 v3, $0.0e+00  }
0x55: {  	[tilespmem:$0x1FD50] =	vst v4;
	v3 =	vsub.f32 v40, v4;
	v4 =	vmul.f32 $4.000000000e+00, v43;
	v2 =	vmin.f32 v2, $2.047000000e+03  }
0x56: {  	v47 =	vmul.u32 $0x21, v0;
	v1 =	vcvt.f32.s32 v1;
	v0 =	vtrunc.f32 v2  }
0x57: {  	v2 =	vadd.f32 $1.258291200e+07, v3;
	[tilespmem:$0x1FD60] =	vst v4;
	v3 =	vsub.f32 v40, v4;
	v4 =	vmul.f32 $3.000000000e+00, v43  }
0x58: {  	[tilespmem:$0x1FD80] =	vst v5;
	v1 =	vsub.s32 v1, v39;
	v0 =	vcvt.f32.s32 v0  }
0x59: {  	v33 =	vld [tilespmem:s24+$0x8D80];
	v2 =	vadd.f32 $-1.258291200e+07, v2;
	v62 =	vmul.u32 $0x21, v1;
	v1 =	vadd.f32 $1.258291200e+07, v3;
	[tilespmem:$0x1FD70] =	vst v4  }
0x5a: {  	v3 =	vsub.f32 v40, v4;
	v4 =	vsub.f32 v40, v5;
	v5 =	vld.idx.msk [tilespmem:v58+s2+$0x0], $0xffff  }
0x5b: {  	v0 =	vsub.s32 v0, v39;
	v6 =	vld.idx.msk [tilespmem:v60+s2+$0x0], $0xffff  }
0x5c: {  	s26 =	sand.u32 $0x70, s24;
	s25 =	sand.u32 $0x180, s24;
	v7 =	vld.idx.msk [tilespmem:v63+s2+$0x0], $0xffff;
	v2 =	vmax.f32 v2, $0.0e+00;
	v46 =	vmul.u32 $0x21, v0;
	v1 =	vadd.f32 $-1.258291200e+07, v1  }
0x5d: {  	s28 =	sor.u32 s26, s25;
	v8 =	vld.idx.msk [tilespmem:v55+s2+$0x0], $0xffff;
	v0 =	vmin.f32 v2, $2.047000000e+03;
	v2 =	vadd.f32 $1.258291200e+07, v3;
	v3 =	vadd.f32 $1.258291200e+07, v4  }
0x5e: {  	v34 =	vld [tilespmem:s28+$0x8F80];
	v4 =	vsub.f32 v40, v43;
	v0 =	vtrunc.f32 v0;
	v1 =	vmax.f32 v1, $0.0e+00  }
0x5f: {  	v35 =	vld [tilespmem:s28+$0x9180];
	v0 =	vcvt.f32.s32 v0;
	v1 =	vmin.f32 v1, $2.047000000e+03;
	v2 =	vadd.f32 $-1.258291200e+07, v2  }
0x60: {  	v36 =	vld [tilespmem:s28+$0x9380];
	v3 =	vadd.f32 $-1.258291200e+07, v3;
	v4 =	vadd.f32 $1.258291200e+07, v4;
	v1 =	vtrunc.f32 v1  }
0x61: {  	v10 =	vshll.u32 v5, $0x10;
	v11 =	vshll.u32 v6, $0x10;
	v12 =	vshll.u32 v7, $0x10  }
0x62: {  	v14 =	vshll.u32 v8, $0x10;
	v5 =	vand.u32 $0xFFFF0000, v5;
	v6 =	vand.u32 $0xFFFF0000, v6  }
0x63: {  	v7 =	vand.u32 $0xFFFF0000, v7;
	v8 =	vand.u32 $0xFFFF0000, v8;
	v1 =	vcvt.f32.s32 v1  }
0x64: {  	v0 =	vsub.s32 v0, v39;
	v10 =	vmul.f32 v10, v33;
	v11 =	vmul.f32 v11, v34  }
0x65: {  	v2 =	vmax.f32 v2, $0.0e+00;
	v12 =	vmul.f32 v12, v35;
	v14 =	vmul.f32 v14, v36  }
0x66: {  	v9 =	vld.idx.msk [tilespmem:v48+s2+$0x0], $0xffff;
	v3 =	vmax.f32 v3, $0.0e+00;
	v5 =	vmul.f32 v5, v33;
	v6 =	vmul.f32 v6, v34  }
0x67: {  	v4 =	vadd.f32 $-1.258291200e+07, v4;
	v7 =	vmul.f32 v7, v35;
	v8 =	vmul.f32 v8, v36  }
0x68: {  	v37 =	vld [tilespmem:s28+$0x9580];
	v2 =	vmin.f32 v2, $2.047000000e+03;
	v3 =	vmin.f32 v3, $2.047000000e+03;
	v59 =	vmul.u32 $0x21, v0  }
0x69: {  	v13 =	vld.idx.msk [tilespmem:v62+s2+$0x0], $0xffff;
	v1 =	vsub.s32 v1, v39;
	v2 =	vtrunc.f32 v2;
	v3 =	vtrunc.f32 v3  }
0x6a: {  	v22 =	vld [tilespmem:s28+$0x9780];
	v4 =	vmax.f32 v4, $0.0e+00;
	v10 =	vadd.f32 v11, v10;
	v12 =	vadd.f32 v14, v12  }
0x6b: {  	v26 =	vld [tilespmem:s28+$0x9F80];
	v5 =	vadd.f32 v6, v5;
	v6 =	vadd.f32 v8, v7;
	v7 =	vand.u32 $0xFFFF0000, v9  }
0x6c: {  	v15 =	vld.idx.msk [tilespmem:v46+s2+$0x0], $0xffff;
	v2 =	vcvt.f32.s32 v2;
	v3 =	vcvt.f32.s32 v3;
	v0 =	vmin.f32 v4, $2.047000000e+03  }
0x6d: {  	v57 =	vmul.u32 $0x21, v1;
	v1 =	vld.idx.msk [tilespmem:v49+s2+$0x0], $0xffff;
	v7 =	vmul.f32 v7, v37;
	v0 =	vtrunc.f32 v0  }
0x6e: {  	v4 =	vld.idx.msk [tilespmem:v56+s2+$0x0], $0xffff;
	v20 =	vshll.u32 v13, $0x10;
	v8 =	vand.u32 $0xFFFF0000, v13;
	v10 =	vadd.f32 v12, v10  }
0x6f: {  	v23 =	vld [tilespmem:s28+$0x9980];
	v5 =	vadd.f32 v6, v5;
	v2 =	vsub.s32 v2, v39;
	v0 =	vcvt.f32.s32 v0  }
0x70: {  	v27 =	vld [tilespmem:s28+$0xA180];
	v3 =	vsub.s32 v3, v39;
	v20 =	vmul.f32 v20, v26;
	v8 =	vmul.f32 v8, v26  }
0x71: {  	v53 =	vmul.u32 $0x21, v2;
	v61 =	vmul.u32 $0x21, v3;
	v2 =	vld.idx.msk [tilespmem:v50+s2+$0x0], $0xffff;
	v0 =	vsub.s32 v0, v39  }
0x72: {  	v3 =	vld.idx.msk [tilespmem:v47+s2+$0x0], $0xffff;
	v28 =	vshll.u32 v15, $0x10;
	v51 =	vmul.u32 $0x21, v0;
	v0 =	vshll.u32 v9, $0x10  }
0x73: {  	v24 =	vld [tilespmem:s28+$0x9B80];
	v11 =	vshll.u32 v1, $0x10;
	v14 =	vshll.u32 v4, $0x10;
	v1 =	vand.u32 $0xFFFF0000, v1  }
0x74: {  	v25 =	vld [tilespmem:s28+$0x9D80];
	v9 =	vand.u32 $0xFFFF0000, v15;
	v15 =	vmul.f32 $0.0e+00, v43;
	v0 =	vmul.f32 v0, v37  }
0x75: {  	v16 =	vld.idx.msk [tilespmem:v59+s2+$0x0], $0xffff;
	v4 =	vand.u32 $0xFFFF0000, v4;
	v11 =	vmul.f32 v11, v22;
	v14 =	vmul.f32 v14, v23  }
0x76: {  	v29 =	vld [tilespmem:s28+$0xA380];
	v1 =	vmul.f32 v1, v22;
	v4 =	vmul.f32 v4, v23;
	v17 =	vshll.u32 v2, $0x10  }
0x77: {  	[tilespmem:$0x1FDF0] =	vst v59;
	v18 =	vshll.u32 v3, $0x10;
	v0 =	vadd.f32 v11, v0;
	v11 =	vmul.f32 v28, v27  }
0x78: {  	v19 =	vld.idx.msk [tilespmem:v57+s2+$0x0], $0xffff;
	v2 =	vand.u32 $0xFFFF0000, v2;
	v1 =	vadd.f32 v1, v7;
	v7 =	vmul.f32 v9, v27  }
0x79: {  	v30 =	vld [tilespmem:s28+$0xA580];
	[tilespmem:$0x1FE10] =	vst v57;
	v3 =	vand.u32 $0xFFFF0000, v3;
	v17 =	vmul.f32 v17, v24;
	v18 =	vmul.f32 v18, v25  }
0x7a: {  	s24 =	simm.s32 $0x1;
	v21 =	vld.idx.msk [tilespmem:v53+s2+$0x0], $0xffff;
	[tilespmem:$0x1FE30] =	vst v53;
	v31 =	vshll.u32 v16, $0x10;
	v2 =	vmul.f32 v2, v24;
	v13 =	vand.u32 $0xFFFF0000, v16  }
0x7b: {  	v3 =	vmul.f32 v3, v25;
	v16 =	vadd.s32 s24, v58;
	v32 =	vld.idx.msk [tilespmem:v61+s2+$0x0], $0xffff;
	v28 =	vmul.f32 v31, v29  }
0x7c: {  	v41 =	vld [tilespmem:s28+$0xA780];
	[tilespmem:$0x1FE60] =	vst v61;
	v9 =	vmul.f32 v13, v29;
	v14 =	vadd.f32 v17, v14;
	v17 =	vadd.f32 v20, v18  }
0x7d: {  	v31 =	vld.idx.msk [tilespmem:v51+s2+$0x0], $0xffff;
	v18 =	vshll.u32 v19, $0x10;
	v2 =	vadd.f32 v2, v4;
	v3 =	vadd.f32 v8, v3  }
0x7e: {  	v42 =	vld [tilespmem:s28+$0xA980];
	v11 =	vadd.f32 v28, v11;
	v4 =	vadd.f32 v9, v7;
	v7 =	vand.u32 $0xFFFF0000, v19  }
0x7f: {  	v45 =	vld [tilespmem:s28+$0xAB80];
	v18 =	vmul.f32 v18, v30;
	v19 =	vadd.s32 s24, v60;
	v7 =	vmul.f32 v7, v30  }
0x80: {  	[tilespmem:$0x1FE70] =	vst v51;
	v0 =	vadd.f32 v14, v0;
	v1 =	vadd.f32 v2, v1;
	v20 =	vshll.u32 v21, $0x10  }
0x81: {  	[tilespmem:$0x1FD90] =	vst v43;
	v8 =	vand.u32 $0xFFFF0000, v21;
	v20 =	vmul.f32 v20, v41;
	v28 =	vshll.u32 v32, $0x10  }
0x82: {  	[tilespmem:$0x1FEB0] =	vst v58;
	v9 =	vand.u32 $0xFFFF0000, v32;
	v8 =	vmul.f32 v8, v41;
	v38 =	vshll.u32 v31, $0x10  }
0x83: {  	[tilespmem:$0x1FEC0] =	vst v60;
	v28 =	vmul.f32 v28, v42;
	v13 =	vand.u32 $0xFFFF0000, v31;
	v9 =	vmul.f32 v9, v42  }
0x84: {  	[tilespmem:$0x1FDA0] =	vst v40;
	v11 =	vadd.f32 v11, v17;
	v38 =	vmul.f32 v38, v45;
	v13 =	vmul.f32 v13, v45  }
0x85: {  	[tilespmem:$0x1FED0] =	vst v63;
	v7 =	vadd.f32 v8, v7;
	v8 =	vadd.f32 v40, v15;
	v15 =	vadd.s32 s24, v63  }
0x86: {  	v12 =	vadd.s32 s24, v55;
	[tilespmem:$0x1FEE0] =	vst v55;
	v18 =	vadd.f32 v20, v18;
	v20 =	vadd.f32 v38, v28  }
0x87: {  	[tilespmem:$0x1FEF0] =	vst v48;
	v9 =	vadd.f32 v13, v9;
	v8 =	vadd.f32 $1.258291200e+07, v8;
	v13 =	vadd.s32 s24, v48  }
0x88: {  	v16 =	vld.idx.msk [tilespmem:v16+s2+$0x0], $0xffff;
	[tilespmem:$0x1FF00] =	vst v49;
	v17 =	vadd.s32 s24, v49;
	v2 =	vadd.f32 v4, v3;
	v4 =	vadd.s32 s24, v50  }
0x89: {  	v14 =	vadd.f32 v20, v18;
	v6 =	vadd.f32 $-1.258291200e+07, v8;
	v18 =	vld.idx.msk [tilespmem:v19+s2+$0x0], $0xffff;
	[tilespmem:$0x1FF10] =	vst v56;
	v8 =	vadd.s32 s24, v56  }
0x8a: {  	v0 =	vadd.f32 v0, v10;
	v1 =	vadd.f32 v1, v5;
	v19 =	vadd.s32 s24, v51;
	v3 =	vld.idx.msk [tilespmem:v15+s2+$0x0], $0xffff;
	[tilespmem:$0x1FF20] =	vst v50  }
0x8b: {  	v7 =	vadd.f32 v9, v7;
	v15 =	vadd.s32 s24, v46;
	v6 =	vmax.f32 v6, $0.0e+00;
	v9 =	vld.idx.msk [tilespmem:v12+s2+$0x0], $0xffff;
	[tilespmem:$0x1FF30] =	vst v47  }
0x8c: {  	v12 =	vadd.s32 s24, v47;
	v11 =	vadd.f32 v14, v11;
	v6 =	vmin.f32 v6, $2.047000000e+03;
	v10 =	vld.idx.msk [tilespmem:v13+s2+$0x0], $0xffff;
	[tilespmem:$0x1FF40] =	vst v62  }
0x8d: {  	v2 =	vadd.f32 v7, v2;
	v13 =	vadd.s32 s24, v62;
	v6 =	vtrunc.f32 v6;
	v14 =	vld.idx.msk [tilespmem:v17+s2+$0x0], $0xffff;
	[tilespmem:$0x1FF50] =	vst v46  }
0x8e: {  	v7 =	vadd.s32 s24, v57;
	v0 =	vadd.f32 v11, v0;
	v5 =	vcvt.f32.s32 v6;
	v6 =	vld.idx.msk [tilespmem:v8+s2+$0x0], $0xffff  }
0x8f: {  	v17 =	vand.u32 $0xFFFF0000, v16;
	v1 =	vadd.f32 v2, v1;
	v8 =	vadd.s32 s24, v59;
	v19 =	vld.idx.msk [tilespmem:v19+s2+$0x0], $0xffff  }
0x90: {  	v20 =	vand.u32 $0xFFFF0000, v18;
	v15 =	vld.idx.msk [tilespmem:v15+s2+$0x0], $0xffff;
	v21 =	vand.u32 $0xFFFF0000, v3;
	v3 =	vshll.u32 v3, $0x10  }
0x91: {  	v5 =	vsub.s32 v5, v39;
	v11 =	vld.idx.msk [tilespmem:v12+s2+$0x0], $0xffff;
	v12 =	vadd.s32 s24, v53;
	v3 =	vmul.f32 v3, v35  }
0x92: {  	v53 =	vmul.u32 $0x21, v5;
	v5 =	vld.idx.msk [tilespmem:v13+s2+$0x0], $0xffff;
	v13 =	vmul.f32 v17, v33;
	v17 =	vadd.s32 s24, v61  }
0x93: {  	v7 =	vld.idx.msk [tilespmem:v7+s2+$0x0], $0xffff;
	v31 =	vand.u32 $0xFFFF0000, v10;
	v10 =	vshll.u32 v10, $0x10;
	v44 =	vand.u32 $0xFFFF0000, v14  }
0x94: {  	v10 =	vmul.f32 v10, v37;
	v14 =	vshll.u32 v14, $0x10;
	v28 =	vld.idx.msk [tilespmem:v8+s2+$0x0], $0xffff;
	v8 =	vmul.f32 v20, v34  }
0x95: {  	v4 =	vld.idx.msk [tilespmem:v4+s2+$0x0], $0xffff;
	v20 =	vmul.f32 v21, v35;
	v21 =	vand.u32 $0xFFFF0000, v9;
	v61 =	vand.u32 $0xFFFF0000, v19  }
0x96: {  	v52 =	vmovc v60;
	v9 =	vshll.u32 v9, $0x10;
	v14 =	vmul.f32 v14, v22;
	v21 =	vmul.f32 v21, v36  }
0x97: {  	v60 =	vmovc v47;
	v47 =	vand.u32 $0xFFFF0000, v15;
	v9 =	vmul.f32 v9, v36;
	v2 =	vld.idx.msk [tilespmem:v12+s2+$0x0], $0xffff;
	v12 =	vmul.f32 v31, v37  }
0x98: {  	v31 =	vmul.f32 v44, v22;
	v8 =	vadd.f32 v8, v13;
	v38 =	vmul.f32 v47, v27  }
0x99: {  	v54 =	vmovc v48;
	v57 =	vand.u32 $0xFFFF0000, v7;
	v7 =	vshll.u32 v7, $0x10;
	v13 =	vadd.f32 v21, v20  }
0x9a: {  	v48 =	vmovc v56;
	v56 =	vmovc v46;
	v20 =	vand.u32 $0xFFFF0000, v6;
	v21 =	vand.u32 $0xFFFF0000, v4;
	v46 =	vand.u32 $0xFFFF0000, v5  }
0x9b: {  	v43 =	vmul.f32 v57, v30;
	v57 =	vmul.f32 v61, v45;
	v6 =	vshll.u32 v6, $0x10  }
0x9c: {  	v4 =	vshll.u32 v4, $0x10;
	v3 =	vadd.f32 v9, v3;
	v9 =	vadd.f32 v14, v10  }
0x9d: {  	v5 =	vshll.u32 v5, $0x10;
	v10 =	vshll.u32 v15, $0x10;
	v7 =	vmul.f32 v7, v30  }
0x9e: {  	v15 =	vshll.u32 v19, $0x10;
	v20 =	vmul.f32 v20, v23;
	v21 =	vmul.f32 v21, v24  }
0x9f: {  	v12 =	vadd.f32 v31, v12;
	v32 =	vmul.f32 v46, v26;
	v6 =	vmul.f32 v6, v23  }
0xa0: {  	v17 =	vld.idx.msk [tilespmem:v17+s2+$0x0], $0xffff;
	v31 =	vand.u32 $0xFFFF0000, v11;
	v4 =	vmul.f32 v4, v24;
	v5 =	vmul.f32 v5, v26  }
0xa1: {  	v39 =	vld.idx.msk [tilespmem:v53+s2+$0x0], $0xffff;
	v10 =	vmul.f32 v10, v27;
	v15 =	vmul.f32 v15, v45;
	v51 =	vand.u32 $0xFFFF0000, v28  }
0xa2: {  	v31 =	vmul.f32 v31, v25;
	v40 =	vmul.f32 v51, v29;
	v51 =	vld [tilespmem:s28+$0xAD80]  }
0xa3: {  	v13 =	vadd.f32 v13, v8;
	v20 =	vadd.f32 v21, v20;
	v44 =	vand.u32 $0xFFFF0000, v2  }
0xa4: {  	v4 =	vadd.f32 v4, v6;
	v6 =	vshll.u32 v11, $0x10;
	v44 =	vmul.f32 v44, v41  }
0xa5: {  	v11 =	vshll.u32 v28, $0x10;
	v31 =	vadd.f32 v32, v31;
	v2 =	vshll.u32 v2, $0x10  }
0xa6: {  	v6 =	vmul.f32 v6, v25;
	v61 =	vadd.f32 v44, v43;
	v44 =	vshll.u32 v39, $0x10  }
0xa7: {  	v11 =	vmul.f32 v11, v29;
	v59 =	vand.u32 $0xFFFF0000, v17;
	v8 =	vmul.f32 v44, v51  }
0xa8: {  	v12 =	vadd.f32 v20, v12;
	v14 =	vshll.u32 v17, $0x10;
	v2 =	vmul.f32 v2, v41  }
0xa9: {  	v4 =	vadd.f32 v4, v9;
	v17 =	vadd.s32 $0x2, v60;
	v0 =	vadd.f32 v0, v8  }
0xaa: {  	v21 =	vmul.f32 v59, v42;
	v59 =	vadd.f32 v40, v38;
	v5 =	vadd.f32 v5, v6  }
0xab: {  	v6 =	vadd.f32 v11, v10;
	[tilespmem:$0x1FFA0] =	vst v0;
	v0 =	vshll.u32 v16, $0x10;
	v16 =	vshll.u32 v18, $0x10  }
0xac: {  	v21 =	vadd.f32 v57, v21;
	v0 =	vmul.f32 v0, v33;
	v16 =	vmul.f32 v16, v34  }
0xad: {  	v14 =	vmul.f32 v14, v42;
	v2 =	vadd.f32 v2, v7;
	v20 =	vadd.f32 v59, v31  }
0xae: {  	v21 =	vadd.f32 v21, v61;
	v61 =	vadd.s32 $0x2, v58;
	v0 =	vadd.f32 v16, v0  }
0xaf: {  	v7 =	vadd.f32 v15, v14;
	v59 =	vadd.s32 $0x2, v52;
	v10 =	vadd.s32 s19, v61  }
0xb0: {  	v57 =	vadd.s32 $0x2, v63;
	v0 =	vadd.f32 v3, v0;
	v3 =	vadd.s32 s19, v59  }
0xb1: {  	v60 =	vld [tilespmem:$0x1FE60];
	v12 =	vadd.f32 v12, v13;
	v5 =	vadd.f32 v6, v5;
	v9 =	vadd.s32 s19, v57  }
0xb2: {  	v8 =	vadd.s32 $0x2, v55;
	v55 =	vadd.s32 $0x2, v54;
	v2 =	vadd.f32 v7, v2;
	v58 =	vld [tilespmem:$0x1FDF0]  }
0xb3: {  	v6 =	vadd.s32 s19, v8;
	v13 =	vadd.f32 v21, v20;
	v20 =	vadd.s32 $0x2, v56;
	v56 =	vld [tilespmem:$0x1FE10]  }
0xb4: {  	v7 =	vld.idx.msk [tilespmem:v10+s2+$0x0], $0xffff;
	v10 =	vadd.s32 s19, v55;
	v11 =	vadd.f32 v4, v0;
	v4 =	vadd.s32 $0x2, v48  }
0xb5: {  	v54 =	vadd.s32 $0x2, v49;
	v2 =	vadd.f32 v2, v5;
	v5 =	vadd.s32 $0x2, v50;
	v14 =	vld.idx.msk [tilespmem:v3+s2+$0x0], $0xffff;
	[tilespmem:$0x1FDB0] =	vst v4  }
0xb6: {  	v0 =	vadd.s32 s19, v54;
	v3 =	vadd.s32 s19, v4;
	v4 =	vand.u32 $0xFFFF0000, v39;
	v9 =	vld.idx.msk [tilespmem:v9+s2+$0x0], $0xffff  }
0xb7: {  	[tilespmem:$0x1FDC0] =	vst v5;
	v15 =	vmul.f32 v4, v51;
	v4 =	vadd.s32 $0x2, v62;
	v62 =	vld [tilespmem:$0x1FE30]  }
0xb8: {  	v12 =	vadd.f32 v13, v12;
	v5 =	vadd.s32 s19, v5;
	v16 =	vld.idx.msk [tilespmem:v6+s2+$0x0], $0xffff;
	[tilespmem:$0x1FDD0] =	vst v17  }
0xb9: {  	v6 =	vadd.s32 s19, v17;
	v17 =	vadd.s32 s19, v4;
	v10 =	vld.idx.msk [tilespmem:v10+s2+$0x0], $0xffff;
	[tilespmem:$0x1FDE0] =	vst v4;
	v4 =	vshll.u32 v7, $0x10  }
0xba: {  	v63 =	vld [tilespmem:$0x1FE70];
	v2 =	vadd.f32 v2, v11;
	v7 =	vand.u32 $0xFFFF0000, v7;
	v19 =	vmul.f32 v4, v33  }
0xbb: {  	v18 =	vld.idx.msk [tilespmem:v0+s2+$0x0], $0xffff;
	v0 =	vadd.s32 $0x2, v58;
	[tilespmem:$0x1FE00] =	vst v20;
	v20 =	vadd.s32 s19, v20;
	v7 =	vmul.f32 v7, v33  }
0xbc: {  	v21 =	vld.idx.msk [tilespmem:v3+s2+$0x0], $0xffff;
	v3 =	vadd.s32 $0x2, v56;
	[tilespmem:$0x1FE20] =	vst v0;
	v28 =	vadd.s32 s19, v0;
	v4 =	vshll.u32 v14, $0x10  }
0xbd: {  	v14 =	vand.u32 $0xFFFF0000, v14;
	v31 =	vld.idx.msk [tilespmem:v5+s2+$0x0], $0xffff;
	v5 =	vmul.f32 v4, v34;
	v0 =	vadd.s32 $0x2, v62  }
0xbe: {  	v46 =	vadd.s32 s19, v3;
	v47 =	vshll.u32 v9, $0x10;
	v4 =	vadd.f32 v1, v15  }
0xbf: {  	[tilespmem:$0x1FE40] =	vst v3;
	v3 =	vadd.s32 $0x2, v63;
	v9 =	vand.u32 $0xFFFF0000, v9;
	v14 =	vmul.f32 v14, v34  }
0xc0: {  	v38 =	vld.idx.msk [tilespmem:v6+s2+$0x0], $0xffff;
	[tilespmem:$0x1FE50] =	vst v0;
	v6 =	vadd.s32 s19, v0;
	v48 =	vshll.u32 v16, $0x10;
	v15 =	vmul.f32 v47, v35  }
0xc1: {  	v0 =	vadd.s32 $0x2, v60;
	v44 =	vadd.s32 s19, v3;
	v1 =	vld.idx.msk [tilespmem:v17+s2+$0x0], $0xffff;
	v17 =	vmul.f32 v48, v36  }
0xc2: {  	v16 =	vand.u32 $0xFFFF0000, v16;
	v9 =	vmul.f32 v9, v35;
	v40 =	vadd.s32 s19, v0;
	v11 =	vld.idx.msk [tilespmem:v20+s2+$0x0], $0xffff  }
0xc3: {  	v13 =	vadd.f32 v5, v19;
	v5 =	vshll.u32 v10, $0x10;
	v15 =	vadd.f32 v17, v15;
	v17 =	vld.idx.msk [tilespmem:v28+s2+$0x0], $0xffff  }
0xc4: {  	v16 =	vmul.f32 v16, v36;
	v20 =	vmul.f32 v5, v37;
	v5 =	vshll.u32 v18, $0x10;
	v19 =	vld.idx.msk [tilespmem:v46+s2+$0x0], $0xffff  }
0xc5: {  	v10 =	vand.u32 $0xFFFF0000, v10;
	v14 =	vadd.f32 v14, v7;
	v39 =	vmul.f32 v5, v22;
	v32 =	vld.idx.msk [tilespmem:v6+s2+$0x0], $0xffff;
	[tilespmem:$0x1FE80] =	vst v0  }
0xc6: {  	v18 =	vand.u32 $0xFFFF0000, v18;
	v10 =	vmul.f32 v10, v37;
	v28 =	vshll.u32 v21, $0x10;
	[tilespmem:$0x1FE90] =	vst v3  }
0xc7: {  	v21 =	vand.u32 $0xFFFF0000, v21;
	v18 =	vmul.f32 v18, v22;
	v20 =	vadd.f32 v39, v20;
	v39 =	vld.idx.msk [tilespmem:v40+s2+$0x0], $0xffff  }
0xc8: {  	v9 =	vadd.f32 v16, v9;
	v49 =	vshll.u32 v31, $0x10;
	v31 =	vand.u32 $0xFFFF0000, v31;
	v44 =	vld.idx.msk [tilespmem:v44+s2+$0x0], $0xffff  }
0xc9: {  	v21 =	vmul.f32 v21, v23;
	v50 =	vshll.u32 v38, $0x10;
	v31 =	vmul.f32 v31, v24  }
0xca: {  	v10 =	vadd.f32 v18, v10;
	v7 =	vand.u32 $0xFFFF0000, v38;
	v46 =	vmul.f32 v50, v25  }
0xcb: {  	v0 =	vld [tilespmem:$0x1FEB0];
	v47 =	vshll.u32 v1, $0x10;
	v1 =	vand.u32 $0xFFFF0000, v1;
	v16 =	vadd.f32 v31, v21  }
0xcc: {  	v1 =	vmul.f32 v1, v26;
	v50 =	vshll.u32 v19, $0x10;
	v18 =	vand.u32 $0xFFFF0000, v19  }
0xcd: {  	v19 =	vmul.f32 v7, v25;
	v21 =	vand.u32 $0xFFFF0000, v39;
	v31 =	vand.u32 $0xFFFF0000, v44  }
0xce: {  	v21 =	vmul.f32 v21, v42;
	v31 =	vmul.f32 v31, v45  }
0xcf: {  	s31 =	simm.s32 $0x3;
	v52 =	vshll.u32 v11, $0x10;
	v11 =	vand.u32 $0xFFFF0000, v11  }
0xd0: {  	v1 =	vadd.f32 v1, v19;
	v19 =	vadd.f32 v31, v21;
	v31 =	vadd.s32 s31, v0;
	v0 =	vld [tilespmem:$0x1FEC0]  }
0xd1: {  	v48 =	vmul.f32 v52, v27;
	v52 =	vshll.u32 v17, $0x10;
	v17 =	vand.u32 $0xFFFF0000, v17  }
0xd2: {  	v11 =	vmul.f32 v11, v27;
	v17 =	vmul.f32 v17, v29  }
0xd3: {  	v3 =	vadd.s32 $0x2, v53  }
0xd4: {  	v28 =	vmul.f32 v28, v23;
	v11 =	vadd.f32 v17, v11;
	v17 =	vadd.s32 s19, v3  }
0xd5: {  	v43 =	vmul.f32 v49, v24;
	v9 =	vadd.f32 v9, v14;
	v14 =	vadd.s32 s31, v0;
	v0 =	vld [tilespmem:$0x1FED0]  }
0xd6: {  	v47 =	vmul.f32 v47, v26  }
0xd7: {  	v28 =	vadd.f32 v43, v28;
	v49 =	vmul.f32 v52, v29  }
0xd8: {  	[tilespmem:$0x1FEA0] =	vst v53;
	v43 =	vadd.f32 v47, v46;
	v10 =	vadd.f32 v16, v10;
	v52 =	vshll.u32 v32, $0x10  }
0xd9: {  	v40 =	vmul.f32 v50, v30;
	v7 =	vand.u32 $0xFFFF0000, v32;
	v52 =	vmul.f32 v52, v41;
	v16 =	vld.idx.msk [tilespmem:v17+s2+$0x0], $0xffff  }
0xda: {  	v18 =	vmul.f32 v18, v30;
	v47 =	vshll.u32 v39, $0x10;
	v17 =	vadd.s32 s31, v0;
	v0 =	vld [tilespmem:$0x1FEE0]  }
0xdb: {  	v32 =	vmul.f32 v7, v41;
	v40 =	vadd.f32 v52, v40;
	v52 =	vshll.u32 v44, $0x10  }
0xdc: {  	v46 =	vadd.f32 v49, v48;
	v47 =	vmul.f32 v47, v42;
	v48 =	vmul.f32 v52, v45  }
0xdd: {  	v13 =	vadd.f32 v15, v13;
	v18 =	vadd.f32 v32, v18;
	v52 =	vadd.s32 s24, v53  }
0xde: {  	v15 =	vadd.f32 v28, v20;
	v47 =	vadd.f32 v48, v47  }
0xdf: {  	v1 =	vadd.f32 v11, v1;
	v11 =	vadd.f32 v19, v18;
	v18 =	vadd.s32 s31, v0;
	v0 =	vld [tilespmem:$0x1FEF0]  }
0xe0: {  	v20 =	vadd.f32 v46, v43;
	v21 =	vadd.f32 v47, v40;
	_ =	sdelay $0x1  }
0xe1: {  	v13 =	vadd.f32 v15, v13;
	v28 =	vld.idx.msk [tilespmem:v52+s2+$0x0], $0xffff;
	v15 =	vadd.f32 v21, v20;
	_ =	sdelay $0x1  }
0xe2: {  	v9 =	vadd.f32 v10, v9;
	v10 =	vadd.f32 v15, v13;
	v15 =	vadd.s32 s31, v0;
	v0 =	vld [tilespmem:$0x1FF00]  }
0xe3: {  	v1 =	vadd.f32 v11, v1;
	_ =	sdelay $0x1  }
0xe4: {  	v1 =	vadd.f32 v1, v9;
	v11 =	vand.u32 $0xFFFF0000, v28  }
0xe5: {  	v13 =	vshll.u32 v28, $0x10;
	v38 =	vld.idx.msk [tilespmem:v14+s2+$0x0], $0xffff;
	v14 =	vand.u32 $0xFFFF0000, v16;
	v9 =	vmul.f32 v11, v51  }
0xe6: {  	v11 =	vmul.f32 v13, v51;
	v13 =	vshll.u32 v16, $0x10;
	v16 =	vadd.s32 s31, v0;
	v0 =	vld [tilespmem:$0x1FF10];
	_ =	sdelay $0x3  }
0xe7: {  	v32 =	vld.idx.msk [tilespmem:v31+s2+$0x0], $0xffff  }
0xe8: {  	v31 =	vadd.f32 v2, v11;
	v2 =	vadd.s32 s31, v0;
	v0 =	vld [tilespmem:$0x1FF20];
	_ =	sdelay $0x2  }
0xe9: {  	v13 =	vmul.f32 v13, v51;
	_ =	sdelay $0x1  }
0xea: {  	v19 =	vadd.f32 v10, v13;
	v10 =	vadd.s32 s31, v0;
	v0 =	vld [tilespmem:$0x1FF30];
	_ =	sdelay $0x4  }
0xeb: {  	v21 =	vadd.s32 s31, v0;
	v0 =	vld [tilespmem:$0x1FF40];
	_ =	sdelay $0x2  }
0xec: {  	v39 =	vld.idx.msk [tilespmem:v17+s2+$0x0], $0xffff  }
0xed: {  	s28 =	sand.u32 $0x7, s21;
	s24 =	sshll.u32 s22, $0x2;
	v40 =	vld.idx.msk [tilespmem:v18+s2+$0x0], $0xffff  }
0xee: {  	s28 =	sshll.u32 s28, $0x6;
	s24 =	sand.u32 $0xFFFFFE00, s24;
	v28 =	vadd.s32 s31, v0;
	v0 =	vld [tilespmem:$0x1FF50]  }
0xef: {  	s24 =	sor.u32 s28, s24;
	v43 =	vld.idx.msk [tilespmem:v15+s2+$0x0], $0xffff  }
0xf0: {  	s24 =	sshrl.u32 s24, $0x2;
	v20 =	vadd.f32 v12, v9;
	v44 =	vld.idx.msk [tilespmem:v16+s2+$0x0], $0xffff  }
0xf1: {  	s24 =	sadd.s32 $0xD380, s24;
	v18 =	vld.idx.msk [tilespmem:v2+s2+$0x0], $0xffff;
	[tilespmem:$0x1FF60] =	vst v61  }
0xf2: {  	[tilespmem:s24+$0x200] =	vst v20  }
0xf3: {  	v53 =	vadd.s32 s31, v0;
	v0 =	vld [tilespmem:$0x1FFA0];
	_ =	sdelay $0x1  }
0xf4: {  	v20 =	vld.idx.msk [tilespmem:v10+s2+$0x0], $0xffff;
	[tilespmem:$0x1FF70] =	vst v59  }
0xf5: {  	v50 =	vadd.s32 s31, v58;
	v14 =	vmul.f32 v14, v51;
	[tilespmem:$0x1FF80] =	vst v57  }
0xf6: {  	v49 =	vadd.s32 s31, v56;
	v46 =	vadd.s32 s31, v63;
	v48 =	vadd.s32 s31, v60;
	[tilespmem:$0x1FF90] =	vst v8  }
0xf7: {  	s29 =	simm.s32 $0x2;
	v47 =	vadd.s32 s31, v62;
	v12 =	vadd.f32 v1, v14;
	v1 =	vshll.u32 v32, $0x10;
	[tilespmem:s24+$0xFFFFFC00] =	vst v0  }
0xf8: {  	v14 =	vadd.s32 s29, v8;
	v13 =	vadd.s32 s29, v61;
	v9 =	vshll.u32 v38, $0x10;
	v21 =	vld.idx.msk [tilespmem:v21+s2+$0x0], $0xffff;
	[tilespmem:$0x1FFB0] =	vst v55  }
0xf9: {  	v17 =	vmul.f32 v1, v33;
	v9 =	vmul.f32 v9, v34;
	v1 =	vshll.u32 v39, $0x10;
	[tilespmem:$0x1FFC0] =	vst v54  }
0xfa: {  	v5 =	vmovc v56;
	v6 =	vmovc v62;
	v1 =	vmul.f32 v1, v35;
	v11 =	vshll.u32 v40, $0x10;
	v15 =	vadd.s32 s29, v59;
	[tilespmem:$0x1FFD0] =	vst v3  }
0xfb: {  	v7 =	vmovc v60;
	v11 =	vmul.f32 v11, v36;
	v16 =	vadd.s32 s29, v57;
	v52 =	vshll.u32 v43, $0x10;
	[tilespmem:s24+$0xFFFFFE00] =	vst v4;
	v28 =	vld.idx.msk [tilespmem:v28+s2+$0x0], $0xffff  }
0xfc: {  	s30 =	simm.s32 $0x4;
	s28 =	smov.u32 s24;
	v2 =	vadd.s32 s29, v3;
	v10 =	vadd.s32 s29, v54;
	v8 =	vadd.s32 s29, v55;
	v3 =	vmovc v63;
	v4 =	vmovc v58;
	[tilespmem:s24+$0x0] =	vst v31;
	v31 =	vld.idx.msk [tilespmem:v53+s2+$0x0], $0xffff  }
.LBB2_4:
0xfd: {  	v52 =	vmul.f32 v52, v37;
	v32 =	vand.u32 $0xFFFF0000, v32;
	v38 =	vand.u32 $0xFFFF0000, v38  }
0xfe: {  	v39 =	vand.u32 $0xFFFF0000, v39;
	v40 =	vand.u32 $0xFFFF0000, v40;
	v32 =	vmul.f32 v32, v33  }
0xff: {  	v50 =	vld.idx.msk [tilespmem:v50+s2+$0x0], $0xffff;
	v43 =	vand.u32 $0xFFFF0000, v43;
	v38 =	vmul.f32 v38, v34;
	v39 =	vmul.f32 v39, v35  }
0x100: {  	v0 =	vld [tilespmem:$0x1FEA0];
	v9 =	vadd.f32 v9, v17;
	v40 =	vmul.f32 v40, v36;
	v43 =	vmul.f32 v43, v37  }
0x101: {  	v49 =	vld.idx.msk [tilespmem:v49+s2+$0x0], $0xffff;
	v1 =	vadd.f32 v11, v1;
	v55 =	vand.u32 $0xFFFF0000, v18;
	v57 =	vand.u32 $0xFFFF0000, v21  }
0x102: {  	v47 =	vld.idx.msk [tilespmem:v47+s2+$0x0], $0xffff;
	v32 =	vadd.f32 v38, v32;
	v38 =	vadd.f32 v40, v39;
	v18 =	vshll.u32 v18, $0x10  }
0x103: {  	v48 =	vld.idx.msk [tilespmem:v48+s2+$0x0], $0xffff;
	v53 =	vshll.u32 v44, $0x10;
	v63 =	vand.u32 $0xFFFF0000, v44;
	v56 =	vand.u32 $0xFFFF0000, v20  }
0x104: {  	v46 =	vld.idx.msk [tilespmem:v46+s2+$0x0], $0xffff;
	v58 =	vand.u32 $0xFFFF0000, v28;
	v59 =	vand.u32 $0xFFFF0000, v31;
	v55 =	vmul.f32 v55, v23  }
0x105: {  	v57 =	vmul.f32 v57, v25;
	v54 =	vadd.s32 s31, v0;
	v44 =	vmul.f32 v63, v22  }
0x106: {  	v60 =	vand.u32 $0xFFFF0000, v50;
	v56 =	vmul.f32 v56, v24;
	v61 =	vand.u32 $0xFFFF0000, v49  }
0x107: {  	v58 =	vmul.f32 v58, v26;
	v62 =	vand.u32 $0xFFFF0000, v47;
	v59 =	vmul.f32 v59, v27  }
0x108: {  	v63 =	vand.u32 $0xFFFF0000, v48;
	v60 =	vmul.f32 v60, v29;
	v61 =	vmul.f32 v61, v30  }
0x109: {  	v0 =	vand.u32 $0xFFFF0000, v46;
	v62 =	vmul.f32 v62, v41;
	v63 =	vmul.f32 v63, v42  }
0x10a: {  	v0 =	vmul.f32 v0, v45;
	v39 =	vadd.f32 v44, v43;
	v40 =	vadd.f32 v56, v55  }
0x10b: {  	v21 =	vshll.u32 v21, $0x10;
	v58 =	vadd.f32 v58, v57;
	v60 =	vadd.f32 v60, v59  }
0x10c: {  	v20 =	vshll.u32 v20, $0x10;
	v62 =	vadd.f32 v62, v61;
	v0 =	vadd.f32 v0, v63;
	v43 =	vld.idx.msk [tilespmem:v54+s2+$0x0], $0xffff  }
0x10d: {  	v28 =	vshll.u32 v28, $0x10;
	v32 =	vadd.f32 v38, v32;
	v56 =	vadd.f32 v40, v39  }
0x10e: {  	v31 =	vshll.u32 v31, $0x10;
	v57 =	vadd.f32 v60, v58;
	v0 =	vadd.f32 v0, v62  }
0x10f: {  	v18 =	vmul.f32 v18, v23;
	v17 =	vmul.f32 v21, v25;
	v47 =	vshll.u32 v47, $0x10  }
0x110: {  	v20 =	vmul.f32 v20, v24;
	v32 =	vadd.f32 v56, v32;
	v0 =	vadd.f32 v0, v57  }
0x111: {  	v21 =	vmul.f32 v28, v26;
	v28 =	vmul.f32 v31, v27;
	v62 =	vand.u32 $0xFFFF0000, v43  }
0x112: {  	v61 =	vshll.u32 v46, $0x10;
	v0 =	vadd.f32 v0, v32;
	v46 =	vmul.f32 v62, v51  }
0x113: {  	s28 =	sadd.s32 $0x800, s28;
	v18 =	vadd.f32 v20, v18;
	v59 =	vshll.u32 v49, $0x10;
	v63 =	vmul.f32 v53, v22  }
0x114: {  	[tilespmem:s28+$0xFFFFFC00] =	vst v19;
	v53 =	vmul.f32 v47, v41;
	v11 =	vmul.f32 v59, v30;
	v0 =	vadd.f32 v0, v46  }
0x115: {  	v20 =	vld.idx.msk [tilespmem:v2+s2+$0x0], $0xffff;
	[tilespmem:s28+$0xFFFFFE00] =	vst v12;
	v19 =	vmul.f32 v61, v45;
	v58 =	vshll.u32 v50, $0x10;
	v60 =	vshll.u32 v48, $0x10  }
0x116: {  	v12 =	vadd.f32 v21, v17;
	v31 =	vmul.f32 v58, v29;
	[tilespmem:s28+$0x200] =	vst v0;
	v0 =	vmul.f32 v60, v42  }
0x117: {  	v21 =	vld.idx.msk [tilespmem:v13+s2+$0x0], $0xffff;
	v54 =	vadd.f32 v63, v52;
	v11 =	vadd.f32 v53, v11  }
0x118: {  	v13 =	vld [tilespmem:$0x1FDB0];
	v17 =	vadd.f32 v31, v28;
	v0 =	vadd.f32 v19, v0  }
0x119: {  	v1 =	vadd.f32 v1, v9;
	v9 =	vadd.f32 v18, v54  }
0x11a: {  	v56 =	vld [tilespmem:$0x1FE00];
	v12 =	vadd.f32 v17, v12;
	v0 =	vadd.f32 v0, v11;
	_ =	sdelay $0x1  }
0x11b: {  	v1 =	vadd.f32 v9, v1;
	v0 =	vadd.f32 v0, v12  }
0x11c: {  	v28 =	vadd.s32 s29, v13  }
0x11d: {  	v0 =	vadd.f32 v0, v1;
	v1 =	vld [tilespmem:$0x1FE20]  }
0x11e: {  	v18 =	vld.idx.msk [tilespmem:v16+s2+$0x0], $0xffff;
	v38 =	vadd.s32 s29, v56  }
0x11f: {  	v13 =	vld [tilespmem:$0x1FDC0]  }
0x120: {  	v9 =	vld [tilespmem:$0x1FF70]  }
0x121: {  	v28 =	vld.idx.msk [tilespmem:v28+s2+$0x0], $0xffff  }
0x122: {  	v57 =	vadd.s32 s29, v1;
	v1 =	vld [tilespmem:$0x1FE40]  }
0x123: {  	v38 =	vld.idx.msk [tilespmem:v38+s2+$0x0], $0xffff  }
0x124: {  	v31 =	vadd.s32 s29, v13;
	v19 =	vld.idx.msk [tilespmem:v15+s2+$0x0], $0xffff  }
0x125: {  	v11 =	vld [tilespmem:$0x1FF60]  }
0x126: {  	v15 =	vadd.s32 s30, v9;
	v9 =	vld.idx.msk [tilespmem:v8+s2+$0x0], $0xffff  }
0x127: {  	v58 =	vadd.s32 s29, v1;
	v1 =	vld [tilespmem:$0x1FE50]  }
0x128: {  	v59 =	vshll.u32 v21, $0x10;
	v2 =	vshll.u32 v43, $0x10;
	v8 =	vld [tilespmem:$0x1FDE0]  }
0x129: {  	v47 =	vmul.f32 v59, v33;
	v2 =	vmul.f32 v2, v51;
	v31 =	vld.idx.msk [tilespmem:v31+s2+$0x0], $0xffff  }
0x12a: {  	v61 =	vshll.u32 v28, $0x10;
	v28 =	vand.u32 $0xFFFF0000, v28;
	v13 =	vadd.s32 s30, v11;
	v11 =	vld.idx.msk [tilespmem:v14+s2+$0x0], $0xffff  }
0x12b: {  	v52 =	vmul.f32 v61, v23;
	v28 =	vmul.f32 v28, v23;
	v14 =	vld [tilespmem:$0x1FDD0]  }
0x12c: {  	v56 =	vshll.u32 v38, $0x10;
	v38 =	vand.u32 $0xFFFF0000, v38;
	v43 =	vadd.s32 s29, v1;
	v1 =	vld [tilespmem:$0x1FE80]  }
0x12d: {  	v12 =	vld.idx.msk [tilespmem:v10+s2+$0x0], $0xffff;
	v55 =	vadd.s32 s29, v8;
	v49 =	vshll.u32 v9, $0x10;
	v9 =	vand.u32 $0xFFFF0000, v9  }
0x12e: {  	v56 =	vmul.f32 v56, v27;
	v38 =	vmul.f32 v38, v27;
	v62 =	vshll.u32 v31, $0x10  }
0x12f: {  	v31 =	vand.u32 $0xFFFF0000, v31;
	v49 =	vmul.f32 v49, v37;
	v9 =	vmul.f32 v9, v37  }
0x130: {  	v53 =	vmul.f32 v62, v24;
	v0 =	vadd.f32 v0, v2;
	v17 =	vadd.s32 s29, v14  }
0x131: {  	v31 =	vmul.f32 v31, v24;
	v2 =	vshll.u32 v20, $0x10;
	v44 =	vadd.s32 s29, v1;
	v1 =	vld [tilespmem:$0x1FE90]  }
0x132: {  	v50 =	vshll.u32 v12, $0x10;
	v12 =	vand.u32 $0xFFFF0000, v12;
	v32 =	vld.idx.msk [tilespmem:v55+s2+$0x0], $0xffff;
	[tilespmem:s28+$0x0] =	vst v0;
	v0 =	vshll.u32 v18, $0x10  }
0x133: {  	v18 =	vand.u32 $0xFFFF0000, v18;
	v50 =	vmul.f32 v50, v22;
	v12 =	vmul.f32 v12, v22  }
0x134: {  	v0 =	vmul.f32 v0, v35;
	v48 =	vshll.u32 v11, $0x10;
	v11 =	vand.u32 $0xFFFF0000, v11;
	v39 =	vld.idx.msk [tilespmem:v57+s2+$0x0], $0xffff  }
0x135: {  	v9 =	vadd.f32 v12, v9;
	v12 =	vadd.f32 v31, v28;
	v48 =	vmul.f32 v48, v36;
	v17 =	vld.idx.msk [tilespmem:v17+s2+$0x0], $0xffff  }
0x136: {  	v18 =	vmul.f32 v18, v35;
	v11 =	vmul.f32 v11, v36;
	v40 =	vld.idx.msk [tilespmem:v58+s2+$0x0], $0xffff;
	v46 =	vadd.s32 s29, v1  }
0x137: {  	v9 =	vadd.f32 v12, v9;
	v60 =	vshll.u32 v32, $0x10;
	v0 =	vadd.f32 v48, v0  }
0x138: {  	v32 =	vand.u32 $0xFFFF0000, v32;
	v48 =	vadd.f32 v50, v49;
	v11 =	vadd.f32 v11, v18  }
0x139: {  	v55 =	vmul.f32 v60, v26;
	v32 =	vmul.f32 v32, v26;
	v57 =	vshll.u32 v39, $0x10;
	v43 =	vld.idx.msk [tilespmem:v43+s2+$0x0], $0xffff  }
0x13a: {  	v39 =	vand.u32 $0xFFFF0000, v39;
	v63 =	vshll.u32 v17, $0x10;
	v17 =	vand.u32 $0xFFFF0000, v17;
	v44 =	vld.idx.msk [tilespmem:v44+s2+$0x0], $0xffff  }
0x13b: {  	v39 =	vmul.f32 v39, v29;
	v58 =	vshll.u32 v40, $0x10;
	v40 =	vand.u32 $0xFFFF0000, v40;
	v46 =	vld.idx.msk [tilespmem:v46+s2+$0x0], $0xffff  }
0x13c: {  	v17 =	vmul.f32 v17, v25;
	v40 =	vmul.f32 v40, v30;
	v1 =	vand.u32 $0xFFFF0000, v20  }
0x13d: {  	v8 =	vld [tilespmem:$0x1FF80];
	v20 =	vand.u32 $0xFFFF0000, v21;
	v21 =	vshll.u32 v19, $0x10;
	v19 =	vand.u32 $0xFFFF0000, v19  }
0x13e: {  	v28 =	vld [tilespmem:$0x1FEB0];
	v59 =	vshll.u32 v43, $0x10;
	v43 =	vand.u32 $0xFFFF0000, v43;
	v20 =	vmul.f32 v20, v33  }
0x13f: {  	v19 =	vmul.f32 v19, v34;
	v43 =	vmul.f32 v43, v41;
	v60 =	vshll.u32 v44, $0x10  }
0x140: {  	v44 =	vand.u32 $0xFFFF0000, v44;
	v61 =	vshll.u32 v46, $0x10;
	v46 =	vand.u32 $0xFFFF0000, v46  }
0x141: {  	v17 =	vadd.f32 v32, v17;
	v44 =	vmul.f32 v44, v42;
	v18 =	vmul.f32 v46, v45  }
0x142: {  	s31 =	sadd.s32 $0x1, s30;
	v16 =	vadd.s32 s30, v8;
	v19 =	vadd.f32 v19, v20;
	v20 =	vadd.f32 v39, v38  }
0x143: {  	v28 =	vadd.s32 s31, v28;
	v31 =	vadd.f32 v43, v40;
	v18 =	vadd.f32 v18, v44  }
0x144: {  	v8 =	vld [tilespmem:$0x1FF90];
	v49 =	vadd.f32 v53, v52;
	v57 =	vmul.f32 v57, v29;
	v11 =	vadd.f32 v11, v19  }
0x145: {  	v12 =	vld [tilespmem:$0x1FEF0];
	v54 =	vmul.f32 v63, v25;
	v17 =	vadd.f32 v20, v17;
	v18 =	vadd.f32 v18, v31  }
0x146: {  	v62 =	vadd.f32 v57, v56;
	v56 =	vld [tilespmem:$0x1FEC0];
	v58 =	vmul.f32 v58, v30;
	v21 =	vmul.f32 v21, v34  }
0x147: {  	v59 =	vmul.f32 v59, v41;
	v9 =	vadd.f32 v9, v11;
	v11 =	vadd.f32 v18, v17;
	v17 =	vld [tilespmem:$0x1FF20]  }
0x148: {  	v32 =	vld.idx.msk [tilespmem:v28+s2+$0x0], $0xffff;
	v21 =	vadd.f32 v21, v47;
	v60 =	vmul.f32 v60, v42;
	v47 =	vmul.f32 v61, v45  }
0x149: {  	v63 =	vadd.f32 v59, v58;
	v19 =	vld [tilespmem:$0x1FF00];
	v61 =	vadd.f32 v55, v54  }
0x14a: {  	v58 =	vld [tilespmem:$0x1FED0];
	v0 =	vadd.f32 v0, v21;
	v47 =	vadd.f32 v47, v60  }
0x14b: {  	v57 =	vadd.s32 s31, v56;
	v21 =	vadd.f32 v49, v48;
	v60 =	vadd.f32 v62, v61;
	v62 =	vld [tilespmem:$0x1FEE0]  }
0x14c: {  	v61 =	vadd.f32 v47, v63;
	v28 =	vadd.s32 s31, v17;
	v17 =	vmul.f32 v2, v51;
	v2 =	vld [tilespmem:$0x1FF30]  }
0x14d: {  	v10 =	vld [tilespmem:$0x1FFC0];
	v12 =	vadd.s32 s31, v12  }
0x14e: {  	v0 =	vadd.f32 v21, v0;
	v21 =	vld [tilespmem:$0x1FF10];
	v20 =	vadd.s32 s31, v19;
	v19 =	vadd.f32 v61, v60  }
0x14f: {  	v14 =	vadd.s32 s30, v8;
	v8 =	vld [tilespmem:$0x1FFB0];
	v59 =	vadd.s32 s31, v58  }
0x150: {  	v38 =	vld.idx.msk [tilespmem:v57+s2+$0x0], $0xffff;
	v0 =	vadd.f32 v19, v0  }
0x151: {  	v63 =	vadd.s32 s31, v62;
	v31 =	vadd.s32 s31, v2;
	v2 =	vld [tilespmem:$0x1FF40]  }
0x152: {  	v19 =	vadd.f32 v0, v17;
	v0 =	vld [tilespmem:$0x1FF50]  }
0x153: {  	v43 =	vld.idx.msk [tilespmem:v12+s2+$0x0], $0xffff;
	v21 =	vadd.s32 s31, v21  }
0x154: {  	v39 =	vld.idx.msk [tilespmem:v59+s2+$0x0], $0xffff  }
0x155: {  	v10 =	vadd.s32 s30, v10;
	v44 =	vld.idx.msk [tilespmem:v20+s2+$0x0], $0xffff  }
0x156: {  	v50 =	vadd.s32 s31, v4;
	v9 =	vadd.f32 v11, v9;
	v40 =	vld.idx.msk [tilespmem:v63+s2+$0x0], $0xffff;
	v11 =	vadd.s32 s31, v2  }
0x157: {  	p1 =	slt.u32 s30, $0x1E;
	v8 =	vadd.s32 s30, v8;
	v1 =	vmul.f32 v1, v51;
	v0 =	vadd.s32 s31, v0;
	v2 =	vld [tilespmem:$0x1FFD0]  }
.Ltmp0:
0x158: {  	v49 =	vadd.s32 s31, v5;
	v48 =	vadd.s32 s31, v7;
	v52 =	vshll.u32 v43, $0x10;
	v18 =	vld.idx.msk [tilespmem:v21+s2+$0x0], $0xffff;
	(pc) =	sbr.rel @p1 .LBB2_4-.Ltmp0, $4  }
0x159: {  	v46 =	vadd.s32 s31, v3;
	v12 =	vadd.f32 v9, v1;
	v1 =	vshll.u32 v32, $0x10;
	v20 =	vld.idx.msk [tilespmem:v28+s2+$0x0], $0xffff  }
0x15a: {  	v47 =	vadd.s32 s31, v6;
	v17 =	vmul.f32 v1, v33;
	v1 =	vshll.u32 v38, $0x10;
	v21 =	vld.idx.msk [tilespmem:v31+s2+$0x0], $0xffff  }
0x15b: {  	v9 =	vmul.f32 v1, v34;
	v1 =	vshll.u32 v39, $0x10;
	v31 =	vshll.u32 v40, $0x10;
	v28 =	vld.idx.msk [tilespmem:v11+s2+$0x0], $0xffff  }
0x15c: {  	s29 =	smov.u32 s30;
	v1 =	vmul.f32 v1, v35;
	v2 =	vadd.s32 s30, v2;
	v11 =	vmul.f32 v31, v36;
	v31 =	vld.idx.msk [tilespmem:v0+s2+$0x0], $0xffff;
	s30 =	sadd.s32 $0x2, s30  }
0x15d: {  	_ =	sdelay $0x1  }
0x15e: {  	v0 =	vmul.f32 v52, v37;
	v2 =	vshll.u32 v44, $0x10;
	v4 =	vand.u32 $0xFFFF0000, v32  }
0x15f: {  	v3 =	vld [tilespmem:$0x1FEA0];
	v5 =	vand.u32 $0xFFFF0000, v38;
	v7 =	vand.u32 $0xFFFF0000, v39;
	v8 =	vand.u32 $0xFFFF0000, v40  }
0x160: {  	v6 =	vld.idx.msk [tilespmem:v50+s2+$0x0], $0xffff;
	v10 =	vand.u32 $0xFFFF0000, v43;
	v14 =	vand.u32 $0xFFFF0000, v44;
	v4 =	vmul.f32 v4, v33  }
0x161: {  	v13 =	vld.idx.msk [tilespmem:v49+s2+$0x0], $0xffff;
	v15 =	vand.u32 $0xFFFF0000, v18;
	v5 =	vmul.f32 v5, v34;
	v7 =	vmul.f32 v7, v35  }
0x162: {  	v58 =	vld.idx.msk [tilespmem:v47+s2+$0x0], $0xffff;
	v16 =	vand.u32 $0xFFFF0000, v20;
	v8 =	vmul.f32 v8, v36;
	v10 =	vmul.f32 v10, v37  }
0x163: {  	v60 =	vld.idx.msk [tilespmem:v48+s2+$0x0], $0xffff;
	v14 =	vmul.f32 v14, v22;
	v15 =	vmul.f32 v15, v23;
	v59 =	vand.u32 $0xFFFF0000, v21  }
0x164: {  	v62 =	vld.idx.msk [tilespmem:v46+s2+$0x0], $0xffff;
	v16 =	vmul.f32 v16, v24;
	v61 =	vand.u32 $0xFFFF0000, v28;
	v4 =	vadd.f32 v5, v4  }
0x165: {  	v38 =	vmul.f32 v59, v25;
	v5 =	vadd.f32 v8, v7;
	v8 =	vadd.f32 v14, v10  }
0x166: {  	v63 =	vand.u32 $0xFFFF0000, v31;
	v34 =	vmul.f32 v61, v26;
	v3 =	vadd.s32 s31, v3  }
0x167: {  	v44 =	vand.u32 $0xFFFF0000, v6;
	v46 =	vand.u32 $0xFFFF0000, v13;
	v47 =	vand.u32 $0xFFFF0000, v58  }
0x168: {  	v36 =	vmul.f32 v63, v27;
	v48 =	vand.u32 $0xFFFF0000, v60;
	v37 =	vmul.f32 v44, v29  }
0x169: {  	v49 =	vand.u32 $0xFFFF0000, v62;
	v39 =	vmul.f32 v46, v30;
	v40 =	vmul.f32 v47, v41  }
0x16a: {  	v10 =	vadd.f32 v16, v15;
	v43 =	vmul.f32 v48, v42;
	v7 =	vmul.f32 v49, v45  }
0x16b: {  	v14 =	vshll.u32 v18, $0x10;
	v15 =	vadd.f32 v34, v38;
	v16 =	vadd.f32 v37, v36  }
0x16c: {  	v18 =	vshll.u32 v20, $0x10;
	v20 =	vadd.f32 v40, v39;
	v7 =	vadd.f32 v7, v43  }
0x16d: {  	v4 =	vadd.f32 v5, v4;
	v5 =	vadd.f32 v10, v8  }
0x16e: {  	v3 =	vld.idx.msk [tilespmem:v3+s2+$0x0], $0xffff;
	v10 =	vadd.f32 v16, v15;
	v7 =	vadd.f32 v7, v20;
	_ =	sdelay $0x1  }
0x16f: {  	v4 =	vadd.f32 v5, v4;
	v5 =	vadd.f32 v7, v10;
	_ =	sdelay $0x1  }
0x170: {  	v4 =	vadd.f32 v5, v4  }
0x171: {  	v5 =	vmul.f32 v14, v23;
	v14 =	vmul.f32 v18, v24;
	v10 =	vand.u32 $0xFFFF0000, v3  }
0x172: {  	v10 =	vmul.f32 v10, v51  }
0x173: {  	v9 =	vadd.f32 v9, v17;
	v15 =	vshll.u32 v31, $0x10;
	v5 =	vadd.f32 v14, v5;
	v14 =	vld [tilespmem:$0x1FD90]  }
0x174: {  	v1 =	vadd.f32 v11, v1;
	v4 =	vadd.f32 v4, v10;
	v10 =	vmul.f32 v15, v27;
	v15 =	vld [tilespmem:$0x1FDA0];
	_ =	sdelay $0x1  }
0x175: {  	v2 =	vmul.f32 v2, v22;
	v1 =	vadd.f32 v1, v9;
	v9 =	vld [tilespmem:$0x1FD80]  }
0x176: {  	v20 =	vshll.u32 v62, $0x10;
	v7 =	vshll.u32 v60, $0x10  }
0x177: {  	v0 =	vadd.f32 v2, v0;
	v2 =	vmul.f32 v7, v42;
	v7 =	vmul.f32 v20, v45  }
0x178: {  	v14 =	vadd.f32 v15, v14  }
0x179: {  	v21 =	vshll.u32 v21, $0x10;
	v2 =	vadd.f32 v7, v2  }
0x17a: {  	v17 =	vmul.f32 v21, v25;
	v9 =	vadd.f32 v15, v9;
	v7 =	vadd.f32 $1.258291200e+07, v14  }
0x17b: {  	v6 =	vshll.u32 v6, $0x10;
	v13 =	vshll.u32 v13, $0x10;
	v0 =	vadd.f32 v5, v0  }
0x17c: {  	v8 =	vshll.u32 v28, $0x10;
	v5 =	vadd.f32 $-1.258291200e+07, v7;
	v7 =	vadd.f32 $1.258291200e+07, v9;
	v9 =	vld [tilespmem:$0x1FD70]  }
0x17d: {  	v6 =	vmul.f32 v6, v29;
	v8 =	vmul.f32 v8, v26;
	v16 =	vshll.u32 v58, $0x10  }
0x17e: {  	v11 =	vmul.f32 v13, v30;
	v13 =	vmul.f32 v16, v41  }
0x17f: {  	v8 =	vadd.f32 v8, v17  }
0x180: {  	v6 =	vadd.f32 v6, v10;
	v10 =	vadd.f32 v13, v11  }
0x181: {  	v9 =	vadd.f32 v15, v9  }
0x182: {  	v6 =	vadd.f32 v6, v8;
	v2 =	vadd.f32 v2, v10  }
0x183: {  	v0 =	vadd.f32 v0, v1;
	v8 =	vadd.f32 $1.258291200e+07, v9  }
0x184: {  	v1 =	vadd.f32 v2, v6;
	v5 =	vmax.f32 v5, $0.0e+00;
	v7 =	vadd.f32 $-1.258291200e+07, v7  }
0x185: {  	v2 =	vmin.f32 v5, $2.047000000e+03;
	v6 =	vadd.f32 $-1.258291200e+07, v8  }
0x186: {  	v0 =	vadd.f32 v1, v0;
	v2 =	vtrunc.f32 v2;
	v5 =	vmax.f32 v7, $0.0e+00  }
0x187: {  	v1 =	vcvt.f32.s32 v2;
	v2 =	vmin.f32 v5, $2.047000000e+03;
	v5 =	vmax.f32 v6, $0.0e+00;
	v6 =	vld [tilespmem:$0x1FD60]  }
0x188: {  	v17 =	vld [tilespmem:$0x1FFE0]  }
0x189: {  	v7 =	vld [tilespmem:$0x1FD50]  }
0x18a: {  	v3 =	vshll.u32 v3, $0x10  }
0x18b: {  	v3 =	vmul.f32 v3, v51  }
0x18c: {  	v6 =	vadd.f32 v15, v6  }
0x18d: {  	v0 =	vadd.f32 v0, v3;
	v2 =	vtrunc.f32 v2;
	v1 =	vsub.s32 v1, v17  }
0x18e: {  	v7 =	vadd.f32 v15, v7;
	v5 =	vmin.f32 v5, $2.047000000e+03;
	v6 =	vadd.f32 $1.258291200e+07, v6  }
0x18f: {  	v2 =	vcvt.f32.s32 v2;
	v13 =	vmul.u32 $0x21, v1;
	v5 =	vtrunc.f32 v5  }
0x190: {  	v1 =	vcvt.f32.s32 v5;
	v5 =	vadd.f32 $1.258291200e+07, v7;
	v3 =	vadd.f32 $-1.258291200e+07, v6  }
0x191: {  	v2 =	vsub.s32 v2, v17  }
0x192: {  	v14 =	vmul.u32 $0x21, v2;
	v2 =	vmax.f32 v3, $0.0e+00;
	v3 =	vadd.f32 $-1.258291200e+07, v5;
	v5 =	vld [tilespmem:$0x1FD40];
	_ =	sdelay $0x4  }
0x193: {  	v1 =	vsub.s32 v1, v17;
	v5 =	vadd.f32 v15, v5  }
0x194: {  	v26 =	vmul.u32 $0x21, v1  }
0x195: {  	v1 =	vmin.f32 v2, $2.047000000e+03;
	v2 =	vmax.f32 v3, $0.0e+00;
	v3 =	vadd.f32 $1.258291200e+07, v5;
	v5 =	vld [tilespmem:$0x1FD30];
	_ =	sdelay $0x1  }
0x196: {  	v1 =	vtrunc.f32 v1  }
0x197: {  	v1 =	vcvt.f32.s32 v1  }
0x198: {  	v6 =	vld [tilespmem:$0x1FD10];
	v3 =	vadd.f32 $-1.258291200e+07, v3  }
0x199: {  	v2 =	vmin.f32 v2, $2.047000000e+03;
	v1 =	vsub.s32 v1, v17;
	v5 =	vadd.f32 v15, v5  }
0x19a: {  	v2 =	vtrunc.f32 v2;
	v56 =	vmul.u32 $0x21, v1;
	v1 =	vmax.f32 v3, $0.0e+00;
	v3 =	vld [tilespmem:$0x1FD20]  }
0x19b: {  	v2 =	vcvt.f32.s32 v2;
	v5 =	vadd.f32 $1.258291200e+07, v5  }
0x19c: {  	v7 =	vadd.s32 $0x2, v26  }
0x19d: {  	v6 =	vadd.f32 v15, v6;
	v2 =	vsub.s32 v2, v17;
	v5 =	vadd.f32 $-1.258291200e+07, v5  }
0x19e: {  	[tilespmem:$0x1FC90] =	vst v7;
	v7 =	vld [tilespmem:$0x1FCF0];
	v53 =	vmul.u32 $0x21, v2  }
0x19f: {  	v3 =	vadd.f32 v15, v3;
	v2 =	vmax.f32 v5, $0.0e+00;
	v5 =	vadd.f32 $1.258291200e+07, v6;
	v6 =	vld [tilespmem:$0x1FD00];
	_ =	sdelay $0x1  }
0x1a0: {  	v1 =	vmin.f32 v1, $2.047000000e+03;
	v3 =	vadd.f32 $1.258291200e+07, v3  }
0x1a1: {  	v55 =	vadd.s32 $0x2, v13;
	v1 =	vtrunc.f32 v1  }
0x1a2: {  	v1 =	vcvt.f32.s32 v1;
	v2 =	vmin.f32 v2, $2.047000000e+03;
	v3 =	vadd.f32 $-1.258291200e+07, v3  }
0x1a3: {  	v7 =	vadd.f32 v15, v7;
	v2 =	vtrunc.f32 v2;
	v6 =	vadd.f32 v15, v6  }
0x1a4: {  	v1 =	vsub.s32 v1, v17;
	v2 =	vcvt.f32.s32 v2;
	v3 =	vmax.f32 v3, $0.0e+00  }
0x1a5: {  	v5 =	vadd.f32 $-1.258291200e+07, v5;
	v3 =	vmin.f32 v3, $2.047000000e+03;
	v6 =	vadd.f32 $1.258291200e+07, v6  }
0x1a6: {  	v57 =	vmul.u32 $0x21, v1;
	v1 =	vsub.s32 v2, v17;
	v2 =	vtrunc.f32 v3  }
0x1a7: {  	v3 =	vmax.f32 v5, $0.0e+00;
	v5 =	vadd.f32 $-1.258291200e+07, v6;
	v6 =	vadd.f32 $1.258291200e+07, v7  }
0x1a8: {  	[tilespmem:$0x1FC70] =	vst v55;
	v54 =	vadd.s32 $0x2, v14;
	v58 =	vmul.u32 $0x21, v1;
	v1 =	vcvt.f32.s32 v2  }
0x1a9: {  	s28 =	sadd.s32 $0x800, s28;
	[tilespmem:$0x1FC80] =	vst v54;
	v2 =	vmin.f32 v3, $2.047000000e+03;
	v3 =	vmax.f32 v5, $0.0e+00;
	v5 =	vadd.f32 $-1.258291200e+07, v6  }
0x1aa: {  	[tilespmem:s28+$0x200] =	vst v4  }
0x1ab: {  	v4 =	vmax.f32 v5, $0.0e+00;
	v5 =	vld [tilespmem:$0x1FCE0];
	[tilespmem:s28+$0xFFFFFC00] =	vst v19  }
0x1ac: {  	[tilespmem:s28+$0xFFFFFE00] =	vst v12  }
0x1ad: {  	v3 =	vmin.f32 v3, $2.047000000e+03;
	v6 =	vld [tilespmem:$0x1FCD0];
	[tilespmem:s28+$0x0] =	vst v0  }
0x1ae: {  	v3 =	vtrunc.f32 v3;
	v4 =	vmin.f32 v4, $2.047000000e+03;
	v9 =	vld [tilespmem:$0x1FCA0]  }
0x1af: {  	v3 =	vcvt.f32.s32 v3;
	v4 =	vtrunc.f32 v4;
	v11 =	vld.idx.msk [tilespmem:v13+s2+$0x0], $0xffff  }
0x1b0: {  	v1 =	vsub.s32 v1, v17;
	[tilespmem:$0x1FBA0] =	vst v13;
	v0 =	vcvt.f32.s32 v4;
	v4 =	vld [tilespmem:$0x1FCB0]  }
0x1b1: {  	v62 =	vmovc v13;
	v2 =	vtrunc.f32 v2;
	v60 =	vmul.u32 $0x21, v1;
	v1 =	vsub.s32 v3, v17;
	v13 =	vld.idx.msk [tilespmem:v14+s2+$0x0], $0xffff  }
0x1b2: {  	v2 =	vcvt.f32.s32 v2;
	[tilespmem:$0x1FBB0] =	vst v14;
	v61 =	vmul.u32 $0x21, v1;
	v1 =	vld [tilespmem:$0x1FCC0]  }
0x1b3: {  	s29 =	simm.s32 $0x1;
	v63 =	vmov v14;
	v14 =	vld.idx.msk [tilespmem:v26+s2+$0x0], $0xffff;
	[tilespmem:$0x1FBC0] =	vst v26;
	v5 =	vadd.f32 v15, v5  }
0x1b4: {  	v62 =	vadd.s32 s29, v62;
	v2 =	vsub.s32 v2, v17;
	v16 =	vld.idx.msk [tilespmem:v53+s2+$0x0], $0xffff;
	v7 =	vadd.f32 v15, v6  }
0x1b5: {  	s25 =	sadd.s32 s26, s25;
	v59 =	vmul.u32 $0x21, v2;
	v5 =	vadd.f32 $1.258291200e+07, v5;
	v9 =	vadd.f32 v15, v9  }
0x1b6: {  	v12 =	vld [tilespmem:s25+$0xB780];
	v0 =	vsub.s32 v0, v17;
	v3 =	vadd.f32 $1.258291200e+07, v7;
	v8 =	vadd.f32 v15, v4  }
0x1b7: {  	v32 =	vmul.u32 $0x21, v0;
	v2 =	vadd.f32 $-1.258291200e+07, v5;
	v1 =	vadd.f32 v15, v1  }
0x1b8: {  	v9 =	vadd.f32 $1.258291200e+07, v9;
	v18 =	vshll.u32 v14, $0x10;
	v14 =	vand.u32 $0xFFFF0000, v14  }
0x1b9: {  	v3 =	vadd.f32 $-1.258291200e+07, v3;
	v8 =	vadd.f32 $1.258291200e+07, v8;
	v23 =	vshll.u32 v16, $0x10  }
0x1ba: {  	v15 =	vld.idx.msk [tilespmem:v56+s2+$0x0], $0xffff;
	v16 =	vand.u32 $0xFFFF0000, v16;
	v2 =	vmax.f32 v2, $0.0e+00;
	v1 =	vadd.f32 $1.258291200e+07, v1  }
0x1bb: {  	v5 =	vld [tilespmem:s25+$0xB380];
	v9 =	vadd.f32 $-1.258291200e+07, v9;
	v23 =	vmul.f32 v23, v12;
	v16 =	vmul.f32 v16, v12  }
0x1bc: {  	v4 =	vld [tilespmem:s25+$0xB580];
	v2 =	vmin.f32 v2, $2.047000000e+03;
	v10 =	vmax.f32 v3, $0.0e+00;
	v8 =	vadd.f32 $-1.258291200e+07, v8  }
0x1bd: {  	v19 =	vld.idx.msk [tilespmem:v61+s2+$0x0], $0xffff;
	v0 =	vtrunc.f32 v2;
	v1 =	vadd.f32 $-1.258291200e+07, v1;
	v10 =	vmin.f32 v10, $2.047000000e+03  }
0x1be: {  	v9 =	vmax.f32 v9, $0.0e+00;
	v0 =	vcvt.f32.s32 v0;
	v10 =	vtrunc.f32 v10  }
0x1bf: {  	v24 =	vld [tilespmem:s25+$0xC180];
	v8 =	vmax.f32 v8, $0.0e+00;
	v9 =	vmin.f32 v9, $2.047000000e+03;
	v21 =	vshll.u32 v15, $0x10  }
0x1c0: {  	v15 =	vand.u32 $0xFFFF0000, v15;
	v18 =	vmul.f32 v18, v5;
	v14 =	vmul.f32 v14, v5  }
0x1c1: {  	v1 =	vmax.f32 v1, $0.0e+00;
	v10 =	vcvt.f32.s32 v10;
	v8 =	vmin.f32 v8, $2.047000000e+03  }
0x1c2: {  	v28 =	vld.idx.msk [tilespmem:v32+s2+$0x0], $0xffff;
	v9 =	vtrunc.f32 v9;
	v39 =	vshll.u32 v19, $0x10;
	v21 =	vmul.f32 v21, v4  }
0x1c3: {  	v19 =	vand.u32 $0xFFFF0000, v19;
	v15 =	vmul.f32 v15, v4;
	v8 =	vtrunc.f32 v8  }
0x1c4: {  	v25 =	vld [tilespmem:s25+$0xC380];
	v1 =	vmin.f32 v1, $2.047000000e+03;
	v9 =	vcvt.f32.s32 v9;
	v39 =	vmul.f32 v39, v24  }
0x1c5: {  	v6 =	vld [tilespmem:s25+$0xAF80];
	v0 =	vsub.s32 v0, v17;
	v1 =	vtrunc.f32 v1;
	v8 =	vcvt.f32.s32 v8  }
0x1c6: {  	v7 =	vld [tilespmem:s25+$0xB180];
	v33 =	vmul.u32 $0x21, v0;
	v0 =	vsub.s32 v10, v17;
	v1 =	vcvt.f32.s32 v1  }
0x1c7: {  	v10 =	vld.idx.msk [tilespmem:v57+s2+$0x0], $0xffff;
	v41 =	vshll.u32 v28, $0x10;
	v43 =	vand.u32 $0xFFFF0000, v28;
	v18 =	vadd.f32 v21, v18  }
0x1c8: {  	v34 =	vmul.u32 $0x21, v0;
	v0 =	vsub.s32 v1, v17;
	v1 =	vsub.s32 v8, v17  }
0x1c9: {  	v2 =	vld [tilespmem:s25+$0xB980];
	v41 =	vmul.f32 v41, v25;
	v52 =	vmul.u32 $0x21, v0;
	v35 =	vmul.u32 $0x21, v1  }
0x1ca: {  	v20 =	vld [tilespmem:s25+$0xBD80];
	v0 =	vsub.s32 v9, v17;
	v9 =	vshll.u32 v11, $0x10;
	v11 =	vand.u32 $0xFFFF0000, v11  }
0x1cb: {  	v8 =	vld.idx.msk [tilespmem:v58+s2+$0x0], $0xffff;
	v17 =	vshll.u32 v13, $0x10;
	v13 =	vand.u32 $0xFFFF0000, v13;
	v36 =	vmul.u32 $0x21, v0  }
0x1cc: {  	v1 =	vld.idx.msk [tilespmem:v60+s2+$0x0], $0xffff;
	v29 =	vshll.u32 v10, $0x10;
	v9 =	vmul.f32 v9, v6;
	v17 =	vmul.f32 v17, v7  }
0x1cd: {  	v3 =	vld [tilespmem:s25+$0xBB80];
	v10 =	vand.u32 $0xFFFF0000, v10;
	v11 =	vmul.f32 v11, v6;
	v13 =	vmul.f32 v13, v7  }
0x1ce: {  	v0 =	vld.idx.msk [tilespmem:v59+s2+$0x0], $0xffff;
	v45 =	vmul.f32 v29, v2;
	v10 =	vmul.f32 v10, v2;
	v9 =	vadd.f32 v17, v9  }
0x1cf: {  	v22 =	vld [tilespmem:s25+$0xBF80];
	v17 =	vmul.f32 v19, v24;
	v11 =	vadd.f32 v13, v11;
	v13 =	vadd.f32 v15, v14  }
0x1d0: {  	v50 =	vld.idx.msk [tilespmem:v33+s2+$0x0], $0xffff;
	v14 =	vadd.s32 s29, v26;
	v30 =	vshll.u32 v8, $0x10;
	v8 =	vand.u32 $0xFFFF0000, v8  }
0x1d1: {  	v40 =	vld.idx.msk [tilespmem:v34+s2+$0x0], $0xffff;
	v23 =	vadd.f32 v45, v23;
	v10 =	vadd.f32 v10, v16;
	v31 =	vshll.u32 v1, $0x10  }
0x1d2: {  	v27 =	vld [tilespmem:s25+$0xC580];
	v1 =	vand.u32 $0xFFFF0000, v1;
	v47 =	vmul.f32 v30, v3;
	v8 =	vmul.f32 v8, v3  }
0x1d3: {  	v28 =	vld [tilespmem:s25+$0xC780];
	v9 =	vadd.f32 v18, v9;
	v11 =	vadd.f32 v13, v11;
	v37 =	vshll.u32 v0, $0x10  }
0x1d4: {  	v0 =	vand.u32 $0xFFFF0000, v0;
	v42 =	vld.idx.msk [tilespmem:v52+s2+$0x0], $0xffff;
	v49 =	vmul.f32 v31, v20;
	v1 =	vmul.f32 v1, v20  }
0x1d5: {  	v46 =	vld.idx.msk [tilespmem:v35+s2+$0x0], $0xffff;
	v44 =	vshll.u32 v50, $0x10;
	v38 =	vand.u32 $0xFFFF0000, v50;
	v37 =	vmul.f32 v37, v22  }
0x1d6: {  	v29 =	vld [tilespmem:s25+$0xC980];
	v0 =	vmul.f32 v0, v22;
	v48 =	vshll.u32 v40, $0x10;
	v40 =	vand.u32 $0xFFFF0000, v40  }
0x1d7: {  	v50 =	vld.idx.msk [tilespmem:v36+s2+$0x0], $0xffff;
	v38 =	vmul.f32 v38, v27;
	v47 =	vadd.f32 v49, v47;
	v1 =	vadd.f32 v1, v8  }
0x1d8: {  	v30 =	vld [tilespmem:s25+$0xCB80];
	v8 =	vadd.s32 s29, v56;
	v40 =	vmul.f32 v40, v28;
	v37 =	vadd.f32 v39, v37  }
0x1d9: {  	v31 =	vld [tilespmem:s25+$0xCD80];
	v0 =	vadd.f32 v17, v0;
	v51 =	vshll.u32 v42, $0x10;
	v19 =	vand.u32 $0xFFFF0000, v42  }
0x1da: {  	v42 =	vmul.f32 v43, v25;
	v21 =	vshll.u32 v46, $0x10;
	v43 =	vmul.f32 v44, v27  }
0x1db: {  	v44 =	vand.u32 $0xFFFF0000, v46;
	v46 =	vmul.f32 v48, v28;
	v48 =	vmul.f32 v51, v29  }
0x1dc: {  	v18 =	vadd.f32 v47, v23;
	v1 =	vadd.f32 v1, v10;
	v45 =	vshll.u32 v50, $0x10  }
0x1dd: {  	v19 =	vmul.f32 v19, v29;
	v46 =	vadd.f32 v48, v46;
	v48 =	vadd.s32 s29, v63  }
0x1de: {  	v50 =	vand.u32 $0xFFFF0000, v50;
	v21 =	vmul.f32 v21, v30;
	v45 =	vmul.f32 v45, v31  }
0x1df: {  	[tilespmem:$0x1FBD0] =	vst v56;
	v44 =	vmul.f32 v44, v30;
	v39 =	vadd.f32 v43, v41;
	v51 =	vmul.f32 v50, v31  }
0x1e0: {  	v16 =	vadd.s32 s29, v53;
	[tilespmem:$0x1FBE0] =	vst v53;
	v15 =	vadd.f32 v38, v42;
	v21 =	vadd.f32 v45, v21  }
0x1e1: {  	v49 =	vld.idx.msk [tilespmem:v62+s2+$0x0], $0xffff;
	[tilespmem:$0x1FBF0] =	vst v57;
	v50 =	vadd.s32 s29, v57;
	v17 =	vadd.f32 v19, v40;
	v19 =	vadd.f32 v51, v44  }
0x1e2: {  	v51 =	vadd.s32 s29, v58;
	v37 =	vadd.f32 v39, v37;
	v21 =	vadd.f32 v21, v46;
	v23 =	vld.idx.msk [tilespmem:v48+s2+$0x0], $0xffff;
	[tilespmem:$0x1FC10] =	vst v58  }
0x1e3: {  	v62 =	vadd.s32 s29, v60;
	v9 =	vadd.f32 v18, v9;
	v0 =	vadd.f32 v15, v0;
	v14 =	vld.idx.msk [tilespmem:v14+s2+$0x0], $0xffff;
	[tilespmem:$0x1FC20] =	vst v60  }
0x1e4: {  	s30 =	simm.s32 $0x0;
	v13 =	vadd.f32 v19, v17;
	v17 =	vadd.f32 v21, v37;
	v8 =	vld.idx.msk [tilespmem:v8+s2+$0x0], $0xffff;
	[tilespmem:$0x1FC40] =	vst v59  }
0x1e5: {  	v55 =	vadd.s32 s30, v55;
	v10 =	vadd.s32 s29, v59;
	v1 =	vadd.f32 v1, v11;
	v15 =	vld.idx.msk [tilespmem:v16+s2+$0x0], $0xffff;
	[tilespmem:$0x1FC50] =	vst v61  }
0x1e6: {  	v0 =	vadd.f32 v13, v0;
	v9 =	vadd.f32 v17, v9;
	v16 =	vadd.s32 s29, v61;
	v18 =	vld.idx.msk [tilespmem:v50+s2+$0x0], $0xffff  }
0x1e7: {  	v19 =	vadd.s32 s29, v32;
	v13 =	vadd.s32 s29, v33;
	v21 =	vshll.u32 v49, $0x10;
	v11 =	vld.idx.msk [tilespmem:v51+s2+$0x0], $0xffff  }
0x1e8: {  	v48 =	vadd.s32 s29, v34;
	v0 =	vadd.f32 v0, v1;
	v44 =	vld.idx.msk [tilespmem:v62+s2+$0x0], $0xffff;
	[tilespmem:$0x1FC00] =	vst v9;
	v9 =	vmul.f32 v21, v6  }
0x1e9: {  	v21 =	vadd.s32 s29, v36;
	v63 =	vshll.u32 v23, $0x10;
	v23 =	vand.u32 $0xFFFF0000, v23  }
0x1ea: {  	v10 =	vld.idx.msk [tilespmem:v10+s2+$0x0], $0xffff;
	[tilespmem:$0x1FC30] =	vst v0;
	v0 =	vadd.s32 s29, v52;
	v17 =	vmul.f32 v63, v7;
	v23 =	vmul.f32 v23, v7  }
0x1eb: {  	v50 =	vand.u32 $0xFFFF0000, v8;
	v8 =	vshll.u32 v8, $0x10;
	v1 =	vld.idx.msk [tilespmem:v16+s2+$0x0], $0xffff;
	v16 =	vadd.s32 s29, v35  }
0x1ec: {  	v9 =	vadd.f32 v17, v9;
	v17 =	vand.u32 $0xFFFF0000, v49;
	v49 =	vand.u32 $0xFFFF0000, v14  }
0x1ed: {  	v51 =	vand.u32 $0xFFFF0000, v15;
	v38 =	vmul.f32 v50, v4;
	v14 =	vshll.u32 v14, $0x10  }
0x1ee: {  	v15 =	vshll.u32 v15, $0x10;
	v8 =	vmul.f32 v8, v4;
	v40 =	vand.u32 $0xFFFF0000, v18  }
0x1ef: {  	v19 =	vld.idx.msk [tilespmem:v19+s2+$0x0], $0xffff;
	v41 =	vand.u32 $0xFFFF0000, v11;
	v17 =	vmul.f32 v17, v6;
	v37 =	vmul.f32 v49, v5  }
0x1f0: {  	v13 =	vld.idx.msk [tilespmem:v13+s2+$0x0], $0xffff;
	v42 =	vand.u32 $0xFFFF0000, v44;
	v39 =	vmul.f32 v51, v12;
	v14 =	vmul.f32 v14, v5  }
0x1f1: {  	v45 =	vld.idx.msk [tilespmem:v48+s2+$0x0], $0xffff;
	v15 =	vmul.f32 v15, v12;
	v18 =	vshll.u32 v18, $0x10;
	v11 =	vshll.u32 v11, $0x10  }
0x1f2: {  	v44 =	vshll.u32 v44, $0x10;
	v40 =	vmul.f32 v40, v2;
	v41 =	vmul.f32 v41, v3  }
0x1f3: {  	v63 =	vand.u32 $0xFFFF0000, v10;
	v42 =	vmul.f32 v42, v20;
	v18 =	vmul.f32 v18, v2  }
0x1f4: {  	v11 =	vmul.f32 v11, v3;
	v44 =	vmul.f32 v44, v20;
	v10 =	vshll.u32 v10, $0x10  }
0x1f5: {  	v47 =	vand.u32 $0xFFFF0000, v19;
	v48 =	vand.u32 $0xFFFF0000, v13;
	v17 =	vadd.f32 v23, v17  }
0x1f6: {  	v21 =	vld.idx.msk [tilespmem:v21+s2+$0x0], $0xffff;
	v23 =	vand.u32 $0xFFFF0000, v45;
	v43 =	vmul.f32 v63, v22;
	v51 =	vadd.f32 v38, v37  }
0x1f7: {  	v0 =	vld.idx.msk [tilespmem:v0+s2+$0x0], $0xffff;
	v37 =	vadd.s32 $0x2, v56;
	v8 =	vadd.f32 v8, v14;
	v19 =	vshll.u32 v19, $0x10  }
0x1f8: {  	v13 =	vshll.u32 v13, $0x10;
	v10 =	vmul.f32 v10, v22;
	v38 =	vmul.f32 v47, v25;
	v16 =	vld.idx.msk [tilespmem:v16+s2+$0x0], $0xffff  }
0x1f9: {  	v47 =	vmul.f32 v48, v27;
	v48 =	vadd.f32 v40, v39;
	v23 =	vmul.f32 v23, v28  }
0x1fa: {  	v42 =	vadd.f32 v42, v41;
	v39 =	vadd.s32 $0x2, v57;
	v14 =	vadd.s32 s30, v37  }
0x1fb: {  	v62 =	vmovc v52;
	v15 =	vadd.f32 v18, v15;
	v11 =	vadd.f32 v44, v11;
	v52 =	vand.u32 $0xFFFF0000, v1  }
0x1fc: {  	v17 =	vadd.f32 v51, v17;
	v46 =	vmul.f32 v52, v24;
	v63 =	vand.u32 $0xFFFF0000, v0  }
0x1fd: {  	v40 =	vmul.f32 v63, v29;
	v63 =	vand.u32 $0xFFFF0000, v21;
	v52 =	vand.u32 $0xFFFF0000, v16  }
0x1fe: {  	v48 =	vadd.f32 v42, v48;
	v50 =	vmul.f32 v63, v31;
	v49 =	vmul.f32 v52, v30  }
0x1ff: {  	v19 =	vmul.f32 v19, v25;
	v13 =	vmul.f32 v13, v27;
	v8 =	vadd.f32 v8, v9  }
0x200: {  	v1 =	vshll.u32 v1, $0x10;
	v57 =	vadd.f32 v50, v49;
	v50 =	vadd.f32 v48, v17;
	v17 =	vld [tilespmem:$0x1FC90]  }
0x201: {  	v56 =	vadd.f32 v47, v38;
	v38 =	vadd.s32 $0x2, v53;
	v42 =	vadd.s32 $0x2, v59  }
0x202: {  	v59 =	vshll.u32 v45, $0x10;
	v13 =	vadd.f32 v13, v19;
	v43 =	vadd.f32 v46, v43  }
0x203: {  	v1 =	vmul.f32 v1, v24;
	v11 =	vadd.f32 v11, v15;
	v23 =	vadd.f32 v40, v23  }
0x204: {  	v18 =	vadd.s32 s30, v38;
	v46 =	vadd.f32 v56, v43;
	v56 =	vadd.s32 s30, v54  }
0x205: {  	v0 =	vshll.u32 v0, $0x10;
	v23 =	vadd.f32 v57, v23;
	v57 =	vadd.s32 s30, v17  }
0x206: {  	v44 =	vmul.f32 v59, v28;
	v21 =	vshll.u32 v21, $0x10;
	v63 =	vadd.s32 $0x2, v60  }
0x207: {  	v60 =	vmul.f32 v0, v29;
	v21 =	vmul.f32 v21, v31;
	v16 =	vshll.u32 v16, $0x10  }
0x208: {  	v40 =	vadd.s32 $0x2, v58;
	v58 =	vadd.s32 s30, v39;
	v52 =	vld.idx.msk [tilespmem:v55+s2+$0x0], $0xffff;
	v16 =	vmul.f32 v16, v30  }
0x209: {  	v1 =	vadd.f32 v1, v10;
	v43 =	vadd.s32 $0x2, v61;
	v19 =	vadd.s32 s30, v40;
	v49 =	vld.idx.msk [tilespmem:v56+s2+$0x0], $0xffff;
	[tilespmem:$0x1FB00] =	vst v40  }
0x20a: {  	v61 =	vadd.f32 v60, v44;
	v16 =	vadd.f32 v21, v16;
	v53 =	vld.idx.msk [tilespmem:v57+s2+$0x0], $0xffff;
	[tilespmem:$0x1FB10] =	vst v63;
	v63 =	vadd.s32 s30, v63  }
0x20b: {  	v0 =	vadd.s32 $0x2, v32;
	v1 =	vadd.f32 v13, v1;
	v17 =	vld.idx.msk [tilespmem:v14+s2+$0x0], $0xffff;
	[tilespmem:$0x1FB20] =	vst v42;
	v14 =	vadd.s32 s30, v42  }
0x20c: {  	v15 =	vadd.s32 s30, v43;
	v16 =	vadd.f32 v16, v61;
	v23 =	vadd.f32 v23, v46;
	v13 =	vld.idx.msk [tilespmem:v18+s2+$0x0], $0xffff;
	[tilespmem:$0x1FB30] =	vst v43  }
0x20d: {  	v10 =	vadd.s32 $0x2, v33;
	v8 =	vadd.f32 v11, v8;
	v21 =	vadd.s32 s30, v0;
	v18 =	vld.idx.msk [tilespmem:v58+s2+$0x0], $0xffff;
	[tilespmem:$0x1FB40] =	vst v0  }
0x20e: {  	v9 =	vadd.s32 $0x2, v34;
	v1 =	vadd.f32 v16, v1;
	v41 =	vadd.f32 v23, v50;
	v11 =	vld.idx.msk [tilespmem:v19+s2+$0x0], $0xffff;
	[tilespmem:$0x1FB50] =	vst v10  }
0x20f: {  	v23 =	vadd.s32 s30, v9;
	v0 =	vadd.s32 $0x2, v62;
	v16 =	vld.idx.msk [tilespmem:v63+s2+$0x0], $0xffff;
	[tilespmem:$0x1FB60] =	vst v9;
	v9 =	vadd.s32 $0x2, v35  }
0x210: {  	v14 =	vld.idx.msk [tilespmem:v14+s2+$0x0], $0xffff;
	[tilespmem:$0x1FB70] =	vst v0;
	v45 =	vadd.s32 s30, v9  }
0x211: {  	v15 =	vld.idx.msk [tilespmem:v15+s2+$0x0], $0xffff;
	[tilespmem:$0x1FB80] =	vst v9  }
0x212: {  	v43 =	vadd.s32 s30, v0;
	v0 =	vadd.s32 $0x2, v36;
	v21 =	vld.idx.msk [tilespmem:v21+s2+$0x0], $0xffff  }
0x213: {  	v46 =	vshll.u32 v49, $0x10;
	v56 =	vadd.s32 s30, v0;
	[tilespmem:$0x1FB90] =	vst v0;
	v0 =	vld [tilespmem:$0x1FBA0]  }
0x214: {  	v57 =	vmul.f32 v46, v7;
	v46 =	vshll.u32 v16, $0x10  }
0x215: {  	v16 =	vand.u32 $0xFFFF0000, v16;
	v55 =	vld.idx.msk [tilespmem:v45+s2+$0x0], $0xffff;
	v45 =	vshll.u32 v11, $0x10;
	v11 =	vand.u32 $0xFFFF0000, v11  }
0x216: {  	v50 =	vshll.u32 v13, $0x10;
	v16 =	vmul.f32 v16, v20;
	v11 =	vmul.f32 v11, v3  }
0x217: {  	s31 =	simm.s32 $0x3;
	v19 =	vadd.s32 s30, v10;
	v10 =	vld.idx.msk [tilespmem:v43+s2+$0x0], $0xffff;
	v43 =	vmul.f32 v50, v12;
	v50 =	vshll.u32 v21, $0x10  }
0x218: {  	v16 =	vadd.f32 v16, v11;
	v11 =	vand.u32 $0xFFFF0000, v21;
	v21 =	vadd.s32 s31, v0;
	v0 =	vld [tilespmem:$0x1FBB0]  }
0x219: {  	v44 =	vshll.u32 v52, $0x10  }
0x21a: {  	v54 =	vmul.f32 v44, v6;
	v47 =	vshll.u32 v53, $0x10  }
0x21b: {  	v58 =	vmul.f32 v47, v5;
	v48 =	vshll.u32 v17, $0x10;
	v13 =	vand.u32 $0xFFFF0000, v13;
	v23 =	vld.idx.msk [tilespmem:v23+s2+$0x0], $0xffff  }
0x21c: {  	v26 =	vmovc v32;
	v32 =	vmovc v33;
	v42 =	vshll.u32 v18, $0x10;
	v18 =	vand.u32 $0xFFFF0000, v18;
	v47 =	vshll.u32 v14, $0x10;
	v56 =	vld.idx.msk [tilespmem:v56+s2+$0x0], $0xffff  }
0x21d: {  	v33 =	vmovc v34;
	v34 =	vmovc v35;
	v44 =	vmul.f32 v42, v2;
	v60 =	vmul.f32 v47, v22;
	v47 =	vadd.s32 s31, v0;
	v0 =	vld [tilespmem:$0x1FBC0]  }
0x21e: {  	v35 =	vmovc v36;
	v36 =	vadd.f32 v1, v8;
	v13 =	vmul.f32 v13, v12;
	v18 =	vmul.f32 v18, v2  }
0x21f: {  	v59 =	vmul.f32 v48, v4;
	v51 =	vadd.f32 v44, v43;
	v14 =	vand.u32 $0xFFFF0000, v14  }
0x220: {  	v13 =	vadd.f32 v18, v13;
	v48 =	vshll.u32 v15, $0x10;
	v15 =	vand.u32 $0xFFFF0000, v15  }
0x221: {  	v19 =	vld.idx.msk [tilespmem:v19+s2+$0x0], $0xffff;
	v14 =	vmul.f32 v14, v22;
	v1 =	vshll.u32 v23, $0x10;
	v18 =	vand.u32 $0xFFFF0000, v23  }
0x222: {  	v8 =	vshll.u32 v56, $0x10;
	v23 =	vand.u32 $0xFFFF0000, v56;
	v56 =	vadd.s32 s31, v0;
	v0 =	vld [tilespmem:$0x1FBD0]  }
0x223: {  	v40 =	vmovc v62;
	v15 =	vmul.f32 v15, v24;
	v62 =	vmul.f32 v50, v25;
	v43 =	vshll.u32 v10, $0x10  }
0x224: {  	v10 =	vand.u32 $0xFFFF0000, v10;
	v9 =	vmul.f32 v1, v28;
	v50 =	vmul.f32 v43, v29  }
0x225: {  	v18 =	vmul.f32 v18, v28;
	v10 =	vmul.f32 v10, v29;
	v1 =	vshll.u32 v55, $0x10  }
0x226: {  	v14 =	vadd.f32 v15, v14;
	v15 =	vand.u32 $0xFFFF0000, v19;
	v1 =	vmul.f32 v1, v30;
	[tilespmem:s24+$0x200] =	vst.add.f32.msk $0xffff, v41  }
0x227: {  	v10 =	vadd.f32 v10, v18;
	v8 =	vmul.f32 v8, v31;
	v18 =	vadd.s32 s31, v0;
	v0 =	vld [tilespmem:$0x1FBE0]  }
0x228: {  	v11 =	vmul.f32 v11, v25;
	v15 =	vmul.f32 v15, v27  }
0x229: {  	v9 =	vadd.f32 v50, v9;
	v1 =	vadd.f32 v8, v1  }
0x22a: {  	v15 =	vadd.f32 v15, v11  }
0x22b: {  	v42 =	vshll.u32 v19, $0x10;
	v19 =	vand.u32 $0xFFFF0000, v55;
	v1 =	vadd.f32 v1, v9  }
0x22c: {  	v9 =	vadd.f32 v16, v13;
	v13 =	vadd.f32 v15, v14;
	v14 =	vadd.s32 s31, v0;
	v0 =	vld [tilespmem:$0x1FBF0]  }
0x22d: {  	v19 =	vmul.f32 v19, v30;
	v23 =	vmul.f32 v23, v31;
	_ =	sdelay $0x1  }
0x22e: {  	v19 =	vadd.f32 v23, v19;
	_ =	sdelay $0x1  }
0x22f: {  	v10 =	vadd.f32 v19, v10;
	v19 =	vadd.s32 s31, v0;
	v0 =	vld [tilespmem:$0x1FC00];
	_ =	sdelay $0x4  }
0x230: {  	[tilespmem:s24+$0xFFFFFC00] =	vst.add.f32.msk $0xffff, v0  }
0x231: {  	v0 =	vld [tilespmem:$0x1FC10];
	_ =	sdelay $0x3  }
0x232: {  	v16 =	vld.idx.msk [tilespmem:v18+s2+$0x0], $0xffff  }
0x233: {  	v18 =	vadd.s32 s31, v0;
	v0 =	vld [tilespmem:$0x1FC20];
	_ =	sdelay $0x1  }
0x234: {  	v63 =	vmul.f32 v42, v27  }
0x235: {  	v54 =	vadd.f32 v57, v54  }
0x236: {  	v57 =	vadd.f32 v59, v58;
	v58 =	vmul.f32 v45, v3;
	v45 =	vadd.f32 v63, v62;
	v63 =	vld.idx.msk [tilespmem:v21+s2+$0x0], $0xffff  }
0x237: {  	v21 =	vadd.s32 s31, v0;
	v0 =	vld [tilespmem:$0x1FC30];
	_ =	sdelay $0x3  }
0x238: {  	v17 =	vand.u32 $0xFFFF0000, v17;
	v59 =	vmul.f32 v46, v20  }
0x239: {  	v49 =	vand.u32 $0xFFFF0000, v49;
	v17 =	vmul.f32 v17, v4;
	v46 =	vand.u32 $0xFFFF0000, v53;
	[tilespmem:s24+$0xFFFFFE00] =	vst.add.f32.msk $0xffff, v0  }
0x23a: {  	v58 =	vadd.f32 v59, v58;
	v50 =	vmul.f32 v46, v5;
	v8 =	vand.u32 $0xFFFF0000, v52;
	v0 =	vld [tilespmem:$0x1FC40]  }
0x23b: {  	v49 =	vmul.f32 v49, v7;
	v8 =	vmul.f32 v8, v6  }
0x23c: {  	v51 =	vadd.f32 v58, v51;
	v17 =	vadd.f32 v17, v50  }
0x23d: {  	v23 =	vadd.f32 v57, v54;
	v8 =	vadd.f32 v49, v8  }
0x23e: {  	[tilespmem:s24+$0x0] =	vst.add.f32.msk $0xffff, v36  }
0x23f: {  	v8 =	vadd.f32 v17, v8;
	v17 =	vadd.f32 v51, v23;
	v23 =	vadd.s32 s31, v0;
	v0 =	vld [tilespmem:$0x1FC50];
	_ =	sdelay $0x2  }
0x240: {  	v61 =	vmul.f32 v48, v24;
	_ =	sdelay $0x1  }
0x241: {  	v44 =	vadd.f32 v61, v60;
	v61 =	vadd.s32 s31, v0;
	v0 =	vld [tilespmem:$0x1FC70];
	_ =	sdelay $0x3  }
0x242: {  	s25 =	simm.s32 $0x2  }
0x243: {  	v59 =	vadd.f32 v45, v44;
	v53 =	vadd.s32 s25, v0;
	v0 =	vld [tilespmem:$0x1FC80]  }
0x244: {  	v11 =	vld.idx.msk [tilespmem:v47+s2+$0x0], $0xffff  }
0x245: {  	v1 =	vadd.f32 v1, v59;
	v15 =	vld.idx.msk [tilespmem:v56+s2+$0x0], $0xffff  }
0x246: {  	v57 =	vadd.s32 s25, v39;
	v8 =	vadd.f32 v9, v8;
	v14 =	vld.idx.msk [tilespmem:v14+s2+$0x0], $0xffff;
	v36 =	vadd.s32 s31, v26;
	[tilespmem:$0x1FC60] =	vst v26  }
0x247: {  	v49 =	vadd.s32 s25, v38;
	v9 =	vadd.f32 v10, v13;
	v54 =	vadd.f32 v1, v17;
	v17 =	vld.idx.msk [tilespmem:v19+s2+$0x0], $0xffff  }
0x248: {  	v48 =	vmovc v32;
	v51 =	vadd.s32 s25, v37;
	v1 =	vshll.u32 v63, $0x10;
	v52 =	vadd.s32 s25, v0;
	v0 =	vld [tilespmem:$0x1FC90]  }
0x249: {  	v42 =	vmovc v38;
	v13 =	vmul.f32 v1, v6;
	v1 =	vshll.u32 v11, $0x10;
	v55 =	vadd.f32 v9, v8;
	v58 =	vld.idx.msk [tilespmem:v18+s2+$0x0], $0xffff  }
0x24a: {  	v43 =	vmovc v40;
	v46 =	vmovc v35;
	v9 =	vadd.s32 s31, v40;
	v8 =	vadd.s32 s31, v34;
	v10 =	vmul.f32 v1, v7;
	v59 =	vld.idx.msk [tilespmem:v21+s2+$0x0], $0xffff  }
0x24b: {  	v44 =	vmovc v34;
	v47 =	vmovc v37;
	v1 =	vshll.u32 v15, $0x10;
	v19 =	vshll.u32 v16, $0x10;
	v21 =	vadd.s32 s31, v32;
	v62 =	vld.idx.msk [tilespmem:v36+s2+$0x0], $0xffff  }
0x24c: {  	v41 =	vmovc v33;
	v1 =	vmul.f32 v1, v5;
	v56 =	vmul.f32 v19, v4;
	v19 =	vadd.s32 s31, v33;
	v60 =	vld.idx.msk [tilespmem:v23+s2+$0x0], $0xffff  }
0x24d: {  	s26 =	simm.s32 $0x4;
	v18 =	vadd.s32 s31, v35;
	v23 =	vshll.u32 v14, $0x10;
	v61 =	vld.idx.msk [tilespmem:v61+s2+$0x0], $0xffff;
	v45 =	vmovc v0;
	v50 =	vadd.s32 s25, v0;
	v0 =	vmovc v39  }
.LBB2_6:
0x24e: {  	v10 =	vadd.f32 v10, v13;
	v13 =	vand.u32 $0xFFFF0000, v63;
	v11 =	vand.u32 $0xFFFF0000, v11  }
0x24f: {  	v15 =	vand.u32 $0xFFFF0000, v15;
	v16 =	vand.u32 $0xFFFF0000, v16;
	v13 =	vmul.f32 v13, v6  }
0x250: {  	v21 =	vld.idx.msk [tilespmem:v21+s2+$0x0], $0xffff;
	v14 =	vand.u32 $0xFFFF0000, v14;
	v11 =	vmul.f32 v11, v7;
	v15 =	vmul.f32 v15, v5  }
0x251: {  	v19 =	vld.idx.msk [tilespmem:v19+s2+$0x0], $0xffff;
	v16 =	vmul.f32 v16, v4;
	v14 =	vmul.f32 v14, v12  }
0x252: {  	v9 =	vld.idx.msk [tilespmem:v9+s2+$0x0], $0xffff;
	v40 =	vand.u32 $0xFFFF0000, v58;
	v33 =	vand.u32 $0xFFFF0000, v60;
	v11 =	vadd.f32 v11, v13  }
0x253: {  	v8 =	vld.idx.msk [tilespmem:v8+s2+$0x0], $0xffff;
	v13 =	vadd.f32 v16, v15;
	v26 =	vshll.u32 v17, $0x10;
	v17 =	vand.u32 $0xFFFF0000, v17  }
0x254: {  	v18 =	vld.idx.msk [tilespmem:v18+s2+$0x0], $0xffff;
	v32 =	vand.u32 $0xFFFF0000, v59;
	v34 =	vand.u32 $0xFFFF0000, v61;
	v63 =	vmul.f32 v40, v3  }
0x255: {  	v35 =	vand.u32 $0xFFFF0000, v62;
	v33 =	vmul.f32 v33, v22;
	v17 =	vmul.f32 v17, v2  }
0x256: {  	v36 =	vand.u32 $0xFFFF0000, v21;
	v32 =	vmul.f32 v32, v20;
	v37 =	vand.u32 $0xFFFF0000, v19  }
0x257: {  	v34 =	vmul.f32 v34, v24;
	v38 =	vand.u32 $0xFFFF0000, v9;
	v35 =	vmul.f32 v35, v25  }
0x258: {  	v39 =	vand.u32 $0xFFFF0000, v8;
	v36 =	vmul.f32 v36, v27;
	v37 =	vmul.f32 v37, v28  }
0x259: {  	v40 =	vand.u32 $0xFFFF0000, v18;
	v38 =	vmul.f32 v38, v29;
	v39 =	vmul.f32 v39, v30  }
0x25a: {  	v15 =	vmul.f32 v40, v31;
	v14 =	vadd.f32 v17, v14;
	v16 =	vadd.f32 v32, v63  }
0x25b: {  	v17 =	vshll.u32 v58, $0x10;
	v32 =	vadd.f32 v34, v33;
	v40 =	vadd.f32 v36, v35  }
0x25c: {  	v58 =	vshll.u32 v59, $0x10;
	v59 =	vadd.f32 v38, v37;
	v15 =	vadd.f32 v15, v39  }
0x25d: {  	v11 =	vadd.f32 v13, v11;
	v13 =	vadd.f32 v16, v14  }
0x25e: {  	v16 =	vadd.f32 v40, v32;
	v15 =	vadd.f32 v15, v59;
	_ =	sdelay $0x1  }
0x25f: {  	v11 =	vadd.f32 v13, v11;
	v13 =	vadd.f32 v15, v16  }
0x260: {  	v16 =	vshll.u32 v18, $0x10;
	v18 =	vmul.f32 v58, v20;
	v58 =	vld [tilespmem:$0x1FB90]  }
0x261: {  	v23 =	vmul.f32 v23, v12;
	s24 =	sadd.s32 $0x800, s24;
	v11 =	vadd.f32 v13, v11;
	v13 =	vld.idx.msk [tilespmem:v53+s2+$0x0], $0xffff  }
0x262: {  	v63 =	vshll.u32 v60, $0x10;
	v14 =	vshll.u32 v61, $0x10;
	v15 =	vmul.f32 v26, v2;
	[tilespmem:s24+$0xFFFFFC00] =	vst.add.f32.msk $0xffff, v54  }
0x263: {  	v1 =	vadd.f32 v56, v1;
	v14 =	vmul.f32 v14, v24;
	v26 =	vmul.f32 v63, v22;
	[tilespmem:s24+$0xFFFFFE00] =	vst.add.f32.msk $0xffff, v55  }
0x264: {  	v17 =	vmul.f32 v17, v3;
	v15 =	vadd.f32 v15, v23;
	v23 =	vld [tilespmem:$0x1FB10]  }
0x265: {  	v1 =	vadd.f32 v1, v10;
	v21 =	vshll.u32 v21, $0x10;
	v14 =	vadd.f32 v14, v26;
	v26 =	vld [tilespmem:$0x1FB60]  }
0x266: {  	v19 =	vshll.u32 v19, $0x10;
	v8 =	vshll.u32 v8, $0x10;
	v17 =	vadd.f32 v18, v17;
	v18 =	vld.idx.msk [tilespmem:v52+s2+$0x0], $0xffff  }
0x267: {  	v21 =	vmul.f32 v21, v27;
	v8 =	vmul.f32 v8, v30;
	v40 =	vshll.u32 v62, $0x10;
	v10 =	vld.idx.msk [tilespmem:v51+s2+$0x0], $0xffff  }
0x268: {  	v9 =	vshll.u32 v9, $0x10;
	v32 =	vmul.f32 v40, v25;
	v16 =	vmul.f32 v16, v31;
	[tilespmem:s24+$0x200] =	vst.add.f32.msk $0xffff, v11  }
0x269: {  	v9 =	vmul.f32 v9, v29;
	v11 =	vmul.f32 v19, v28;
	v19 =	vld [tilespmem:$0x1FB00]  }
0x26a: {  	v21 =	vadd.f32 v21, v32;
	v8 =	vadd.f32 v16, v8;
	v16 =	vld [tilespmem:$0x1FB20]  }
0x26b: {  	v15 =	vadd.f32 v17, v15;
	v17 =	vld.idx.msk [tilespmem:v49+s2+$0x0], $0xffff;
	v9 =	vadd.f32 v9, v11;
	v23 =	vadd.s32 s25, v23  }
0x26c: {  	v14 =	vadd.f32 v21, v14;
	v21 =	vld [tilespmem:$0x1FB30]  }
0x26d: {  	v8 =	vadd.f32 v8, v9;
	v9 =	vld [tilespmem:$0x1FC70]  }
0x26e: {  	v1 =	vadd.f32 v15, v1;
	v15 =	vld [tilespmem:$0x1FC80];
	v19 =	vadd.s32 s25, v19  }
0x26f: {  	v11 =	vld.idx.msk [tilespmem:v50+s2+$0x0], $0xffff  }
0x270: {  	v16 =	vadd.s32 s25, v16;
	v8 =	vadd.f32 v8, v14;
	v14 =	vld.idx.msk [tilespmem:v23+s2+$0x0], $0xffff  }
0x271: {  	v23 =	vld [tilespmem:$0x1FB50]  }
0x272: {  	v21 =	vadd.s32 s25, v21;
	v53 =	vadd.s32 s26, v9;
	v9 =	vld.idx.msk [tilespmem:v57+s2+$0x0], $0xffff  }
0x273: {  	v52 =	vadd.s32 s26, v15;
	v15 =	vld.idx.msk [tilespmem:v19+s2+$0x0], $0xffff  }
0x274: {  	v33 =	vadd.s32 s25, v58;
	v26 =	vadd.s32 s25, v26;
	v19 =	vld [tilespmem:$0x1FB40]  }
0x275: {  	v59 =	vshll.u32 v13, $0x10;
	v13 =	vand.u32 $0xFFFF0000, v13;
	v60 =	vshll.u32 v18, $0x10;
	v16 =	vld.idx.msk [tilespmem:v16+s2+$0x0], $0xffff  }
0x276: {  	v36 =	vshll.u32 v10, $0x10;
	v10 =	vand.u32 $0xFFFF0000, v10;
	v1 =	vadd.f32 v8, v1;
	v57 =	vld [tilespmem:$0x1FB80]  }
0x277: {  	v34 =	vmul.f32 v59, v6;
	v13 =	vmul.f32 v13, v6;
	v37 =	vshll.u32 v17, $0x10;
	v8 =	vld.idx.msk [tilespmem:v21+s2+$0x0], $0xffff  }
0x278: {  	v10 =	vmul.f32 v10, v4;
	[tilespmem:s24+$0x0] =	vst.add.f32.msk $0xffff, v1;
	v1 =	vand.u32 $0xFFFF0000, v18;
	v23 =	vadd.s32 s25, v23  }
0x279: {  	v21 =	vld [tilespmem:$0x1FB70];
	v18 =	vshll.u32 v11, $0x10;
	v11 =	vand.u32 $0xFFFF0000, v11;
	v19 =	vadd.s32 s25, v19  }
0x27a: {  	v17 =	vand.u32 $0xFFFF0000, v17;
	v1 =	vmul.f32 v1, v7;
	v11 =	vmul.f32 v11, v5  }
0x27b: {  	v35 =	vmul.f32 v60, v7;
	v37 =	vmul.f32 v37, v12;
	v61 =	vshll.u32 v14, $0x10  }
0x27c: {  	v14 =	vand.u32 $0xFFFF0000, v14;
	v1 =	vadd.f32 v1, v13;
	v10 =	vadd.f32 v10, v11;
	v11 =	vld [tilespmem:$0x1FBA0]  }
0x27d: {  	v32 =	vadd.s32 s25, v57;
	v38 =	vshll.u32 v9, $0x10;
	v62 =	vshll.u32 v16, $0x10;
	v23 =	vld.idx.msk [tilespmem:v23+s2+$0x0], $0xffff  }
0x27e: {  	v40 =	vmul.f32 v61, v20;
	v14 =	vmul.f32 v14, v20;
	v21 =	vadd.s32 s25, v21;
	v19 =	vld.idx.msk [tilespmem:v19+s2+$0x0], $0xffff  }
0x27f: {  	v39 =	vshll.u32 v15, $0x10;
	v15 =	vand.u32 $0xFFFF0000, v15;
	v38 =	vmul.f32 v38, v2  }
0x280: {  	s28 =	sadd.s32 $0x1, s26;
	v63 =	vshll.u32 v8, $0x10;
	v54 =	vmul.f32 v62, v22;
	v15 =	vmul.f32 v15, v3  }
0x281: {  	v26 =	vld.idx.msk [tilespmem:v26+s2+$0x0], $0xffff;
	v39 =	vmul.f32 v39, v3;
	v55 =	vmul.f32 v63, v24;
	v11 =	vadd.s32 s28, v11  }
0x282: {  	v62 =	vadd.f32 v38, v37;
	v13 =	vadd.f32 v14, v15;
	v14 =	vld [tilespmem:$0x1FBB0];
	v57 =	vshll.u32 v23, $0x10  }
0x283: {  	v21 =	vld.idx.msk [tilespmem:v21+s2+$0x0], $0xffff;
	v23 =	vand.u32 $0xFFFF0000, v23;
	v60 =	vshll.u32 v19, $0x10;
	v19 =	vand.u32 $0xFFFF0000, v19  }
0x284: {  	v63 =	vadd.f32 v40, v39;
	v23 =	vmul.f32 v23, v27;
	v19 =	vmul.f32 v19, v25  }
0x285: {  	v36 =	vmul.f32 v36, v4;
	v17 =	vmul.f32 v17, v12;
	v33 =	vld.idx.msk [tilespmem:v33+s2+$0x0], $0xffff  }
0x286: {  	v58 =	vshll.u32 v26, $0x10;
	v15 =	vadd.f32 v23, v19;
	v23 =	vadd.f32 v63, v62;
	v63 =	vld.idx.msk [tilespmem:v11+s2+$0x0], $0xffff  }
0x287: {  	v26 =	vand.u32 $0xFFFF0000, v26;
	v9 =	vand.u32 $0xFFFF0000, v9;
	v14 =	vadd.s32 s28, v14;
	v11 =	vld [tilespmem:$0x1FBF0]  }
0x288: {  	v26 =	vmul.f32 v26, v28;
	v32 =	vld.idx.msk [tilespmem:v32+s2+$0x0], $0xffff;
	v59 =	vshll.u32 v21, $0x10;
	v21 =	vand.u32 $0xFFFF0000, v21  }
0x289: {  	v9 =	vmul.f32 v9, v2;
	v21 =	vmul.f32 v21, v29  }
0x28a: {  	v16 =	vand.u32 $0xFFFF0000, v16;
	v61 =	vshll.u32 v33, $0x10;
	v33 =	vand.u32 $0xFFFF0000, v33  }
0x28b: {  	v8 =	vand.u32 $0xFFFF0000, v8;
	v9 =	vadd.f32 v9, v17;
	v17 =	vadd.f32 v21, v26;
	v26 =	vld [tilespmem:$0x1FBE0]  }
0x28c: {  	v16 =	vmul.f32 v16, v22;
	v33 =	vmul.f32 v33, v31;
	v62 =	vadd.s32 s28, v11;
	v11 =	vld.idx.msk [tilespmem:v14+s2+$0x0], $0xffff  }
0x28d: {  	v56 =	vmul.f32 v60, v25;
	v60 =	vshll.u32 v32, $0x10;
	v32 =	vand.u32 $0xFFFF0000, v32;
	v14 =	vld [tilespmem:$0x1FC20]  }
0x28e: {  	v8 =	vmul.f32 v8, v24;
	v32 =	vmul.f32 v32, v30  }
0x28f: {  	v34 =	vadd.f32 v35, v34;
	v18 =	vmul.f32 v18, v5;
	v1 =	vadd.f32 v10, v1;
	v10 =	vld [tilespmem:$0x1FC10]  }
0x290: {  	v8 =	vadd.f32 v8, v16;
	v16 =	vld [tilespmem:$0x1FBC0];
	v19 =	vadd.f32 v33, v32  }
0x291: {  	v18 =	vadd.f32 v36, v18;
	v58 =	vmul.f32 v58, v28;
	v9 =	vadd.f32 v13, v9;
	v21 =	vld [tilespmem:$0x1FBD0]  }
0x292: {  	v13 =	vadd.f32 v19, v17;
	v26 =	vadd.s32 s28, v26;
	v19 =	vadd.s32 s28, v14;
	v14 =	vld [tilespmem:$0x1FC40]  }
0x293: {  	v61 =	vmul.f32 v61, v31;
	v1 =	vadd.f32 v9, v1;
	v9 =	vld [tilespmem:$0x1FC50];
	v57 =	vmul.f32 v57, v27  }
0x294: {  	v18 =	vadd.f32 v18, v34;
	v59 =	vmul.f32 v59, v29;
	v60 =	vmul.f32 v60, v30  }
0x295: {  	v55 =	vadd.f32 v55, v54;
	v16 =	vadd.s32 s28, v16;
	v56 =	vadd.f32 v57, v56  }
0x296: {  	v10 =	vadd.s32 s28, v10;
	v57 =	vadd.f32 v59, v58;
	v35 =	vadd.f32 v61, v60  }
0x297: {  	v17 =	vadd.f32 v23, v18;
	v21 =	vadd.s32 s28, v21;
	v23 =	vadd.s32 s28, v14;
	v14 =	vld.idx.msk [tilespmem:v26+s2+$0x0], $0xffff  }
0x298: {  	v58 =	vadd.f32 v56, v55;
	v59 =	vadd.f32 v35, v57;
	v26 =	vadd.s32 s28, v9;
	v9 =	vld [tilespmem:$0x1FC60]  }
0x299: {  	v8 =	vadd.f32 v15, v8  }
0x29a: {  	v15 =	vld.idx.msk [tilespmem:v16+s2+$0x0], $0xffff;
	v18 =	vadd.f32 v59, v58  }
0x29b: {  	v8 =	vadd.f32 v13, v8  }
0x29c: {  	v51 =	vadd.s32 s26, v47;
	v49 =	vadd.s32 s26, v42;
	v54 =	vadd.f32 v18, v17;
	v16 =	vld.idx.msk [tilespmem:v21+s2+$0x0], $0xffff  }
0x29d: {  	p1 =	slt.u32 s26, $0x1E;
	v58 =	vld.idx.msk [tilespmem:v10+s2+$0x0], $0xffff;
	v55 =	vadd.f32 v8, v1;
	v1 =	vshll.u32 v63, $0x10;
	v18 =	vadd.s32 s28, v9  }
.Ltmp1:
0x29e: {  	v50 =	vadd.s32 s26, v45;
	v13 =	vmul.f32 v1, v6;
	v17 =	vld.idx.msk [tilespmem:v62+s2+$0x0], $0xffff;
	v1 =	vshll.u32 v11, $0x10;
	(pc) =	sbr.rel @p1 .LBB2_6-.Ltmp1, $4  }
0x29f: {  	v57 =	vadd.s32 s26, v0;
	v10 =	vmul.f32 v1, v7;
	v1 =	vshll.u32 v15, $0x10;
	v59 =	vld.idx.msk [tilespmem:v19+s2+$0x0], $0xffff  }
0x2a0: {  	v8 =	vadd.s32 s28, v44;
	v21 =	vadd.s32 s28, v48;
	v1 =	vmul.f32 v1, v5;
	v60 =	vld.idx.msk [tilespmem:v23+s2+$0x0], $0xffff  }
0x2a1: {  	v19 =	vadd.s32 s28, v41;
	v9 =	vadd.s32 s28, v43;
	v23 =	vshll.u32 v16, $0x10;
	v61 =	vld.idx.msk [tilespmem:v26+s2+$0x0], $0xffff  }
0x2a2: {  	s25 =	smov.u32 s26;
	s26 =	sadd.s32 $0x2, s26;
	v56 =	vmul.f32 v23, v4;
	v23 =	vshll.u32 v14, $0x10;
	v62 =	vld.idx.msk [tilespmem:v18+s2+$0x0], $0xffff;
	v18 =	vadd.s32 s28, v46  }
0x2a3: {  	v0 =	vmul.f32 v23, v12;
	v23 =	vshll.u32 v17, $0x10  }
0x2a4: {  	v10 =	vadd.f32 v10, v13;
	v45 =	vand.u32 $0xFFFF0000, v63;
	v11 =	vand.u32 $0xFFFF0000, v11  }
0x2a5: {  	v15 =	vand.u32 $0xFFFF0000, v15;
	v16 =	vand.u32 $0xFFFF0000, v16;
	v14 =	vand.u32 $0xFFFF0000, v14  }
0x2a6: {  	v46 =	vand.u32 $0xFFFF0000, v17;
	v26 =	vand.u32 $0xFFFF0000, v58;
	v6 =	vmul.f32 v45, v6  }
0x2a7: {  	v40 =	vshll.u32 v58, $0x10;
	v7 =	vmul.f32 v11, v7;
	v5 =	vmul.f32 v15, v5  }
0x2a8: {  	v21 =	vld.idx.msk [tilespmem:v21+s2+$0x0], $0xffff;
	v32 =	vand.u32 $0xFFFF0000, v59;
	v4 =	vmul.f32 v16, v4;
	v49 =	vmul.f32 v14, v12  }
0x2a9: {  	v19 =	vld.idx.msk [tilespmem:v19+s2+$0x0], $0xffff;
	v50 =	vmul.f32 v46, v2;
	v52 =	vmul.f32 v26, v3;
	v41 =	vshll.u32 v59, $0x10  }
0x2aa: {  	v9 =	vld.idx.msk [tilespmem:v9+s2+$0x0], $0xffff;
	v1 =	vadd.f32 v56, v1;
	v33 =	vand.u32 $0xFFFF0000, v60;
	v53 =	vmul.f32 v32, v20  }
0x2ab: {  	v8 =	vld.idx.msk [tilespmem:v8+s2+$0x0], $0xffff;
	v43 =	vshll.u32 v60, $0x10;
	v47 =	vand.u32 $0xFFFF0000, v61;
	v6 =	vadd.f32 v7, v6  }
0x2ac: {  	v13 =	vld.idx.msk [tilespmem:v18+s2+$0x0], $0xffff;
	v63 =	vmul.f32 v33, v22;
	v4 =	vadd.f32 v4, v5;
	v38 =	vadd.f32 v50, v49  }
0x2ad: {  	v45 =	vshll.u32 v61, $0x10;
	v49 =	vmul.f32 v23, v2;
	v1 =	vadd.f32 v1, v10  }
0x2ae: {  	v48 =	vand.u32 $0xFFFF0000, v62;
	v11 =	vmul.f32 v47, v24;
	v39 =	vadd.f32 v53, v52  }
0x2af: {  	v46 =	vshll.u32 v62, $0x10;
	v52 =	vmul.f32 v41, v20;
	v7 =	vmul.f32 v45, v24  }
0x2b0: {  	v51 =	vand.u32 $0xFFFF0000, v21;
	v57 =	vand.u32 $0xFFFF0000, v19;
	v36 =	vand.u32 $0xFFFF0000, v9  }
0x2b1: {  	v15 =	vmul.f32 v48, v25;
	v34 =	vand.u32 $0xFFFF0000, v8;
	v35 =	vand.u32 $0xFFFF0000, v13  }
0x2b2: {  	v4 =	vadd.f32 v4, v6;
	v47 =	vshll.u32 v21, $0x10;
	v48 =	vshll.u32 v19, $0x10  }
0x2b3: {  	v9 =	vshll.u32 v9, $0x10;
	v50 =	vshll.u32 v8, $0x10;
	v12 =	vmul.f32 v46, v25  }
0x2b4: {  	v53 =	vshll.u32 v13, $0x10;
	v16 =	vmul.f32 v51, v27;
	v26 =	vmul.f32 v57, v28  }
0x2b5: {  	v0 =	vadd.f32 v49, v0;
	v33 =	vmul.f32 v36, v29;
	v34 =	vmul.f32 v34, v30  }
0x2b6: {  	v37 =	vmul.f32 v35, v31;
	v11 =	vadd.f32 v11, v63;
	v51 =	vmul.f32 v40, v3  }
0x2b7: {  	v44 =	vadd.f32 v39, v38;
	v57 =	vmul.f32 v43, v22;
	v58 =	vmul.f32 v47, v27  }
0x2b8: {  	v59 =	vmul.f32 v48, v28;
	v9 =	vmul.f32 v9, v29;
	v15 =	vadd.f32 v16, v15  }
0x2b9: {  	v6 =	vmul.f32 v50, v30;
	v42 =	vadd.f32 v33, v26;
	v5 =	vadd.f32 v37, v34  }
0x2ba: {  	v60 =	vmul.f32 v53, v31;
	v3 =	vadd.f32 v52, v51;
	v7 =	vadd.f32 v7, v57  }
0x2bb: {  	v61 =	vadd.f32 v58, v12;
	v2 =	vadd.f32 v9, v59  }
0x2bc: {  	v6 =	vadd.f32 v60, v6;
	v11 =	vadd.f32 v15, v11  }
0x2bd: {  	v5 =	vadd.f32 v5, v42;
	v0 =	vadd.f32 v3, v0  }
0x2be: {  	s23 =	sadd.s32 $0x1, s23;
	v62 =	vadd.f32 v61, v7;
	v2 =	vadd.f32 v6, v2  }
0x2bf: {  	p1 =	sne.s32 s23, $0x20;
	v4 =	vadd.f32 v44, v4;
	v5 =	vadd.f32 v5, v11  }
.Ltmp2:
0x2c0: {  	s24 =	sadd.s32 $0x800, s24;
	v0 =	vadd.f32 v0, v1;
	v63 =	vadd.f32 v2, v62;
	(pc) =	sbr.rel @p1 .LBB2_3-.Ltmp2, $4  }
0x2c1: {  	[tilespmem:s24+$0xFFFFFC00] =	vst.add.f32.msk $0xffff, v54;
	v4 =	vadd.f32 v5, v4  }
0x2c2: {  	[tilespmem:s24+$0xFFFFFE00] =	vst.add.f32.msk $0xffff, v55;
	v0 =	vadd.f32 v63, v0  }
0x2c3: {  	[tilespmem:s24+$0x200] =	vst.add.f32.msk $0xffff, v4  }
0x2c4: {  	s22 =	sadd.s32 $0x10, s22;
	s21 =	sadd.s32 $0x1, s21;
	[tilespmem:s24+$0x0] =	vst.add.f32.msk $0xffff, v0  }
0x2c5: {  	s18 =	sshll.u32 s20, $0xC  }
.Ltmp3:
0x2c6: {  	s20 =	simm.s32 $0x1;
	s18 =	sadd.s32 s7, s18;
	(pc) =	sbr.rel @p0 .LBB2_2-.Ltmp3, $4  }
0x2c7: {  	[hbm4b:s18+s2] =	stream.linear.scatter [tilespmem:s16], [sflag:$0x1], $0x8000, $0x38;
	[tilespmem:$0x14F80] =	vst v63  }
0x2c8: {  	_ =	swait.ge [sflag:s20], $0x8000  }
0x2c9: {  	[sflag:s20] =	ssyncset.done $0x0  }
0x2ca: {  	p1 =	por $0x0, $0x0;
	[sflag:s20] =	ssyncadd.s32 $0xFFFF8000  }
0x2cb: {  	s17 =	sadd.s32 $0x1, s17  }
0x2cc: {  	p0 =	sne.s32 s17, s11  }
.Ltmp4:
0x2cd: {  	_ = 	snop;
	(pc) =	sbr.rel @p0 .LBB2_1-.Ltmp4, $1  }
0x2ce: {  	_ =	sdelay $0x3  }
0x2cf: {  	_ =	sfence.sel $0x180000  }
0x2d0: {  	[bflag:$0x0] =	sbarrier.arrive $0xFFFF  }
0x2d1: {  	p0 =	sne.s32 s3, $0x0;
	_ =	strace $0x9000004A  }
0x2d2: {  	s0 =	sadd.s32 @!p0 $0x100000, s0;
	[bflag:$0x2] =	sbarrier.arrive $0xFFFF  }
0x2d3: {  	[sflag:s0] =	ssyncadd.tile.s32 @!p0 $0x1;
	_ =	shalt  }
.Lfunc_end2:
_tile_overlayer_lowered:
.L_overlay_start_2:
0x2d4: {  	(tag) =	ssettag $0x2  }
0x2d5: {  	s0 =	rddreg [dreg:$0x0];
	s2 =	stileid.u32  }
0x2d6: {  	s1 =	rddreg [dreg:$0x1];
	p0 =	sne.s32 s2, $0x0  }
0x2d7: {  	s3 =	rddreg [dreg:$0x2];
	[bflag:$0x3] =	sbarrier.arrive $0xFFFF;
	s2 =	simm.s32 @!p0 $0x1C01  }
0x2d8: {  	[timem:s3], [sflag:s2] =	dma.local @!p0 [hbm:s0], s1  }
0x2d9: {  	s0 =	simm.s32 @!p0 $0x1  }
0x2da: {  	_ =	swait.ge @!p0 [sflag:s0], s1  }
0x2db: {  	s1 =	ssub.s32 @!p0 $0x0, s1;
	[sflag:s0] =	ssyncset.done @!p0 $0x0  }
0x2dc: {  	[sflag:s0] =	ssyncadd.s32 @!p0 s1  }
0x2dd: {  	[bflag:$0x3] =	sbarrier.arrive $0xFFFF  }
0x2de: {  	_ =	shalt  }

// kernel: gconv_l1024.3.cloned.1.call-start
scs
__scs_entry_jumppad:
0x0: {  	(pc) =	sbr.rel $0x88, $3  }
0x1: {  	(tag) =	ssettag $0x0;
	lr =	simm.s32 $0x1  }
0x2: {  	[smem:$0x3F9B] =	sst lr;
	_ =	strace $0xD0000000  }
0x3: {  	_ = 	snop  }
0x4: {  	_ = 	snop  }
0x5: {  	_ = 	snop  }
0x6: {  	_ = 	snop  }
0x7: {  	_ = 	snop  }
__scs_overlays_trampoline_lowered:
0x8: {  	[smem:$0x3FAA] =	sst s0  }
0x9: {  	[smem:$0x3FAB] =	sst s1  }
0xa: {  	[smem:$0x3FAC] =	sst s2  }
0xb: {  	[smem:$0x3FAD] =	sst s3  }
0xc: {  	[smem:$0x3FAE] =	sst s4  }
0xd: {  	[smem:$0x3FAF] =	sst s5  }
0xe: {  	[smem:$0x3FB0] =	sst s6  }
0xf: {  	[smem:$0x3FB1] =	sst s7  }
0x10: {  	[smem:$0x3FB2] =	sst s8  }
0x11: {  	[smem:$0x3FB3] =	sst s9;
	s0 =	simm.s32 @!p0 $0x0  }
0x12: {  	s1 =	sld [smem:$0x3F99];
	s0 =	simm.s32 @p0 $0x1  }
0x13: {  	[smem:$0x3FB4] =	sst s0;
	s0 =	simm.s32 @!p1 $0x0  }
0x14: {  	s2 =	sld [smem:$0x3F98];
	s0 =	simm.s32 @p1 $0x1  }
0x15: {  	[smem:$0x3FB5] =	sst s0;
	s0 =	simm.s32 @!p2 $0x0  }
0x16: {  	s3 =	sld [smem:$0x3FDB];
	s0 =	simm.s32 @p2 $0x1  }
0x17: {  	s4 =	simm.s32 $0x1BF5;
	[smem:$0x3FB7] =	sst s0  }
0x18: {  	s0 =	sld [smem:$0x3F9A];
	_ =	swait.ge [sflag:s4], $0x0  }
0x19: {  	s7 =	sld [smem:$0x3F9B]  }
0x1a: {  	s8 =	sadd.s32 $0xFFFFE003, lr  }
0x1b: {  	s9 =	sadd.s32 $0xFFFFFEF7, lr;
	s5 =	simm.s32 $0xFFFFFFFF;
	p2 =	slt.u32 s8, $0xFFFFF086  }
0x1c: {  	p1 =	slt.u32 s9, $0xF7A;
	s5 =	simm.s32 @!p2 $0x0  }
0x1d: {  	s5 =	simm.s32 @p1 $0x1;
	p0 =	seq.s32 s7, s2  }
0x1e: {  	s7 =	smul.u32 @!p0 $0xF7A, s2;
	p2 =	seq.s32 @!p0 s5, $0x0  }
0x1f: {  	s9 =	smul.u32 $0xF7A, s1;
	s8 =	simm.s32 @!p0 $0x1BF5;
	p2 =	por !p2, p0  }
0x20: {  	[sflag:s8] =	ssyncset.s32 @!p0 $0xFFFFF086;
	s6 =	sadd.s32 @!p0 s3, s7;
	s7 =	simm.s32 @!p0 $0x108  }
0x21: {  	s3 =	sadd.s32 s3, s9;
	s6 =	sadd.s32 @!p0 $0x88, s6;
	s7 =	simm.s32 @p2 $0x1082  }
0x22: {  	[simem:s7], [sflag:s8] =	dma.local @!p0 [hbm:s6], $0xF7A  }
0x23: {  	s9 =	sor.u32 $0xD0000000, s2;
	s6 =	simm.s32 $0x108;
	_ =	swait.ge @!p0 [sflag:s8], $0x0  }
0x24: {  	s3 =	sadd.s32 $0x88, s3;
	s6 =	simm.s32 @!p1 $0x1082;
	[sflag:s4] =	ssyncset.s32 $0xFFFFF086  }
0x25: {  	[simem:s6], [sflag:s4] =	dma.local [hbm:s3], $0xF7A  }
0x26: {  	[smem:$0x3F9B] =	sst s1;
	(tag) =	ssettag s2;
	_ =	strace s9  }
0x27: {  	s1 =	sld [smem:$0x3FAB]  }
0x28: {  	s2 =	sld [smem:$0x3FAC]  }
0x29: {  	s4 =	sld [smem:$0x3FAE]  }
0x2a: {  	p0 =	seq.s32 s5, $0x0;
	s5 =	sld [smem:$0x3FAF]  }
0x2b: {  	s6 =	sld [smem:$0x3FB0]  }
0x2c: {  	s7 =	sld [smem:$0x3FB1]  }
0x2d: {  	s3 =	simm.s32 $0x108;
	s8 =	sld [smem:$0x3FB2]  }
0x2e: {  	s3 =	simm.s32 @!p0 $0x1082;
	s9 =	sld [smem:$0x3FB3]  }
0x2f: {  	lr =	sadd.s32 s0, s3;
	s0 =	sld [smem:$0x3FAA]  }
0x30: {  	s3 =	sld [smem:$0x3FAD]  }
0x31: {  	[smem:$0x3FB6] =	sst s10  }
0x32: {  	s10 =	sld [smem:$0x3FB4];
	_ =	sdelay $0x3  }
0x33: {  	p0 =	seq.s32 s10, $0x1;
	s10 =	sld [smem:$0x3FB6];
	_ =	sdelay $0x3  }
0x34: {  	[smem:$0x3FB6] =	sst s10  }
0x35: {  	s10 =	sld [smem:$0x3FB5];
	_ =	sdelay $0x3  }
0x36: {  	p1 =	seq.s32 s10, $0x1;
	s10 =	sld [smem:$0x3FB6];
	_ =	sdelay $0x3  }
0x37: {  	[smem:$0x3FB6] =	sst s10  }
0x38: {  	s10 =	sld [smem:$0x3FB7]  }
0x39: {  	_ = 	snop;
	(pc) =	sbr.ind lr, $3  }
0x3a: {  	_ = 	snop  }
0x3b: {  	_ = 	snop  }
0x3c: {  	p2 =	seq.s32 s10, $0x1;
	s10 =	sld [smem:$0x3FB6]  }
0x3d: {  	_ =	shalt  }
0x3e: {  	_ =	shalt  }
0x3f: {  	_ =	shalt  }
0x40: {  	_ =	shalt  }
0x41: {  	_ =	shalt  }
0x42: {  	_ =	shalt  }
0x43: {  	_ =	shalt  }
0x44: {  	_ =	shalt  }
0x45: {  	_ =	shalt  }
0x46: {  	_ =	shalt  }
0x47: {  	_ =	shalt  }
0x48: {  	_ =	shalt  }
0x49: {  	_ =	shalt  }
0x4a: {  	_ =	shalt  }
0x4b: {  	_ =	shalt  }
0x4c: {  	_ =	shalt  }
0x4d: {  	_ =	shalt  }
0x4e: {  	_ =	shalt  }
0x4f: {  	_ =	shalt  }
0x50: {  	_ =	shalt  }
0x51: {  	_ =	shalt  }
0x52: {  	_ =	shalt  }
0x53: {  	_ =	shalt  }
0x54: {  	_ =	shalt  }
0x55: {  	_ =	shalt  }
0x56: {  	_ =	shalt  }
0x57: {  	_ =	shalt  }
0x58: {  	_ =	shalt  }
0x59: {  	_ =	shalt  }
0x5a: {  	_ =	shalt  }
0x5b: {  	_ =	shalt  }
0x5c: {  	_ =	shalt  }
0x5d: {  	_ =	shalt  }
0x5e: {  	_ =	shalt  }
0x5f: {  	_ =	shalt  }
0x60: {  	_ =	shalt  }
0x61: {  	_ =	shalt  }
0x62: {  	_ =	shalt  }
0x63: {  	_ =	shalt  }
0x64: {  	_ =	shalt  }
0x65: {  	_ =	shalt  }
0x66: {  	_ =	shalt  }
0x67: {  	_ =	shalt  }
0x68: {  	_ =	shalt  }
0x69: {  	_ =	shalt  }
0x6a: {  	_ =	shalt  }
0x6b: {  	_ =	shalt  }
0x6c: {  	_ =	shalt  }
0x6d: {  	_ =	shalt  }
0x6e: {  	_ =	shalt  }
0x6f: {  	_ =	shalt  }
0x70: {  	_ =	shalt  }
0x71: {  	_ =	shalt  }
0x72: {  	_ =	shalt  }
0x73: {  	_ =	shalt  }
0x74: {  	_ =	shalt  }
0x75: {  	_ =	shalt  }
0x76: {  	_ =	shalt  }
0x77: {  	_ =	shalt  }
0x78: {  	_ =	shalt  }
0x79: {  	_ =	shalt  }
0x7a: {  	_ =	shalt  }
0x7b: {  	_ =	shalt  }
0x7c: {  	_ =	shalt  }
0x7d: {  	_ =	shalt  }
0x7e: {  	_ =	shalt  }
0x7f: {  	_ =	shalt  }
0x80: {  	_ =	shalt  }
0x81: {  	_ =	shalt  }
0x82: {  	_ =	shalt  }
0x83: {  	_ =	shalt  }
0x84: {  	_ =	shalt  }
0x85: {  	_ =	shalt  }
0x86: {  	_ =	shalt  }
0x87: {  	_ =	shalt  }
.Lfunc_end0:
.L_simem_size_0:
called_computation.1_lowered:
.L_overlay_start_0:
0x88: {  	s2 =	sld [smem:$0x3FD9]  }
0x89: {  	s3 =	sld [smem:$0x3FFE];
	_ =	sdelay $0x1  }
0x8a: {  	s1 =	srdreg.scid  }
0x8b: {  	s0 =	sand.u32 $0x1, s1  }
0x8c: {  	s17 =	sshll.u32 s0, $0xA;
	s2 =	sadd.s32 s3, s2  }
0x8d: {  	s2 =	sadd.s32 s2, s17  }
0x8e: {  	[smem:$0x3FC2] =	sst s2  }
0x8f: {  	_ = 	snop  }
0x90: {  	s2 =	sld [smem:$0x3FD0];
	(tm) =	ssettm $0x1  }
0x91: {  	s18 =	sld [smem:$0x3FFB];
	_ =	sdelay $0x3  }
0x92: {  	_ =	strace s18  }
0x93: {  	s3 =	sld [smem:$0x3FFC];
	_ =	sdelay $0x3  }
0x94: {  	_ =	strace s3  }
0x95: {  	s3 =	sld [smem:$0x3FFD];
	_ =	sdelay $0x3  }
0x96: {  	_ =	strace s3  }
0x97: {  	_ =	strace $0x8FFFFFFF  }
0x98: {  	s19 =	sld [smem:$0x3FDB];
	_ =	sdelay $0x1  }
0x99: {  	s4 =	simm.s32 $_scs_section_size  }
0x9a: {  	s5 =	simm.s32 $_size__tile_overlayer_lowered;
	s6 =	simm.s32 $_tile_overlayer_lowered  }
0x9b: {  	s22 =	simm.s32 $0x1BFF;
	s21 =	sshll.u32 s6, $0x1;
	s3 =	sadd.s32 s4, s19  }
0x9c: {  	s7 =	simm.s32 $0x0;
	s20 =	sshll.u32 s5, $0x1;
	s5 =	sadd.s32 s21, s3  }
0x9d: {  	[timem:s7], [sflag:s22] =	dma.local [hbm:s5], s20  }
0x9e: {  	_ =	swait.ge [sflag:s22], s20  }
0x9f: {  	s4 =	ssub.s32 $0x0, s20;
	[sflag:s22] =	ssyncset.done $0x0  }
0xa0: {  	[sflag:s22] =	ssyncadd.s32 s4;
	_ =	sdelay $0x1  }
0xa1: {  	s23 =	simm.s32 $0x1B8B  }
0xa2: {  	_ =	swait.ge [sflag:s23], $0x1  }
0xa3: {  	[sflag:s23] =	ssyncset.done $0x0  }
0xa4: {  	s25 =	simm.s32 $0x1B8E;
	s24 =	sld [smem:$0x3FFE];
	[sflag:s23] =	ssyncadd.s32 $0xFFFFFFFF  }
0xa5: {  	s26 =	simm.s32 $execute0_lowered;
	[smem:$0x3FD2] =	sst s25  }
0xa6: {  	s5 =	sshll.u32 s26, $0x1;
	_ =	strace $0x80000046;
	[dreg:$0x1] =	wrdreg $0xFFFFFFFF  }
0xa7: {  	s28 =	simm.s32 $_size_execute0_lowered;
	s3 =	sadd.s32 s3, s5;
	[dreg:$0x0] =	wrdreg $0x0  }
0xa8: {  	s5 =	sshll.u32 s28, $0x1;
	[dreg:$0x2] =	wrdreg s3  }
0xa9: {  	[dreg:$0x3] =	wrdreg s5  }
0xaa: {  	[dreg:$0x4] =	wrdreg $0xC0  }
0xab: {  	_ =	task [dreg:s7], $0x5FFFF  }
0xac: {  	[dreg:$0x1] =	wrdreg $0xFFFFFFFF  }
0xad: {  	[dreg:$0x0] =	wrdreg $0x60  }
0xae: {  	[dreg:$0x2] =	wrdreg s2  }
0xaf: {  	[dreg:$0x3] =	wrdreg s24  }
0xb0: {  	[dreg:$0x4] =	wrdreg $0xA  }
0xb1: {  	_ =	task.clear_ibuf [dreg:s7], $0x5FFFF;
	_ =	strace $0x90000046  }
0xb2: {  	s29 =	simm.s32 $0xA;
	_ =	strace $0x80000048  }
0xb3: {  	_ =	swait.ge [sflag:s29], $0x1  }
0xb4: {  	[sflag:s29] =	ssyncadd.s32 $0xFFFFFFFF  }
0xb5: {  	_ =	strace $0x90000048  }
0xb6: {  	_ =	sfence  }
0xb7: {  	s30 =	sld [smem:$0x0];
	_ =	sdelay $0x2  }
0xb8: {  	s31 =	sshll.u32 s1, $0xD;
	s1 =	sshrl.u32 s1, $0x2  }
0xb9: {  	s3 =	sand.u32 $0x4000, s31;
	s1 =	sadd.s32 s1, s30  }
0xba: {  	s0 =	sor.u32 s3, s0;
	s1 =	sshll.u32 s1, $0x11  }
0xbb: {  	s0 =	sor.u32 s1, s0  }
0xbc: {  	s0 =	sadd.s32 $0x8F2B, s0  }
0xbd: {  	[sflag:s0] =	ssyncadd.remote.s32 $0x1  }
0xbe: {  	_ =	sfence.sel $0xFFFF  }
0xbf: {  	[dreg:$0x0] =	wrdreg $0xFFFFFFFF;
	(pc) =	sbr.abs _section_cstart, $3  }
0xc0: {  	[dreg:$0x1] =	wrdreg $0xFFFFFFFF  }
0xc1: {  	_ =	task.clear_ibuf [dreg:s7], $0x2FFFF;
	_ =	strace $0x9FFFFFFF  }
0xc2: {  	(tm) =	ssettm $0x7FFFFFFF  }
0xc3: {  	_ =	shalt  }
tec
execute0_lowered:
.L_overlay_start_1:
0x0: {  	(tag) =	ssettag $0x1  }
0x1: {  	vm0 =	vcmask $0x300;
	v0 =	vimm.f32 $1.500000000e+01  }
0x2: {  	vm14 =	vcmask $0x704;
	v0 =	vsel vm0, $0x0, v0  }
0x3: {  	vm15 =	vcmask $0xB08;
	v0 =	vsel vm14, $0x3F800000, v0  }
0x4: {  	vm4 =	vcmask $0xF0C;
	v0 =	vsel vm15, $0x40000000, v0  }
0x5: {  	vm5 =	vcmask $0x1310;
	v0 =	vsel vm4, $0x40400000, v0  }
0x6: {  	vm6 =	vcmask $0x1714;
	v0 =	vsel vm5, $0x40800000, v0  }
0x7: {  	s1 =	rddreg [dreg:$0x0];
	vm7 =	vcmask $0x1B18;
	v0 =	vsel vm6, $0x40A00000, v0  }
0x8: {  	s7 =	rddreg [dreg:$0x1];
	vm8 =	vcmask $0x1F1C;
	v0 =	vsel vm7, $0x40C00000, v0  }
0x9: {  	s0 =	rddreg [dreg:$0x2];
	s2 =	simm.s32 $0x0;
	vm9 =	vcmask $0x2320;
	v0 =	vsel vm8, $0x40E00000, v0  }
0xa: {  	s5 =	srdreg.scid;
	s3 =	stileid.u32;
	vm10 =	vcmask $0x2724;
	s12 =	simm.s32 $0x1;
	v0 =	vsel vm9, $0x41000000, v0  }
0xb: {  	vm11 =	vcmask $0x2B28;
	s13 =	simm.s32 $0x8980;
	s14 =	simm.s32 $0x8B80;
	s15 =	simm.s32 $0x8D80;
	v0 =	vsel vm10, $0x41100000, v0  }
0xc: {  	vm12 =	vcmask $0x2F2C;
	s16 =	simm.s32 $0xCF80;
	s17 =	simm.s32 $0x0;
	[smem:$0x7FF] =	sst s2;
	v0 =	vsel vm11, $0x41200000, v0  }
0xd: {  	vm13 =	vcmask $0x3330;
	s4 =	sadd.s32 $0x1600, s7;
	s8 =	sand.u32 $0x1, s5;
	s5 =	sadd.s32 $0x2600, s7;
	v0 =	vsel vm12, $0x41300000, v0  }
0xe: {  	s10 =	sshll.u32 s3, $0x1;
	s6 =	sadd.s32 $0x3600, s7;
	s9 =	ssub.s32 $0x2, s8;
	vm14 =	vcmask $0x3734;
	v0 =	vsel vm13, $0x41400000, v0  }
0xf: {  	s7 =	sadd.s32 $0x24600, s7;
	s10 =	sor.u32 s8, s10;
	s11 =	sshrl.u32 s9, $0x1;
	vm15 =	vcmask $0x3B38;
	v0 =	vsel vm14, $0x41500000, v0  }
0x10: {  	_ =	strace $0x80000047;
	s8 =	smul.u32 $0x10800, s10;
	s11 =	ssub.s32 s9, s11;
	v0 =	vsel vm15, $0x41600000, v0  }
0x11: {  	s9 =	sshll.u32 s10, $0xA;
	s10 =	sshll.u32 s10, $0x1;
	s11 =	smax.u32 s11, $0x1;
	[tilespmem:$0x1FFF0] =	vst v0  }
.LBB2_1:
0x12: {  	p1 =	por $0x1, $0x1;
	s19 =	simm.s32 $0x0  }
.LBB2_2:
0x13: {  	s20 =	sshll.u32 s19, $0x9  }
0x14: {  	s18 =	smin.u32 s20, $0xE8  }
0x15: {  	s21 =	sadd.s32 $0x2F0, s18  }
0x16: {  	s18 =	smul.u32 $0x21, s21;
	_ =	sdelay $0x1  }
0x17: {  	s18 =	sadd.s32 s8, s18  }
0x18: {  	s18 =	sshrl.u32 s18, $0x3  }
0x19: {  	s22 =	sadd.s32 s1, s18;
	s18 =	simm.s32 $0x0  }
0x1a: {  	[tilespmem:s18], [sflag:$0x1] =	stream.linear.gather [hbm4b:s22+s18], $0x8928, $0x38;
	[tilespmem:$0x14F80] =	vst v63  }
0x1b: {  	s30 =	sor.u32 s9, s20;
	_ =	swait.ge [sflag:s12], $0x8928  }
0x1c: {  	s22 =	sshrl.u32 s30, $0x3;
	[sflag:s12] =	ssyncset.done $0x0  }
0x1d: {  	s23 =	sadd.s32 s4, s22;
	[sflag:s12] =	ssyncadd.s32 $0xFFFF76D8  }
0x1e: {  	[tilespmem:s13], [sflag:$0x1] =	stream.linear.gather [hbm4b:s23+s18], $0x200, $0x38;
	[tilespmem:$0x14F80] =	vst v63  }
0x1f: {  	_ =	swait.ge [sflag:s12], $0x200  }
0x20: {  	[sflag:s12] =	ssyncset.done $0x0  }
0x21: {  	s19 =	sor.u32 s10, s19;
	s22 =	sadd.s32 s5, s22;
	[sflag:s12] =	ssyncadd.s32 $0xFFFFFE00  }
0x22: {  	[tilespmem:s14], [sflag:$0x1] =	stream.linear.gather [hbm4b:s22+s18], $0x200, $0x38;
	[tilespmem:$0x14F80] =	vst v63  }
0x23: {  	s31 =	smul.u32 $0x840, s19;
	_ =	swait.ge [sflag:s12], $0x200  }
0x24: {  	[sflag:s12] =	ssyncset.done $0x0  }
0x25: {  	s22 =	sadd.s32 s6, s31;
	[sflag:s12] =	ssyncadd.s32 $0xFFFFFE00  }
0x26: {  	[tilespmem:s15], [sflag:$0x1] =	stream.linear.gather [hbm4b:s22+s18], $0x4200, $0x38;
	[tilespmem:$0x14F80] =	vst v63  }
0x27: {  	p0 =	por p1, p1;
	_ =	swait.ge [sflag:s12], $0x4200  }
0x28: {  	s20 =	sor.u32 $0x400, s20;
	v0 =	vmov s21;
	s21 =	simm.s32 $0x0;
	[sflag:s12] =	ssyncset.done $0x0  }
0x29: {  	s23 =	simm.s32 $0x0;
	s22 =	simm.s32 $0x0;
	[tilespmem:$0x1FFE0] =	vst v0;
	[sflag:s12] =	ssyncadd.s32 $0xFFFFBE00  }
.LBB2_3:
0x2a: {  	s24 =	sshll.u32 s23, $0x4;
	v1 =	vld [tilespmem:$0x1FFF0]  }
0x2b: {  	v43 =	vld [tilespmem:s24+$0x8980]  }
0x2c: {  	s25 =	sor.u32 s20, s24;
	v0 =	vld [tilespmem:s24+$0x8B80]  }
0x2d: {  	s25 =	scvt.s32.f32 s25;
	_ =	sdelay $0x1  }
0x2e: {  	v1 =	vadd.f32 s25, v1;
	_ =	sdelay $0x1  }
0x2f: {  	v40 =	vadd.f32 v0, v1;
	v0 =	vmul.f32 $1.600000000e+01, v43  }
0x30: {  	v1 =	vmul.f32 $1.500000000e+01, v43  }
0x31: {  	[tilespmem:$0x1FCA0] =	vst v0;
	v0 =	vsub.f32 v40, v0  }
0x32: {  	[tilespmem:$0x1FCB0] =	vst v1;
	v1 =	vsub.f32 v40, v1  }
0x33: {  	v2 =	vmul.f32 $1.400000000e+01, v43;
	v0 =	vadd.f32 $1.258291200e+07, v0  }
0x34: {  	v1 =	vadd.f32 $1.258291200e+07, v1  }
0x35: {  	v3 =	vmul.f32 $1.300000000e+01, v43;
	[tilespmem:$0x1FCC0] =	vst v2;
	v2 =	vsub.f32 v40, v2;
	v0 =	vadd.f32 $-1.258291200e+07, v0  }
0x36: {  	v4 =	vmul.f32 $1.200000000e+01, v43;
	v5 =	vmul.f32 $1.100000000e+01, v43;
	v1 =	vadd.f32 $-1.258291200e+07, v1  }
0x37: {  	v39 =	vld [tilespmem:$0x1FFE0];
	[tilespmem:$0x1FCD0] =	vst v3;
	v3 =	vsub.f32 v40, v3;
	v2 =	vadd.f32 $1.258291200e+07, v2;
	v0 =	vmax.f32 v0, $0.0e+00  }
0x38: {  	[tilespmem:$0x1FCE0] =	vst v4;
	v4 =	vsub.f32 v40, v4;
	v1 =	vmax.f32 v1, $0.0e+00;
	v0 =	vmin.f32 v0, $2.047000000e+03  }
0x39: {  	v2 =	vadd.f32 $-1.258291200e+07, v2;
	v1 =	vmin.f32 v1, $2.047000000e+03;
	v0 =	vtrunc.f32 v0  }
0x3a: {  	v3 =	vadd.f32 $1.258291200e+07, v3;
	v1 =	vtrunc.f32 v1;
	v0 =	vcvt.f32.s32 v0  }
0x3b: {  	v4 =	vadd.f32 $1.258291200e+07, v4;
	v2 =	vmax.f32 v2, $0.0e+00;
	v1 =	vcvt.f32.s32 v1  }
0x3c: {  	v3 =	vadd.f32 $-1.258291200e+07, v3;
	v2 =	vmin.f32 v2, $2.047000000e+03;
	v0 =	vsub.s32 v0, v39  }
0x3d: {  	v58 =	vmul.u32 $0x21, v0;
	v0 =	vsub.s32 v1, v39;
	v1 =	vtrunc.f32 v2  }
0x3e: {  	v2 =	vmax.f32 v3, $0.0e+00;
	v3 =	vadd.f32 $-1.258291200e+07, v4;
	v4 =	vsub.f32 v40, v5  }
0x3f: {  	v60 =	vmul.u32 $0x21, v0;
	v0 =	vcvt.f32.s32 v1;
	v1 =	vmin.f32 v2, $2.047000000e+03  }
0x40: {  	v2 =	vmax.f32 v3, $0.0e+00;
	v3 =	vadd.f32 $1.258291200e+07, v4;
	v4 =	vmul.f32 $1.000000000e+01, v43  }
0x41: {  	[tilespmem:$0x1FCF0] =	vst v5;
	v5 =	vmul.f32 $9.000000000e+00, v43;
	v1 =	vtrunc.f32 v1;
	v0 =	vsub.s32 v0, v39  }
0x42: {  	v2 =	vmin.f32 v2, $2.047000000e+03;
	v3 =	vadd.f32 $-1.258291200e+07, v3;
	[tilespmem:$0x1FD00] =	vst v4;
	v4 =	vsub.f32 v40, v4  }
0x43: {  	v63 =	vmul.u32 $0x21, v0;
	v0 =	vcvt.f32.s32 v1;
	v1 =	vtrunc.f32 v2  }
0x44: {  	v2 =	vmax.f32 v3, $0.0e+00;
	v3 =	vadd.f32 $1.258291200e+07, v4;
	v4 =	vsub.f32 v40, v5  }
0x45: {  	[tilespmem:$0x1FD10] =	vst v5;
	v1 =	vcvt.f32.s32 v1;
	v0 =	vsub.s32 v0, v39;
	v5 =	vmul.f32 $8.000000000e+00, v43  }
0x46: {  	v2 =	vmin.f32 v2, $2.047000000e+03;
	v3 =	vadd.f32 $-1.258291200e+07, v3;
	v4 =	vadd.f32 $1.258291200e+07, v4  }
0x47: {  	v55 =	vmul.u32 $0x21, v0;
	v0 =	vsub.s32 v1, v39;
	v1 =	vtrunc.f32 v2  }
0x48: {  	v2 =	vmax.f32 v3, $0.0e+00;
	v3 =	vadd.f32 $-1.258291200e+07, v4;
	v4 =	vsub.f32 v40, v5  }
0x49: {  	v48 =	vmul.u32 $0x21, v0;
	v0 =	vcvt.f32.s32 v1;
	v1 =	vmin.f32 v2, $2.047000000e+03  }
0x4a: {  	v2 =	vmax.f32 v3, $0.0e+00;
	v3 =	vadd.f32 $1.258291200e+07, v4;
	v4 =	vmul.f32 $7.000000000e+00, v43  }
0x4b: {  	[tilespmem:$0x1FD20] =	vst v5;
	v5 =	vmul.f32 $6.000000000e+00, v43;
	v0 =	vsub.s32 v0, v39;
	v1 =	vtrunc.f32 v1  }
0x4c: {  	v2 =	vmin.f32 v2, $2.047000000e+03;
	v3 =	vadd.f32 $-1.258291200e+07, v3;
	[tilespmem:$0x1FD30] =	vst v4;
	v4 =	vsub.f32 v40, v4  }
0x4d: {  	v49 =	vmul.u32 $0x21, v0;
	v0 =	vcvt.f32.s32 v1;
	v1 =	vtrunc.f32 v2  }
0x4e: {  	v2 =	vmax.f32 v3, $0.0e+00;
	v3 =	vadd.f32 $1.258291200e+07, v4;
	v4 =	vsub.f32 v40, v5  }
0x4f: {  	v0 =	vsub.s32 v0, v39;
	v1 =	vcvt.f32.s32 v1;
	v2 =	vmin.f32 v2, $2.047000000e+03  }
0x50: {  	v2 =	vtrunc.f32 v2;
	v3 =	vadd.f32 $-1.258291200e+07, v3;
	v4 =	vadd.f32 $1.258291200e+07, v4  }
0x51: {  	v56 =	vmul.u32 $0x21, v0;
	v0 =	vsub.s32 v1, v39;
	v1 =	vcvt.f32.s32 v2  }
0x52: {  	v50 =	vmul.u32 $0x21, v0;
	v2 =	vmax.f32 v3, $0.0e+00;
	v3 =	vadd.f32 $-1.258291200e+07, v4  }
0x53: {  	v4 =	vmul.f32 $5.000000000e+00, v43;
	v0 =	vsub.s32 v1, v39;
	v1 =	vmin.f32 v2, $2.047000000e+03  }
0x54: {  	[tilespmem:$0x1FD40] =	vst v5;
	v5 =	vadd.f32 v43, v43;
	v1 =	vtrunc.f32 v1;
	v2 =	vmax.f32 v3, $0.0e+00  }
0x55: {  	[tilespmem:$0x1FD50] =	vst v4;
	v3 =	vsub.f32 v40, v4;
	v4 =	vmul.f32 $4.000000000e+00, v43;
	v2 =	vmin.f32 v2, $2.047000000e+03  }
0x56: {  	v47 =	vmul.u32 $0x21, v0;
	v1 =	vcvt.f32.s32 v1;
	v0 =	vtrunc.f32 v2  }
0x57: {  	v2 =	vadd.f32 $1.258291200e+07, v3;
	[tilespmem:$0x1FD60] =	vst v4;
	v3 =	vsub.f32 v40, v4;
	v4 =	vmul.f32 $3.000000000e+00, v43  }
0x58: {  	[tilespmem:$0x1FD80] =	vst v5;
	v1 =	vsub.s32 v1, v39;
	v0 =	vcvt.f32.s32 v0  }
0x59: {  	v33 =	vld [tilespmem:s24+$0x8D80];
	v2 =	vadd.f32 $-1.258291200e+07, v2;
	v62 =	vmul.u32 $0x21, v1;
	v1 =	vadd.f32 $1.258291200e+07, v3;
	[tilespmem:$0x1FD70] =	vst v4  }
0x5a: {  	v3 =	vsub.f32 v40, v4;
	v4 =	vsub.f32 v40, v5;
	v5 =	vld.idx.msk [tilespmem:v58+s2+$0x0], $0xffff  }
0x5b: {  	v0 =	vsub.s32 v0, v39;
	v6 =	vld.idx.msk [tilespmem:v60+s2+$0x0], $0xffff  }
0x5c: {  	s26 =	sand.u32 $0x70, s24;
	s25 =	sand.u32 $0x180, s24;
	v7 =	vld.idx.msk [tilespmem:v63+s2+$0x0], $0xffff;
	v2 =	vmax.f32 v2, $0.0e+00;
	v46 =	vmul.u32 $0x21, v0;
	v1 =	vadd.f32 $-1.258291200e+07, v1  }
0x5d: {  	s28 =	sor.u32 s26, s25;
	v8 =	vld.idx.msk [tilespmem:v55+s2+$0x0], $0xffff;
	v0 =	vmin.f32 v2, $2.047000000e+03;
	v2 =	vadd.f32 $1.258291200e+07, v3;
	v3 =	vadd.f32 $1.258291200e+07, v4  }
0x5e: {  	v34 =	vld [tilespmem:s28+$0x8F80];
	v4 =	vsub.f32 v40, v43;
	v0 =	vtrunc.f32 v0;
	v1 =	vmax.f32 v1, $0.0e+00  }
0x5f: {  	v35 =	vld [tilespmem:s28+$0x9180];
	v0 =	vcvt.f32.s32 v0;
	v1 =	vmin.f32 v1, $2.047000000e+03;
	v2 =	vadd.f32 $-1.258291200e+07, v2  }
0x60: {  	v36 =	vld [tilespmem:s28+$0x9380];
	v3 =	vadd.f32 $-1.258291200e+07, v3;
	v4 =	vadd.f32 $1.258291200e+07, v4;
	v1 =	vtrunc.f32 v1  }
0x61: {  	v10 =	vshll.u32 v5, $0x10;
	v11 =	vshll.u32 v6, $0x10;
	v12 =	vshll.u32 v7, $0x10  }
0x62: {  	v14 =	vshll.u32 v8, $0x10;
	v5 =	vand.u32 $0xFFFF0000, v5;
	v6 =	vand.u32 $0xFFFF0000, v6  }
0x63: {  	v7 =	vand.u32 $0xFFFF0000, v7;
	v8 =	vand.u32 $0xFFFF0000, v8;
	v1 =	vcvt.f32.s32 v1  }
0x64: {  	v0 =	vsub.s32 v0, v39;
	v10 =	vmul.f32 v10, v33;
	v11 =	vmul.f32 v11, v34  }
0x65: {  	v2 =	vmax.f32 v2, $0.0e+00;
	v12 =	vmul.f32 v12, v35;
	v14 =	vmul.f32 v14, v36  }
0x66: {  	v9 =	vld.idx.msk [tilespmem:v48+s2+$0x0], $0xffff;
	v3 =	vmax.f32 v3, $0.0e+00;
	v5 =	vmul.f32 v5, v33;
	v6 =	vmul.f32 v6, v34  }
0x67: {  	v4 =	vadd.f32 $-1.258291200e+07, v4;
	v7 =	vmul.f32 v7, v35;
	v8 =	vmul.f32 v8, v36  }
0x68: {  	v37 =	vld [tilespmem:s28+$0x9580];
	v2 =	vmin.f32 v2, $2.047000000e+03;
	v3 =	vmin.f32 v3, $2.047000000e+03;
	v59 =	vmul.u32 $0x21, v0  }
0x69: {  	v13 =	vld.idx.msk [tilespmem:v62+s2+$0x0], $0xffff;
	v1 =	vsub.s32 v1, v39;
	v2 =	vtrunc.f32 v2;
	v3 =	vtrunc.f32 v3  }
0x6a: {  	v22 =	vld [tilespmem:s28+$0x9780];
	v4 =	vmax.f32 v4, $0.0e+00;
	v10 =	vadd.f32 v11, v10;
	v12 =	vadd.f32 v14, v12  }
0x6b: {  	v26 =	vld [tilespmem:s28+$0x9F80];
	v5 =	vadd.f32 v6, v5;
	v6 =	vadd.f32 v8, v7;
	v7 =	vand.u32 $0xFFFF0000, v9  }
0x6c: {  	v15 =	vld.idx.msk [tilespmem:v46+s2+$0x0], $0xffff;
	v2 =	vcvt.f32.s32 v2;
	v3 =	vcvt.f32.s32 v3;
	v0 =	vmin.f32 v4, $2.047000000e+03  }
0x6d: {  	v57 =	vmul.u32 $0x21, v1;
	v1 =	vld.idx.msk [tilespmem:v49+s2+$0x0], $0xffff;
	v7 =	vmul.f32 v7, v37;
	v0 =	vtrunc.f32 v0  }
0x6e: {  	v4 =	vld.idx.msk [tilespmem:v56+s2+$0x0], $0xffff;
	v20 =	vshll.u32 v13, $0x10;
	v8 =	vand.u32 $0xFFFF0000, v13;
	v10 =	vadd.f32 v12, v10  }
0x6f: {  	v23 =	vld [tilespmem:s28+$0x9980];
	v5 =	vadd.f32 v6, v5;
	v2 =	vsub.s32 v2, v39;
	v0 =	vcvt.f32.s32 v0  }
0x70: {  	v27 =	vld [tilespmem:s28+$0xA180];
	v3 =	vsub.s32 v3, v39;
	v20 =	vmul.f32 v20, v26;
	v8 =	vmul.f32 v8, v26  }
0x71: {  	v53 =	vmul.u32 $0x21, v2;
	v61 =	vmul.u32 $0x21, v3;
	v2 =	vld.idx.msk [tilespmem:v50+s2+$0x0], $0xffff;
	v0 =	vsub.s32 v0, v39  }
0x72: {  	v3 =	vld.idx.msk [tilespmem:v47+s2+$0x0], $0xffff;
	v28 =	vshll.u32 v15, $0x10;
	v51 =	vmul.u32 $0x21, v0;
	v0 =	vshll.u32 v9, $0x10  }
0x73: {  	v24 =	vld [tilespmem:s28+$0x9B80];
	v11 =	vshll.u32 v1, $0x10;
	v14 =	vshll.u32 v4, $0x10;
	v1 =	vand.u32 $0xFFFF0000, v1  }
0x74: {  	v25 =	vld [tilespmem:s28+$0x9D80];
	v9 =	vand.u32 $0xFFFF0000, v15;
	v15 =	vmul.f32 $0.0e+00, v43;
	v0 =	vmul.f32 v0, v37  }
0x75: {  	v16 =	vld.idx.msk [tilespmem:v59+s2+$0x0], $0xffff;
	v4 =	vand.u32 $0xFFFF0000, v4;
	v11 =	vmul.f32 v11, v22;
	v14 =	vmul.f32 v14, v23  }
0x76: {  	v29 =	vld [tilespmem:s28+$0xA380];
	v1 =	vmul.f32 v1, v22;
	v4 =	vmul.f32 v4, v23;
	v17 =	vshll.u32 v2, $0x10  }
0x77: {  	[tilespmem:$0x1FDF0] =	vst v59;
	v18 =	vshll.u32 v3, $0x10;
	v0 =	vadd.f32 v11, v0;
	v11 =	vmul.f32 v28, v27  }
0x78: {  	v19 =	vld.idx.msk [tilespmem:v57+s2+$0x0], $0xffff;
	v2 =	vand.u32 $0xFFFF0000, v2;
	v1 =	vadd.f32 v1, v7;
	v7 =	vmul.f32 v9, v27  }
0x79: {  	v30 =	vld [tilespmem:s28+$0xA580];
	[tilespmem:$0x1FE10] =	vst v57;
	v3 =	vand.u32 $0xFFFF0000, v3;
	v17 =	vmul.f32 v17, v24;
	v18 =	vmul.f32 v18, v25  }
0x7a: {  	s24 =	simm.s32 $0x1;
	v21 =	vld.idx.msk [tilespmem:v53+s2+$0x0], $0xffff;
	[tilespmem:$0x1FE30] =	vst v53;
	v31 =	vshll.u32 v16, $0x10;
	v2 =	vmul.f32 v2, v24;
	v13 =	vand.u32 $0xFFFF0000, v16  }
0x7b: {  	v3 =	vmul.f32 v3, v25;
	v16 =	vadd.s32 s24, v58;
	v32 =	vld.idx.msk [tilespmem:v61+s2+$0x0], $0xffff;
	v28 =	vmul.f32 v31, v29  }
0x7c: {  	v41 =	vld [tilespmem:s28+$0xA780];
	[tilespmem:$0x1FE60] =	vst v61;
	v9 =	vmul.f32 v13, v29;
	v14 =	vadd.f32 v17, v14;
	v17 =	vadd.f32 v20, v18  }
0x7d: {  	v31 =	vld.idx.msk [tilespmem:v51+s2+$0x0], $0xffff;
	v18 =	vshll.u32 v19, $0x10;
	v2 =	vadd.f32 v2, v4;
	v3 =	vadd.f32 v8, v3  }
0x7e: {  	v42 =	vld [tilespmem:s28+$0xA980];
	v11 =	vadd.f32 v28, v11;
	v4 =	vadd.f32 v9, v7;
	v7 =	vand.u32 $0xFFFF0000, v19  }
0x7f: {  	v45 =	vld [tilespmem:s28+$0xAB80];
	v18 =	vmul.f32 v18, v30;
	v19 =	vadd.s32 s24, v60;
	v7 =	vmul.f32 v7, v30  }
0x80: {  	[tilespmem:$0x1FE70] =	vst v51;
	v0 =	vadd.f32 v14, v0;
	v1 =	vadd.f32 v2, v1;
	v20 =	vshll.u32 v21, $0x10  }
0x81: {  	[tilespmem:$0x1FD90] =	vst v43;
	v8 =	vand.u32 $0xFFFF0000, v21;
	v20 =	vmul.f32 v20, v41;
	v28 =	vshll.u32 v32, $0x10  }
0x82: {  	[tilespmem:$0x1FEB0] =	vst v58;
	v9 =	vand.u32 $0xFFFF0000, v32;
	v8 =	vmul.f32 v8, v41;
	v38 =	vshll.u32 v31, $0x10  }
0x83: {  	[tilespmem:$0x1FEC0] =	vst v60;
	v28 =	vmul.f32 v28, v42;
	v13 =	vand.u32 $0xFFFF0000, v31;
	v9 =	vmul.f32 v9, v42  }
0x84: {  	[tilespmem:$0x1FDA0] =	vst v40;
	v11 =	vadd.f32 v11, v17;
	v38 =	vmul.f32 v38, v45;
	v13 =	vmul.f32 v13, v45  }
0x85: {  	[tilespmem:$0x1FED0] =	vst v63;
	v7 =	vadd.f32 v8, v7;
	v8 =	vadd.f32 v40, v15;
	v15 =	vadd.s32 s24, v63  }
0x86: {  	v12 =	vadd.s32 s24, v55;
	[tilespmem:$0x1FEE0] =	vst v55;
	v18 =	vadd.f32 v20, v18;
	v20 =	vadd.f32 v38, v28  }
0x87: {  	[tilespmem:$0x1FEF0] =	vst v48;
	v9 =	vadd.f32 v13, v9;
	v8 =	vadd.f32 $1.258291200e+07, v8;
	v13 =	vadd.s32 s24, v48  }
0x88: {  	v16 =	vld.idx.msk [tilespmem:v16+s2+$0x0], $0xffff;
	[tilespmem:$0x1FF00] =	vst v49;
	v17 =	vadd.s32 s24, v49;
	v2 =	vadd.f32 v4, v3;
	v4 =	vadd.s32 s24, v50  }
0x89: {  	v14 =	vadd.f32 v20, v18;
	v6 =	vadd.f32 $-1.258291200e+07, v8;
	v18 =	vld.idx.msk [tilespmem:v19+s2+$0x0], $0xffff;
	[tilespmem:$0x1FF10] =	vst v56;
	v8 =	vadd.s32 s24, v56  }
0x8a: {  	v0 =	vadd.f32 v0, v10;
	v1 =	vadd.f32 v1, v5;
	v19 =	vadd.s32 s24, v51;
	v3 =	vld.idx.msk [tilespmem:v15+s2+$0x0], $0xffff;
	[tilespmem:$0x1FF20] =	vst v50  }
0x8b: {  	v7 =	vadd.f32 v9, v7;
	v15 =	vadd.s32 s24, v46;
	v6 =	vmax.f32 v6, $0.0e+00;
	v9 =	vld.idx.msk [tilespmem:v12+s2+$0x0], $0xffff;
	[tilespmem:$0x1FF30] =	vst v47  }
0x8c: {  	v12 =	vadd.s32 s24, v47;
	v11 =	vadd.f32 v14, v11;
	v6 =	vmin.f32 v6, $2.047000000e+03;
	v10 =	vld.idx.msk [tilespmem:v13+s2+$0x0], $0xffff;
	[tilespmem:$0x1FF40] =	vst v62  }
0x8d: {  	v2 =	vadd.f32 v7, v2;
	v13 =	vadd.s32 s24, v62;
	v6 =	vtrunc.f32 v6;
	v14 =	vld.idx.msk [tilespmem:v17+s2+$0x0], $0xffff;
	[tilespmem:$0x1FF50] =	vst v46  }
0x8e: {  	v7 =	vadd.s32 s24, v57;
	v0 =	vadd.f32 v11, v0;
	v5 =	vcvt.f32.s32 v6;
	v6 =	vld.idx.msk [tilespmem:v8+s2+$0x0], $0xffff  }
0x8f: {  	v17 =	vand.u32 $0xFFFF0000, v16;
	v1 =	vadd.f32 v2, v1;
	v8 =	vadd.s32 s24, v59;
	v19 =	vld.idx.msk [tilespmem:v19+s2+$0x0], $0xffff  }
0x90: {  	v20 =	vand.u32 $0xFFFF0000, v18;
	v15 =	vld.idx.msk [tilespmem:v15+s2+$0x0], $0xffff;
	v21 =	vand.u32 $0xFFFF0000, v3;
	v3 =	vshll.u32 v3, $0x10  }
0x91: {  	v5 =	vsub.s32 v5, v39;
	v11 =	vld.idx.msk [tilespmem:v12+s2+$0x0], $0xffff;
	v12 =	vadd.s32 s24, v53;
	v3 =	vmul.f32 v3, v35  }
0x92: {  	v53 =	vmul.u32 $0x21, v5;
	v5 =	vld.idx.msk [tilespmem:v13+s2+$0x0], $0xffff;
	v13 =	vmul.f32 v17, v33;
	v17 =	vadd.s32 s24, v61  }
0x93: {  	v7 =	vld.idx.msk [tilespmem:v7+s2+$0x0], $0xffff;
	v31 =	vand.u32 $0xFFFF0000, v10;
	v10 =	vshll.u32 v10, $0x10;
	v44 =	vand.u32 $0xFFFF0000, v14  }
0x94: {  	v10 =	vmul.f32 v10, v37;
	v14 =	vshll.u32 v14, $0x10;
	v28 =	vld.idx.msk [tilespmem:v8+s2+$0x0], $0xffff;
	v8 =	vmul.f32 v20, v34  }
0x95: {  	v4 =	vld.idx.msk [tilespmem:v4+s2+$0x0], $0xffff;
	v20 =	vmul.f32 v21, v35;
	v21 =	vand.u32 $0xFFFF0000, v9;
	v61 =	vand.u32 $0xFFFF0000, v19  }
0x96: {  	v52 =	vmovc v60;
	v9 =	vshll.u32 v9, $0x10;
	v14 =	vmul.f32 v14, v22;
	v21 =	vmul.f32 v21, v36  }
0x97: {  	v60 =	vmovc v47;
	v47 =	vand.u32 $0xFFFF0000, v15;
	v9 =	vmul.f32 v9, v36;
	v2 =	vld.idx.msk [tilespmem:v12+s2+$0x0], $0xffff;
	v12 =	vmul.f32 v31, v37  }
0x98: {  	v31 =	vmul.f32 v44, v22;
	v8 =	vadd.f32 v8, v13;
	v38 =	vmul.f32 v47, v27  }
0x99: {  	v54 =	vmovc v48;
	v57 =	vand.u32 $0xFFFF0000, v7;
	v7 =	vshll.u32 v7, $0x10;
	v13 =	vadd.f32 v21, v20  }
0x9a: {  	v48 =	vmovc v56;
	v56 =	vmovc v46;
	v20 =	vand.u32 $0xFFFF0000, v6;
	v21 =	vand.u32 $0xFFFF0000, v4;
	v46 =	vand.u32 $0xFFFF0000, v5  }
0x9b: {  	v43 =	vmul.f32 v57, v30;
	v57 =	vmul.f32 v61, v45;
	v6 =	vshll.u32 v6, $0x10  }
0x9c: {  	v4 =	vshll.u32 v4, $0x10;
	v3 =	vadd.f32 v9, v3;
	v9 =	vadd.f32 v14, v10  }
0x9d: {  	v5 =	vshll.u32 v5, $0x10;
	v10 =	vshll.u32 v15, $0x10;
	v7 =	vmul.f32 v7, v30  }
0x9e: {  	v15 =	vshll.u32 v19, $0x10;
	v20 =	vmul.f32 v20, v23;
	v21 =	vmul.f32 v21, v24  }
0x9f: {  	v12 =	vadd.f32 v31, v12;
	v32 =	vmul.f32 v46, v26;
	v6 =	vmul.f32 v6, v23  }
0xa0: {  	v17 =	vld.idx.msk [tilespmem:v17+s2+$0x0], $0xffff;
	v31 =	vand.u32 $0xFFFF0000, v11;
	v4 =	vmul.f32 v4, v24;
	v5 =	vmul.f32 v5, v26  }
0xa1: {  	v39 =	vld.idx.msk [tilespmem:v53+s2+$0x0], $0xffff;
	v10 =	vmul.f32 v10, v27;
	v15 =	vmul.f32 v15, v45;
	v51 =	vand.u32 $0xFFFF0000, v28  }
0xa2: {  	v31 =	vmul.f32 v31, v25;
	v40 =	vmul.f32 v51, v29;
	v51 =	vld [tilespmem:s28+$0xAD80]  }
0xa3: {  	v13 =	vadd.f32 v13, v8;
	v20 =	vadd.f32 v21, v20;
	v44 =	vand.u32 $0xFFFF0000, v2  }
0xa4: {  	v4 =	vadd.f32 v4, v6;
	v6 =	vshll.u32 v11, $0x10;
	v44 =	vmul.f32 v44, v41  }
0xa5: {  	v11 =	vshll.u32 v28, $0x10;
	v31 =	vadd.f32 v32, v31;
	v2 =	vshll.u32 v2, $0x10  }
0xa6: {  	v6 =	vmul.f32 v6, v25;
	v61 =	vadd.f32 v44, v43;
	v44 =	vshll.u32 v39, $0x10  }
0xa7: {  	v11 =	vmul.f32 v11, v29;
	v59 =	vand.u32 $0xFFFF0000, v17;
	v8 =	vmul.f32 v44, v51  }
0xa8: {  	v12 =	vadd.f32 v20, v12;
	v14 =	vshll.u32 v17, $0x10;
	v2 =	vmul.f32 v2, v41  }
0xa9: {  	v4 =	vadd.f32 v4, v9;
	v17 =	vadd.s32 $0x2, v60;
	v0 =	vadd.f32 v0, v8  }
0xaa: {  	v21 =	vmul.f32 v59, v42;
	v59 =	vadd.f32 v40, v38;
	v5 =	vadd.f32 v5, v6  }
0xab: {  	v6 =	vadd.f32 v11, v10;
	[tilespmem:$0x1FFA0] =	vst v0;
	v0 =	vshll.u32 v16, $0x10;
	v16 =	vshll.u32 v18, $0x10  }
0xac: {  	v21 =	vadd.f32 v57, v21;
	v0 =	vmul.f32 v0, v33;
	v16 =	vmul.f32 v16, v34  }
0xad: {  	v14 =	vmul.f32 v14, v42;
	v2 =	vadd.f32 v2, v7;
	v20 =	vadd.f32 v59, v31  }
0xae: {  	v21 =	vadd.f32 v21, v61;
	v61 =	vadd.s32 $0x2, v58;
	v0 =	vadd.f32 v16, v0  }
0xaf: {  	v7 =	vadd.f32 v15, v14;
	v59 =	vadd.s32 $0x2, v52;
	v10 =	vadd.s32 s18, v61  }
0xb0: {  	v57 =	vadd.s32 $0x2, v63;
	v0 =	vadd.f32 v3, v0;
	v3 =	vadd.s32 s18, v59  }
0xb1: {  	v60 =	vld [tilespmem:$0x1FE60];
	v12 =	vadd.f32 v12, v13;
	v5 =	vadd.f32 v6, v5;
	v9 =	vadd.s32 s18, v57  }
0xb2: {  	v8 =	vadd.s32 $0x2, v55;
	v55 =	vadd.s32 $0x2, v54;
	v2 =	vadd.f32 v7, v2;
	v58 =	vld [tilespmem:$0x1FDF0]  }
0xb3: {  	v6 =	vadd.s32 s18, v8;
	v13 =	vadd.f32 v21, v20;
	v20 =	vadd.s32 $0x2, v56;
	v56 =	vld [tilespmem:$0x1FE10]  }
0xb4: {  	v7 =	vld.idx.msk [tilespmem:v10+s2+$0x0], $0xffff;
	v10 =	vadd.s32 s18, v55;
	v11 =	vadd.f32 v4, v0;
	v4 =	vadd.s32 $0x2, v48  }
0xb5: {  	v54 =	vadd.s32 $0x2, v49;
	v2 =	vadd.f32 v2, v5;
	v5 =	vadd.s32 $0x2, v50;
	v14 =	vld.idx.msk [tilespmem:v3+s2+$0x0], $0xffff;
	[tilespmem:$0x1FDB0] =	vst v4  }
0xb6: {  	v0 =	vadd.s32 s18, v54;
	v3 =	vadd.s32 s18, v4;
	v4 =	vand.u32 $0xFFFF0000, v39;
	v9 =	vld.idx.msk [tilespmem:v9+s2+$0x0], $0xffff  }
0xb7: {  	[tilespmem:$0x1FDC0] =	vst v5;
	v15 =	vmul.f32 v4, v51;
	v4 =	vadd.s32 $0x2, v62;
	v62 =	vld [tilespmem:$0x1FE30]  }
0xb8: {  	v12 =	vadd.f32 v13, v12;
	v5 =	vadd.s32 s18, v5;
	v16 =	vld.idx.msk [tilespmem:v6+s2+$0x0], $0xffff;
	[tilespmem:$0x1FDD0] =	vst v17  }
0xb9: {  	v6 =	vadd.s32 s18, v17;
	v17 =	vadd.s32 s18, v4;
	v10 =	vld.idx.msk [tilespmem:v10+s2+$0x0], $0xffff;
	[tilespmem:$0x1FDE0] =	vst v4;
	v4 =	vshll.u32 v7, $0x10  }
0xba: {  	v63 =	vld [tilespmem:$0x1FE70];
	v2 =	vadd.f32 v2, v11;
	v7 =	vand.u32 $0xFFFF0000, v7;
	v19 =	vmul.f32 v4, v33  }
0xbb: {  	v18 =	vld.idx.msk [tilespmem:v0+s2+$0x0], $0xffff;
	v0 =	vadd.s32 $0x2, v58;
	[tilespmem:$0x1FE00] =	vst v20;
	v20 =	vadd.s32 s18, v20;
	v7 =	vmul.f32 v7, v33  }
0xbc: {  	v21 =	vld.idx.msk [tilespmem:v3+s2+$0x0], $0xffff;
	v3 =	vadd.s32 $0x2, v56;
	[tilespmem:$0x1FE20] =	vst v0;
	v28 =	vadd.s32 s18, v0;
	v4 =	vshll.u32 v14, $0x10  }
0xbd: {  	v14 =	vand.u32 $0xFFFF0000, v14;
	v31 =	vld.idx.msk [tilespmem:v5+s2+$0x0], $0xffff;
	v5 =	vmul.f32 v4, v34;
	v0 =	vadd.s32 $0x2, v62  }
0xbe: {  	v46 =	vadd.s32 s18, v3;
	v47 =	vshll.u32 v9, $0x10;
	v4 =	vadd.f32 v1, v15  }
0xbf: {  	[tilespmem:$0x1FE40] =	vst v3;
	v3 =	vadd.s32 $0x2, v63;
	v9 =	vand.u32 $0xFFFF0000, v9;
	v14 =	vmul.f32 v14, v34  }
0xc0: {  	v38 =	vld.idx.msk [tilespmem:v6+s2+$0x0], $0xffff;
	[tilespmem:$0x1FE50] =	vst v0;
	v6 =	vadd.s32 s18, v0;
	v48 =	vshll.u32 v16, $0x10;
	v15 =	vmul.f32 v47, v35  }
0xc1: {  	v0 =	vadd.s32 $0x2, v60;
	v44 =	vadd.s32 s18, v3;
	v1 =	vld.idx.msk [tilespmem:v17+s2+$0x0], $0xffff;
	v17 =	vmul.f32 v48, v36  }
0xc2: {  	v16 =	vand.u32 $0xFFFF0000, v16;
	v9 =	vmul.f32 v9, v35;
	v40 =	vadd.s32 s18, v0;
	v11 =	vld.idx.msk [tilespmem:v20+s2+$0x0], $0xffff  }
0xc3: {  	v13 =	vadd.f32 v5, v19;
	v5 =	vshll.u32 v10, $0x10;
	v15 =	vadd.f32 v17, v15;
	v17 =	vld.idx.msk [tilespmem:v28+s2+$0x0], $0xffff  }
0xc4: {  	v16 =	vmul.f32 v16, v36;
	v20 =	vmul.f32 v5, v37;
	v5 =	vshll.u32 v18, $0x10;
	v19 =	vld.idx.msk [tilespmem:v46+s2+$0x0], $0xffff  }
0xc5: {  	v10 =	vand.u32 $0xFFFF0000, v10;
	v14 =	vadd.f32 v14, v7;
	v39 =	vmul.f32 v5, v22;
	v32 =	vld.idx.msk [tilespmem:v6+s2+$0x0], $0xffff;
	[tilespmem:$0x1FE80] =	vst v0  }
0xc6: {  	v18 =	vand.u32 $0xFFFF0000, v18;
	v10 =	vmul.f32 v10, v37;
	v28 =	vshll.u32 v21, $0x10;
	[tilespmem:$0x1FE90] =	vst v3  }
0xc7: {  	v21 =	vand.u32 $0xFFFF0000, v21;
	v18 =	vmul.f32 v18, v22;
	v20 =	vadd.f32 v39, v20;
	v39 =	vld.idx.msk [tilespmem:v40+s2+$0x0], $0xffff  }
0xc8: {  	v9 =	vadd.f32 v16, v9;
	v49 =	vshll.u32 v31, $0x10;
	v31 =	vand.u32 $0xFFFF0000, v31;
	v44 =	vld.idx.msk [tilespmem:v44+s2+$0x0], $0xffff  }
0xc9: {  	v21 =	vmul.f32 v21, v23;
	v50 =	vshll.u32 v38, $0x10;
	v31 =	vmul.f32 v31, v24  }
0xca: {  	v10 =	vadd.f32 v18, v10;
	v7 =	vand.u32 $0xFFFF0000, v38;
	v46 =	vmul.f32 v50, v25  }
0xcb: {  	v0 =	vld [tilespmem:$0x1FEB0];
	v47 =	vshll.u32 v1, $0x10;
	v1 =	vand.u32 $0xFFFF0000, v1;
	v16 =	vadd.f32 v31, v21  }
0xcc: {  	v1 =	vmul.f32 v1, v26;
	v50 =	vshll.u32 v19, $0x10;
	v18 =	vand.u32 $0xFFFF0000, v19  }
0xcd: {  	v19 =	vmul.f32 v7, v25;
	v21 =	vand.u32 $0xFFFF0000, v39;
	v31 =	vand.u32 $0xFFFF0000, v44  }
0xce: {  	v21 =	vmul.f32 v21, v42;
	v31 =	vmul.f32 v31, v45  }
0xcf: {  	s31 =	simm.s32 $0x3;
	v52 =	vshll.u32 v11, $0x10;
	v11 =	vand.u32 $0xFFFF0000, v11  }
0xd0: {  	v1 =	vadd.f32 v1, v19;
	v19 =	vadd.f32 v31, v21;
	v31 =	vadd.s32 s31, v0;
	v0 =	vld [tilespmem:$0x1FEC0]  }
0xd1: {  	v48 =	vmul.f32 v52, v27;
	v52 =	vshll.u32 v17, $0x10;
	v17 =	vand.u32 $0xFFFF0000, v17  }
0xd2: {  	v11 =	vmul.f32 v11, v27;
	v17 =	vmul.f32 v17, v29  }
0xd3: {  	v3 =	vadd.s32 $0x2, v53  }
0xd4: {  	v28 =	vmul.f32 v28, v23;
	v11 =	vadd.f32 v17, v11;
	v17 =	vadd.s32 s18, v3  }
0xd5: {  	v43 =	vmul.f32 v49, v24;
	v9 =	vadd.f32 v9, v14;
	v14 =	vadd.s32 s31, v0;
	v0 =	vld [tilespmem:$0x1FED0]  }
0xd6: {  	v47 =	vmul.f32 v47, v26  }
0xd7: {  	v28 =	vadd.f32 v43, v28;
	v49 =	vmul.f32 v52, v29  }
0xd8: {  	[tilespmem:$0x1FEA0] =	vst v53;
	v43 =	vadd.f32 v47, v46;
	v10 =	vadd.f32 v16, v10;
	v52 =	vshll.u32 v32, $0x10  }
0xd9: {  	v40 =	vmul.f32 v50, v30;
	v7 =	vand.u32 $0xFFFF0000, v32;
	v52 =	vmul.f32 v52, v41;
	v16 =	vld.idx.msk [tilespmem:v17+s2+$0x0], $0xffff  }
0xda: {  	v18 =	vmul.f32 v18, v30;
	v47 =	vshll.u32 v39, $0x10;
	v17 =	vadd.s32 s31, v0;
	v0 =	vld [tilespmem:$0x1FEE0]  }
0xdb: {  	v32 =	vmul.f32 v7, v41;
	v40 =	vadd.f32 v52, v40;
	v52 =	vshll.u32 v44, $0x10  }
0xdc: {  	v46 =	vadd.f32 v49, v48;
	v47 =	vmul.f32 v47, v42;
	v48 =	vmul.f32 v52, v45  }
0xdd: {  	v13 =	vadd.f32 v15, v13;
	v18 =	vadd.f32 v32, v18;
	v52 =	vadd.s32 s24, v53  }
0xde: {  	v15 =	vadd.f32 v28, v20;
	v47 =	vadd.f32 v48, v47  }
0xdf: {  	v1 =	vadd.f32 v11, v1;
	v11 =	vadd.f32 v19, v18;
	v18 =	vadd.s32 s31, v0;
	v0 =	vld [tilespmem:$0x1FEF0]  }
0xe0: {  	v20 =	vadd.f32 v46, v43;
	v21 =	vadd.f32 v47, v40;
	_ =	sdelay $0x1  }
0xe1: {  	v13 =	vadd.f32 v15, v13;
	v28 =	vld.idx.msk [tilespmem:v52+s2+$0x0], $0xffff;
	v15 =	vadd.f32 v21, v20;
	_ =	sdelay $0x1  }
0xe2: {  	v9 =	vadd.f32 v10, v9;
	v10 =	vadd.f32 v15, v13;
	v15 =	vadd.s32 s31, v0;
	v0 =	vld [tilespmem:$0x1FF00]  }
0xe3: {  	v1 =	vadd.f32 v11, v1;
	_ =	sdelay $0x1  }
0xe4: {  	v1 =	vadd.f32 v1, v9;
	v11 =	vand.u32 $0xFFFF0000, v28  }
0xe5: {  	v13 =	vshll.u32 v28, $0x10;
	v38 =	vld.idx.msk [tilespmem:v14+s2+$0x0], $0xffff;
	v14 =	vand.u32 $0xFFFF0000, v16;
	v9 =	vmul.f32 v11, v51  }
0xe6: {  	v11 =	vmul.f32 v13, v51;
	v13 =	vshll.u32 v16, $0x10;
	v16 =	vadd.s32 s31, v0;
	v0 =	vld [tilespmem:$0x1FF10];
	_ =	sdelay $0x3  }
0xe7: {  	v32 =	vld.idx.msk [tilespmem:v31+s2+$0x0], $0xffff  }
0xe8: {  	v31 =	vadd.f32 v2, v11;
	v2 =	vadd.s32 s31, v0;
	v0 =	vld [tilespmem:$0x1FF20];
	_ =	sdelay $0x2  }
0xe9: {  	v13 =	vmul.f32 v13, v51;
	_ =	sdelay $0x1  }
0xea: {  	v19 =	vadd.f32 v10, v13;
	v10 =	vadd.s32 s31, v0;
	v0 =	vld [tilespmem:$0x1FF30];
	_ =	sdelay $0x4  }
0xeb: {  	v21 =	vadd.s32 s31, v0;
	v0 =	vld [tilespmem:$0x1FF40];
	_ =	sdelay $0x2  }
0xec: {  	v39 =	vld.idx.msk [tilespmem:v17+s2+$0x0], $0xffff  }
0xed: {  	s28 =	sand.u32 $0x7, s21;
	s24 =	sshll.u32 s22, $0x2;
	v40 =	vld.idx.msk [tilespmem:v18+s2+$0x0], $0xffff  }
0xee: {  	s28 =	sshll.u32 s28, $0x6;
	s24 =	sand.u32 $0xFFFFFE00, s24;
	v28 =	vadd.s32 s31, v0;
	v0 =	vld [tilespmem:$0x1FF50]  }
0xef: {  	s24 =	sor.u32 s28, s24;
	v43 =	vld.idx.msk [tilespmem:v15+s2+$0x0], $0xffff  }
0xf0: {  	s24 =	sshrl.u32 s24, $0x2;
	v20 =	vadd.f32 v12, v9;
	v44 =	vld.idx.msk [tilespmem:v16+s2+$0x0], $0xffff  }
0xf1: {  	s24 =	sadd.s32 $0xD380, s24;
	v18 =	vld.idx.msk [tilespmem:v2+s2+$0x0], $0xffff;
	[tilespmem:$0x1FF60] =	vst v61  }
0xf2: {  	[tilespmem:s24+$0x200] =	vst v20  }
0xf3: {  	v53 =	vadd.s32 s31, v0;
	v0 =	vld [tilespmem:$0x1FFA0];
	_ =	sdelay $0x1  }
0xf4: {  	v20 =	vld.idx.msk [tilespmem:v10+s2+$0x0], $0xffff;
	[tilespmem:$0x1FF70] =	vst v59  }
0xf5: {  	v50 =	vadd.s32 s31, v58;
	v14 =	vmul.f32 v14, v51;
	[tilespmem:$0x1FF80] =	vst v57  }
0xf6: {  	v49 =	vadd.s32 s31, v56;
	v46 =	vadd.s32 s31, v63;
	v48 =	vadd.s32 s31, v60;
	[tilespmem:$0x1FF90] =	vst v8  }
0xf7: {  	s29 =	simm.s32 $0x2;
	v47 =	vadd.s32 s31, v62;
	v12 =	vadd.f32 v1, v14;
	v1 =	vshll.u32 v32, $0x10;
	[tilespmem:s24+$0xFFFFFC00] =	vst v0  }
0xf8: {  	v14 =	vadd.s32 s29, v8;
	v13 =	vadd.s32 s29, v61;
	v9 =	vshll.u32 v38, $0x10;
	v21 =	vld.idx.msk [tilespmem:v21+s2+$0x0], $0xffff;
	[tilespmem:$0x1FFB0] =	vst v55  }
0xf9: {  	v17 =	vmul.f32 v1, v33;
	v9 =	vmul.f32 v9, v34;
	v1 =	vshll.u32 v39, $0x10;
	[tilespmem:$0x1FFC0] =	vst v54  }
0xfa: {  	v5 =	vmovc v56;
	v6 =	vmovc v62;
	v1 =	vmul.f32 v1, v35;
	v11 =	vshll.u32 v40, $0x10;
	v15 =	vadd.s32 s29, v59;
	[tilespmem:$0x1FFD0] =	vst v3  }
0xfb: {  	v7 =	vmovc v60;
	v11 =	vmul.f32 v11, v36;
	v16 =	vadd.s32 s29, v57;
	v52 =	vshll.u32 v43, $0x10;
	[tilespmem:s24+$0xFFFFFE00] =	vst v4;
	v28 =	vld.idx.msk [tilespmem:v28+s2+$0x0], $0xffff  }
0xfc: {  	s30 =	simm.s32 $0x4;
	s28 =	smov.u32 s24;
	v2 =	vadd.s32 s29, v3;
	v10 =	vadd.s32 s29, v54;
	v8 =	vadd.s32 s29, v55;
	v3 =	vmovc v63;
	v4 =	vmovc v58;
	[tilespmem:s24+$0x0] =	vst v31;
	v31 =	vld.idx.msk [tilespmem:v53+s2+$0x0], $0xffff  }
.LBB2_4:
0xfd: {  	v52 =	vmul.f32 v52, v37;
	v32 =	vand.u32 $0xFFFF0000, v32;
	v38 =	vand.u32 $0xFFFF0000, v38  }
0xfe: {  	v39 =	vand.u32 $0xFFFF0000, v39;
	v40 =	vand.u32 $0xFFFF0000, v40;
	v32 =	vmul.f32 v32, v33  }
0xff: {  	v50 =	vld.idx.msk [tilespmem:v50+s2+$0x0], $0xffff;
	v43 =	vand.u32 $0xFFFF0000, v43;
	v38 =	vmul.f32 v38, v34;
	v39 =	vmul.f32 v39, v35  }
0x100: {  	v0 =	vld [tilespmem:$0x1FEA0];
	v9 =	vadd.f32 v9, v17;
	v40 =	vmul.f32 v40, v36;
	v43 =	vmul.f32 v43, v37  }
0x101: {  	v49 =	vld.idx.msk [tilespmem:v49+s2+$0x0], $0xffff;
	v1 =	vadd.f32 v11, v1;
	v55 =	vand.u32 $0xFFFF0000, v18;
	v57 =	vand.u32 $0xFFFF0000, v21  }
0x102: {  	v47 =	vld.idx.msk [tilespmem:v47+s2+$0x0], $0xffff;
	v32 =	vadd.f32 v38, v32;
	v38 =	vadd.f32 v40, v39;
	v18 =	vshll.u32 v18, $0x10  }
0x103: {  	v48 =	vld.idx.msk [tilespmem:v48+s2+$0x0], $0xffff;
	v53 =	vshll.u32 v44, $0x10;
	v63 =	vand.u32 $0xFFFF0000, v44;
	v56 =	vand.u32 $0xFFFF0000, v20  }
0x104: {  	v46 =	vld.idx.msk [tilespmem:v46+s2+$0x0], $0xffff;
	v58 =	vand.u32 $0xFFFF0000, v28;
	v59 =	vand.u32 $0xFFFF0000, v31;
	v55 =	vmul.f32 v55, v23  }
0x105: {  	v57 =	vmul.f32 v57, v25;
	v54 =	vadd.s32 s31, v0;
	v44 =	vmul.f32 v63, v22  }
0x106: {  	v60 =	vand.u32 $0xFFFF0000, v50;
	v56 =	vmul.f32 v56, v24;
	v61 =	vand.u32 $0xFFFF0000, v49  }
0x107: {  	v58 =	vmul.f32 v58, v26;
	v62 =	vand.u32 $0xFFFF0000, v47;
	v59 =	vmul.f32 v59, v27  }
0x108: {  	v63 =	vand.u32 $0xFFFF0000, v48;
	v60 =	vmul.f32 v60, v29;
	v61 =	vmul.f32 v61, v30  }
0x109: {  	v0 =	vand.u32 $0xFFFF0000, v46;
	v62 =	vmul.f32 v62, v41;
	v63 =	vmul.f32 v63, v42  }
0x10a: {  	v0 =	vmul.f32 v0, v45;
	v39 =	vadd.f32 v44, v43;
	v40 =	vadd.f32 v56, v55  }
0x10b: {  	v21 =	vshll.u32 v21, $0x10;
	v58 =	vadd.f32 v58, v57;
	v60 =	vadd.f32 v60, v59  }
0x10c: {  	v20 =	vshll.u32 v20, $0x10;
	v62 =	vadd.f32 v62, v61;
	v0 =	vadd.f32 v0, v63;
	v43 =	vld.idx.msk [tilespmem:v54+s2+$0x0], $0xffff  }
0x10d: {  	v28 =	vshll.u32 v28, $0x10;
	v32 =	vadd.f32 v38, v32;
	v56 =	vadd.f32 v40, v39  }
0x10e: {  	v31 =	vshll.u32 v31, $0x10;
	v57 =	vadd.f32 v60, v58;
	v0 =	vadd.f32 v0, v62  }
0x10f: {  	v18 =	vmul.f32 v18, v23;
	v17 =	vmul.f32 v21, v25;
	v47 =	vshll.u32 v47, $0x10  }
0x110: {  	v20 =	vmul.f32 v20, v24;
	v32 =	vadd.f32 v56, v32;
	v0 =	vadd.f32 v0, v57  }
0x111: {  	v21 =	vmul.f32 v28, v26;
	v28 =	vmul.f32 v31, v27;
	v62 =	vand.u32 $0xFFFF0000, v43  }
0x112: {  	v61 =	vshll.u32 v46, $0x10;
	v0 =	vadd.f32 v0, v32;
	v46 =	vmul.f32 v62, v51  }
0x113: {  	s28 =	sadd.s32 $0x800, s28;
	v18 =	vadd.f32 v20, v18;
	v59 =	vshll.u32 v49, $0x10;
	v63 =	vmul.f32 v53, v22  }
0x114: {  	[tilespmem:s28+$0xFFFFFC00] =	vst v19;
	v53 =	vmul.f32 v47, v41;
	v11 =	vmul.f32 v59, v30;
	v0 =	vadd.f32 v0, v46  }
0x115: {  	v20 =	vld.idx.msk [tilespmem:v2+s2+$0x0], $0xffff;
	[tilespmem:s28+$0xFFFFFE00] =	vst v12;
	v19 =	vmul.f32 v61, v45;
	v58 =	vshll.u32 v50, $0x10;
	v60 =	vshll.u32 v48, $0x10  }
0x116: {  	v12 =	vadd.f32 v21, v17;
	v31 =	vmul.f32 v58, v29;
	[tilespmem:s28+$0x200] =	vst v0;
	v0 =	vmul.f32 v60, v42  }
0x117: {  	v21 =	vld.idx.msk [tilespmem:v13+s2+$0x0], $0xffff;
	v54 =	vadd.f32 v63, v52;
	v11 =	vadd.f32 v53, v11  }
0x118: {  	v13 =	vld [tilespmem:$0x1FDB0];
	v17 =	vadd.f32 v31, v28;
	v0 =	vadd.f32 v19, v0  }
0x119: {  	v1 =	vadd.f32 v1, v9;
	v9 =	vadd.f32 v18, v54  }
0x11a: {  	v56 =	vld [tilespmem:$0x1FE00];
	v12 =	vadd.f32 v17, v12;
	v0 =	vadd.f32 v0, v11;
	_ =	sdelay $0x1  }
0x11b: {  	v1 =	vadd.f32 v9, v1;
	v0 =	vadd.f32 v0, v12  }
0x11c: {  	v28 =	vadd.s32 s29, v13  }
0x11d: {  	v0 =	vadd.f32 v0, v1;
	v1 =	vld [tilespmem:$0x1FE20]  }
0x11e: {  	v18 =	vld.idx.msk [tilespmem:v16+s2+$0x0], $0xffff;
	v38 =	vadd.s32 s29, v56  }
0x11f: {  	v13 =	vld [tilespmem:$0x1FDC0]  }
0x120: {  	v9 =	vld [tilespmem:$0x1FF70]  }
0x121: {  	v28 =	vld.idx.msk [tilespmem:v28+s2+$0x0], $0xffff  }
0x122: {  	v57 =	vadd.s32 s29, v1;
	v1 =	vld [tilespmem:$0x1FE40]  }
0x123: {  	v38 =	vld.idx.msk [tilespmem:v38+s2+$0x0], $0xffff  }
0x124: {  	v31 =	vadd.s32 s29, v13;
	v19 =	vld.idx.msk [tilespmem:v15+s2+$0x0], $0xffff  }
0x125: {  	v11 =	vld [tilespmem:$0x1FF60]  }
0x126: {  	v15 =	vadd.s32 s30, v9;
	v9 =	vld.idx.msk [tilespmem:v8+s2+$0x0], $0xffff  }
0x127: {  	v58 =	vadd.s32 s29, v1;
	v1 =	vld [tilespmem:$0x1FE50]  }
0x128: {  	v59 =	vshll.u32 v21, $0x10;
	v2 =	vshll.u32 v43, $0x10;
	v8 =	vld [tilespmem:$0x1FDE0]  }
0x129: {  	v47 =	vmul.f32 v59, v33;
	v2 =	vmul.f32 v2, v51;
	v31 =	vld.idx.msk [tilespmem:v31+s2+$0x0], $0xffff  }
0x12a: {  	v61 =	vshll.u32 v28, $0x10;
	v28 =	vand.u32 $0xFFFF0000, v28;
	v13 =	vadd.s32 s30, v11;
	v11 =	vld.idx.msk [tilespmem:v14+s2+$0x0], $0xffff  }
0x12b: {  	v52 =	vmul.f32 v61, v23;
	v28 =	vmul.f32 v28, v23;
	v14 =	vld [tilespmem:$0x1FDD0]  }
0x12c: {  	v56 =	vshll.u32 v38, $0x10;
	v38 =	vand.u32 $0xFFFF0000, v38;
	v43 =	vadd.s32 s29, v1;
	v1 =	vld [tilespmem:$0x1FE80]  }
0x12d: {  	v12 =	vld.idx.msk [tilespmem:v10+s2+$0x0], $0xffff;
	v55 =	vadd.s32 s29, v8;
	v49 =	vshll.u32 v9, $0x10;
	v9 =	vand.u32 $0xFFFF0000, v9  }
0x12e: {  	v56 =	vmul.f32 v56, v27;
	v38 =	vmul.f32 v38, v27;
	v62 =	vshll.u32 v31, $0x10  }
0x12f: {  	v31 =	vand.u32 $0xFFFF0000, v31;
	v49 =	vmul.f32 v49, v37;
	v9 =	vmul.f32 v9, v37  }
0x130: {  	v53 =	vmul.f32 v62, v24;
	v0 =	vadd.f32 v0, v2;
	v17 =	vadd.s32 s29, v14  }
0x131: {  	v31 =	vmul.f32 v31, v24;
	v2 =	vshll.u32 v20, $0x10;
	v44 =	vadd.s32 s29, v1;
	v1 =	vld [tilespmem:$0x1FE90]  }
0x132: {  	v50 =	vshll.u32 v12, $0x10;
	v12 =	vand.u32 $0xFFFF0000, v12;
	v32 =	vld.idx.msk [tilespmem:v55+s2+$0x0], $0xffff;
	[tilespmem:s28+$0x0] =	vst v0;
	v0 =	vshll.u32 v18, $0x10  }
0x133: {  	v18 =	vand.u32 $0xFFFF0000, v18;
	v50 =	vmul.f32 v50, v22;
	v12 =	vmul.f32 v12, v22  }
0x134: {  	v0 =	vmul.f32 v0, v35;
	v48 =	vshll.u32 v11, $0x10;
	v11 =	vand.u32 $0xFFFF0000, v11;
	v39 =	vld.idx.msk [tilespmem:v57+s2+$0x0], $0xffff  }
0x135: {  	v9 =	vadd.f32 v12, v9;
	v12 =	vadd.f32 v31, v28;
	v48 =	vmul.f32 v48, v36;
	v17 =	vld.idx.msk [tilespmem:v17+s2+$0x0], $0xffff  }
0x136: {  	v18 =	vmul.f32 v18, v35;
	v11 =	vmul.f32 v11, v36;
	v40 =	vld.idx.msk [tilespmem:v58+s2+$0x0], $0xffff;
	v46 =	vadd.s32 s29, v1  }
0x137: {  	v9 =	vadd.f32 v12, v9;
	v60 =	vshll.u32 v32, $0x10;
	v0 =	vadd.f32 v48, v0  }
0x138: {  	v32 =	vand.u32 $0xFFFF0000, v32;
	v48 =	vadd.f32 v50, v49;
	v11 =	vadd.f32 v11, v18  }
0x139: {  	v55 =	vmul.f32 v60, v26;
	v32 =	vmul.f32 v32, v26;
	v57 =	vshll.u32 v39, $0x10;
	v43 =	vld.idx.msk [tilespmem:v43+s2+$0x0], $0xffff  }
0x13a: {  	v39 =	vand.u32 $0xFFFF0000, v39;
	v63 =	vshll.u32 v17, $0x10;
	v17 =	vand.u32 $0xFFFF0000, v17;
	v44 =	vld.idx.msk [tilespmem:v44+s2+$0x0], $0xffff  }
0x13b: {  	v39 =	vmul.f32 v39, v29;
	v58 =	vshll.u32 v40, $0x10;
	v40 =	vand.u32 $0xFFFF0000, v40;
	v46 =	vld.idx.msk [tilespmem:v46+s2+$0x0], $0xffff  }
0x13c: {  	v17 =	vmul.f32 v17, v25;
	v40 =	vmul.f32 v40, v30;
	v1 =	vand.u32 $0xFFFF0000, v20  }
0x13d: {  	v8 =	vld [tilespmem:$0x1FF80];
	v20 =	vand.u32 $0xFFFF0000, v21;
	v21 =	vshll.u32 v19, $0x10;
	v19 =	vand.u32 $0xFFFF0000, v19  }
0x13e: {  	v28 =	vld [tilespmem:$0x1FEB0];
	v59 =	vshll.u32 v43, $0x10;
	v43 =	vand.u32 $0xFFFF0000, v43;
	v20 =	vmul.f32 v20, v33  }
0x13f: {  	v19 =	vmul.f32 v19, v34;
	v43 =	vmul.f32 v43, v41;
	v60 =	vshll.u32 v44, $0x10  }
0x140: {  	v44 =	vand.u32 $0xFFFF0000, v44;
	v61 =	vshll.u32 v46, $0x10;
	v46 =	vand.u32 $0xFFFF0000, v46  }
0x141: {  	v17 =	vadd.f32 v32, v17;
	v44 =	vmul.f32 v44, v42;
	v18 =	vmul.f32 v46, v45  }
0x142: {  	s31 =	sadd.s32 $0x1, s30;
	v16 =	vadd.s32 s30, v8;
	v19 =	vadd.f32 v19, v20;
	v20 =	vadd.f32 v39, v38  }
0x143: {  	v28 =	vadd.s32 s31, v28;
	v31 =	vadd.f32 v43, v40;
	v18 =	vadd.f32 v18, v44  }
0x144: {  	v8 =	vld [tilespmem:$0x1FF90];
	v49 =	vadd.f32 v53, v52;
	v57 =	vmul.f32 v57, v29;
	v11 =	vadd.f32 v11, v19  }
0x145: {  	v12 =	vld [tilespmem:$0x1FEF0];
	v54 =	vmul.f32 v63, v25;
	v17 =	vadd.f32 v20, v17;
	v18 =	vadd.f32 v18, v31  }
0x146: {  	v62 =	vadd.f32 v57, v56;
	v56 =	vld [tilespmem:$0x1FEC0];
	v58 =	vmul.f32 v58, v30;
	v21 =	vmul.f32 v21, v34  }
0x147: {  	v59 =	vmul.f32 v59, v41;
	v9 =	vadd.f32 v9, v11;
	v11 =	vadd.f32 v18, v17;
	v17 =	vld [tilespmem:$0x1FF20]  }
0x148: {  	v32 =	vld.idx.msk [tilespmem:v28+s2+$0x0], $0xffff;
	v21 =	vadd.f32 v21, v47;
	v60 =	vmul.f32 v60, v42;
	v47 =	vmul.f32 v61, v45  }
0x149: {  	v63 =	vadd.f32 v59, v58;
	v19 =	vld [tilespmem:$0x1FF00];
	v61 =	vadd.f32 v55, v54  }
0x14a: {  	v58 =	vld [tilespmem:$0x1FED0];
	v0 =	vadd.f32 v0, v21;
	v47 =	vadd.f32 v47, v60  }
0x14b: {  	v57 =	vadd.s32 s31, v56;
	v21 =	vadd.f32 v49, v48;
	v60 =	vadd.f32 v62, v61;
	v62 =	vld [tilespmem:$0x1FEE0]  }
0x14c: {  	v61 =	vadd.f32 v47, v63;
	v28 =	vadd.s32 s31, v17;
	v17 =	vmul.f32 v2, v51;
	v2 =	vld [tilespmem:$0x1FF30]  }
0x14d: {  	v10 =	vld [tilespmem:$0x1FFC0];
	v12 =	vadd.s32 s31, v12  }
0x14e: {  	v0 =	vadd.f32 v21, v0;
	v21 =	vld [tilespmem:$0x1FF10];
	v20 =	vadd.s32 s31, v19;
	v19 =	vadd.f32 v61, v60  }
0x14f: {  	v14 =	vadd.s32 s30, v8;
	v8 =	vld [tilespmem:$0x1FFB0];
	v59 =	vadd.s32 s31, v58  }
0x150: {  	v38 =	vld.idx.msk [tilespmem:v57+s2+$0x0], $0xffff;
	v0 =	vadd.f32 v19, v0  }
0x151: {  	v63 =	vadd.s32 s31, v62;
	v31 =	vadd.s32 s31, v2;
	v2 =	vld [tilespmem:$0x1FF40]  }
0x152: {  	v19 =	vadd.f32 v0, v17;
	v0 =	vld [tilespmem:$0x1FF50]  }
0x153: {  	v43 =	vld.idx.msk [tilespmem:v12+s2+$0x0], $0xffff;
	v21 =	vadd.s32 s31, v21  }
0x154: {  	v39 =	vld.idx.msk [tilespmem:v59+s2+$0x0], $0xffff  }
0x155: {  	v10 =	vadd.s32 s30, v10;
	v44 =	vld.idx.msk [tilespmem:v20+s2+$0x0], $0xffff  }
0x156: {  	v50 =	vadd.s32 s31, v4;
	v9 =	vadd.f32 v11, v9;
	v40 =	vld.idx.msk [tilespmem:v63+s2+$0x0], $0xffff;
	v11 =	vadd.s32 s31, v2  }
0x157: {  	p1 =	slt.u32 s30, $0x1E;
	v8 =	vadd.s32 s30, v8;
	v1 =	vmul.f32 v1, v51;
	v0 =	vadd.s32 s31, v0;
	v2 =	vld [tilespmem:$0x1FFD0]  }
.Ltmp0:
0x158: {  	v49 =	vadd.s32 s31, v5;
	v48 =	vadd.s32 s31, v7;
	v52 =	vshll.u32 v43, $0x10;
	v18 =	vld.idx.msk [tilespmem:v21+s2+$0x0], $0xffff;
	(pc) =	sbr.rel @p1 .LBB2_4-.Ltmp0, $4  }
0x159: {  	v46 =	vadd.s32 s31, v3;
	v12 =	vadd.f32 v9, v1;
	v1 =	vshll.u32 v32, $0x10;
	v20 =	vld.idx.msk [tilespmem:v28+s2+$0x0], $0xffff  }
0x15a: {  	v47 =	vadd.s32 s31, v6;
	v17 =	vmul.f32 v1, v33;
	v1 =	vshll.u32 v38, $0x10;
	v21 =	vld.idx.msk [tilespmem:v31+s2+$0x0], $0xffff  }
0x15b: {  	v9 =	vmul.f32 v1, v34;
	v1 =	vshll.u32 v39, $0x10;
	v31 =	vshll.u32 v40, $0x10;
	v28 =	vld.idx.msk [tilespmem:v11+s2+$0x0], $0xffff  }
0x15c: {  	s29 =	smov.u32 s30;
	v1 =	vmul.f32 v1, v35;
	v2 =	vadd.s32 s30, v2;
	v11 =	vmul.f32 v31, v36;
	v31 =	vld.idx.msk [tilespmem:v0+s2+$0x0], $0xffff;
	s30 =	sadd.s32 $0x2, s30  }
0x15d: {  	_ =	sdelay $0x1  }
0x15e: {  	v0 =	vmul.f32 v52, v37;
	v2 =	vshll.u32 v44, $0x10;
	v4 =	vand.u32 $0xFFFF0000, v32  }
0x15f: {  	v3 =	vld [tilespmem:$0x1FEA0];
	v5 =	vand.u32 $0xFFFF0000, v38;
	v7 =	vand.u32 $0xFFFF0000, v39;
	v8 =	vand.u32 $0xFFFF0000, v40  }
0x160: {  	v6 =	vld.idx.msk [tilespmem:v50+s2+$0x0], $0xffff;
	v10 =	vand.u32 $0xFFFF0000, v43;
	v14 =	vand.u32 $0xFFFF0000, v44;
	v4 =	vmul.f32 v4, v33  }
0x161: {  	v13 =	vld.idx.msk [tilespmem:v49+s2+$0x0], $0xffff;
	v15 =	vand.u32 $0xFFFF0000, v18;
	v5 =	vmul.f32 v5, v34;
	v7 =	vmul.f32 v7, v35  }
0x162: {  	v58 =	vld.idx.msk [tilespmem:v47+s2+$0x0], $0xffff;
	v16 =	vand.u32 $0xFFFF0000, v20;
	v8 =	vmul.f32 v8, v36;
	v10 =	vmul.f32 v10, v37  }
0x163: {  	v60 =	vld.idx.msk [tilespmem:v48+s2+$0x0], $0xffff;
	v14 =	vmul.f32 v14, v22;
	v15 =	vmul.f32 v15, v23;
	v59 =	vand.u32 $0xFFFF0000, v21  }
0x164: {  	v62 =	vld.idx.msk [tilespmem:v46+s2+$0x0], $0xffff;
	v16 =	vmul.f32 v16, v24;
	v61 =	vand.u32 $0xFFFF0000, v28;
	v4 =	vadd.f32 v5, v4  }
0x165: {  	v38 =	vmul.f32 v59, v25;
	v5 =	vadd.f32 v8, v7;
	v8 =	vadd.f32 v14, v10  }
0x166: {  	v63 =	vand.u32 $0xFFFF0000, v31;
	v34 =	vmul.f32 v61, v26;
	v3 =	vadd.s32 s31, v3  }
0x167: {  	v44 =	vand.u32 $0xFFFF0000, v6;
	v46 =	vand.u32 $0xFFFF0000, v13;
	v47 =	vand.u32 $0xFFFF0000, v58  }
0x168: {  	v36 =	vmul.f32 v63, v27;
	v48 =	vand.u32 $0xFFFF0000, v60;
	v37 =	vmul.f32 v44, v29  }
0x169: {  	v49 =	vand.u32 $0xFFFF0000, v62;
	v39 =	vmul.f32 v46, v30;
	v40 =	vmul.f32 v47, v41  }
0x16a: {  	v10 =	vadd.f32 v16, v15;
	v43 =	vmul.f32 v48, v42;
	v7 =	vmul.f32 v49, v45  }
0x16b: {  	v14 =	vshll.u32 v18, $0x10;
	v15 =	vadd.f32 v34, v38;
	v16 =	vadd.f32 v37, v36  }
0x16c: {  	v18 =	vshll.u32 v20, $0x10;
	v20 =	vadd.f32 v40, v39;
	v7 =	vadd.f32 v7, v43  }
0x16d: {  	v4 =	vadd.f32 v5, v4;
	v5 =	vadd.f32 v10, v8  }
0x16e: {  	v3 =	vld.idx.msk [tilespmem:v3+s2+$0x0], $0xffff;
	v10 =	vadd.f32 v16, v15;
	v7 =	vadd.f32 v7, v20;
	_ =	sdelay $0x1  }
0x16f: {  	v4 =	vadd.f32 v5, v4;
	v5 =	vadd.f32 v7, v10;
	_ =	sdelay $0x1  }
0x170: {  	v4 =	vadd.f32 v5, v4  }
0x171: {  	v5 =	vmul.f32 v14, v23;
	v14 =	vmul.f32 v18, v24;
	v10 =	vand.u32 $0xFFFF0000, v3  }
0x172: {  	v10 =	vmul.f32 v10, v51  }
0x173: {  	v9 =	vadd.f32 v9, v17;
	v15 =	vshll.u32 v31, $0x10;
	v5 =	vadd.f32 v14, v5;
	v14 =	vld [tilespmem:$0x1FD90]  }
0x174: {  	v1 =	vadd.f32 v11, v1;
	v4 =	vadd.f32 v4, v10;
	v10 =	vmul.f32 v15, v27;
	v15 =	vld [tilespmem:$0x1FDA0];
	_ =	sdelay $0x1  }
0x175: {  	v2 =	vmul.f32 v2, v22;
	v1 =	vadd.f32 v1, v9;
	v9 =	vld [tilespmem:$0x1FD80]  }
0x176: {  	v20 =	vshll.u32 v62, $0x10;
	v7 =	vshll.u32 v60, $0x10  }
0x177: {  	v0 =	vadd.f32 v2, v0;
	v2 =	vmul.f32 v7, v42;
	v7 =	vmul.f32 v20, v45  }
0x178: {  	v14 =	vadd.f32 v15, v14  }
0x179: {  	v21 =	vshll.u32 v21, $0x10;
	v2 =	vadd.f32 v7, v2  }
0x17a: {  	v17 =	vmul.f32 v21, v25;
	v9 =	vadd.f32 v15, v9;
	v7 =	vadd.f32 $1.258291200e+07, v14  }
0x17b: {  	v6 =	vshll.u32 v6, $0x10;
	v13 =	vshll.u32 v13, $0x10;
	v0 =	vadd.f32 v5, v0  }
0x17c: {  	v8 =	vshll.u32 v28, $0x10;
	v5 =	vadd.f32 $-1.258291200e+07, v7;
	v7 =	vadd.f32 $1.258291200e+07, v9;
	v9 =	vld [tilespmem:$0x1FD70]  }
0x17d: {  	v6 =	vmul.f32 v6, v29;
	v8 =	vmul.f32 v8, v26;
	v16 =	vshll.u32 v58, $0x10  }
0x17e: {  	v11 =	vmul.f32 v13, v30;
	v13 =	vmul.f32 v16, v41  }
0x17f: {  	v8 =	vadd.f32 v8, v17  }
0x180: {  	v6 =	vadd.f32 v6, v10;
	v10 =	vadd.f32 v13, v11  }
0x181: {  	v9 =	vadd.f32 v15, v9  }
0x182: {  	v6 =	vadd.f32 v6, v8;
	v2 =	vadd.f32 v2, v10  }
0x183: {  	v0 =	vadd.f32 v0, v1;
	v8 =	vadd.f32 $1.258291200e+07, v9  }
0x184: {  	v1 =	vadd.f32 v2, v6;
	v5 =	vmax.f32 v5, $0.0e+00;
	v7 =	vadd.f32 $-1.258291200e+07, v7  }
0x185: {  	v2 =	vmin.f32 v5, $2.047000000e+03;
	v6 =	vadd.f32 $-1.258291200e+07, v8  }
0x186: {  	v0 =	vadd.f32 v1, v0;
	v2 =	vtrunc.f32 v2;
	v5 =	vmax.f32 v7, $0.0e+00  }
0x187: {  	v1 =	vcvt.f32.s32 v2;
	v2 =	vmin.f32 v5, $2.047000000e+03;
	v5 =	vmax.f32 v6, $0.0e+00;
	v6 =	vld [tilespmem:$0x1FD60]  }
0x188: {  	v17 =	vld [tilespmem:$0x1FFE0]  }
0x189: {  	v7 =	vld [tilespmem:$0x1FD50]  }
0x18a: {  	v3 =	vshll.u32 v3, $0x10  }
0x18b: {  	v3 =	vmul.f32 v3, v51  }
0x18c: {  	v6 =	vadd.f32 v15, v6  }
0x18d: {  	v0 =	vadd.f32 v0, v3;
	v2 =	vtrunc.f32 v2;
	v1 =	vsub.s32 v1, v17  }
0x18e: {  	v7 =	vadd.f32 v15, v7;
	v5 =	vmin.f32 v5, $2.047000000e+03;
	v6 =	vadd.f32 $1.258291200e+07, v6  }
0x18f: {  	v2 =	vcvt.f32.s32 v2;
	v13 =	vmul.u32 $0x21, v1;
	v5 =	vtrunc.f32 v5  }
0x190: {  	v1 =	vcvt.f32.s32 v5;
	v5 =	vadd.f32 $1.258291200e+07, v7;
	v3 =	vadd.f32 $-1.258291200e+07, v6  }
0x191: {  	v2 =	vsub.s32 v2, v17  }
0x192: {  	v14 =	vmul.u32 $0x21, v2;
	v2 =	vmax.f32 v3, $0.0e+00;
	v3 =	vadd.f32 $-1.258291200e+07, v5;
	v5 =	vld [tilespmem:$0x1FD40];
	_ =	sdelay $0x4  }
0x193: {  	v1 =	vsub.s32 v1, v17;
	v5 =	vadd.f32 v15, v5  }
0x194: {  	v26 =	vmul.u32 $0x21, v1  }
0x195: {  	v1 =	vmin.f32 v2, $2.047000000e+03;
	v2 =	vmax.f32 v3, $0.0e+00;
	v3 =	vadd.f32 $1.258291200e+07, v5;
	v5 =	vld [tilespmem:$0x1FD30];
	_ =	sdelay $0x1  }
0x196: {  	v1 =	vtrunc.f32 v1  }
0x197: {  	v1 =	vcvt.f32.s32 v1  }
0x198: {  	v6 =	vld [tilespmem:$0x1FD10];
	v3 =	vadd.f32 $-1.258291200e+07, v3  }
0x199: {  	v2 =	vmin.f32 v2, $2.047000000e+03;
	v1 =	vsub.s32 v1, v17;
	v5 =	vadd.f32 v15, v5  }
0x19a: {  	v2 =	vtrunc.f32 v2;
	v56 =	vmul.u32 $0x21, v1;
	v1 =	vmax.f32 v3, $0.0e+00;
	v3 =	vld [tilespmem:$0x1FD20]  }
0x19b: {  	v2 =	vcvt.f32.s32 v2;
	v5 =	vadd.f32 $1.258291200e+07, v5  }
0x19c: {  	v7 =	vadd.s32 $0x2, v26  }
0x19d: {  	v6 =	vadd.f32 v15, v6;
	v2 =	vsub.s32 v2, v17;
	v5 =	vadd.f32 $-1.258291200e+07, v5  }
0x19e: {  	[tilespmem:$0x1FC90] =	vst v7;
	v7 =	vld [tilespmem:$0x1FCF0];
	v53 =	vmul.u32 $0x21, v2  }
0x19f: {  	v3 =	vadd.f32 v15, v3;
	v2 =	vmax.f32 v5, $0.0e+00;
	v5 =	vadd.f32 $1.258291200e+07, v6;
	v6 =	vld [tilespmem:$0x1FD00];
	_ =	sdelay $0x1  }
0x1a0: {  	v1 =	vmin.f32 v1, $2.047000000e+03;
	v3 =	vadd.f32 $1.258291200e+07, v3  }
0x1a1: {  	v55 =	vadd.s32 $0x2, v13;
	v1 =	vtrunc.f32 v1  }
0x1a2: {  	v1 =	vcvt.f32.s32 v1;
	v2 =	vmin.f32 v2, $2.047000000e+03;
	v3 =	vadd.f32 $-1.258291200e+07, v3  }
0x1a3: {  	v7 =	vadd.f32 v15, v7;
	v2 =	vtrunc.f32 v2;
	v6 =	vadd.f32 v15, v6  }
0x1a4: {  	v1 =	vsub.s32 v1, v17;
	v2 =	vcvt.f32.s32 v2;
	v3 =	vmax.f32 v3, $0.0e+00  }
0x1a5: {  	v5 =	vadd.f32 $-1.258291200e+07, v5;
	v3 =	vmin.f32 v3, $2.047000000e+03;
	v6 =	vadd.f32 $1.258291200e+07, v6  }
0x1a6: {  	v57 =	vmul.u32 $0x21, v1;
	v1 =	vsub.s32 v2, v17;
	v2 =	vtrunc.f32 v3  }
0x1a7: {  	v3 =	vmax.f32 v5, $0.0e+00;
	v5 =	vadd.f32 $-1.258291200e+07, v6;
	v6 =	vadd.f32 $1.258291200e+07, v7  }
0x1a8: {  	[tilespmem:$0x1FC70] =	vst v55;
	v54 =	vadd.s32 $0x2, v14;
	v58 =	vmul.u32 $0x21, v1;
	v1 =	vcvt.f32.s32 v2  }
0x1a9: {  	s28 =	sadd.s32 $0x800, s28;
	[tilespmem:$0x1FC80] =	vst v54;
	v2 =	vmin.f32 v3, $2.047000000e+03;
	v3 =	vmax.f32 v5, $0.0e+00;
	v5 =	vadd.f32 $-1.258291200e+07, v6  }
0x1aa: {  	[tilespmem:s28+$0x200] =	vst v4  }
0x1ab: {  	v4 =	vmax.f32 v5, $0.0e+00;
	v5 =	vld [tilespmem:$0x1FCE0];
	[tilespmem:s28+$0xFFFFFC00] =	vst v19  }
0x1ac: {  	[tilespmem:s28+$0xFFFFFE00] =	vst v12  }
0x1ad: {  	v3 =	vmin.f32 v3, $2.047000000e+03;
	v6 =	vld [tilespmem:$0x1FCD0];
	[tilespmem:s28+$0x0] =	vst v0  }
0x1ae: {  	v3 =	vtrunc.f32 v3;
	v4 =	vmin.f32 v4, $2.047000000e+03;
	v9 =	vld [tilespmem:$0x1FCA0]  }
0x1af: {  	v3 =	vcvt.f32.s32 v3;
	v4 =	vtrunc.f32 v4;
	v11 =	vld.idx.msk [tilespmem:v13+s2+$0x0], $0xffff  }
0x1b0: {  	v1 =	vsub.s32 v1, v17;
	[tilespmem:$0x1FBA0] =	vst v13;
	v0 =	vcvt.f32.s32 v4;
	v4 =	vld [tilespmem:$0x1FCB0]  }
0x1b1: {  	v62 =	vmovc v13;
	v2 =	vtrunc.f32 v2;
	v60 =	vmul.u32 $0x21, v1;
	v1 =	vsub.s32 v3, v17;
	v13 =	vld.idx.msk [tilespmem:v14+s2+$0x0], $0xffff  }
0x1b2: {  	v2 =	vcvt.f32.s32 v2;
	[tilespmem:$0x1FBB0] =	vst v14;
	v61 =	vmul.u32 $0x21, v1;
	v1 =	vld [tilespmem:$0x1FCC0]  }
0x1b3: {  	s29 =	simm.s32 $0x1;
	v63 =	vmov v14;
	v14 =	vld.idx.msk [tilespmem:v26+s2+$0x0], $0xffff;
	[tilespmem:$0x1FBC0] =	vst v26;
	v5 =	vadd.f32 v15, v5  }
0x1b4: {  	v62 =	vadd.s32 s29, v62;
	v2 =	vsub.s32 v2, v17;
	v16 =	vld.idx.msk [tilespmem:v53+s2+$0x0], $0xffff;
	v7 =	vadd.f32 v15, v6  }
0x1b5: {  	s25 =	sadd.s32 s26, s25;
	v59 =	vmul.u32 $0x21, v2;
	v5 =	vadd.f32 $1.258291200e+07, v5;
	v9 =	vadd.f32 v15, v9  }
0x1b6: {  	v12 =	vld [tilespmem:s25+$0xB780];
	v0 =	vsub.s32 v0, v17;
	v3 =	vadd.f32 $1.258291200e+07, v7;
	v8 =	vadd.f32 v15, v4  }
0x1b7: {  	v32 =	vmul.u32 $0x21, v0;
	v2 =	vadd.f32 $-1.258291200e+07, v5;
	v1 =	vadd.f32 v15, v1  }
0x1b8: {  	v9 =	vadd.f32 $1.258291200e+07, v9;
	v18 =	vshll.u32 v14, $0x10;
	v14 =	vand.u32 $0xFFFF0000, v14  }
0x1b9: {  	v3 =	vadd.f32 $-1.258291200e+07, v3;
	v8 =	vadd.f32 $1.258291200e+07, v8;
	v23 =	vshll.u32 v16, $0x10  }
0x1ba: {  	v15 =	vld.idx.msk [tilespmem:v56+s2+$0x0], $0xffff;
	v16 =	vand.u32 $0xFFFF0000, v16;
	v2 =	vmax.f32 v2, $0.0e+00;
	v1 =	vadd.f32 $1.258291200e+07, v1  }
0x1bb: {  	v5 =	vld [tilespmem:s25+$0xB380];
	v9 =	vadd.f32 $-1.258291200e+07, v9;
	v23 =	vmul.f32 v23, v12;
	v16 =	vmul.f32 v16, v12  }
0x1bc: {  	v4 =	vld [tilespmem:s25+$0xB580];
	v2 =	vmin.f32 v2, $2.047000000e+03;
	v10 =	vmax.f32 v3, $0.0e+00;
	v8 =	vadd.f32 $-1.258291200e+07, v8  }
0x1bd: {  	v19 =	vld.idx.msk [tilespmem:v61+s2+$0x0], $0xffff;
	v0 =	vtrunc.f32 v2;
	v1 =	vadd.f32 $-1.258291200e+07, v1;
	v10 =	vmin.f32 v10, $2.047000000e+03  }
0x1be: {  	v9 =	vmax.f32 v9, $0.0e+00;
	v0 =	vcvt.f32.s32 v0;
	v10 =	vtrunc.f32 v10  }
0x1bf: {  	v24 =	vld [tilespmem:s25+$0xC180];
	v8 =	vmax.f32 v8, $0.0e+00;
	v9 =	vmin.f32 v9, $2.047000000e+03;
	v21 =	vshll.u32 v15, $0x10  }
0x1c0: {  	v15 =	vand.u32 $0xFFFF0000, v15;
	v18 =	vmul.f32 v18, v5;
	v14 =	vmul.f32 v14, v5  }
0x1c1: {  	v1 =	vmax.f32 v1, $0.0e+00;
	v10 =	vcvt.f32.s32 v10;
	v8 =	vmin.f32 v8, $2.047000000e+03  }
0x1c2: {  	v28 =	vld.idx.msk [tilespmem:v32+s2+$0x0], $0xffff;
	v9 =	vtrunc.f32 v9;
	v39 =	vshll.u32 v19, $0x10;
	v21 =	vmul.f32 v21, v4  }
0x1c3: {  	v19 =	vand.u32 $0xFFFF0000, v19;
	v15 =	vmul.f32 v15, v4;
	v8 =	vtrunc.f32 v8  }
0x1c4: {  	v25 =	vld [tilespmem:s25+$0xC380];
	v1 =	vmin.f32 v1, $2.047000000e+03;
	v9 =	vcvt.f32.s32 v9;
	v39 =	vmul.f32 v39, v24  }
0x1c5: {  	v6 =	vld [tilespmem:s25+$0xAF80];
	v0 =	vsub.s32 v0, v17;
	v1 =	vtrunc.f32 v1;
	v8 =	vcvt.f32.s32 v8  }
0x1c6: {  	v7 =	vld [tilespmem:s25+$0xB180];
	v33 =	vmul.u32 $0x21, v0;
	v0 =	vsub.s32 v10, v17;
	v1 =	vcvt.f32.s32 v1  }
0x1c7: {  	v10 =	vld.idx.msk [tilespmem:v57+s2+$0x0], $0xffff;
	v41 =	vshll.u32 v28, $0x10;
	v43 =	vand.u32 $0xFFFF0000, v28;
	v18 =	vadd.f32 v21, v18  }
0x1c8: {  	v34 =	vmul.u32 $0x21, v0;
	v0 =	vsub.s32 v1, v17;
	v1 =	vsub.s32 v8, v17  }
0x1c9: {  	v2 =	vld [tilespmem:s25+$0xB980];
	v41 =	vmul.f32 v41, v25;
	v52 =	vmul.u32 $0x21, v0;
	v35 =	vmul.u32 $0x21, v1  }
0x1ca: {  	v20 =	vld [tilespmem:s25+$0xBD80];
	v0 =	vsub.s32 v9, v17;
	v9 =	vshll.u32 v11, $0x10;
	v11 =	vand.u32 $0xFFFF0000, v11  }
0x1cb: {  	v8 =	vld.idx.msk [tilespmem:v58+s2+$0x0], $0xffff;
	v17 =	vshll.u32 v13, $0x10;
	v13 =	vand.u32 $0xFFFF0000, v13;
	v36 =	vmul.u32 $0x21, v0  }
0x1cc: {  	v1 =	vld.idx.msk [tilespmem:v60+s2+$0x0], $0xffff;
	v29 =	vshll.u32 v10, $0x10;
	v9 =	vmul.f32 v9, v6;
	v17 =	vmul.f32 v17, v7  }
0x1cd: {  	v3 =	vld [tilespmem:s25+$0xBB80];
	v10 =	vand.u32 $0xFFFF0000, v10;
	v11 =	vmul.f32 v11, v6;
	v13 =	vmul.f32 v13, v7  }
0x1ce: {  	v0 =	vld.idx.msk [tilespmem:v59+s2+$0x0], $0xffff;
	v45 =	vmul.f32 v29, v2;
	v10 =	vmul.f32 v10, v2;
	v9 =	vadd.f32 v17, v9  }
0x1cf: {  	v22 =	vld [tilespmem:s25+$0xBF80];
	v17 =	vmul.f32 v19, v24;
	v11 =	vadd.f32 v13, v11;
	v13 =	vadd.f32 v15, v14  }
0x1d0: {  	v50 =	vld.idx.msk [tilespmem:v33+s2+$0x0], $0xffff;
	v14 =	vadd.s32 s29, v26;
	v30 =	vshll.u32 v8, $0x10;
	v8 =	vand.u32 $0xFFFF0000, v8  }
0x1d1: {  	v40 =	vld.idx.msk [tilespmem:v34+s2+$0x0], $0xffff;
	v23 =	vadd.f32 v45, v23;
	v10 =	vadd.f32 v10, v16;
	v31 =	vshll.u32 v1, $0x10  }
0x1d2: {  	v27 =	vld [tilespmem:s25+$0xC580];
	v1 =	vand.u32 $0xFFFF0000, v1;
	v47 =	vmul.f32 v30, v3;
	v8 =	vmul.f32 v8, v3  }
0x1d3: {  	v28 =	vld [tilespmem:s25+$0xC780];
	v9 =	vadd.f32 v18, v9;
	v11 =	vadd.f32 v13, v11;
	v37 =	vshll.u32 v0, $0x10  }
0x1d4: {  	v0 =	vand.u32 $0xFFFF0000, v0;
	v42 =	vld.idx.msk [tilespmem:v52+s2+$0x0], $0xffff;
	v49 =	vmul.f32 v31, v20;
	v1 =	vmul.f32 v1, v20  }
0x1d5: {  	v46 =	vld.idx.msk [tilespmem:v35+s2+$0x0], $0xffff;
	v44 =	vshll.u32 v50, $0x10;
	v38 =	vand.u32 $0xFFFF0000, v50;
	v37 =	vmul.f32 v37, v22  }
0x1d6: {  	v29 =	vld [tilespmem:s25+$0xC980];
	v0 =	vmul.f32 v0, v22;
	v48 =	vshll.u32 v40, $0x10;
	v40 =	vand.u32 $0xFFFF0000, v40  }
0x1d7: {  	v50 =	vld.idx.msk [tilespmem:v36+s2+$0x0], $0xffff;
	v38 =	vmul.f32 v38, v27;
	v47 =	vadd.f32 v49, v47;
	v1 =	vadd.f32 v1, v8  }
0x1d8: {  	v30 =	vld [tilespmem:s25+$0xCB80];
	v8 =	vadd.s32 s29, v56;
	v40 =	vmul.f32 v40, v28;
	v37 =	vadd.f32 v39, v37  }
0x1d9: {  	v31 =	vld [tilespmem:s25+$0xCD80];
	v0 =	vadd.f32 v17, v0;
	v51 =	vshll.u32 v42, $0x10;
	v19 =	vand.u32 $0xFFFF0000, v42  }
0x1da: {  	v42 =	vmul.f32 v43, v25;
	v21 =	vshll.u32 v46, $0x10;
	v43 =	vmul.f32 v44, v27  }
0x1db: {  	v44 =	vand.u32 $0xFFFF0000, v46;
	v46 =	vmul.f32 v48, v28;
	v48 =	vmul.f32 v51, v29  }
0x1dc: {  	v18 =	vadd.f32 v47, v23;
	v1 =	vadd.f32 v1, v10;
	v45 =	vshll.u32 v50, $0x10  }
0x1dd: {  	v19 =	vmul.f32 v19, v29;
	v46 =	vadd.f32 v48, v46;
	v48 =	vadd.s32 s29, v63  }
0x1de: {  	v50 =	vand.u32 $0xFFFF0000, v50;
	v21 =	vmul.f32 v21, v30;
	v45 =	vmul.f32 v45, v31  }
0x1df: {  	[tilespmem:$0x1FBD0] =	vst v56;
	v44 =	vmul.f32 v44, v30;
	v39 =	vadd.f32 v43, v41;
	v51 =	vmul.f32 v50, v31  }
0x1e0: {  	v16 =	vadd.s32 s29, v53;
	[tilespmem:$0x1FBE0] =	vst v53;
	v15 =	vadd.f32 v38, v42;
	v21 =	vadd.f32 v45, v21  }
0x1e1: {  	v49 =	vld.idx.msk [tilespmem:v62+s2+$0x0], $0xffff;
	[tilespmem:$0x1FBF0] =	vst v57;
	v50 =	vadd.s32 s29, v57;
	v17 =	vadd.f32 v19, v40;
	v19 =	vadd.f32 v51, v44  }
0x1e2: {  	v51 =	vadd.s32 s29, v58;
	v37 =	vadd.f32 v39, v37;
	v21 =	vadd.f32 v21, v46;
	v23 =	vld.idx.msk [tilespmem:v48+s2+$0x0], $0xffff;
	[tilespmem:$0x1FC10] =	vst v58  }
0x1e3: {  	v62 =	vadd.s32 s29, v60;
	v9 =	vadd.f32 v18, v9;
	v0 =	vadd.f32 v15, v0;
	v14 =	vld.idx.msk [tilespmem:v14+s2+$0x0], $0xffff;
	[tilespmem:$0x1FC20] =	vst v60  }
0x1e4: {  	s30 =	simm.s32 $0x0;
	v13 =	vadd.f32 v19, v17;
	v17 =	vadd.f32 v21, v37;
	v8 =	vld.idx.msk [tilespmem:v8+s2+$0x0], $0xffff;
	[tilespmem:$0x1FC40] =	vst v59  }
0x1e5: {  	v55 =	vadd.s32 s30, v55;
	v10 =	vadd.s32 s29, v59;
	v1 =	vadd.f32 v1, v11;
	v15 =	vld.idx.msk [tilespmem:v16+s2+$0x0], $0xffff;
	[tilespmem:$0x1FC50] =	vst v61  }
0x1e6: {  	v0 =	vadd.f32 v13, v0;
	v9 =	vadd.f32 v17, v9;
	v16 =	vadd.s32 s29, v61;
	v18 =	vld.idx.msk [tilespmem:v50+s2+$0x0], $0xffff  }
0x1e7: {  	v19 =	vadd.s32 s29, v32;
	v13 =	vadd.s32 s29, v33;
	v21 =	vshll.u32 v49, $0x10;
	v11 =	vld.idx.msk [tilespmem:v51+s2+$0x0], $0xffff  }
0x1e8: {  	v48 =	vadd.s32 s29, v34;
	v0 =	vadd.f32 v0, v1;
	v44 =	vld.idx.msk [tilespmem:v62+s2+$0x0], $0xffff;
	[tilespmem:$0x1FC00] =	vst v9;
	v9 =	vmul.f32 v21, v6  }
0x1e9: {  	v21 =	vadd.s32 s29, v36;
	v63 =	vshll.u32 v23, $0x10;
	v23 =	vand.u32 $0xFFFF0000, v23  }
0x1ea: {  	v10 =	vld.idx.msk [tilespmem:v10+s2+$0x0], $0xffff;
	[tilespmem:$0x1FC30] =	vst v0;
	v0 =	vadd.s32 s29, v52;
	v17 =	vmul.f32 v63, v7;
	v23 =	vmul.f32 v23, v7  }
0x1eb: {  	v50 =	vand.u32 $0xFFFF0000, v8;
	v8 =	vshll.u32 v8, $0x10;
	v1 =	vld.idx.msk [tilespmem:v16+s2+$0x0], $0xffff;
	v16 =	vadd.s32 s29, v35  }
0x1ec: {  	v9 =	vadd.f32 v17, v9;
	v17 =	vand.u32 $0xFFFF0000, v49;
	v49 =	vand.u32 $0xFFFF0000, v14  }
0x1ed: {  	v51 =	vand.u32 $0xFFFF0000, v15;
	v38 =	vmul.f32 v50, v4;
	v14 =	vshll.u32 v14, $0x10  }
0x1ee: {  	v15 =	vshll.u32 v15, $0x10;
	v8 =	vmul.f32 v8, v4;
	v40 =	vand.u32 $0xFFFF0000, v18  }
0x1ef: {  	v19 =	vld.idx.msk [tilespmem:v19+s2+$0x0], $0xffff;
	v41 =	vand.u32 $0xFFFF0000, v11;
	v17 =	vmul.f32 v17, v6;
	v37 =	vmul.f32 v49, v5  }
0x1f0: {  	v13 =	vld.idx.msk [tilespmem:v13+s2+$0x0], $0xffff;
	v42 =	vand.u32 $0xFFFF0000, v44;
	v39 =	vmul.f32 v51, v12;
	v14 =	vmul.f32 v14, v5  }
0x1f1: {  	v45 =	vld.idx.msk [tilespmem:v48+s2+$0x0], $0xffff;
	v15 =	vmul.f32 v15, v12;
	v18 =	vshll.u32 v18, $0x10;
	v11 =	vshll.u32 v11, $0x10  }
0x1f2: {  	v44 =	vshll.u32 v44, $0x10;
	v40 =	vmul.f32 v40, v2;
	v41 =	vmul.f32 v41, v3  }
0x1f3: {  	v63 =	vand.u32 $0xFFFF0000, v10;
	v42 =	vmul.f32 v42, v20;
	v18 =	vmul.f32 v18, v2  }
0x1f4: {  	v11 =	vmul.f32 v11, v3;
	v44 =	vmul.f32 v44, v20;
	v10 =	vshll.u32 v10, $0x10  }
0x1f5: {  	v47 =	vand.u32 $0xFFFF0000, v19;
	v48 =	vand.u32 $0xFFFF0000, v13;
	v17 =	vadd.f32 v23, v17  }
0x1f6: {  	v21 =	vld.idx.msk [tilespmem:v21+s2+$0x0], $0xffff;
	v23 =	vand.u32 $0xFFFF0000, v45;
	v43 =	vmul.f32 v63, v22;
	v51 =	vadd.f32 v38, v37  }
0x1f7: {  	v0 =	vld.idx.msk [tilespmem:v0+s2+$0x0], $0xffff;
	v37 =	vadd.s32 $0x2, v56;
	v8 =	vadd.f32 v8, v14;
	v19 =	vshll.u32 v19, $0x10  }
0x1f8: {  	v13 =	vshll.u32 v13, $0x10;
	v10 =	vmul.f32 v10, v22;
	v38 =	vmul.f32 v47, v25;
	v16 =	vld.idx.msk [tilespmem:v16+s2+$0x0], $0xffff  }
0x1f9: {  	v47 =	vmul.f32 v48, v27;
	v48 =	vadd.f32 v40, v39;
	v23 =	vmul.f32 v23, v28  }
0x1fa: {  	v42 =	vadd.f32 v42, v41;
	v39 =	vadd.s32 $0x2, v57;
	v14 =	vadd.s32 s30, v37  }
0x1fb: {  	v62 =	vmovc v52;
	v15 =	vadd.f32 v18, v15;
	v11 =	vadd.f32 v44, v11;
	v52 =	vand.u32 $0xFFFF0000, v1  }
0x1fc: {  	v17 =	vadd.f32 v51, v17;
	v46 =	vmul.f32 v52, v24;
	v63 =	vand.u32 $0xFFFF0000, v0  }
0x1fd: {  	v40 =	vmul.f32 v63, v29;
	v63 =	vand.u32 $0xFFFF0000, v21;
	v52 =	vand.u32 $0xFFFF0000, v16  }
0x1fe: {  	v48 =	vadd.f32 v42, v48;
	v50 =	vmul.f32 v63, v31;
	v49 =	vmul.f32 v52, v30  }
0x1ff: {  	v19 =	vmul.f32 v19, v25;
	v13 =	vmul.f32 v13, v27;
	v8 =	vadd.f32 v8, v9  }
0x200: {  	v1 =	vshll.u32 v1, $0x10;
	v57 =	vadd.f32 v50, v49;
	v50 =	vadd.f32 v48, v17;
	v17 =	vld [tilespmem:$0x1FC90]  }
0x201: {  	v56 =	vadd.f32 v47, v38;
	v38 =	vadd.s32 $0x2, v53;
	v42 =	vadd.s32 $0x2, v59  }
0x202: {  	v59 =	vshll.u32 v45, $0x10;
	v13 =	vadd.f32 v13, v19;
	v43 =	vadd.f32 v46, v43  }
0x203: {  	v1 =	vmul.f32 v1, v24;
	v11 =	vadd.f32 v11, v15;
	v23 =	vadd.f32 v40, v23  }
0x204: {  	v18 =	vadd.s32 s30, v38;
	v46 =	vadd.f32 v56, v43;
	v56 =	vadd.s32 s30, v54  }
0x205: {  	v0 =	vshll.u32 v0, $0x10;
	v23 =	vadd.f32 v57, v23;
	v57 =	vadd.s32 s30, v17  }
0x206: {  	v44 =	vmul.f32 v59, v28;
	v21 =	vshll.u32 v21, $0x10;
	v63 =	vadd.s32 $0x2, v60  }
0x207: {  	v60 =	vmul.f32 v0, v29;
	v21 =	vmul.f32 v21, v31;
	v16 =	vshll.u32 v16, $0x10  }
0x208: {  	v40 =	vadd.s32 $0x2, v58;
	v58 =	vadd.s32 s30, v39;
	v52 =	vld.idx.msk [tilespmem:v55+s2+$0x0], $0xffff;
	v16 =	vmul.f32 v16, v30  }
0x209: {  	v1 =	vadd.f32 v1, v10;
	v43 =	vadd.s32 $0x2, v61;
	v19 =	vadd.s32 s30, v40;
	v49 =	vld.idx.msk [tilespmem:v56+s2+$0x0], $0xffff;
	[tilespmem:$0x1FB00] =	vst v40  }
0x20a: {  	v61 =	vadd.f32 v60, v44;
	v16 =	vadd.f32 v21, v16;
	v53 =	vld.idx.msk [tilespmem:v57+s2+$0x0], $0xffff;
	[tilespmem:$0x1FB10] =	vst v63;
	v63 =	vadd.s32 s30, v63  }
0x20b: {  	v0 =	vadd.s32 $0x2, v32;
	v1 =	vadd.f32 v13, v1;
	v17 =	vld.idx.msk [tilespmem:v14+s2+$0x0], $0xffff;
	[tilespmem:$0x1FB20] =	vst v42;
	v14 =	vadd.s32 s30, v42  }
0x20c: {  	v15 =	vadd.s32 s30, v43;
	v16 =	vadd.f32 v16, v61;
	v23 =	vadd.f32 v23, v46;
	v13 =	vld.idx.msk [tilespmem:v18+s2+$0x0], $0xffff;
	[tilespmem:$0x1FB30] =	vst v43  }
0x20d: {  	v10 =	vadd.s32 $0x2, v33;
	v8 =	vadd.f32 v11, v8;
	v21 =	vadd.s32 s30, v0;
	v18 =	vld.idx.msk [tilespmem:v58+s2+$0x0], $0xffff;
	[tilespmem:$0x1FB40] =	vst v0  }
0x20e: {  	v9 =	vadd.s32 $0x2, v34;
	v1 =	vadd.f32 v16, v1;
	v41 =	vadd.f32 v23, v50;
	v11 =	vld.idx.msk [tilespmem:v19+s2+$0x0], $0xffff;
	[tilespmem:$0x1FB50] =	vst v10  }
0x20f: {  	v23 =	vadd.s32 s30, v9;
	v0 =	vadd.s32 $0x2, v62;
	v16 =	vld.idx.msk [tilespmem:v63+s2+$0x0], $0xffff;
	[tilespmem:$0x1FB60] =	vst v9;
	v9 =	vadd.s32 $0x2, v35  }
0x210: {  	v14 =	vld.idx.msk [tilespmem:v14+s2+$0x0], $0xffff;
	[tilespmem:$0x1FB70] =	vst v0;
	v45 =	vadd.s32 s30, v9  }
0x211: {  	v15 =	vld.idx.msk [tilespmem:v15+s2+$0x0], $0xffff;
	[tilespmem:$0x1FB80] =	vst v9  }
0x212: {  	v43 =	vadd.s32 s30, v0;
	v0 =	vadd.s32 $0x2, v36;
	v21 =	vld.idx.msk [tilespmem:v21+s2+$0x0], $0xffff  }
0x213: {  	v46 =	vshll.u32 v49, $0x10;
	v56 =	vadd.s32 s30, v0;
	[tilespmem:$0x1FB90] =	vst v0;
	v0 =	vld [tilespmem:$0x1FBA0]  }
0x214: {  	v57 =	vmul.f32 v46, v7;
	v46 =	vshll.u32 v16, $0x10  }
0x215: {  	v16 =	vand.u32 $0xFFFF0000, v16;
	v55 =	vld.idx.msk [tilespmem:v45+s2+$0x0], $0xffff;
	v45 =	vshll.u32 v11, $0x10;
	v11 =	vand.u32 $0xFFFF0000, v11  }
0x216: {  	v50 =	vshll.u32 v13, $0x10;
	v16 =	vmul.f32 v16, v20;
	v11 =	vmul.f32 v11, v3  }
0x217: {  	s31 =	simm.s32 $0x3;
	v19 =	vadd.s32 s30, v10;
	v10 =	vld.idx.msk [tilespmem:v43+s2+$0x0], $0xffff;
	v43 =	vmul.f32 v50, v12;
	v50 =	vshll.u32 v21, $0x10  }
0x218: {  	v16 =	vadd.f32 v16, v11;
	v11 =	vand.u32 $0xFFFF0000, v21;
	v21 =	vadd.s32 s31, v0;
	v0 =	vld [tilespmem:$0x1FBB0]  }
0x219: {  	v44 =	vshll.u32 v52, $0x10  }
0x21a: {  	v54 =	vmul.f32 v44, v6;
	v47 =	vshll.u32 v53, $0x10  }
0x21b: {  	v58 =	vmul.f32 v47, v5;
	v48 =	vshll.u32 v17, $0x10;
	v13 =	vand.u32 $0xFFFF0000, v13;
	v23 =	vld.idx.msk [tilespmem:v23+s2+$0x0], $0xffff  }
0x21c: {  	v26 =	vmovc v32;
	v32 =	vmovc v33;
	v42 =	vshll.u32 v18, $0x10;
	v18 =	vand.u32 $0xFFFF0000, v18;
	v47 =	vshll.u32 v14, $0x10;
	v56 =	vld.idx.msk [tilespmem:v56+s2+$0x0], $0xffff  }
0x21d: {  	v33 =	vmovc v34;
	v34 =	vmovc v35;
	v44 =	vmul.f32 v42, v2;
	v60 =	vmul.f32 v47, v22;
	v47 =	vadd.s32 s31, v0;
	v0 =	vld [tilespmem:$0x1FBC0]  }
0x21e: {  	v35 =	vmovc v36;
	v36 =	vadd.f32 v1, v8;
	v13 =	vmul.f32 v13, v12;
	v18 =	vmul.f32 v18, v2  }
0x21f: {  	v59 =	vmul.f32 v48, v4;
	v51 =	vadd.f32 v44, v43;
	v14 =	vand.u32 $0xFFFF0000, v14  }
0x220: {  	v13 =	vadd.f32 v18, v13;
	v48 =	vshll.u32 v15, $0x10;
	v15 =	vand.u32 $0xFFFF0000, v15  }
0x221: {  	v19 =	vld.idx.msk [tilespmem:v19+s2+$0x0], $0xffff;
	v14 =	vmul.f32 v14, v22;
	v1 =	vshll.u32 v23, $0x10;
	v18 =	vand.u32 $0xFFFF0000, v23  }
0x222: {  	v8 =	vshll.u32 v56, $0x10;
	v23 =	vand.u32 $0xFFFF0000, v56;
	v56 =	vadd.s32 s31, v0;
	v0 =	vld [tilespmem:$0x1FBD0]  }
0x223: {  	v40 =	vmovc v62;
	v15 =	vmul.f32 v15, v24;
	v62 =	vmul.f32 v50, v25;
	v43 =	vshll.u32 v10, $0x10  }
0x224: {  	v10 =	vand.u32 $0xFFFF0000, v10;
	v9 =	vmul.f32 v1, v28;
	v50 =	vmul.f32 v43, v29  }
0x225: {  	v18 =	vmul.f32 v18, v28;
	v10 =	vmul.f32 v10, v29;
	v1 =	vshll.u32 v55, $0x10  }
0x226: {  	v14 =	vadd.f32 v15, v14;
	v15 =	vand.u32 $0xFFFF0000, v19;
	v1 =	vmul.f32 v1, v30;
	[tilespmem:s24+$0x200] =	vst.add.f32.msk $0xffff, v41  }
0x227: {  	v10 =	vadd.f32 v10, v18;
	v8 =	vmul.f32 v8, v31;
	v18 =	vadd.s32 s31, v0;
	v0 =	vld [tilespmem:$0x1FBE0]  }
0x228: {  	v11 =	vmul.f32 v11, v25;
	v15 =	vmul.f32 v15, v27  }
0x229: {  	v9 =	vadd.f32 v50, v9;
	v1 =	vadd.f32 v8, v1  }
0x22a: {  	v15 =	vadd.f32 v15, v11  }
0x22b: {  	v42 =	vshll.u32 v19, $0x10;
	v19 =	vand.u32 $0xFFFF0000, v55;
	v1 =	vadd.f32 v1, v9  }
0x22c: {  	v9 =	vadd.f32 v16, v13;
	v13 =	vadd.f32 v15, v14;
	v14 =	vadd.s32 s31, v0;
	v0 =	vld [tilespmem:$0x1FBF0]  }
0x22d: {  	v19 =	vmul.f32 v19, v30;
	v23 =	vmul.f32 v23, v31;
	_ =	sdelay $0x1  }
0x22e: {  	v19 =	vadd.f32 v23, v19;
	_ =	sdelay $0x1  }
0x22f: {  	v10 =	vadd.f32 v19, v10;
	v19 =	vadd.s32 s31, v0;
	v0 =	vld [tilespmem:$0x1FC00];
	_ =	sdelay $0x4  }
0x230: {  	[tilespmem:s24+$0xFFFFFC00] =	vst.add.f32.msk $0xffff, v0  }
0x231: {  	v0 =	vld [tilespmem:$0x1FC10];
	_ =	sdelay $0x3  }
0x232: {  	v16 =	vld.idx.msk [tilespmem:v18+s2+$0x0], $0xffff  }
0x233: {  	v18 =	vadd.s32 s31, v0;
	v0 =	vld [tilespmem:$0x1FC20];
	_ =	sdelay $0x1  }
0x234: {  	v63 =	vmul.f32 v42, v27  }
0x235: {  	v54 =	vadd.f32 v57, v54  }
0x236: {  	v57 =	vadd.f32 v59, v58;
	v58 =	vmul.f32 v45, v3;
	v45 =	vadd.f32 v63, v62;
	v63 =	vld.idx.msk [tilespmem:v21+s2+$0x0], $0xffff  }
0x237: {  	v21 =	vadd.s32 s31, v0;
	v0 =	vld [tilespmem:$0x1FC30];
	_ =	sdelay $0x3  }
0x238: {  	v17 =	vand.u32 $0xFFFF0000, v17;
	v59 =	vmul.f32 v46, v20  }
0x239: {  	v49 =	vand.u32 $0xFFFF0000, v49;
	v17 =	vmul.f32 v17, v4;
	v46 =	vand.u32 $0xFFFF0000, v53;
	[tilespmem:s24+$0xFFFFFE00] =	vst.add.f32.msk $0xffff, v0  }
0x23a: {  	v58 =	vadd.f32 v59, v58;
	v50 =	vmul.f32 v46, v5;
	v8 =	vand.u32 $0xFFFF0000, v52;
	v0 =	vld [tilespmem:$0x1FC40]  }
0x23b: {  	v49 =	vmul.f32 v49, v7;
	v8 =	vmul.f32 v8, v6  }
0x23c: {  	v51 =	vadd.f32 v58, v51;
	v17 =	vadd.f32 v17, v50  }
0x23d: {  	v23 =	vadd.f32 v57, v54;
	v8 =	vadd.f32 v49, v8  }
0x23e: {  	[tilespmem:s24+$0x0] =	vst.add.f32.msk $0xffff, v36  }
0x23f: {  	v8 =	vadd.f32 v17, v8;
	v17 =	vadd.f32 v51, v23;
	v23 =	vadd.s32 s31, v0;
	v0 =	vld [tilespmem:$0x1FC50];
	_ =	sdelay $0x2  }
0x240: {  	v61 =	vmul.f32 v48, v24;
	_ =	sdelay $0x1  }
0x241: {  	v44 =	vadd.f32 v61, v60;
	v61 =	vadd.s32 s31, v0;
	v0 =	vld [tilespmem:$0x1FC70];
	_ =	sdelay $0x3  }
0x242: {  	s25 =	simm.s32 $0x2  }
0x243: {  	v59 =	vadd.f32 v45, v44;
	v53 =	vadd.s32 s25, v0;
	v0 =	vld [tilespmem:$0x1FC80]  }
0x244: {  	v11 =	vld.idx.msk [tilespmem:v47+s2+$0x0], $0xffff  }
0x245: {  	v1 =	vadd.f32 v1, v59;
	v15 =	vld.idx.msk [tilespmem:v56+s2+$0x0], $0xffff  }
0x246: {  	v57 =	vadd.s32 s25, v39;
	v8 =	vadd.f32 v9, v8;
	v14 =	vld.idx.msk [tilespmem:v14+s2+$0x0], $0xffff;
	v36 =	vadd.s32 s31, v26;
	[tilespmem:$0x1FC60] =	vst v26  }
0x247: {  	v49 =	vadd.s32 s25, v38;
	v9 =	vadd.f32 v10, v13;
	v54 =	vadd.f32 v1, v17;
	v17 =	vld.idx.msk [tilespmem:v19+s2+$0x0], $0xffff  }
0x248: {  	v48 =	vmovc v32;
	v51 =	vadd.s32 s25, v37;
	v1 =	vshll.u32 v63, $0x10;
	v52 =	vadd.s32 s25, v0;
	v0 =	vld [tilespmem:$0x1FC90]  }
0x249: {  	v42 =	vmovc v38;
	v13 =	vmul.f32 v1, v6;
	v1 =	vshll.u32 v11, $0x10;
	v55 =	vadd.f32 v9, v8;
	v58 =	vld.idx.msk [tilespmem:v18+s2+$0x0], $0xffff  }
0x24a: {  	v43 =	vmovc v40;
	v46 =	vmovc v35;
	v9 =	vadd.s32 s31, v40;
	v8 =	vadd.s32 s31, v34;
	v10 =	vmul.f32 v1, v7;
	v59 =	vld.idx.msk [tilespmem:v21+s2+$0x0], $0xffff  }
0x24b: {  	v44 =	vmovc v34;
	v47 =	vmovc v37;
	v1 =	vshll.u32 v15, $0x10;
	v19 =	vshll.u32 v16, $0x10;
	v21 =	vadd.s32 s31, v32;
	v62 =	vld.idx.msk [tilespmem:v36+s2+$0x0], $0xffff  }
0x24c: {  	v41 =	vmovc v33;
	v1 =	vmul.f32 v1, v5;
	v56 =	vmul.f32 v19, v4;
	v19 =	vadd.s32 s31, v33;
	v60 =	vld.idx.msk [tilespmem:v23+s2+$0x0], $0xffff  }
0x24d: {  	s26 =	simm.s32 $0x4;
	v18 =	vadd.s32 s31, v35;
	v23 =	vshll.u32 v14, $0x10;
	v61 =	vld.idx.msk [tilespmem:v61+s2+$0x0], $0xffff;
	v45 =	vmovc v0;
	v50 =	vadd.s32 s25, v0;
	v0 =	vmovc v39  }
.LBB2_6:
0x24e: {  	v10 =	vadd.f32 v10, v13;
	v13 =	vand.u32 $0xFFFF0000, v63;
	v11 =	vand.u32 $0xFFFF0000, v11  }
0x24f: {  	v15 =	vand.u32 $0xFFFF0000, v15;
	v16 =	vand.u32 $0xFFFF0000, v16;
	v13 =	vmul.f32 v13, v6  }
0x250: {  	v21 =	vld.idx.msk [tilespmem:v21+s2+$0x0], $0xffff;
	v14 =	vand.u32 $0xFFFF0000, v14;
	v11 =	vmul.f32 v11, v7;
	v15 =	vmul.f32 v15, v5  }
0x251: {  	v19 =	vld.idx.msk [tilespmem:v19+s2+$0x0], $0xffff;
	v16 =	vmul.f32 v16, v4;
	v14 =	vmul.f32 v14, v12  }
0x252: {  	v9 =	vld.idx.msk [tilespmem:v9+s2+$0x0], $0xffff;
	v40 =	vand.u32 $0xFFFF0000, v58;
	v33 =	vand.u32 $0xFFFF0000, v60;
	v11 =	vadd.f32 v11, v13  }
0x253: {  	v8 =	vld.idx.msk [tilespmem:v8+s2+$0x0], $0xffff;
	v13 =	vadd.f32 v16, v15;
	v26 =	vshll.u32 v17, $0x10;
	v17 =	vand.u32 $0xFFFF0000, v17  }
0x254: {  	v18 =	vld.idx.msk [tilespmem:v18+s2+$0x0], $0xffff;
	v32 =	vand.u32 $0xFFFF0000, v59;
	v34 =	vand.u32 $0xFFFF0000, v61;
	v63 =	vmul.f32 v40, v3  }
0x255: {  	v35 =	vand.u32 $0xFFFF0000, v62;
	v33 =	vmul.f32 v33, v22;
	v17 =	vmul.f32 v17, v2  }
0x256: {  	v36 =	vand.u32 $0xFFFF0000, v21;
	v32 =	vmul.f32 v32, v20;
	v37 =	vand.u32 $0xFFFF0000, v19  }
0x257: {  	v34 =	vmul.f32 v34, v24;
	v38 =	vand.u32 $0xFFFF0000, v9;
	v35 =	vmul.f32 v35, v25  }
0x258: {  	v39 =	vand.u32 $0xFFFF0000, v8;
	v36 =	vmul.f32 v36, v27;
	v37 =	vmul.f32 v37, v28  }
0x259: {  	v40 =	vand.u32 $0xFFFF0000, v18;
	v38 =	vmul.f32 v38, v29;
	v39 =	vmul.f32 v39, v30  }
0x25a: {  	v15 =	vmul.f32 v40, v31;
	v14 =	vadd.f32 v17, v14;
	v16 =	vadd.f32 v32, v63  }
0x25b: {  	v17 =	vshll.u32 v58, $0x10;
	v32 =	vadd.f32 v34, v33;
	v40 =	vadd.f32 v36, v35  }
0x25c: {  	v58 =	vshll.u32 v59, $0x10;
	v59 =	vadd.f32 v38, v37;
	v15 =	vadd.f32 v15, v39  }
0x25d: {  	v11 =	vadd.f32 v13, v11;
	v13 =	vadd.f32 v16, v14  }
0x25e: {  	v16 =	vadd.f32 v40, v32;
	v15 =	vadd.f32 v15, v59;
	_ =	sdelay $0x1  }
0x25f: {  	v11 =	vadd.f32 v13, v11;
	v13 =	vadd.f32 v15, v16  }
0x260: {  	v16 =	vshll.u32 v18, $0x10;
	v18 =	vmul.f32 v58, v20;
	v58 =	vld [tilespmem:$0x1FB90]  }
0x261: {  	v23 =	vmul.f32 v23, v12;
	s24 =	sadd.s32 $0x800, s24;
	v11 =	vadd.f32 v13, v11;
	v13 =	vld.idx.msk [tilespmem:v53+s2+$0x0], $0xffff  }
0x262: {  	v63 =	vshll.u32 v60, $0x10;
	v14 =	vshll.u32 v61, $0x10;
	v15 =	vmul.f32 v26, v2;
	[tilespmem:s24+$0xFFFFFC00] =	vst.add.f32.msk $0xffff, v54  }
0x263: {  	v1 =	vadd.f32 v56, v1;
	v14 =	vmul.f32 v14, v24;
	v26 =	vmul.f32 v63, v22;
	[tilespmem:s24+$0xFFFFFE00] =	vst.add.f32.msk $0xffff, v55  }
0x264: {  	v17 =	vmul.f32 v17, v3;
	v15 =	vadd.f32 v15, v23;
	v23 =	vld [tilespmem:$0x1FB10]  }
0x265: {  	v1 =	vadd.f32 v1, v10;
	v21 =	vshll.u32 v21, $0x10;
	v14 =	vadd.f32 v14, v26;
	v26 =	vld [tilespmem:$0x1FB60]  }
0x266: {  	v19 =	vshll.u32 v19, $0x10;
	v8 =	vshll.u32 v8, $0x10;
	v17 =	vadd.f32 v18, v17;
	v18 =	vld.idx.msk [tilespmem:v52+s2+$0x0], $0xffff  }
0x267: {  	v21 =	vmul.f32 v21, v27;
	v8 =	vmul.f32 v8, v30;
	v40 =	vshll.u32 v62, $0x10;
	v10 =	vld.idx.msk [tilespmem:v51+s2+$0x0], $0xffff  }
0x268: {  	v9 =	vshll.u32 v9, $0x10;
	v32 =	vmul.f32 v40, v25;
	v16 =	vmul.f32 v16, v31;
	[tilespmem:s24+$0x200] =	vst.add.f32.msk $0xffff, v11  }
0x269: {  	v9 =	vmul.f32 v9, v29;
	v11 =	vmul.f32 v19, v28;
	v19 =	vld [tilespmem:$0x1FB00]  }
0x26a: {  	v21 =	vadd.f32 v21, v32;
	v8 =	vadd.f32 v16, v8;
	v16 =	vld [tilespmem:$0x1FB20]  }
0x26b: {  	v15 =	vadd.f32 v17, v15;
	v17 =	vld.idx.msk [tilespmem:v49+s2+$0x0], $0xffff;
	v9 =	vadd.f32 v9, v11;
	v23 =	vadd.s32 s25, v23  }
0x26c: {  	v14 =	vadd.f32 v21, v14;
	v21 =	vld [tilespmem:$0x1FB30]  }
0x26d: {  	v8 =	vadd.f32 v8, v9;
	v9 =	vld [tilespmem:$0x1FC70]  }
0x26e: {  	v1 =	vadd.f32 v15, v1;
	v15 =	vld [tilespmem:$0x1FC80];
	v19 =	vadd.s32 s25, v19  }
0x26f: {  	v11 =	vld.idx.msk [tilespmem:v50+s2+$0x0], $0xffff  }
0x270: {  	v16 =	vadd.s32 s25, v16;
	v8 =	vadd.f32 v8, v14;
	v14 =	vld.idx.msk [tilespmem:v23+s2+$0x0], $0xffff  }
0x271: {  	v23 =	vld [tilespmem:$0x1FB50]  }
0x272: {  	v21 =	vadd.s32 s25, v21;
	v53 =	vadd.s32 s26, v9;
	v9 =	vld.idx.msk [tilespmem:v57+s2+$0x0], $0xffff  }
0x273: {  	v52 =	vadd.s32 s26, v15;
	v15 =	vld.idx.msk [tilespmem:v19+s2+$0x0], $0xffff  }
0x274: {  	v33 =	vadd.s32 s25, v58;
	v26 =	vadd.s32 s25, v26;
	v19 =	vld [tilespmem:$0x1FB40]  }
0x275: {  	v59 =	vshll.u32 v13, $0x10;
	v13 =	vand.u32 $0xFFFF0000, v13;
	v60 =	vshll.u32 v18, $0x10;
	v16 =	vld.idx.msk [tilespmem:v16+s2+$0x0], $0xffff  }
0x276: {  	v36 =	vshll.u32 v10, $0x10;
	v10 =	vand.u32 $0xFFFF0000, v10;
	v1 =	vadd.f32 v8, v1;
	v57 =	vld [tilespmem:$0x1FB80]  }
0x277: {  	v34 =	vmul.f32 v59, v6;
	v13 =	vmul.f32 v13, v6;
	v37 =	vshll.u32 v17, $0x10;
	v8 =	vld.idx.msk [tilespmem:v21+s2+$0x0], $0xffff  }
0x278: {  	v10 =	vmul.f32 v10, v4;
	[tilespmem:s24+$0x0] =	vst.add.f32.msk $0xffff, v1;
	v1 =	vand.u32 $0xFFFF0000, v18;
	v23 =	vadd.s32 s25, v23  }
0x279: {  	v21 =	vld [tilespmem:$0x1FB70];
	v18 =	vshll.u32 v11, $0x10;
	v11 =	vand.u32 $0xFFFF0000, v11;
	v19 =	vadd.s32 s25, v19  }
0x27a: {  	v17 =	vand.u32 $0xFFFF0000, v17;
	v1 =	vmul.f32 v1, v7;
	v11 =	vmul.f32 v11, v5  }
0x27b: {  	v35 =	vmul.f32 v60, v7;
	v37 =	vmul.f32 v37, v12;
	v61 =	vshll.u32 v14, $0x10  }
0x27c: {  	v14 =	vand.u32 $0xFFFF0000, v14;
	v1 =	vadd.f32 v1, v13;
	v10 =	vadd.f32 v10, v11;
	v11 =	vld [tilespmem:$0x1FBA0]  }
0x27d: {  	v32 =	vadd.s32 s25, v57;
	v38 =	vshll.u32 v9, $0x10;
	v62 =	vshll.u32 v16, $0x10;
	v23 =	vld.idx.msk [tilespmem:v23+s2+$0x0], $0xffff  }
0x27e: {  	v40 =	vmul.f32 v61, v20;
	v14 =	vmul.f32 v14, v20;
	v21 =	vadd.s32 s25, v21;
	v19 =	vld.idx.msk [tilespmem:v19+s2+$0x0], $0xffff  }
0x27f: {  	v39 =	vshll.u32 v15, $0x10;
	v15 =	vand.u32 $0xFFFF0000, v15;
	v38 =	vmul.f32 v38, v2  }
0x280: {  	s28 =	sadd.s32 $0x1, s26;
	v63 =	vshll.u32 v8, $0x10;
	v54 =	vmul.f32 v62, v22;
	v15 =	vmul.f32 v15, v3  }
0x281: {  	v26 =	vld.idx.msk [tilespmem:v26+s2+$0x0], $0xffff;
	v39 =	vmul.f32 v39, v3;
	v55 =	vmul.f32 v63, v24;
	v11 =	vadd.s32 s28, v11  }
0x282: {  	v62 =	vadd.f32 v38, v37;
	v13 =	vadd.f32 v14, v15;
	v14 =	vld [tilespmem:$0x1FBB0];
	v57 =	vshll.u32 v23, $0x10  }
0x283: {  	v21 =	vld.idx.msk [tilespmem:v21+s2+$0x0], $0xffff;
	v23 =	vand.u32 $0xFFFF0000, v23;
	v60 =	vshll.u32 v19, $0x10;
	v19 =	vand.u32 $0xFFFF0000, v19  }
0x284: {  	v63 =	vadd.f32 v40, v39;
	v23 =	vmul.f32 v23, v27;
	v19 =	vmul.f32 v19, v25  }
0x285: {  	v36 =	vmul.f32 v36, v4;
	v17 =	vmul.f32 v17, v12;
	v33 =	vld.idx.msk [tilespmem:v33+s2+$0x0], $0xffff  }
0x286: {  	v58 =	vshll.u32 v26, $0x10;
	v15 =	vadd.f32 v23, v19;
	v23 =	vadd.f32 v63, v62;
	v63 =	vld.idx.msk [tilespmem:v11+s2+$0x0], $0xffff  }
0x287: {  	v26 =	vand.u32 $0xFFFF0000, v26;
	v9 =	vand.u32 $0xFFFF0000, v9;
	v14 =	vadd.s32 s28, v14;
	v11 =	vld [tilespmem:$0x1FBF0]  }
0x288: {  	v26 =	vmul.f32 v26, v28;
	v32 =	vld.idx.msk [tilespmem:v32+s2+$0x0], $0xffff;
	v59 =	vshll.u32 v21, $0x10;
	v21 =	vand.u32 $0xFFFF0000, v21  }
0x289: {  	v9 =	vmul.f32 v9, v2;
	v21 =	vmul.f32 v21, v29  }
0x28a: {  	v16 =	vand.u32 $0xFFFF0000, v16;
	v61 =	vshll.u32 v33, $0x10;
	v33 =	vand.u32 $0xFFFF0000, v33  }
0x28b: {  	v8 =	vand.u32 $0xFFFF0000, v8;
	v9 =	vadd.f32 v9, v17;
	v17 =	vadd.f32 v21, v26;
	v26 =	vld [tilespmem:$0x1FBE0]  }
0x28c: {  	v16 =	vmul.f32 v16, v22;
	v33 =	vmul.f32 v33, v31;
	v62 =	vadd.s32 s28, v11;
	v11 =	vld.idx.msk [tilespmem:v14+s2+$0x0], $0xffff  }
0x28d: {  	v56 =	vmul.f32 v60, v25;
	v60 =	vshll.u32 v32, $0x10;
	v32 =	vand.u32 $0xFFFF0000, v32;
	v14 =	vld [tilespmem:$0x1FC20]  }
0x28e: {  	v8 =	vmul.f32 v8, v24;
	v32 =	vmul.f32 v32, v30  }
0x28f: {  	v34 =	vadd.f32 v35, v34;
	v18 =	vmul.f32 v18, v5;
	v1 =	vadd.f32 v10, v1;
	v10 =	vld [tilespmem:$0x1FC10]  }
0x290: {  	v8 =	vadd.f32 v8, v16;
	v16 =	vld [tilespmem:$0x1FBC0];
	v19 =	vadd.f32 v33, v32  }
0x291: {  	v18 =	vadd.f32 v36, v18;
	v58 =	vmul.f32 v58, v28;
	v9 =	vadd.f32 v13, v9;
	v21 =	vld [tilespmem:$0x1FBD0]  }
0x292: {  	v13 =	vadd.f32 v19, v17;
	v26 =	vadd.s32 s28, v26;
	v19 =	vadd.s32 s28, v14;
	v14 =	vld [tilespmem:$0x1FC40]  }
0x293: {  	v61 =	vmul.f32 v61, v31;
	v1 =	vadd.f32 v9, v1;
	v9 =	vld [tilespmem:$0x1FC50];
	v57 =	vmul.f32 v57, v27  }
0x294: {  	v18 =	vadd.f32 v18, v34;
	v59 =	vmul.f32 v59, v29;
	v60 =	vmul.f32 v60, v30  }
0x295: {  	v55 =	vadd.f32 v55, v54;
	v16 =	vadd.s32 s28, v16;
	v56 =	vadd.f32 v57, v56  }
0x296: {  	v10 =	vadd.s32 s28, v10;
	v57 =	vadd.f32 v59, v58;
	v35 =	vadd.f32 v61, v60  }
0x297: {  	v17 =	vadd.f32 v23, v18;
	v21 =	vadd.s32 s28, v21;
	v23 =	vadd.s32 s28, v14;
	v14 =	vld.idx.msk [tilespmem:v26+s2+$0x0], $0xffff  }
0x298: {  	v58 =	vadd.f32 v56, v55;
	v59 =	vadd.f32 v35, v57;
	v26 =	vadd.s32 s28, v9;
	v9 =	vld [tilespmem:$0x1FC60]  }
0x299: {  	v8 =	vadd.f32 v15, v8  }
0x29a: {  	v15 =	vld.idx.msk [tilespmem:v16+s2+$0x0], $0xffff;
	v18 =	vadd.f32 v59, v58  }
0x29b: {  	v8 =	vadd.f32 v13, v8  }
0x29c: {  	v51 =	vadd.s32 s26, v47;
	v49 =	vadd.s32 s26, v42;
	v54 =	vadd.f32 v18, v17;
	v16 =	vld.idx.msk [tilespmem:v21+s2+$0x0], $0xffff  }
0x29d: {  	p1 =	slt.u32 s26, $0x1E;
	v58 =	vld.idx.msk [tilespmem:v10+s2+$0x0], $0xffff;
	v55 =	vadd.f32 v8, v1;
	v1 =	vshll.u32 v63, $0x10;
	v18 =	vadd.s32 s28, v9  }
.Ltmp1:
0x29e: {  	v50 =	vadd.s32 s26, v45;
	v13 =	vmul.f32 v1, v6;
	v17 =	vld.idx.msk [tilespmem:v62+s2+$0x0], $0xffff;
	v1 =	vshll.u32 v11, $0x10;
	(pc) =	sbr.rel @p1 .LBB2_6-.Ltmp1, $4  }
0x29f: {  	v57 =	vadd.s32 s26, v0;
	v10 =	vmul.f32 v1, v7;
	v1 =	vshll.u32 v15, $0x10;
	v59 =	vld.idx.msk [tilespmem:v19+s2+$0x0], $0xffff  }
0x2a0: {  	v8 =	vadd.s32 s28, v44;
	v21 =	vadd.s32 s28, v48;
	v1 =	vmul.f32 v1, v5;
	v60 =	vld.idx.msk [tilespmem:v23+s2+$0x0], $0xffff  }
0x2a1: {  	v19 =	vadd.s32 s28, v41;
	v9 =	vadd.s32 s28, v43;
	v23 =	vshll.u32 v16, $0x10;
	v61 =	vld.idx.msk [tilespmem:v26+s2+$0x0], $0xffff  }
0x2a2: {  	s25 =	smov.u32 s26;
	s26 =	sadd.s32 $0x2, s26;
	v56 =	vmul.f32 v23, v4;
	v23 =	vshll.u32 v14, $0x10;
	v62 =	vld.idx.msk [tilespmem:v18+s2+$0x0], $0xffff;
	v18 =	vadd.s32 s28, v46  }
0x2a3: {  	v0 =	vmul.f32 v23, v12;
	v23 =	vshll.u32 v17, $0x10  }
0x2a4: {  	v10 =	vadd.f32 v10, v13;
	v45 =	vand.u32 $0xFFFF0000, v63;
	v11 =	vand.u32 $0xFFFF0000, v11  }
0x2a5: {  	v15 =	vand.u32 $0xFFFF0000, v15;
	v16 =	vand.u32 $0xFFFF0000, v16;
	v14 =	vand.u32 $0xFFFF0000, v14  }
0x2a6: {  	v46 =	vand.u32 $0xFFFF0000, v17;
	v26 =	vand.u32 $0xFFFF0000, v58;
	v6 =	vmul.f32 v45, v6  }
0x2a7: {  	v40 =	vshll.u32 v58, $0x10;
	v7 =	vmul.f32 v11, v7;
	v5 =	vmul.f32 v15, v5  }
0x2a8: {  	v21 =	vld.idx.msk [tilespmem:v21+s2+$0x0], $0xffff;
	v32 =	vand.u32 $0xFFFF0000, v59;
	v4 =	vmul.f32 v16, v4;
	v49 =	vmul.f32 v14, v12  }
0x2a9: {  	v19 =	vld.idx.msk [tilespmem:v19+s2+$0x0], $0xffff;
	v50 =	vmul.f32 v46, v2;
	v52 =	vmul.f32 v26, v3;
	v41 =	vshll.u32 v59, $0x10  }
0x2aa: {  	v9 =	vld.idx.msk [tilespmem:v9+s2+$0x0], $0xffff;
	v1 =	vadd.f32 v56, v1;
	v33 =	vand.u32 $0xFFFF0000, v60;
	v53 =	vmul.f32 v32, v20  }
0x2ab: {  	v8 =	vld.idx.msk [tilespmem:v8+s2+$0x0], $0xffff;
	v43 =	vshll.u32 v60, $0x10;
	v47 =	vand.u32 $0xFFFF0000, v61;
	v6 =	vadd.f32 v7, v6  }
0x2ac: {  	v13 =	vld.idx.msk [tilespmem:v18+s2+$0x0], $0xffff;
	v63 =	vmul.f32 v33, v22;
	v4 =	vadd.f32 v4, v5;
	v38 =	vadd.f32 v50, v49  }
0x2ad: {  	v45 =	vshll.u32 v61, $0x10;
	v49 =	vmul.f32 v23, v2;
	v1 =	vadd.f32 v1, v10  }
0x2ae: {  	v48 =	vand.u32 $0xFFFF0000, v62;
	v11 =	vmul.f32 v47, v24;
	v39 =	vadd.f32 v53, v52  }
0x2af: {  	v46 =	vshll.u32 v62, $0x10;
	v52 =	vmul.f32 v41, v20;
	v7 =	vmul.f32 v45, v24  }
0x2b0: {  	v51 =	vand.u32 $0xFFFF0000, v21;
	v57 =	vand.u32 $0xFFFF0000, v19;
	v36 =	vand.u32 $0xFFFF0000, v9  }
0x2b1: {  	v15 =	vmul.f32 v48, v25;
	v34 =	vand.u32 $0xFFFF0000, v8;
	v35 =	vand.u32 $0xFFFF0000, v13  }
0x2b2: {  	v4 =	vadd.f32 v4, v6;
	v47 =	vshll.u32 v21, $0x10;
	v48 =	vshll.u32 v19, $0x10  }
0x2b3: {  	v9 =	vshll.u32 v9, $0x10;
	v50 =	vshll.u32 v8, $0x10;
	v12 =	vmul.f32 v46, v25  }
0x2b4: {  	v53 =	vshll.u32 v13, $0x10;
	v16 =	vmul.f32 v51, v27;
	v26 =	vmul.f32 v57, v28  }
0x2b5: {  	v0 =	vadd.f32 v49, v0;
	v33 =	vmul.f32 v36, v29;
	v34 =	vmul.f32 v34, v30  }
0x2b6: {  	v37 =	vmul.f32 v35, v31;
	v11 =	vadd.f32 v11, v63;
	v51 =	vmul.f32 v40, v3  }
0x2b7: {  	v44 =	vadd.f32 v39, v38;
	v57 =	vmul.f32 v43, v22;
	v58 =	vmul.f32 v47, v27  }
0x2b8: {  	v59 =	vmul.f32 v48, v28;
	v9 =	vmul.f32 v9, v29;
	v15 =	vadd.f32 v16, v15  }
0x2b9: {  	v6 =	vmul.f32 v50, v30;
	v42 =	vadd.f32 v33, v26;
	v5 =	vadd.f32 v37, v34  }
0x2ba: {  	v60 =	vmul.f32 v53, v31;
	v3 =	vadd.f32 v52, v51;
	v7 =	vadd.f32 v7, v57  }
0x2bb: {  	v61 =	vadd.f32 v58, v12;
	v2 =	vadd.f32 v9, v59  }
0x2bc: {  	v6 =	vadd.f32 v60, v6;
	v11 =	vadd.f32 v15, v11  }
0x2bd: {  	v5 =	vadd.f32 v5, v42;
	v0 =	vadd.f32 v3, v0  }
0x2be: {  	s23 =	sadd.s32 $0x1, s23;
	v62 =	vadd.f32 v61, v7;
	v2 =	vadd.f32 v6, v2  }
0x2bf: {  	p1 =	sne.s32 s23, $0x20;
	v4 =	vadd.f32 v44, v4;
	v5 =	vadd.f32 v5, v11  }
.Ltmp2:
0x2c0: {  	s24 =	sadd.s32 $0x800, s24;
	v0 =	vadd.f32 v0, v1;
	v63 =	vadd.f32 v2, v62;
	(pc) =	sbr.rel @p1 .LBB2_3-.Ltmp2, $4  }
0x2c1: {  	[tilespmem:s24+$0xFFFFFC00] =	vst.add.f32.msk $0xffff, v54;
	v4 =	vadd.f32 v5, v4  }
0x2c2: {  	[tilespmem:s24+$0xFFFFFE00] =	vst.add.f32.msk $0xffff, v55;
	v0 =	vadd.f32 v63, v0  }
0x2c3: {  	[tilespmem:s24+$0x200] =	vst.add.f32.msk $0xffff, v4  }
0x2c4: {  	s22 =	sadd.s32 $0x10, s22;
	s21 =	sadd.s32 $0x1, s21;
	[tilespmem:s24+$0x0] =	vst.add.f32.msk $0xffff, v0  }
0x2c5: {  	s18 =	sshll.u32 s19, $0xC  }
.Ltmp3:
0x2c6: {  	s19 =	simm.s32 $0x1;
	s18 =	sadd.s32 s7, s18;
	(pc) =	sbr.rel @p0 .LBB2_2-.Ltmp3, $4  }
0x2c7: {  	[hbm4b:s18+s2] =	stream.linear.scatter [tilespmem:s16], [sflag:$0x1], $0x8000, $0x38;
	[tilespmem:$0x14F80] =	vst v63  }
0x2c8: {  	_ =	swait.ge [sflag:s19], $0x8000  }
0x2c9: {  	[sflag:s19] =	ssyncset.done $0x0  }
0x2ca: {  	p1 =	por $0x0, $0x0;
	[sflag:s19] =	ssyncadd.s32 $0xFFFF8000  }
0x2cb: {  	s17 =	sadd.s32 $0x1, s17  }
0x2cc: {  	p0 =	sne.s32 s17, s11  }
.Ltmp4:
0x2cd: {  	_ = 	snop;
	(pc) =	sbr.rel @p0 .LBB2_1-.Ltmp4, $1  }
0x2ce: {  	_ =	sdelay $0x3  }
0x2cf: {  	_ =	sfence.sel $0x180000  }
0x2d0: {  	[bflag:$0x0] =	sbarrier.arrive $0xFFFF  }
0x2d1: {  	p0 =	sne.s32 s3, $0x0;
	_ =	strace $0x90000047  }
0x2d2: {  	s0 =	sadd.s32 @!p0 $0x100000, s0;
	[bflag:$0x2] =	sbarrier.arrive $0xFFFF  }
0x2d3: {  	[sflag:s0] =	ssyncadd.tile.s32 @!p0 $0x1;
	_ =	shalt  }
.Lfunc_end2:
_tile_overlayer_lowered:
.L_overlay_start_2:
0x2d4: {  	(tag) =	ssettag $0x2  }
0x2d5: {  	s0 =	rddreg [dreg:$0x0];
	s2 =	stileid.u32  }
0x2d6: {  	s1 =	rddreg [dreg:$0x1];
	p0 =	sne.s32 s2, $0x0  }
0x2d7: {  	s3 =	rddreg [dreg:$0x2];
	[bflag:$0x3] =	sbarrier.arrive $0xFFFF;
	s2 =	simm.s32 @!p0 $0x1C01  }
0x2d8: {  	[timem:s3], [sflag:s2] =	dma.local @!p0 [hbm:s0], s1  }
0x2d9: {  	s0 =	simm.s32 @!p0 $0x1  }
0x2da: {  	_ =	swait.ge @!p0 [sflag:s0], s1  }
0x2db: {  	s1 =	ssub.s32 @!p0 $0x0, s1;
	[sflag:s0] =	ssyncset.done @!p0 $0x0  }
0x2dc: {  	[sflag:s0] =	ssyncadd.s32 @!p0 s1  }
0x2dd: {  	[bflag:$0x3] =	sbarrier.arrive $0xFFFF  }
0x2de: {  	_ =	shalt  }

</sc_bundles>
